<compile_context>
chip_gen: v7x
topology: tpu7x:2x2x1
jax: 0.10.2.dev20260603
libtpu: 0.0.44.dev20260713+nightly
codegen_flags: <defaults>
</compile_context>

<pallas_src>
import functools

import jax
import jax.numpy as jnp
from jax import lax
from jax.experimental import pallas as pl
from jax.experimental.pallas import tpu as pltpu
from jax.experimental.pallas import tpu_sc as plsc

B = 16
S = 512
KK = 64
N = 64
T = 64
D = N * T
M = B * N * T
NW = 32
CM = 64
NCH = (D // 2) // CM
A_ROWS_PER_W = (B * KK) // NW
A_WORDS_PER_W = A_ROWS_PER_W * S


@functools.partial(
    pl.kernel,
    out_type=jax.ShapeDtypeStruct((M // 2, 128), jnp.float32),
    mesh=plsc.VectorSubcoreMesh(core_axis_name="c", subcore_axis_name="s"),
    compiler_params=pltpu.CompilerParams(needs_layout_passes=False),
    scratch_types=[
        pltpu.VMEM((B * KK,), jnp.int32),
        pltpu.VMEM((CM, S), jnp.float32),
        pltpu.VMEM((CM, S), jnp.float32),
        pltpu.VMEM((CM, S), jnp.float32),
        pltpu.VMEM((KK, 128), jnp.float32),
        pltpu.VMEM((KK, 128), jnp.float32),
        pltpu.VMEM((KK,), jnp.int32),
        pltpu.VMEM((KK,), jnp.int32),
        pltpu.VMEM((KK, 16), jnp.int32),
        pltpu.SemaphoreType.DMA,
        pltpu.SemaphoreType.DMA,
        pltpu.SemaphoreType.DMA,
        pltpu.SemaphoreType.DMA,
        pltpu.SemaphoreType.DMA,
    ],
)
def _sc_filter(y_hbm, idx_hbm, ysel_hbm,
               idx_v, in0, in1, in2, out0, out1, rid0, rid1, sidx,
               gs0, gs1, gs2, os0, os1):
    w = lax.axis_index("s") * 2 + lax.axis_index("c")
    b = w // 2
    half = w % 2
    lane = lax.broadcasted_iota(jnp.int32, (16,), 0)
    zero16 = jnp.zeros((16,), jnp.int32)

    mbase = b * D + half * (D // 2)
    inb = (in0, in1, in2)
    outb = (out0, out1)
    ridb = (rid0, rid1)
    gsem = (gs0, gs1, gs2)
    osem = (os0, os1)

    def copy_in(ch, p):
        return pltpu.async_copy(
            y_hbm.at[pl.ds(mbase + ch * CM, CM)], inb[p], gsem[p])

    gin = [copy_in(0, 0), copy_in(1, 1), copy_in(2, 2)]

    pltpu.sync_copy(idx_hbm, idx_v)

    kvec = [j * 16 + lane for j in range(4)]

    @plsc.parallel_loop(0, KK, 1, unroll=4)
    def _mksidx(k):
        sidx[k] = plsc.load_gather(idx_v, [zero16 + (b * KK + k)])

    rbase = b * 32 + half * (NCH // 2)

    gout = [None, None]
    for ch in range(NCH):
        p = ch % 3
        q = ch // 2
        qp = q % 2
        if ch % 2 == 0 and gout[qp] is not None:
            gout[qp].wait()
        gin[p].wait()

        src = inb[p]
        dst = outb[qp]
        coff = (ch % 2) * CM

        @plsc.parallel_loop(0, KK, 1, unroll=1)
        def _extract(k, src=src, dst=dst, coff=coff):
            sk = sidx[k]
            for mg in range(4):
                v = plsc.load_gather(src, [lane + mg * 16, sk])
                dst[k, pl.ds(coff + mg * 16, 16)] = v

        if ch % 2 == 1:
            rv = q + rbase
            for j in range(4):
                ridb[qp][pl.ds(j * 16, 16)] = kvec[j] * 512 + rv
            gout[qp] = pltpu.async_copy(
                outb[qp], ysel_hbm.at[ridb[qp]], osem[qp])
        if ch + 3 < NCH:
            gin[p] = copy_in(ch + 3, p)

    gout[0].wait()
    gout[1].wait()


def _a_onehot_body(idx_ref, a0_ref, a1_ref):
    iota_s = lax.broadcasted_iota(jnp.int32, (B, KK, S), 2)
    hit = idx_ref[...][:, :, None] == iota_s
    oh = jnp.where(hit, 1.0, 0.0).astype(jnp.float32)
    a0_ref[...] = oh
    a1_ref[...] = oh


_a_onehot = pl.pallas_call(
    _a_onehot_body,
    out_shape=(
        jax.ShapeDtypeStruct((B, KK, S), jnp.float32),
        jax.ShapeDtypeStruct((B, KK, S), jnp.float32),
    ),
)


def kernel(Y_full, idx_all):
    y_t = jnp.transpose(Y_full, (0, 2, 3, 1)).reshape(M, S)
    idx_flat = idx_all.reshape(-1)
    ysel_fine = _sc_filter(y_t, idx_flat)
    A, A2 = _a_onehot(idx_all)
    Y_sel = ysel_fine.reshape(KK, B, N, T)
    return (Y_sel, A, A2)

# --- scband reference (transcript-rebuilt; emitter-appended) ---
"""Pipeline reference for scband-base-cluster-scenario-filter-46926812676852 (READ-ONLY COPY).

The authoritative reference and input builder live on the scoring server;
editing this copy changes nothing except your own understanding.
"""

import jax, jax.numpy as jnp
import numpy as np

K = 64
FEATURE_MODE = 'sum'

def setup_inputs(seed: int = 0) -> dict:
    key = jax.random.key(seed)
    k1, k2 = jax.random.split(key)
    Y_full = jax.random.normal(k1, (16, 512, 64, 64), dtype=jnp.float32)
    idx_all = jax.random.randint(k2, (16, 64), 0, 512, dtype=jnp.int32)
    return {"Y_full": Y_full, "idx_all": idx_all}

def reference(Y_full, idx_all):
    # Faithful translation of _BaseClusterScenarioFilter._make_aux_and_output
    B, S, N, T = Y_full.shape
    Kk = idx_all.shape[1]
    # torch.gather(Y_full, 1, idx[:, :, None, None].expand(B, K, N, T))
    Y_sel = jnp.take_along_axis(Y_full, idx_all[:, :, None, None], axis=1)
    # A.scatter_(dim=-1, index=idx.unsqueeze(-1), value=1.0) -> scatter-overwrite
    b_idx = jnp.arange(B)[:, None]
    k_idx = jnp.arange(Kk)[None, :]
    A = jnp.zeros((B, Kk, S), dtype=Y_full.dtype).at[b_idx, k_idx, idx_all].set(1.0)
    # Y_sel.permute(1, 0, 2, 3)
    Y_sel = jnp.transpose(Y_sel, (1, 0, 2, 3))
    # aux = {'idx': idx_all, 'A': A, 'p': A}; return float parts of aux alongside Y_sel
    return (Y_sel, A, A)

if __name__ == "__main__":
    import jax
    _d = setup_inputs()
    print(jax.jit(kernel)(*tuple(_d.values())))

</pallas_src>

<mosaic_0001>
#map = affine_map<(d0, d1) -> (0, 0)>
#map1 = affine_map<(d0, d1) -> (0)>
module attributes {stable_mosaic.version = 14 : i64} {
  func.func @_sc_filter(%arg0: i32, %arg1: i32, %arg2: memref<65536x512xf32, #tpu.memory_space<hbm>>, %arg3: memref<1024xi32, #tpu.memory_space<hbm>>, %arg4: memref<32768x128xf32, #tpu.memory_space<hbm>>, %arg5: memref<1024xi32, #tpu.memory_space<vmem>>, %arg6: memref<64x512xf32, #tpu.memory_space<vmem>>, %arg7: memref<64x512xf32, #tpu.memory_space<vmem>>, %arg8: memref<64x512xf32, #tpu.memory_space<vmem>>, %arg9: memref<64x128xf32, #tpu.memory_space<vmem>>, %arg10: memref<64x128xf32, #tpu.memory_space<vmem>>, %arg11: memref<64xi32, #tpu.memory_space<vmem>>, %arg12: memref<64xi32, #tpu.memory_space<vmem>>, %arg13: memref<64x16xi32, #tpu.memory_space<vmem>>, %arg14: memref<!tpu.dma_semaphore, #tpu.memory_space<semaphore_mem>>, %arg15: memref<!tpu.dma_semaphore, #tpu.memory_space<semaphore_mem>>, %arg16: memref<!tpu.dma_semaphore, #tpu.memory_space<semaphore_mem>>, %arg17: memref<!tpu.dma_semaphore, #tpu.memory_space<semaphore_mem>>, %arg18: memref<!tpu.dma_semaphore, #tpu.memory_space<semaphore_mem>>) attributes {dimension_semantics = [#tpu.dimension_semantics<core_parallel>, #tpu.dimension_semantics<subcore_parallel>], iteration_bounds = array<i64: 2, 16>, scalar_prefetch = 0 : i64, scratch_operands = 14 : i64, tpu.core_type = #tpu.core_type<sc_vector_subcore>, window_params = [{transform_indices = #map}, {transform_indices = #map1}, {transform_indices = #map}]} {
    %mul3A = arith.constant 2 : i32
    %mul3A_0 = arith.muli %arg1, %mul3A : i32
    %add3A = arith.addi %mul3A_0, %arg0 : i32
    %jit3A = arith.constant 2 : i32
    %div3A = arith.divsi %add3A, %jit3A : i32
    %sign3A = arith.constant 0 : i32
    %sign3A_1 = arith.cmpi sgt, %add3A, %sign3A : i32
    %sign3A_2 = arith.extui %sign3A_1 : i1 to i32
    %sign3A_3 = arith.constant 0 : i32
    %sign3A_4 = arith.cmpi slt, %add3A, %sign3A_3 : i32
    %sign3A_5 = arith.extui %sign3A_4 : i1 to i32
    %sign3A_6 = arith.subi %sign3A_2, %sign3A_5 : i32
    %sign3A_7 = arith.constant 0 : i32
    %sign3A_8 = arith.cmpi sgt, %jit3A, %sign3A_7 : i32
    %sign3A_9 = arith.extui %sign3A_8 : i1 to i32
    %sign3A_10 = arith.constant 0 : i32
    %sign3A_11 = arith.cmpi slt, %jit3A, %sign3A_10 : i32
    %sign3A_12 = arith.extui %sign3A_11 : i1 to i32
    %sign3A_13 = arith.subi %sign3A_9, %sign3A_12 : i32
    %ne3A = arith.cmpi ne, %sign3A_6, %sign3A_13 : i32
    %rem3A = arith.remsi %add3A, %jit3A : i32
    %ne3A_14 = arith.constant 0 : i32
    %ne3A_15 = arith.cmpi ne, %rem3A, %ne3A_14 : i32
    %and3A = arith.andi %ne3A, %ne3A_15 : i1
    %sub3A = arith.constant 1 : i32
    %sub3A_16 = arith.subi %div3A, %sub3A : i32
    %select_n3A = arith.select %and3A, %sub3A_16, %div3A : i32
    %jit3A_17 = arith.constant 2 : i32
    %eq3A = arith.constant 0 : i32
    %eq3A_18 = arith.cmpi eq, %jit3A_17, %eq3A : i32
    %jit3A_19 = arith.constant 1 : i32
    %select_n3A_20 = arith.select %eq3A_18, %jit3A_19, %jit3A_17 : i32
    %rem3A_21 = arith.remsi %add3A, %select_n3A_20 : i32
    %ne3A_22 = arith.constant 0 : i32
    %ne3A_23 = arith.cmpi ne, %rem3A_21, %ne3A_22 : i32
    %lt3A = arith.constant 0 : i32
    %lt3A_24 = arith.cmpi slt, %rem3A_21, %lt3A : i32
    %lt3A_25 = arith.constant 0 : i32
    %lt3A_26 = arith.cmpi slt, %select_n3A_20, %lt3A_25 : i32
    %ne3A_27 = arith.xori %lt3A_24, %lt3A_26 : i1
    %and3A_28 = arith.andi %ne3A_27, %ne3A_23 : i1
    %add3A_29 = arith.addi %rem3A_21, %select_n3A_20 : i32
    %select_n3A_30 = arith.select %and3A_28, %add3A_29, %rem3A_21 : i32
    %iota3A = tpu.iota {dimensions = array<i32: 0>} : vector<16xi32>
    %broadcast_in_dim3A = arith.constant 0 : i32
    %broadcast_in_dim3A_31 = vector.broadcast %broadcast_in_dim3A : i32 to vector<16xi32>
    %mul3A_32 = arith.constant 4096 : i32
    %mul3A_33 = arith.muli %select_n3A, %mul3A_32 : i32
    %mul3A_34 = arith.constant 2048 : i32
    %mul3A_35 = arith.muli %select_n3A_30, %mul3A_34 : i32
    %add3A_36 = arith.addi %mul3A_33, %mul3A_35 : i32
    %add3A_37 = arith.constant 0 : i32
    %add3A_38 = arith.addi %add3A_36, %add3A_37 : i32
    %dma_start3A = arith.constant 0 : i32
    %dma_start3A_39 = tpu.memref_slice %arg2[%add3A_38, %dma_start3A] : memref<65536x512xf32, #tpu.memory_space<hbm>> -> memref<64x512xf32, #tpu.memory_space<hbm>>
    %dma_start3A_40 = arith.constant 0 : i32
    %dma_start3A_41 = tpu.memref_slice %arg2[%add3A_38, %dma_start3A_40] : memref<65536x512xf32, #tpu.memory_space<hbm>> -> memref<64x512xf32, #tpu.memory_space<hbm>>
    tpu.enqueue_dma source(%dma_start3A_41 : memref<64x512xf32, #tpu.memory_space<hbm>>) target(%arg6 : memref<64x512xf32, #tpu.memory_space<vmem>>) target_semaphore(%arg14 : memref<!tpu.dma_semaphore, #tpu.memory_space<semaphore_mem>>)
    %add3A_42 = arith.constant 64 : i32
    %add3A_43 = arith.addi %add3A_36, %add3A_42 : i32
    %dma_start3A_44 = arith.constant 0 : i32
    %dma_start3A_45 = tpu.memref_slice %arg2[%add3A_43, %dma_start3A_44] : memref<65536x512xf32, #tpu.memory_space<hbm>> -> memref<64x512xf32, #tpu.memory_space<hbm>>
    %dma_start3A_46 = arith.constant 0 : i32
    %dma_start3A_47 = tpu.memref_slice %arg2[%add3A_43, %dma_start3A_46] : memref<65536x512xf32, #tpu.memory_space<hbm>> -> memref<64x512xf32, #tpu.memory_space<hbm>>
    tpu.enqueue_dma source(%dma_start3A_47 : memref<64x512xf32, #tpu.memory_space<hbm>>) target(%arg7 : memref<64x512xf32, #tpu.memory_space<vmem>>) target_semaphore(%arg15 : memref<!tpu.dma_semaphore, #tpu.memory_space<semaphore_mem>>)
    %add3A_48 = arith.constant 128 : i32
    %add3A_49 = arith.addi %add3A_36, %add3A_48 : i32
    %dma_start3A_50 = arith.constant 0 : i32
    %dma_start3A_51 = tpu.memref_slice %arg2[%add3A_49, %dma_start3A_50] : memref<65536x512xf32, #tpu.memory_space<hbm>> -> memref<64x512xf32, #tpu.memory_space<hbm>>
    %dma_start3A_52 = arith.constant 0 : i32
    %dma_start3A_53 = tpu.memref_slice %arg2[%add3A_49, %dma_start3A_52] : memref<65536x512xf32, #tpu.memory_space<hbm>> -> memref<64x512xf32, #tpu.memory_space<hbm>>
    tpu.enqueue_dma source(%dma_start3A_53 : memref<64x512xf32, #tpu.memory_space<hbm>>) target(%arg8 : memref<64x512xf32, #tpu.memory_space<vmem>>) target_semaphore(%arg16 : memref<!tpu.dma_semaphore, #tpu.memory_space<semaphore_mem>>)
    "tpu.region"() ({
      %run_scoped3A = tpu.sem_alloc : memref<!tpu.dma_semaphore, #tpu.memory_space<semaphore_mem>>
      tpu.enqueue_dma source(%arg3 : memref<1024xi32, #tpu.memory_space<hbm>>) target(%arg5 : memref<1024xi32, #tpu.memory_space<vmem>>) target_semaphore(%run_scoped3A : memref<!tpu.dma_semaphore, #tpu.memory_space<semaphore_mem>>)
      tpu.wait_dma2 semaphore(%run_scoped3A : memref<!tpu.dma_semaphore, #tpu.memory_space<semaphore_mem>>) src(%arg3 : memref<1024xi32, #tpu.memory_space<hbm>>) dst(%arg5 : memref<1024xi32, #tpu.memory_space<vmem>>)
      tpu.yield
    }) : () -> ()
    %add3A_54 = arith.constant 0 : i32
    %add3A_55 = vector.broadcast %add3A_54 : i32 to vector<16xi32>
    %add3A_56 = arith.addi %add3A_55, %iota3A : vector<16xi32>
    %add3A_57 = arith.constant 16 : i32
    %add3A_58 = vector.broadcast %add3A_57 : i32 to vector<16xi32>
    %add3A_59 = arith.addi %add3A_58, %iota3A : vector<16xi32>
    %add3A_60 = arith.constant 32 : i32
    %add3A_61 = vector.broadcast %add3A_60 : i32 to vector<16xi32>
    %add3A_62 = arith.addi %add3A_61, %iota3A : vector<16xi32>
    %add3A_63 = arith.constant 48 : i32
    %add3A_64 = vector.broadcast %add3A_63 : i32 to vector<16xi32>
    %add3A_65 = arith.addi %add3A_64, %iota3A : vector<16xi32>
    %parallel_loop3A = arith.constant 0 : i32
    %parallel_loop3A_66 = arith.constant 64 : i32
    %parallel_loop3A_67 = arith.constant 1 : i32
    scf.for %parallel_loop3A_1045 = %parallel_loop3A to %parallel_loop3A_66 step %parallel_loop3A_67  : i32 {
      %parallel_loop3A_1046 = arith.constant 64 : i32
      %parallel_loop3A_1047 = arith.muli %select_n3A, %parallel_loop3A_1046 : i32
      %parallel_loop3A_1048 = arith.addi %parallel_loop3A_1047, %parallel_loop3A_1045 : i32
      %parallel_loop3A_1049 = vector.broadcast %parallel_loop3A_1048 : i32 to vector<16xi32>
      %parallel_loop3A_1050 = arith.addi %broadcast_in_dim3A_31, %parallel_loop3A_1049 : vector<16xi32>
      %parallel_loop3A_1051 = tpu.vector_load_idx %arg5[%parallel_loop3A_1050] : memref<1024xi32, #tpu.memory_space<vmem>>[vector<16xi32>], vector<16xi32>,
      %parallel_loop3A_1052 = arith.index_cast %parallel_loop3A_1045 : i32 to index
      %parallel_loop3A_1053 = arith.constant 0 : index
      %parallel_loop3A_1054 = tpu.vector_load %arg13[%parallel_loop3A_1052, %parallel_loop3A_1053] {strides = array<i32>} : memref<64x16xi32, #tpu.memory_space<vmem>>, vector<16xi32>,
      tpu.vector_store %arg13[%parallel_loop3A_1052, %parallel_loop3A_1053], %parallel_loop3A_1051 {strides = array<i32>} : memref<64x16xi32, #tpu.memory_space<vmem>>, vector<16xi32>,
    } {sc.loop_unroll_factor = 4 : i64, sc.parallel_access}
    %mul3A_68 = arith.constant 32 : i32
    %mul3A_69 = arith.muli %select_n3A, %mul3A_68 : i32
    %mul3A_70 = arith.constant 16 : i32
    %mul3A_71 = arith.muli %select_n3A_30, %mul3A_70 : i32
    %add3A_72 = arith.addi %mul3A_69, %mul3A_71 : i32
    %dma_wait3A = arith.constant 0 : i32
    %dma_wait3A_73 = tpu.memref_slice %arg2[%add3A_38, %dma_wait3A] : memref<65536x512xf32, #tpu.memory_space<hbm>> -> memref<64x512xf32, #tpu.memory_space<hbm>>
    %dma_wait3A_74 = arith.constant 0 : i32
    %dma_wait3A_75 = tpu.memref_slice %arg2[%add3A_38, %dma_wait3A_74] : memref<65536x512xf32, #tpu.memory_space<hbm>> -> memref<64x512xf32, #tpu.memory_space<hbm>>
    tpu.wait_dma2 semaphore(%arg14 : memref<!tpu.dma_semaphore, #tpu.memory_space<semaphore_mem>>) src(%dma_wait3A_75 : memref<64x512xf32, #tpu.memory_space<hbm>>) dst(%arg6 : memref<64x512xf32, #tpu.memory_space<vmem>>)
    %parallel_loop3A_76 = arith.constant 0 : i32
    %parallel_loop3A_77 = arith.constant 64 : i32
    %parallel_loop3A_78 = arith.constant 1 : i32
    scf.for %parallel_loop3A_1045 = %parallel_loop3A_76 to %parallel_loop3A_77 step %parallel_loop3A_78  : i32 {
      %parallel_loop3A_1046 = arith.index_cast %parallel_loop3A_1045 : i32 to index
      %parallel_loop3A_1047 = arith.constant 0 : index
      %parallel_loop3A_1048 = tpu.vector_load %arg13[%parallel_loop3A_1046, %parallel_loop3A_1047] {strides = array<i32>} : memref<64x16xi32, #tpu.memory_space<vmem>>, vector<16xi32>,
      %parallel_loop3A_1049 = arith.constant 0 : i32
      %parallel_loop3A_1050 = vector.broadcast %parallel_loop3A_1049 : i32 to vector<16xi32>
      %parallel_loop3A_1051 = arith.addi %iota3A, %parallel_loop3A_1050 : vector<16xi32>
      %parallel_loop3A_1052 = tpu.vector_load_idx %arg6[%parallel_loop3A_1051, %parallel_loop3A_1048] : memref<64x512xf32, #tpu.memory_space<vmem>>[vector<16xi32>, vector<16xi32>], vector<16xf32>,
      %parallel_loop3A_1053 = arith.index_cast %parallel_loop3A_1045 : i32 to index
      %parallel_loop3A_1054 = arith.constant 0 : index
      %parallel_loop3A_1055 = tpu.vector_load %arg9[%parallel_loop3A_1053, %parallel_loop3A_1054] {strides = array<i32>} : memref<64x128xf32, #tpu.memory_space<vmem>>, vector<16xf32>,
      tpu.vector_store %arg9[%parallel_loop3A_1053, %parallel_loop3A_1054], %parallel_loop3A_1052 {strides = array<i32>} : memref<64x128xf32, #tpu.memory_space<vmem>>, vector<16xf32>,
      %parallel_loop3A_1056 = arith.constant 16 : i32
      %parallel_loop3A_1057 = vector.broadcast %parallel_loop3A_1056 : i32 to vector<16xi32>
      %parallel_loop3A_1058 = arith.addi %iota3A, %parallel_loop3A_1057 : vector<16xi32>
      %parallel_loop3A_1059 = tpu.vector_load_idx %arg6[%parallel_loop3A_1058, %parallel_loop3A_1048] : memref<64x512xf32, #tpu.memory_space<vmem>>[vector<16xi32>, vector<16xi32>], vector<16xf32>,
      %parallel_loop3A_1060 = arith.index_cast %parallel_loop3A_1045 : i32 to index
      %parallel_loop3A_1061 = arith.constant 16 : index
      %parallel_loop3A_1062 = tpu.vector_load %arg9[%parallel_loop3A_1060, %parallel_loop3A_1061] {strides = array<i32>} : memref<64x128xf32, #tpu.memory_space<vmem>>, vector<16xf32>,
      tpu.vector_store %arg9[%parallel_loop3A_1060, %parallel_loop3A_1061], %parallel_loop3A_1059 {strides = array<i32>} : memref<64x128xf32, #tpu.memory_space<vmem>>, vector<16xf32>,
      %parallel_loop3A_1063 = arith.constant 32 : i32
      %parallel_loop3A_1064 = vector.broadcast %parallel_loop3A_1063 : i32 to vector<16xi32>
      %parallel_loop3A_1065 = arith.addi %iota3A, %parallel_loop3A_1064 : vector<16xi32>
      %parallel_loop3A_1066 = tpu.vector_load_idx %arg6[%parallel_loop3A_1065, %parallel_loop3A_1048] : memref<64x512xf32, #tpu.memory_space<vmem>>[vector<16xi32>, vector<16xi32>], vector<16xf32>,
      %parallel_loop3A_1067 = arith.index_cast %parallel_loop3A_1045 : i32 to index
      %parallel_loop3A_1068 = arith.constant 32 : index
      %parallel_loop3A_1069 = tpu.vector_load %arg9[%parallel_loop3A_1067, %parallel_loop3A_1068] {strides = array<i32>} : memref<64x128xf32, #tpu.memory_space<vmem>>, vector<16xf32>,
      tpu.vector_store %arg9[%parallel_loop3A_1067, %parallel_loop3A_1068], %parallel_loop3A_1066 {strides = array<i32>} : memref<64x128xf32, #tpu.memory_space<vmem>>, vector<16xf32>,
      %parallel_loop3A_1070 = arith.constant 48 : i32
      %parallel_loop3A_1071 = vector.broadcast %parallel_loop3A_1070 : i32 to vector<16xi32>
      %parallel_loop3A_1072 = arith.addi %iota3A, %parallel_loop3A_1071 : vector<16xi32>
      %parallel_loop3A_1073 = tpu.vector_load_idx %arg6[%parallel_loop3A_1072, %parallel_loop3A_1048] : memref<64x512xf32, #tpu.memory_space<vmem>>[vector<16xi32>, vector<16xi32>], vector<16xf32>,
      %parallel_loop3A_1074 = arith.index_cast %parallel_loop3A_1045 : i32 to index
      %parallel_loop3A_1075 = arith.constant 48 : index
      %parallel_loop3A_1076 = tpu.vector_load %arg9[%parallel_loop3A_1074, %parallel_loop3A_1075] {strides = array<i32>} : memref<64x128xf32, #tpu.memory_space<vmem>>, vector<16xf32>,
      tpu.vector_store %arg9[%parallel_loop3A_1074, %parallel_loop3A_1075], %parallel_loop3A_1073 {strides = array<i32>} : memref<64x128xf32, #tpu.memory_space<vmem>>, vector<16xf32>,
    } {sc.loop_unroll_factor = 1 : i64, sc.parallel_access}
    %add3A_79 = arith.constant 192 : i32
    %add3A_80 = arith.addi %add3A_36, %add3A_79 : i32
    %dma_start3A_81 = arith.constant 0 : i32
    %dma_start3A_82 = tpu.memref_slice %arg2[%add3A_80, %dma_start3A_81] : memref<65536x512xf32, #tpu.memory_space<hbm>> -> memref<64x512xf32, #tpu.memory_space<hbm>>
    %dma_start3A_83 = arith.constant 0 : i32
    %dma_start3A_84 = tpu.memref_slice %arg2[%add3A_80, %dma_start3A_83] : memref<65536x512xf32, #tpu.memory_space<hbm>> -> memref<64x512xf32, #tpu.memory_space<hbm>>
    tpu.enqueue_dma source(%dma_start3A_84 : memref<64x512xf32, #tpu.memory_space<hbm>>) target(%arg6 : memref<64x512xf32, #tpu.memory_space<vmem>>) target_semaphore(%arg14 : memref<!tpu.dma_semaphore, #tpu.memory_space<semaphore_mem>>)
    %dma_wait3A_85 = arith.constant 0 : i32
    %dma_wait3A_86 = tpu.memref_slice %arg2[%add3A_43, %dma_wait3A_85] : memref<65536x512xf32, #tpu.memory_space<hbm>> -> memref<64x512xf32, #tpu.memory_space<hbm>>
    %dma_wait3A_87 = arith.constant 0 : i32
    %dma_wait3A_88 = tpu.memref_slice %arg2[%add3A_43, %dma_wait3A_87] : memref<65536x512xf32, #tpu.memory_space<hbm>> -> memref<64x512xf32, #tpu.memory_space<hbm>>
    tpu.wait_dma2 semaphore(%arg15 : memref<!tpu.dma_semaphore, #tpu.memory_space<semaphore_mem>>) src(%dma_wait3A_88 : memref<64x512xf32, #tpu.memory_space<hbm>>) dst(%arg7 : memref<64x512xf32, #tpu.memory_space<vmem>>)
    %parallel_loop3A_89 = arith.constant 0 : i32
    %parallel_loop3A_90 = arith.constant 64 : i32
    %parallel_loop3A_91 = arith.constant 1 : i32
    scf.for %parallel_loop3A_1045 = %parallel_loop3A_89 to %parallel_loop3A_90 step %parallel_loop3A_91  : i32 {
      %parallel_loop3A_1046 = arith.index_cast %parallel_loop3A_1045 : i32 to index
      %parallel_loop3A_1047 = arith.constant 0 : index
      %parallel_loop3A_1048 = tpu.vector_load %arg13[%parallel_loop3A_1046, %parallel_loop3A_1047] {strides = array<i32>} : memref<64x16xi32, #tpu.memory_space<vmem>>, vector<16xi32>,
      %parallel_loop3A_1049 = arith.constant 0 : i32
      %parallel_loop3A_1050 = vector.broadcast %parallel_loop3A_1049 : i32 to vector<16xi32>
      %parallel_loop3A_1051 = arith.addi %iota3A, %parallel_loop3A_1050 : vector<16xi32>
      %parallel_loop3A_1052 = tpu.vector_load_idx %arg7[%parallel_loop3A_1051, %parallel_loop3A_1048] : memref<64x512xf32, #tpu.memory_space<vmem>>[vector<16xi32>, vector<16xi32>], vector<16xf32>,
      %parallel_loop3A_1053 = arith.index_cast %parallel_loop3A_1045 : i32 to index
      %parallel_loop3A_1054 = arith.constant 64 : index
      %parallel_loop3A_1055 = tpu.vector_load %arg9[%parallel_loop3A_1053, %parallel_loop3A_1054] {strides = array<i32>} : memref<64x128xf32, #tpu.memory_space<vmem>>, vector<16xf32>,
      tpu.vector_store %arg9[%parallel_loop3A_1053, %parallel_loop3A_1054], %parallel_loop3A_1052 {strides = array<i32>} : memref<64x128xf32, #tpu.memory_space<vmem>>, vector<16xf32>,
      %parallel_loop3A_1056 = arith.constant 16 : i32
      %parallel_loop3A_1057 = vector.broadcast %parallel_loop3A_1056 : i32 to vector<16xi32>
      %parallel_loop3A_1058 = arith.addi %iota3A, %parallel_loop3A_1057 : vector<16xi32>
      %parallel_loop3A_1059 = tpu.vector_load_idx %arg7[%parallel_loop3A_1058, %parallel_loop3A_1048] : memref<64x512xf32, #tpu.memory_space<vmem>>[vector<16xi32>, vector<16xi32>], vector<16xf32>,
      %parallel_loop3A_1060 = arith.index_cast %parallel_loop3A_1045 : i32 to index
      %parallel_loop3A_1061 = arith.constant 80 : index
      %parallel_loop3A_1062 = tpu.vector_load %arg9[%parallel_loop3A_1060, %parallel_loop3A_1061] {strides = array<i32>} : memref<64x128xf32, #tpu.memory_space<vmem>>, vector<16xf32>,
      tpu.vector_store %arg9[%parallel_loop3A_1060, %parallel_loop3A_1061], %parallel_loop3A_1059 {strides = array<i32>} : memref<64x128xf32, #tpu.memory_space<vmem>>, vector<16xf32>,
      %parallel_loop3A_1063 = arith.constant 32 : i32
      %parallel_loop3A_1064 = vector.broadcast %parallel_loop3A_1063 : i32 to vector<16xi32>
      %parallel_loop3A_1065 = arith.addi %iota3A, %parallel_loop3A_1064 : vector<16xi32>
      %parallel_loop3A_1066 = tpu.vector_load_idx %arg7[%parallel_loop3A_1065, %parallel_loop3A_1048] : memref<64x512xf32, #tpu.memory_space<vmem>>[vector<16xi32>, vector<16xi32>], vector<16xf32>,
      %parallel_loop3A_1067 = arith.index_cast %parallel_loop3A_1045 : i32 to index
      %parallel_loop3A_1068 = arith.constant 96 : index
      %parallel_loop3A_1069 = tpu.vector_load %arg9[%parallel_loop3A_1067, %parallel_loop3A_1068] {strides = array<i32>} : memref<64x128xf32, #tpu.memory_space<vmem>>, vector<16xf32>,
      tpu.vector_store %arg9[%parallel_loop3A_1067, %parallel_loop3A_1068], %parallel_loop3A_1066 {strides = array<i32>} : memref<64x128xf32, #tpu.memory_space<vmem>>, vector<16xf32>,
      %parallel_loop3A_1070 = arith.constant 48 : i32
      %parallel_loop3A_1071 = vector.broadcast %parallel_loop3A_1070 : i32 to vector<16xi32>
      %parallel_loop3A_1072 = arith.addi %iota3A, %parallel_loop3A_1071 : vector<16xi32>
      %parallel_loop3A_1073 = tpu.vector_load_idx %arg7[%parallel_loop3A_1072, %parallel_loop3A_1048] : memref<64x512xf32, #tpu.memory_space<vmem>>[vector<16xi32>, vector<16xi32>], vector<16xf32>,
      %parallel_loop3A_1074 = arith.index_cast %parallel_loop3A_1045 : i32 to index
      %parallel_loop3A_1075 = arith.constant 112 : index
      %parallel_loop3A_1076 = tpu.vector_load %arg9[%parallel_loop3A_1074, %parallel_loop3A_1075] {strides = array<i32>} : memref<64x128xf32, #tpu.memory_space<vmem>>, vector<16xf32>,
      tpu.vector_store %arg9[%parallel_loop3A_1074, %parallel_loop3A_1075], %parallel_loop3A_1073 {strides = array<i32>} : memref<64x128xf32, #tpu.memory_space<vmem>>, vector<16xf32>,
    } {sc.loop_unroll_factor = 1 : i64, sc.parallel_access}
    %add3A_92 = arith.constant 0 : i32
    %add3A_93 = arith.addi %add3A_92, %add3A_72 : i32
    %mul3A_94 = arith.constant 512 : i32
    %mul3A_95 = vector.broadcast %mul3A_94 : i32 to vector<16xi32>
    %mul3A_96 = arith.muli %add3A_56, %mul3A_95 : vector<16xi32>
    %add3A_97 = vector.broadcast %add3A_93 : i32 to vector<16xi32>
    %add3A_98 = arith.addi %mul3A_96, %add3A_97 : vector<16xi32>
    %swap3A = arith.constant 0 : index
    %swap3A_99 = tpu.vector_load %arg11[%swap3A] {strides = array<i32>} : memref<64xi32, #tpu.memory_space<vmem>>, vector<16xi32>,
    tpu.vector_store %arg11[%swap3A], %add3A_98 {strides = array<i32>} : memref<64xi32, #tpu.memory_space<vmem>>, vector<16xi32>,
    %mul3A_100 = arith.constant 512 : i32
    %mul3A_101 = vector.broadcast %mul3A_100 : i32 to vector<16xi32>
    %mul3A_102 = arith.muli %add3A_59, %mul3A_101 : vector<16xi32>
    %add3A_103 = vector.broadcast %add3A_93 : i32 to vector<16xi32>
    %add3A_104 = arith.addi %mul3A_102, %add3A_103 : vector<16xi32>
    %swap3A_105 = arith.constant 16 : index
    %swap3A_106 = tpu.vector_load %arg11[%swap3A_105] {strides = array<i32>} : memref<64xi32, #tpu.memory_space<vmem>>, vector<16xi32>,
    tpu.vector_store %arg11[%swap3A_105], %add3A_104 {strides = array<i32>} : memref<64xi32, #tpu.memory_space<vmem>>, vector<16xi32>,
    %mul3A_107 = arith.constant 512 : i32
    %mul3A_108 = vector.broadcast %mul3A_107 : i32 to vector<16xi32>
    %mul3A_109 = arith.muli %add3A_62, %mul3A_108 : vector<16xi32>
    %add3A_110 = vector.broadcast %add3A_93 : i32 to vector<16xi32>
    %add3A_111 = arith.addi %mul3A_109, %add3A_110 : vector<16xi32>
    %swap3A_112 = arith.constant 32 : index
    %swap3A_113 = tpu.vector_load %arg11[%swap3A_112] {strides = array<i32>} : memref<64xi32, #tpu.memory_space<vmem>>, vector<16xi32>,
    tpu.vector_store %arg11[%swap3A_112], %add3A_111 {strides = array<i32>} : memref<64xi32, #tpu.memory_space<vmem>>, vector<16xi32>,
    %mul3A_114 = arith.constant 512 : i32
    %mul3A_115 = vector.broadcast %mul3A_114 : i32 to vector<16xi32>
    %mul3A_116 = arith.muli %add3A_65, %mul3A_115 : vector<16xi32>
    %add3A_117 = vector.broadcast %add3A_93 : i32 to vector<16xi32>
    %add3A_118 = arith.addi %mul3A_116, %add3A_117 : vector<16xi32>
    %swap3A_119 = arith.constant 48 : index
    %swap3A_120 = tpu.vector_load %arg11[%swap3A_119] {strides = array<i32>} : memref<64xi32, #tpu.memory_space<vmem>>, vector<16xi32>,
    tpu.vector_store %arg11[%swap3A_119], %add3A_118 {strides = array<i32>} : memref<64xi32, #tpu.memory_space<vmem>>, vector<16xi32>,
    %dma_start3A_121 = arith.constant 0 : i32
    %dma_start3A_122 = arith.constant 0 : i32
    %dma_start3A_123 = tpu.memref_slice %arg4[%dma_start3A_121, %dma_start3A_122] : memref<32768x128xf32, #tpu.memory_space<hbm>> -> memref<32768x128xf32, #tpu.memory_space<hbm>>
    tpu.enqueue_indirect_dma source(%arg9 : memref<64x128xf32, #tpu.memory_space<vmem>>) target(%dma_start3A_123 : memref<32768x128xf32, #tpu.memory_space<hbm>>) offsets(%arg11 : memref<64xi32, #tpu.memory_space<vmem>>) semaphore(%arg17 : memref<!tpu.dma_semaphore, #tpu.memory_space<semaphore_mem>>)
    %add3A_124 = arith.constant 256 : i32
    %add3A_125 = arith.addi %add3A_36, %add3A_124 : i32
    %dma_start3A_126 = arith.constant 0 : i32
    %dma_start3A_127 = tpu.memref_slice %arg2[%add3A_125, %dma_start3A_126] : memref<65536x512xf32, #tpu.memory_space<hbm>> -> memref<64x512xf32, #tpu.memory_space<hbm>>
    %dma_start3A_128 = arith.constant 0 : i32
    %dma_start3A_129 = tpu.memref_slice %arg2[%add3A_125, %dma_start3A_128] : memref<65536x512xf32, #tpu.memory_space<hbm>> -> memref<64x512xf32, #tpu.memory_space<hbm>>
    tpu.enqueue_dma source(%dma_start3A_129 : memref<64x512xf32, #tpu.memory_space<hbm>>) target(%arg7 : memref<64x512xf32, #tpu.memory_space<vmem>>) target_semaphore(%arg15 : memref<!tpu.dma_semaphore, #tpu.memory_space<semaphore_mem>>)
    %dma_wait3A_130 = arith.constant 0 : i32
    %dma_wait3A_131 = tpu.memref_slice %arg2[%add3A_49, %dma_wait3A_130] : memref<65536x512xf32, #tpu.memory_space<hbm>> -> memref<64x512xf32, #tpu.memory_space<hbm>>
    %dma_wait3A_132 = arith.constant 0 : i32
    %dma_wait3A_133 = tpu.memref_slice %arg2[%add3A_49, %dma_wait3A_132] : memref<65536x512xf32, #tpu.memory_space<hbm>> -> memref<64x512xf32, #tpu.memory_space<hbm>>
    tpu.wait_dma2 semaphore(%arg16 : memref<!tpu.dma_semaphore, #tpu.memory_space<semaphore_mem>>) src(%dma_wait3A_133 : memref<64x512xf32, #tpu.memory_space<hbm>>) dst(%arg8 : memref<64x512xf32, #tpu.memory_space<vmem>>)
    %parallel_loop3A_134 = arith.constant 0 : i32
    %parallel_loop3A_135 = arith.constant 64 : i32
    %parallel_loop3A_136 = arith.constant 1 : i32
    scf.for %parallel_loop3A_1045 = %parallel_loop3A_134 to %parallel_loop3A_135 step %parallel_loop3A_136  : i32 {
      %parallel_loop3A_1046 = arith.index_cast %parallel_loop3A_1045 : i32 to index
      %parallel_loop3A_1047 = arith.constant 0 : index
      %parallel_loop3A_1048 = tpu.vector_load %arg13[%parallel_loop3A_1046, %parallel_loop3A_1047] {strides = array<i32>} : memref<64x16xi32, #tpu.memory_space<vmem>>, vector<16xi32>,
      %parallel_loop3A_1049 = arith.constant 0 : i32
      %parallel_loop3A_1050 = vector.broadcast %parallel_loop3A_1049 : i32 to vector<16xi32>
      %parallel_loop3A_1051 = arith.addi %iota3A, %parallel_loop3A_1050 : vector<16xi32>
      %parallel_loop3A_1052 = tpu.vector_load_idx %arg8[%parallel_loop3A_1051, %parallel_loop3A_1048] : memref<64x512xf32, #tpu.memory_space<vmem>>[vector<16xi32>, vector<16xi32>], vector<16xf32>,
      %parallel_loop3A_1053 = arith.index_cast %parallel_loop3A_1045 : i32 to index
      %parallel_loop3A_1054 = arith.constant 0 : index
      %parallel_loop3A_1055 = tpu.vector_load %arg10[%parallel_loop3A_1053, %parallel_loop3A_1054] {strides = array<i32>} : memref<64x128xf32, #tpu.memory_space<vmem>>, vector<16xf32>,
      tpu.vector_store %arg10[%parallel_loop3A_1053, %parallel_loop3A_1054], %parallel_loop3A_1052 {strides = array<i32>} : memref<64x128xf32, #tpu.memory_space<vmem>>, vector<16xf32>,
      %parallel_loop3A_1056 = arith.constant 16 : i32
      %parallel_loop3A_1057 = vector.broadcast %parallel_loop3A_1056 : i32 to vector<16xi32>
      %parallel_loop3A_1058 = arith.addi %iota3A, %parallel_loop3A_1057 : vector<16xi32>
      %parallel_loop3A_1059 = tpu.vector_load_idx %arg8[%parallel_loop3A_1058, %parallel_loop3A_1048] : memref<64x512xf32, #tpu.memory_space<vmem>>[vector<16xi32>, vector<16xi32>], vector<16xf32>,
      %parallel_loop3A_1060 = arith.index_cast %parallel_loop3A_1045 : i32 to index
      %parallel_loop3A_1061 = arith.constant 16 : index
      %parallel_loop3A_1062 = tpu.vector_load %arg10[%parallel_loop3A_1060, %parallel_loop3A_1061] {strides = array<i32>} : memref<64x128xf32, #tpu.memory_space<vmem>>, vector<16xf32>,
      tpu.vector_store %arg10[%parallel_loop3A_1060, %parallel_loop3A_1061], %parallel_loop3A_1059 {strides = array<i32>} : memref<64x128xf32, #tpu.memory_space<vmem>>, vector<16xf32>,
      %parallel_loop3A_1063 = arith.constant 32 : i32
      %parallel_loop3A_1064 = vector.broadcast %parallel_loop3A_1063 : i32 to vector<16xi32>
      %parallel_loop3A_1065 = arith.addi %iota3A, %parallel_loop3A_1064 : vector<16xi32>
      %parallel_loop3A_1066 = tpu.vector_load_idx %arg8[%parallel_loop3A_1065, %parallel_loop3A_1048] : memref<64x512xf32, #tpu.memory_space<vmem>>[vector<16xi32>, vector<16xi32>], vector<16xf32>,
      %parallel_loop3A_1067 = arith.index_cast %parallel_loop3A_1045 : i32 to index
      %parallel_loop3A_1068 = arith.constant 32 : index
      %parallel_loop3A_1069 = tpu.vector_load %arg10[%parallel_loop3A_1067, %parallel_loop3A_1068] {strides = array<i32>} : memref<64x128xf32, #tpu.memory_space<vmem>>, vector<16xf32>,
      tpu.vector_store %arg10[%parallel_loop3A_1067, %parallel_loop3A_1068], %parallel_loop3A_1066 {strides = array<i32>} : memref<64x128xf32, #tpu.memory_space<vmem>>, vector<16xf32>,
      %parallel_loop3A_1070 = arith.constant 48 : i32
      %parallel_loop3A_1071 = vector.broadcast %parallel_loop3A_1070 : i32 to vector<16xi32>
      %parallel_loop3A_1072 = arith.addi %iota3A, %parallel_loop3A_1071 : vector<16xi32>
      %parallel_loop3A_1073 = tpu.vector_load_idx %arg8[%parallel_loop3A_1072, %parallel_loop3A_1048] : memref<64x512xf32, #tpu.memory_space<vmem>>[vector<16xi32>, vector<16xi32>], vector<16xf32>,
      %parallel_loop3A_1074 = arith.index_cast %parallel_loop3A_1045 : i32 to index
      %parallel_loop3A_1075 = arith.constant 48 : index
      %parallel_loop3A_1076 = tpu.vector_load %arg10[%parallel_loop3A_1074, %parallel_loop3A_1075] {strides = array<i32>} : memref<64x128xf32, #tpu.memory_space<vmem>>, vector<16xf32>,
      tpu.vector_store %arg10[%parallel_loop3A_1074, %parallel_loop3A_1075], %parallel_loop3A_1073 {strides = array<i32>} : memref<64x128xf32, #tpu.memory_space<vmem>>, vector<16xf32>,
    } {sc.loop_unroll_factor = 1 : i64, sc.parallel_access}
    %add3A_137 = arith.constant 320 : i32
    %add3A_138 = arith.addi %add3A_36, %add3A_137 : i32
    %dma_start3A_139 = arith.constant 0 : i32
    %dma_start3A_140 = tpu.memref_slice %arg2[%add3A_138, %dma_start3A_139] : memref<65536x512xf32, #tpu.memory_space<hbm>> -> memref<64x512xf32, #tpu.memory_space<hbm>>
    %dma_start3A_141 = arith.constant 0 : i32
    %dma_start3A_142 = tpu.memref_slice %arg2[%add3A_138, %dma_start3A_141] : memref<65536x512xf32, #tpu.memory_space<hbm>> -> memref<64x512xf32, #tpu.memory_space<hbm>>
    tpu.enqueue_dma source(%dma_start3A_142 : memref<64x512xf32, #tpu.memory_space<hbm>>) target(%arg8 : memref<64x512xf32, #tpu.memory_space<vmem>>) target_semaphore(%arg16 : memref<!tpu.dma_semaphore, #tpu.memory_space<semaphore_mem>>)
    %dma_wait3A_143 = arith.constant 0 : i32
    %dma_wait3A_144 = tpu.memref_slice %arg2[%add3A_80, %dma_wait3A_143] : memref<65536x512xf32, #tpu.memory_space<hbm>> -> memref<64x512xf32, #tpu.memory_space<hbm>>
    %dma_wait3A_145 = arith.constant 0 : i32
    %dma_wait3A_146 = tpu.memref_slice %arg2[%add3A_80, %dma_wait3A_145] : memref<65536x512xf32, #tpu.memory_space<hbm>> -> memref<64x512xf32, #tpu.memory_space<hbm>>
    tpu.wait_dma2 semaphore(%arg14 : memref<!tpu.dma_semaphore, #tpu.memory_space<semaphore_mem>>) src(%dma_wait3A_146 : memref<64x512xf32, #tpu.memory_space<hbm>>) dst(%arg6 : memref<64x512xf32, #tpu.memory_space<vmem>>)
    %parallel_loop3A_147 = arith.constant 0 : i32
    %parallel_loop3A_148 = arith.constant 64 : i32
    %parallel_loop3A_149 = arith.constant 1 : i32
    scf.for %parallel_loop3A_1045 = %parallel_loop3A_147 to %parallel_loop3A_148 step %parallel_loop3A_149  : i32 {
      %parallel_loop3A_1046 = arith.index_cast %parallel_loop3A_1045 : i32 to index
      %parallel_loop3A_1047 = arith.constant 0 : index
      %parallel_loop3A_1048 = tpu.vector_load %arg13[%parallel_loop3A_1046, %parallel_loop3A_1047] {strides = array<i32>} : memref<64x16xi32, #tpu.memory_space<vmem>>, vector<16xi32>,
      %parallel_loop3A_1049 = arith.constant 0 : i32
      %parallel_loop3A_1050 = vector.broadcast %parallel_loop3A_1049 : i32 to vector<16xi32>
      %parallel_loop3A_1051 = arith.addi %iota3A, %parallel_loop3A_1050 : vector<16xi32>
      %parallel_loop3A_1052 = tpu.vector_load_idx %arg6[%parallel_loop3A_1051, %parallel_loop3A_1048] : memref<64x512xf32, #tpu.memory_space<vmem>>[vector<16xi32>, vector<16xi32>], vector<16xf32>,
      %parallel_loop3A_1053 = arith.index_cast %parallel_loop3A_1045 : i32 to index
      %parallel_loop3A_1054 = arith.constant 64 : index
      %parallel_loop3A_1055 = tpu.vector_load %arg10[%parallel_loop3A_1053, %parallel_loop3A_1054] {strides = array<i32>} : memref<64x128xf32, #tpu.memory_space<vmem>>, vector<16xf32>,
      tpu.vector_store %arg10[%parallel_loop3A_1053, %parallel_loop3A_1054], %parallel_loop3A_1052 {strides = array<i32>} : memref<64x128xf32, #tpu.memory_space<vmem>>, vector<16xf32>,
      %parallel_loop3A_1056 = arith.constant 16 : i32
      %parallel_loop3A_1057 = vector.broadcast %parallel_loop3A_1056 : i32 to vector<16xi32>
      %parallel_loop3A_1058 = arith.addi %iota3A, %parallel_loop3A_1057 : vector<16xi32>
      %parallel_loop3A_1059 = tpu.vector_load_idx %arg6[%parallel_loop3A_1058, %parallel_loop3A_1048] : memref<64x512xf32, #tpu.memory_space<vmem>>[vector<16xi32>, vector<16xi32>], vector<16xf32>,
      %parallel_loop3A_1060 = arith.index_cast %parallel_loop3A_1045 : i32 to index
      %parallel_loop3A_1061 = arith.constant 80 : index
      %parallel_loop3A_1062 = tpu.vector_load %arg10[%parallel_loop3A_1060, %parallel_loop3A_1061] {strides = array<i32>} : memref<64x128xf32, #tpu.memory_space<vmem>>, vector<16xf32>,
      tpu.vector_store %arg10[%parallel_loop3A_1060, %parallel_loop3A_1061], %parallel_loop3A_1059 {strides = array<i32>} : memref<64x128xf32, #tpu.memory_space<vmem>>, vector<16xf32>,
      %parallel_loop3A_1063 = arith.constant 32 : i32
      %parallel_loop3A_1064 = vector.broadcast %parallel_loop3A_1063 : i32 to vector<16xi32>
      %parallel_loop3A_1065 = arith.addi %iota3A, %parallel_loop3A_1064 : vector<16xi32>
      %parallel_loop3A_1066 = tpu.vector_load_idx %arg6[%parallel_loop3A_1065, %parallel_loop3A_1048] : memref<64x512xf32, #tpu.memory_space<vmem>>[vector<16xi32>, vector<16xi32>], vector<16xf32>,
      %parallel_loop3A_1067 = arith.index_cast %parallel_loop3A_1045 : i32 to index
      %parallel_loop3A_1068 = arith.constant 96 : index
      %parallel_loop3A_1069 = tpu.vector_load %arg10[%parallel_loop3A_1067, %parallel_loop3A_1068] {strides = array<i32>} : memref<64x128xf32, #tpu.memory_space<vmem>>, vector<16xf32>,
      tpu.vector_store %arg10[%parallel_loop3A_1067, %parallel_loop3A_1068], %parallel_loop3A_1066 {strides = array<i32>} : memref<64x128xf32, #tpu.memory_space<vmem>>, vector<16xf32>,
      %parallel_loop3A_1070 = arith.constant 48 : i32
      %parallel_loop3A_1071 = vector.broadcast %parallel_loop3A_1070 : i32 to vector<16xi32>
      %parallel_loop3A_1072 = arith.addi %iota3A, %parallel_loop3A_1071 : vector<16xi32>
      %parallel_loop3A_1073 = tpu.vector_load_idx %arg6[%parallel_loop3A_1072, %parallel_loop3A_1048] : memref<64x512xf32, #tpu.memory_space<vmem>>[vector<16xi32>, vector<16xi32>], vector<16xf32>,
      %parallel_loop3A_1074 = arith.index_cast %parallel_loop3A_1045 : i32 to index
      %parallel_loop3A_1075 = arith.constant 112 : index
      %parallel_loop3A_1076 = tpu.vector_load %arg10[%parallel_loop3A_1074, %parallel_loop3A_1075] {strides = array<i32>} : memref<64x128xf32, #tpu.memory_space<vmem>>, vector<16xf32>,
      tpu.vector_store %arg10[%parallel_loop3A_1074, %parallel_loop3A_1075], %parallel_loop3A_1073 {strides = array<i32>} : memref<64x128xf32, #tpu.memory_space<vmem>>, vector<16xf32>,
    } {sc.loop_unroll_factor = 1 : i64, sc.parallel_access}
    %add3A_150 = arith.constant 1 : i32
    %add3A_151 = arith.addi %add3A_150, %add3A_72 : i32
    %mul3A_152 = arith.constant 512 : i32
    %mul3A_153 = vector.broadcast %mul3A_152 : i32 to vector<16xi32>
    %mul3A_154 = arith.muli %add3A_56, %mul3A_153 : vector<16xi32>
    %add3A_155 = vector.broadcast %add3A_151 : i32 to vector<16xi32>
    %add3A_156 = arith.addi %mul3A_154, %add3A_155 : vector<16xi32>
    %swap3A_157 = arith.constant 0 : index
    %swap3A_158 = tpu.vector_load %arg12[%swap3A_157] {strides = array<i32>} : memref<64xi32, #tpu.memory_space<vmem>>, vector<16xi32>,
    tpu.vector_store %arg12[%swap3A_157], %add3A_156 {strides = array<i32>} : memref<64xi32, #tpu.memory_space<vmem>>, vector<16xi32>,
    %mul3A_159 = arith.constant 512 : i32
    %mul3A_160 = vector.broadcast %mul3A_159 : i32 to vector<16xi32>
    %mul3A_161 = arith.muli %add3A_59, %mul3A_160 : vector<16xi32>
    %add3A_162 = vector.broadcast %add3A_151 : i32 to vector<16xi32>
    %add3A_163 = arith.addi %mul3A_161, %add3A_162 : vector<16xi32>
    %swap3A_164 = arith.constant 16 : index
    %swap3A_165 = tpu.vector_load %arg12[%swap3A_164] {strides = array<i32>} : memref<64xi32, #tpu.memory_space<vmem>>, vector<16xi32>,
    tpu.vector_store %arg12[%swap3A_164], %add3A_163 {strides = array<i32>} : memref<64xi32, #tpu.memory_space<vmem>>, vector<16xi32>,
    %mul3A_166 = arith.constant 512 : i32
    %mul3A_167 = vector.broadcast %mul3A_166 : i32 to vector<16xi32>
    %mul3A_168 = arith.muli %add3A_62, %mul3A_167 : vector<16xi32>
    %add3A_169 = vector.broadcast %add3A_151 : i32 to vector<16xi32>
    %add3A_170 = arith.addi %mul3A_168, %add3A_169 : vector<16xi32>
    %swap3A_171 = arith.constant 32 : index
    %swap3A_172 = tpu.vector_load %arg12[%swap3A_171] {strides = array<i32>} : memref<64xi32, #tpu.memory_space<vmem>>, vector<16xi32>,
    tpu.vector_store %arg12[%swap3A_171], %add3A_170 {strides = array<i32>} : memref<64xi32, #tpu.memory_space<vmem>>, vector<16xi32>,
    %mul3A_173 = arith.constant 512 : i32
    %mul3A_174 = vector.broadcast %mul3A_173 : i32 to vector<16xi32>
    %mul3A_175 = arith.muli %add3A_65, %mul3A_174 : vector<16xi32>
    %add3A_176 = vector.broadcast %add3A_151 : i32 to vector<16xi32>
    %add3A_177 = arith.addi %mul3A_175, %add3A_176 : vector<16xi32>
    %swap3A_178 = arith.constant 48 : index
    %swap3A_179 = tpu.vector_load %arg12[%swap3A_178] {strides = array<i32>} : memref<64xi32, #tpu.memory_space<vmem>>, vector<16xi32>,
    tpu.vector_store %arg12[%swap3A_178], %add3A_177 {strides = array<i32>} : memref<64xi32, #tpu.memory_space<vmem>>, vector<16xi32>,
    %dma_start3A_180 = arith.constant 0 : i32
    %dma_start3A_181 = arith.constant 0 : i32
    %dma_start3A_182 = tpu.memref_slice %arg4[%dma_start3A_180, %dma_start3A_181] : memref<32768x128xf32, #tpu.memory_space<hbm>> -> memref<32768x128xf32, #tpu.memory_space<hbm>>
    tpu.enqueue_indirect_dma source(%arg10 : memref<64x128xf32, #tpu.memory_space<vmem>>) target(%dma_start3A_182 : memref<32768x128xf32, #tpu.memory_space<hbm>>) offsets(%arg12 : memref<64xi32, #tpu.memory_space<vmem>>) semaphore(%arg18 : memref<!tpu.dma_semaphore, #tpu.memory_space<semaphore_mem>>)
    %add3A_183 = arith.constant 384 : i32
    %add3A_184 = arith.addi %add3A_36, %add3A_183 : i32
    %dma_start3A_185 = arith.constant 0 : i32
    %dma_start3A_186 = tpu.memref_slice %arg2[%add3A_184, %dma_start3A_185] : memref<65536x512xf32, #tpu.memory_space<hbm>> -> memref<64x512xf32, #tpu.memory_space<hbm>>
    %dma_start3A_187 = arith.constant 0 : i32
    %dma_start3A_188 = tpu.memref_slice %arg2[%add3A_184, %dma_start3A_187] : memref<65536x512xf32, #tpu.memory_space<hbm>> -> memref<64x512xf32, #tpu.memory_space<hbm>>
    tpu.enqueue_dma source(%dma_start3A_188 : memref<64x512xf32, #tpu.memory_space<hbm>>) target(%arg6 : memref<64x512xf32, #tpu.memory_space<vmem>>) target_semaphore(%arg14 : memref<!tpu.dma_semaphore, #tpu.memory_space<semaphore_mem>>)
    %dma_wait3A_189 = arith.constant 0 : i32
    %dma_wait3A_190 = arith.constant 0 : i32
    %dma_wait3A_191 = tpu.memref_slice %arg4[%dma_wait3A_189, %dma_wait3A_190] : memref<32768x128xf32, #tpu.memory_space<hbm>> -> memref<32768x128xf32, #tpu.memory_space<hbm>>
    tpu.wait_indirect_dma semaphore(%arg17 : memref<!tpu.dma_semaphore, #tpu.memory_space<semaphore_mem>>) src(%arg9 : memref<64x128xf32, #tpu.memory_space<vmem>>) dst(%dma_wait3A_191 : memref<32768x128xf32, #tpu.memory_space<hbm>>)
    %dma_wait3A_192 = arith.constant 0 : i32
    %dma_wait3A_193 = tpu.memref_slice %arg2[%add3A_125, %dma_wait3A_192] : memref<65536x512xf32, #tpu.memory_space<hbm>> -> memref<64x512xf32, #tpu.memory_space<hbm>>
    %dma_wait3A_194 = arith.constant 0 : i32
    %dma_wait3A_195 = tpu.memref_slice %arg2[%add3A_125, %dma_wait3A_194] : memref<65536x512xf32, #tpu.memory_space<hbm>> -> memref<64x512xf32, #tpu.memory_space<hbm>>
    tpu.wait_dma2 semaphore(%arg15 : memref<!tpu.dma_semaphore, #tpu.memory_space<semaphore_mem>>) src(%dma_wait3A_195 : memref<64x512xf32, #tpu.memory_space<hbm>>) dst(%arg7 : memref<64x512xf32, #tpu.memory_space<vmem>>)
    %parallel_loop3A_196 = arith.constant 0 : i32
    %parallel_loop3A_197 = arith.constant 64 : i32
    %parallel_loop3A_198 = arith.constant 1 : i32
    scf.for %parallel_loop3A_1045 = %parallel_loop3A_196 to %parallel_loop3A_197 step %parallel_loop3A_198  : i32 {
      %parallel_loop3A_1046 = arith.index_cast %parallel_loop3A_1045 : i32 to index
      %parallel_loop3A_1047 = arith.constant 0 : index
      %parallel_loop3A_1048 = tpu.vector_load %arg13[%parallel_loop3A_1046, %parallel_loop3A_1047] {strides = array<i32>} : memref<64x16xi32, #tpu.memory_space<vmem>>, vector<16xi32>,
      %parallel_loop3A_1049 = arith.constant 0 : i32
      %parallel_loop3A_1050 = vector.broadcast %parallel_loop3A_1049 : i32 to vector<16xi32>
      %parallel_loop3A_1051 = arith.addi %iota3A, %parallel_loop3A_1050 : vector<16xi32>
      %parallel_loop3A_1052 = tpu.vector_load_idx %arg7[%parallel_loop3A_1051, %parallel_loop3A_1048] : memref<64x512xf32, #tpu.memory_space<vmem>>[vector<16xi32>, vector<16xi32>], vector<16xf32>,
      %parallel_loop3A_1053 = arith.index_cast %parallel_loop3A_1045 : i32 to index
      %parallel_loop3A_1054 = arith.constant 0 : index
      %parallel_loop3A_1055 = tpu.vector_load %arg9[%parallel_loop3A_1053, %parallel_loop3A_1054] {strides = array<i32>} : memref<64x128xf32, #tpu.memory_space<vmem>>, vector<16xf32>,
      tpu.vector_store %arg9[%parallel_loop3A_1053, %parallel_loop3A_1054], %parallel_loop3A_1052 {strides = array<i32>} : memref<64x128xf32, #tpu.memory_space<vmem>>, vector<16xf32>,
      %parallel_loop3A_1056 = arith.constant 16 : i32
      %parallel_loop3A_1057 = vector.broadcast %parallel_loop3A_1056 : i32 to vector<16xi32>
      %parallel_loop3A_1058 = arith.addi %iota3A, %parallel_loop3A_1057 : vector<16xi32>
      %parallel_loop3A_1059 = tpu.vector_load_idx %arg7[%parallel_loop3A_1058, %parallel_loop3A_1048] : memref<64x512xf32, #tpu.memory_space<vmem>>[vector<16xi32>, vector<16xi32>], vector<16xf32>,
      %parallel_loop3A_1060 = arith.index_cast %parallel_loop3A_1045 : i32 to index
      %parallel_loop3A_1061 = arith.constant 16 : index
      %parallel_loop3A_1062 = tpu.vector_load %arg9[%parallel_loop3A_1060, %parallel_loop3A_1061] {strides = array<i32>} : memref<64x128xf32, #tpu.memory_space<vmem>>, vector<16xf32>,
      tpu.vector_store %arg9[%parallel_loop3A_1060, %parallel_loop3A_1061], %parallel_loop3A_1059 {strides = array<i32>} : memref<64x128xf32, #tpu.memory_space<vmem>>, vector<16xf32>,
      %parallel_loop3A_1063 = arith.constant 32 : i32
      %parallel_loop3A_1064 = vector.broadcast %parallel_loop3A_1063 : i32 to vector<16xi32>
      %parallel_loop3A_1065 = arith.addi %iota3A, %parallel_loop3A_1064 : vector<16xi32>
      %parallel_loop3A_1066 = tpu.vector_load_idx %arg7[%parallel_loop3A_1065, %parallel_loop3A_1048] : memref<64x512xf32, #tpu.memory_space<vmem>>[vector<16xi32>, vector<16xi32>], vector<16xf32>,
      %parallel_loop3A_1067 = arith.index_cast %parallel_loop3A_1045 : i32 to index
      %parallel_loop3A_1068 = arith.constant 32 : index
      %parallel_loop3A_1069 = tpu.vector_load %arg9[%parallel_loop3A_1067, %parallel_loop3A_1068] {strides = array<i32>} : memref<64x128xf32, #tpu.memory_space<vmem>>, vector<16xf32>,
      tpu.vector_store %arg9[%parallel_loop3A_1067, %parallel_loop3A_1068], %parallel_loop3A_1066 {strides = array<i32>} : memref<64x128xf32, #tpu.memory_space<vmem>>, vector<16xf32>,
      %parallel_loop3A_1070 = arith.constant 48 : i32
      %parallel_loop3A_1071 = vector.broadcast %parallel_loop3A_1070 : i32 to vector<16xi32>
      %parallel_loop3A_1072 = arith.addi %iota3A, %parallel_loop3A_1071 : vector<16xi32>
      %parallel_loop3A_1073 = tpu.vector_load_idx %arg7[%parallel_loop3A_1072, %parallel_loop3A_1048] : memref<64x512xf32, #tpu.memory_space<vmem>>[vector<16xi32>, vector<16xi32>], vector<16xf32>,
      %parallel_loop3A_1074 = arith.index_cast %parallel_loop3A_1045 : i32 to index
      %parallel_loop3A_1075 = arith.constant 48 : index
      %parallel_loop3A_1076 = tpu.vector_load %arg9[%parallel_loop3A_1074, %parallel_loop3A_1075] {strides = array<i32>} : memref<64x128xf32, #tpu.memory_space<vmem>>, vector<16xf32>,
      tpu.vector_store %arg9[%parallel_loop3A_1074, %parallel_loop3A_1075], %parallel_loop3A_1073 {strides = array<i32>} : memref<64x128xf32, #tpu.memory_space<vmem>>, vector<16xf32>,
    } {sc.loop_unroll_factor = 1 : i64, sc.parallel_access}
    %add3A_199 = arith.constant 448 : i32
    %add3A_200 = arith.addi %add3A_36, %add3A_199 : i32
    %dma_start3A_201 = arith.constant 0 : i32
    %dma_start3A_202 = tpu.memref_slice %arg2[%add3A_200, %dma_start3A_201] : memref<65536x512xf32, #tpu.memory_space<hbm>> -> memref<64x512xf32, #tpu.memory_space<hbm>>
    %dma_start3A_203 = arith.constant 0 : i32
    %dma_start3A_204 = tpu.memref_slice %arg2[%add3A_200, %dma_start3A_203] : memref<65536x512xf32, #tpu.memory_space<hbm>> -> memref<64x512xf32, #tpu.memory_space<hbm>>
    tpu.enqueue_dma source(%dma_start3A_204 : memref<64x512xf32, #tpu.memory_space<hbm>>) target(%arg7 : memref<64x512xf32, #tpu.memory_space<vmem>>) target_semaphore(%arg15 : memref<!tpu.dma_semaphore, #tpu.memory_space<semaphore_mem>>)
    %dma_wait3A_205 = arith.constant 0 : i32
    %dma_wait3A_206 = tpu.memref_slice %arg2[%add3A_138, %dma_wait3A_205] : memref<65536x512xf32, #tpu.memory_space<hbm>> -> memref<64x512xf32, #tpu.memory_space<hbm>>
    %dma_wait3A_207 = arith.constant 0 : i32
    %dma_wait3A_208 = tpu.memref_slice %arg2[%add3A_138, %dma_wait3A_207] : memref<65536x512xf32, #tpu.memory_space<hbm>> -> memref<64x512xf32, #tpu.memory_space<hbm>>
    tpu.wait_dma2 semaphore(%arg16 : memref<!tpu.dma_semaphore, #tpu.memory_space<semaphore_mem>>) src(%dma_wait3A_208 : memref<64x512xf32, #tpu.memory_space<hbm>>) dst(%arg8 : memref<64x512xf32, #tpu.memory_space<vmem>>)
    %parallel_loop3A_209 = arith.constant 0 : i32
    %parallel_loop3A_210 = arith.constant 64 : i32
    %parallel_loop3A_211 = arith.constant 1 : i32
    scf.for %parallel_loop3A_1045 = %parallel_loop3A_209 to %parallel_loop3A_210 step %parallel_loop3A_211  : i32 {
      %parallel_loop3A_1046 = arith.index_cast %parallel_loop3A_1045 : i32 to index
      %parallel_loop3A_1047 = arith.constant 0 : index
      %parallel_loop3A_1048 = tpu.vector_load %arg13[%parallel_loop3A_1046, %parallel_loop3A_1047] {strides = array<i32>} : memref<64x16xi32, #tpu.memory_space<vmem>>, vector<16xi32>,
      %parallel_loop3A_1049 = arith.constant 0 : i32
      %parallel_loop3A_1050 = vector.broadcast %parallel_loop3A_1049 : i32 to vector<16xi32>
      %parallel_loop3A_1051 = arith.addi %iota3A, %parallel_loop3A_1050 : vector<16xi32>
      %parallel_loop3A_1052 = tpu.vector_load_idx %arg8[%parallel_loop3A_1051, %parallel_loop3A_1048] : memref<64x512xf32, #tpu.memory_space<vmem>>[vector<16xi32>, vector<16xi32>], vector<16xf32>,
      %parallel_loop3A_1053 = arith.index_cast %parallel_loop3A_1045 : i32 to index
      %parallel_loop3A_1054 = arith.constant 64 : index
      %parallel_loop3A_1055 = tpu.vector_load %arg9[%parallel_loop3A_1053, %parallel_loop3A_1054] {strides = array<i32>} : memref<64x128xf32, #tpu.memory_space<vmem>>, vector<16xf32>,
      tpu.vector_store %arg9[%parallel_loop3A_1053, %parallel_loop3A_1054], %parallel_loop3A_1052 {strides = array<i32>} : memref<64x128xf32, #tpu.memory_space<vmem>>, vector<16xf32>,
      %parallel_loop3A_1056 = arith.constant 16 : i32
      %parallel_loop3A_1057 = vector.broadcast %parallel_loop3A_1056 : i32 to vector<16xi32>
      %parallel_loop3A_1058 = arith.addi %iota3A, %parallel_loop3A_1057 : vector<16xi32>
      %parallel_loop3A_1059 = tpu.vector_load_idx %arg8[%parallel_loop3A_1058, %parallel_loop3A_1048] : memref<64x512xf32, #tpu.memory_space<vmem>>[vector<16xi32>, vector<16xi32>], vector<16xf32>,
      %parallel_loop3A_1060 = arith.index_cast %parallel_loop3A_1045 : i32 to index
      %parallel_loop3A_1061 = arith.constant 80 : index
      %parallel_loop3A_1062 = tpu.vector_load %arg9[%parallel_loop3A_1060, %parallel_loop3A_1061] {strides = array<i32>} : memref<64x128xf32, #tpu.memory_space<vmem>>, vector<16xf32>,
      tpu.vector_store %arg9[%parallel_loop3A_1060, %parallel_loop3A_1061], %parallel_loop3A_1059 {strides = array<i32>} : memref<64x128xf32, #tpu.memory_space<vmem>>, vector<16xf32>,
      %parallel_loop3A_1063 = arith.constant 32 : i32
      %parallel_loop3A_1064 = vector.broadcast %parallel_loop3A_1063 : i32 to vector<16xi32>
      %parallel_loop3A_1065 = arith.addi %iota3A, %parallel_loop3A_1064 : vector<16xi32>
      %parallel_loop3A_1066 = tpu.vector_load_idx %arg8[%parallel_loop3A_1065, %parallel_loop3A_1048] : memref<64x512xf32, #tpu.memory_space<vmem>>[vector<16xi32>, vector<16xi32>], vector<16xf32>,
      %parallel_loop3A_1067 = arith.index_cast %parallel_loop3A_1045 : i32 to index
      %parallel_loop3A_1068 = arith.constant 96 : index
      %parallel_loop3A_1069 = tpu.vector_load %arg9[%parallel_loop3A_1067, %parallel_loop3A_1068] {strides = array<i32>} : memref<64x128xf32, #tpu.memory_space<vmem>>, vector<16xf32>,
      tpu.vector_store %arg9[%parallel_loop3A_1067, %parallel_loop3A_1068], %parallel_loop3A_1066 {strides = array<i32>} : memref<64x128xf32, #tpu.memory_space<vmem>>, vector<16xf32>,
      %parallel_loop3A_1070 = arith.constant 48 : i32
      %parallel_loop3A_1071 = vector.broadcast %parallel_loop3A_1070 : i32 to vector<16xi32>
      %parallel_loop3A_1072 = arith.addi %iota3A, %parallel_loop3A_1071 : vector<16xi32>
      %parallel_loop3A_1073 = tpu.vector_load_idx %arg8[%parallel_loop3A_1072, %parallel_loop3A_1048] : memref<64x512xf32, #tpu.memory_space<vmem>>[vector<16xi32>, vector<16xi32>], vector<16xf32>,
      %parallel_loop3A_1074 = arith.index_cast %parallel_loop3A_1045 : i32 to index
      %parallel_loop3A_1075 = arith.constant 112 : index
      %parallel_loop3A_1076 = tpu.vector_load %arg9[%parallel_loop3A_1074, %parallel_loop3A_1075] {strides = array<i32>} : memref<64x128xf32, #tpu.memory_space<vmem>>, vector<16xf32>,
      tpu.vector_store %arg9[%parallel_loop3A_1074, %parallel_loop3A_1075], %parallel_loop3A_1073 {strides = array<i32>} : memref<64x128xf32, #tpu.memory_space<vmem>>, vector<16xf32>,
    } {sc.loop_unroll_factor = 1 : i64, sc.parallel_access}
    %add3A_212 = arith.constant 2 : i32
    %add3A_213 = arith.addi %add3A_212, %add3A_72 : i32
    %mul3A_214 = arith.constant 512 : i32
    %mul3A_215 = vector.broadcast %mul3A_214 : i32 to vector<16xi32>
    %mul3A_216 = arith.muli %add3A_56, %mul3A_215 : vector<16xi32>
    %add3A_217 = vector.broadcast %add3A_213 : i32 to vector<16xi32>
    %add3A_218 = arith.addi %mul3A_216, %add3A_217 : vector<16xi32>
    %swap3A_219 = arith.constant 0 : index
    %swap3A_220 = tpu.vector_load %arg11[%swap3A_219] {strides = array<i32>} : memref<64xi32, #tpu.memory_space<vmem>>, vector<16xi32>,
    tpu.vector_store %arg11[%swap3A_219], %add3A_218 {strides = array<i32>} : memref<64xi32, #tpu.memory_space<vmem>>, vector<16xi32>,
    %mul3A_221 = arith.constant 512 : i32
    %mul3A_222 = vector.broadcast %mul3A_221 : i32 to vector<16xi32>
    %mul3A_223 = arith.muli %add3A_59, %mul3A_222 : vector<16xi32>
    %add3A_224 = vector.broadcast %add3A_213 : i32 to vector<16xi32>
    %add3A_225 = arith.addi %mul3A_223, %add3A_224 : vector<16xi32>
    %swap3A_226 = arith.constant 16 : index
    %swap3A_227 = tpu.vector_load %arg11[%swap3A_226] {strides = array<i32>} : memref<64xi32, #tpu.memory_space<vmem>>, vector<16xi32>,
    tpu.vector_store %arg11[%swap3A_226], %add3A_225 {strides = array<i32>} : memref<64xi32, #tpu.memory_space<vmem>>, vector<16xi32>,
    %mul3A_228 = arith.constant 512 : i32
    %mul3A_229 = vector.broadcast %mul3A_228 : i32 to vector<16xi32>
    %mul3A_230 = arith.muli %add3A_62, %mul3A_229 : vector<16xi32>
    %add3A_231 = vector.broadcast %add3A_213 : i32 to vector<16xi32>
    %add3A_232 = arith.addi %mul3A_230, %add3A_231 : vector<16xi32>
    %swap3A_233 = arith.constant 32 : index
    %swap3A_234 = tpu.vector_load %arg11[%swap3A_233] {strides = array<i32>} : memref<64xi32, #tpu.memory_space<vmem>>, vector<16xi32>,
    tpu.vector_store %arg11[%swap3A_233], %add3A_232 {strides = array<i32>} : memref<64xi32, #tpu.memory_space<vmem>>, vector<16xi32>,
    %mul3A_235 = arith.constant 512 : i32
    %mul3A_236 = vector.broadcast %mul3A_235 : i32 to vector<16xi32>
    %mul3A_237 = arith.muli %add3A_65, %mul3A_236 : vector<16xi32>
    %add3A_238 = vector.broadcast %add3A_213 : i32 to vector<16xi32>
    %add3A_239 = arith.addi %mul3A_237, %add3A_238 : vector<16xi32>
    %swap3A_240 = arith.constant 48 : index
    %swap3A_241 = tpu.vector_load %arg11[%swap3A_240] {strides = array<i32>} : memref<64xi32, #tpu.memory_space<vmem>>, vector<16xi32>,
    tpu.vector_store %arg11[%swap3A_240], %add3A_239 {strides = array<i32>} : memref<64xi32, #tpu.memory_space<vmem>>, vector<16xi32>,
    %dma_start3A_242 = arith.constant 0 : i32
    %dma_start3A_243 = arith.constant 0 : i32
    %dma_start3A_244 = tpu.memref_slice %arg4[%dma_start3A_242, %dma_start3A_243] : memref<32768x128xf32, #tpu.memory_space<hbm>> -> memref<32768x128xf32, #tpu.memory_space<hbm>>
    tpu.enqueue_indirect_dma source(%arg9 : memref<64x128xf32, #tpu.memory_space<vmem>>) target(%dma_start3A_244 : memref<32768x128xf32, #tpu.memory_space<hbm>>) offsets(%arg11 : memref<64xi32, #tpu.memory_space<vmem>>) semaphore(%arg17 : memref<!tpu.dma_semaphore, #tpu.memory_space<semaphore_mem>>)
    %add3A_245 = arith.constant 512 : i32
    %add3A_246 = arith.addi %add3A_36, %add3A_245 : i32
    %dma_start3A_247 = arith.constant 0 : i32
    %dma_start3A_248 = tpu.memref_slice %arg2[%add3A_246, %dma_start3A_247] : memref<65536x512xf32, #tpu.memory_space<hbm>> -> memref<64x512xf32, #tpu.memory_space<hbm>>
    %dma_start3A_249 = arith.constant 0 : i32
    %dma_start3A_250 = tpu.memref_slice %arg2[%add3A_246, %dma_start3A_249] : memref<65536x512xf32, #tpu.memory_space<hbm>> -> memref<64x512xf32, #tpu.memory_space<hbm>>
    tpu.enqueue_dma source(%dma_start3A_250 : memref<64x512xf32, #tpu.memory_space<hbm>>) target(%arg8 : memref<64x512xf32, #tpu.memory_space<vmem>>) target_semaphore(%arg16 : memref<!tpu.dma_semaphore, #tpu.memory_space<semaphore_mem>>)
    %dma_wait3A_251 = arith.constant 0 : i32
    %dma_wait3A_252 = arith.constant 0 : i32
    %dma_wait3A_253 = tpu.memref_slice %arg4[%dma_wait3A_251, %dma_wait3A_252] : memref<32768x128xf32, #tpu.memory_space<hbm>> -> memref<32768x128xf32, #tpu.memory_space<hbm>>
    tpu.wait_indirect_dma semaphore(%arg18 : memref<!tpu.dma_semaphore, #tpu.memory_space<semaphore_mem>>) src(%arg10 : memref<64x128xf32, #tpu.memory_space<vmem>>) dst(%dma_wait3A_253 : memref<32768x128xf32, #tpu.memory_space<hbm>>)
    %dma_wait3A_254 = arith.constant 0 : i32
    %dma_wait3A_255 = tpu.memref_slice %arg2[%add3A_184, %dma_wait3A_254] : memref<65536x512xf32, #tpu.memory_space<hbm>> -> memref<64x512xf32, #tpu.memory_space<hbm>>
    %dma_wait3A_256 = arith.constant 0 : i32
    %dma_wait3A_257 = tpu.memref_slice %arg2[%add3A_184, %dma_wait3A_256] : memref<65536x512xf32, #tpu.memory_space<hbm>> -> memref<64x512xf32, #tpu.memory_space<hbm>>
    tpu.wait_dma2 semaphore(%arg14 : memref<!tpu.dma_semaphore, #tpu.memory_space<semaphore_mem>>) src(%dma_wait3A_257 : memref<64x512xf32, #tpu.memory_space<hbm>>) dst(%arg6 : memref<64x512xf32, #tpu.memory_space<vmem>>)
    %parallel_loop3A_258 = arith.constant 0 : i32
    %parallel_loop3A_259 = arith.constant 64 : i32
    %parallel_loop3A_260 = arith.constant 1 : i32
    scf.for %parallel_loop3A_1045 = %parallel_loop3A_258 to %parallel_loop3A_259 step %parallel_loop3A_260  : i32 {
      %parallel_loop3A_1046 = arith.index_cast %parallel_loop3A_1045 : i32 to index
      %parallel_loop3A_1047 = arith.constant 0 : index
      %parallel_loop3A_1048 = tpu.vector_load %arg13[%parallel_loop3A_1046, %parallel_loop3A_1047] {strides = array<i32>} : memref<64x16xi32, #tpu.memory_space<vmem>>, vector<16xi32>,
      %parallel_loop3A_1049 = arith.constant 0 : i32
      %parallel_loop3A_1050 = vector.broadcast %parallel_loop3A_1049 : i32 to vector<16xi32>
      %parallel_loop3A_1051 = arith.addi %iota3A, %parallel_loop3A_1050 : vector<16xi32>
      %parallel_loop3A_1052 = tpu.vector_load_idx %arg6[%parallel_loop3A_1051, %parallel_loop3A_1048] : memref<64x512xf32, #tpu.memory_space<vmem>>[vector<16xi32>, vector<16xi32>], vector<16xf32>,
      %parallel_loop3A_1053 = arith.index_cast %parallel_loop3A_1045 : i32 to index
      %parallel_loop3A_1054 = arith.constant 0 : index
      %parallel_loop3A_1055 = tpu.vector_load %arg10[%parallel_loop3A_1053, %parallel_loop3A_1054] {strides = array<i32>} : memref<64x128xf32, #tpu.memory_space<vmem>>, vector<16xf32>,
      tpu.vector_store %arg10[%parallel_loop3A_1053, %parallel_loop3A_1054], %parallel_loop3A_1052 {strides = array<i32>} : memref<64x128xf32, #tpu.memory_space<vmem>>, vector<16xf32>,
      %parallel_loop3A_1056 = arith.constant 16 : i32
      %parallel_loop3A_1057 = vector.broadcast %parallel_loop3A_1056 : i32 to vector<16xi32>
      %parallel_loop3A_1058 = arith.addi %iota3A, %parallel_loop3A_1057 : vector<16xi32>
      %parallel_loop3A_1059 = tpu.vector_load_idx %arg6[%parallel_loop3A_1058, %parallel_loop3A_1048] : memref<64x512xf32, #tpu.memory_space<vmem>>[vector<16xi32>, vector<16xi32>], vector<16xf32>,
      %parallel_loop3A_1060 = arith.index_cast %parallel_loop3A_1045 : i32 to index
      %parallel_loop3A_1061 = arith.constant 16 : index
      %parallel_loop3A_1062 = tpu.vector_load %arg10[%parallel_loop3A_1060, %parallel_loop3A_1061] {strides = array<i32>} : memref<64x128xf32, #tpu.memory_space<vmem>>, vector<16xf32>,
      tpu.vector_store %arg10[%parallel_loop3A_1060, %parallel_loop3A_1061], %parallel_loop3A_1059 {strides = array<i32>} : memref<64x128xf32, #tpu.memory_space<vmem>>, vector<16xf32>,
      %parallel_loop3A_1063 = arith.constant 32 : i32
      %parallel_loop3A_1064 = vector.broadcast %parallel_loop3A_1063 : i32 to vector<16xi32>
      %parallel_loop3A_1065 = arith.addi %iota3A, %parallel_loop3A_1064 : vector<16xi32>
      %parallel_loop3A_1066 = tpu.vector_load_idx %arg6[%parallel_loop3A_1065, %parallel_loop3A_1048] : memref<64x512xf32, #tpu.memory_space<vmem>>[vector<16xi32>, vector<16xi32>], vector<16xf32>,
      %parallel_loop3A_1067 = arith.index_cast %parallel_loop3A_1045 : i32 to index
      %parallel_loop3A_1068 = arith.constant 32 : index
      %parallel_loop3A_1069 = tpu.vector_load %arg10[%parallel_loop3A_1067, %parallel_loop3A_1068] {strides = array<i32>} : memref<64x128xf32, #tpu.memory_space<vmem>>, vector<16xf32>,
      tpu.vector_store %arg10[%parallel_loop3A_1067, %parallel_loop3A_1068], %parallel_loop3A_1066 {strides = array<i32>} : memref<64x128xf32, #tpu.memory_space<vmem>>, vector<16xf32>,
      %parallel_loop3A_1070 = arith.constant 48 : i32
      %parallel_loop3A_1071 = vector.broadcast %parallel_loop3A_1070 : i32 to vector<16xi32>
      %parallel_loop3A_1072 = arith.addi %iota3A, %parallel_loop3A_1071 : vector<16xi32>
      %parallel_loop3A_1073 = tpu.vector_load_idx %arg6[%parallel_loop3A_1072, %parallel_loop3A_1048] : memref<64x512xf32, #tpu.memory_space<vmem>>[vector<16xi32>, vector<16xi32>], vector<16xf32>,
      %parallel_loop3A_1074 = arith.index_cast %parallel_loop3A_1045 : i32 to index
      %parallel_loop3A_1075 = arith.constant 48 : index
      %parallel_loop3A_1076 = tpu.vector_load %arg10[%parallel_loop3A_1074, %parallel_loop3A_1075] {strides = array<i32>} : memref<64x128xf32, #tpu.memory_space<vmem>>, vector<16xf32>,
      tpu.vector_store %arg10[%parallel_loop3A_1074, %parallel_loop3A_1075], %parallel_loop3A_1073 {strides = array<i32>} : memref<64x128xf32, #tpu.memory_space<vmem>>, vector<16xf32>,
    } {sc.loop_unroll_factor = 1 : i64, sc.parallel_access}
    %add3A_261 = arith.constant 576 : i32
    %add3A_262 = arith.addi %add3A_36, %add3A_261 : i32
    %dma_start3A_263 = arith.constant 0 : i32
    %dma_start3A_264 = tpu.memref_slice %arg2[%add3A_262, %dma_start3A_263] : memref<65536x512xf32, #tpu.memory_space<hbm>> -> memref<64x512xf32, #tpu.memory_space<hbm>>
    %dma_start3A_265 = arith.constant 0 : i32
    %dma_start3A_266 = tpu.memref_slice %arg2[%add3A_262, %dma_start3A_265] : memref<65536x512xf32, #tpu.memory_space<hbm>> -> memref<64x512xf32, #tpu.memory_space<hbm>>
    tpu.enqueue_dma source(%dma_start3A_266 : memref<64x512xf32, #tpu.memory_space<hbm>>) target(%arg6 : memref<64x512xf32, #tpu.memory_space<vmem>>) target_semaphore(%arg14 : memref<!tpu.dma_semaphore, #tpu.memory_space<semaphore_mem>>)
    %dma_wait3A_267 = arith.constant 0 : i32
    %dma_wait3A_268 = tpu.memref_slice %arg2[%add3A_200, %dma_wait3A_267] : memref<65536x512xf32, #tpu.memory_space<hbm>> -> memref<64x512xf32, #tpu.memory_space<hbm>>
    %dma_wait3A_269 = arith.constant 0 : i32
    %dma_wait3A_270 = tpu.memref_slice %arg2[%add3A_200, %dma_wait3A_269] : memref<65536x512xf32, #tpu.memory_space<hbm>> -> memref<64x512xf32, #tpu.memory_space<hbm>>
    tpu.wait_dma2 semaphore(%arg15 : memref<!tpu.dma_semaphore, #tpu.memory_space<semaphore_mem>>) src(%dma_wait3A_270 : memref<64x512xf32, #tpu.memory_space<hbm>>) dst(%arg7 : memref<64x512xf32, #tpu.memory_space<vmem>>)
    %parallel_loop3A_271 = arith.constant 0 : i32
    %parallel_loop3A_272 = arith.constant 64 : i32
    %parallel_loop3A_273 = arith.constant 1 : i32
    scf.for %parallel_loop3A_1045 = %parallel_loop3A_271 to %parallel_loop3A_272 step %parallel_loop3A_273  : i32 {
      %parallel_loop3A_1046 = arith.index_cast %parallel_loop3A_1045 : i32 to index
      %parallel_loop3A_1047 = arith.constant 0 : index
      %parallel_loop3A_1048 = tpu.vector_load %arg13[%parallel_loop3A_1046, %parallel_loop3A_1047] {strides = array<i32>} : memref<64x16xi32, #tpu.memory_space<vmem>>, vector<16xi32>,
      %parallel_loop3A_1049 = arith.constant 0 : i32
      %parallel_loop3A_1050 = vector.broadcast %parallel_loop3A_1049 : i32 to vector<16xi32>
      %parallel_loop3A_1051 = arith.addi %iota3A, %parallel_loop3A_1050 : vector<16xi32>
      %parallel_loop3A_1052 = tpu.vector_load_idx %arg7[%parallel_loop3A_1051, %parallel_loop3A_1048] : memref<64x512xf32, #tpu.memory_space<vmem>>[vector<16xi32>, vector<16xi32>], vector<16xf32>,
      %parallel_loop3A_1053 = arith.index_cast %parallel_loop3A_1045 : i32 to index
      %parallel_loop3A_1054 = arith.constant 64 : index
      %parallel_loop3A_1055 = tpu.vector_load %arg10[%parallel_loop3A_1053, %parallel_loop3A_1054] {strides = array<i32>} : memref<64x128xf32, #tpu.memory_space<vmem>>, vector<16xf32>,
      tpu.vector_store %arg10[%parallel_loop3A_1053, %parallel_loop3A_1054], %parallel_loop3A_1052 {strides = array<i32>} : memref<64x128xf32, #tpu.memory_space<vmem>>, vector<16xf32>,
      %parallel_loop3A_1056 = arith.constant 16 : i32
      %parallel_loop3A_1057 = vector.broadcast %parallel_loop3A_1056 : i32 to vector<16xi32>
      %parallel_loop3A_1058 = arith.addi %iota3A, %parallel_loop3A_1057 : vector<16xi32>
      %parallel_loop3A_1059 = tpu.vector_load_idx %arg7[%parallel_loop3A_1058, %parallel_loop3A_1048] : memref<64x512xf32, #tpu.memory_space<vmem>>[vector<16xi32>, vector<16xi32>], vector<16xf32>,
      %parallel_loop3A_1060 = arith.index_cast %parallel_loop3A_1045 : i32 to index
      %parallel_loop3A_1061 = arith.constant 80 : index
      %parallel_loop3A_1062 = tpu.vector_load %arg10[%parallel_loop3A_1060, %parallel_loop3A_1061] {strides = array<i32>} : memref<64x128xf32, #tpu.memory_space<vmem>>, vector<16xf32>,
      tpu.vector_store %arg10[%parallel_loop3A_1060, %parallel_loop3A_1061], %parallel_loop3A_1059 {strides = array<i32>} : memref<64x128xf32, #tpu.memory_space<vmem>>, vector<16xf32>,
      %parallel_loop3A_1063 = arith.constant 32 : i32
      %parallel_loop3A_1064 = vector.broadcast %parallel_loop3A_1063 : i32 to vector<16xi32>
      %parallel_loop3A_1065 = arith.addi %iota3A, %parallel_loop3A_1064 : vector<16xi32>
      %parallel_loop3A_1066 = tpu.vector_load_idx %arg7[%parallel_loop3A_1065, %parallel_loop3A_1048] : memref<64x512xf32, #tpu.memory_space<vmem>>[vector<16xi32>, vector<16xi32>], vector<16xf32>,
      %parallel_loop3A_1067 = arith.index_cast %parallel_loop3A_1045 : i32 to index
      %parallel_loop3A_1068 = arith.constant 96 : index
      %parallel_loop3A_1069 = tpu.vector_load %arg10[%parallel_loop3A_1067, %parallel_loop3A_1068] {strides = array<i32>} : memref<64x128xf32, #tpu.memory_space<vmem>>, vector<16xf32>,
      tpu.vector_store %arg10[%parallel_loop3A_1067, %parallel_loop3A_1068], %parallel_loop3A_1066 {strides = array<i32>} : memref<64x128xf32, #tpu.memory_space<vmem>>, vector<16xf32>,
      %parallel_loop3A_1070 = arith.constant 48 : i32
      %parallel_loop3A_1071 = vector.broadcast %parallel_loop3A_1070 : i32 to vector<16xi32>
      %parallel_loop3A_1072 = arith.addi %iota3A, %parallel_loop3A_1071 : vector<16xi32>
      %parallel_loop3A_1073 = tpu.vector_load_idx %arg7[%parallel_loop3A_1072, %parallel_loop3A_1048] : memref<64x512xf32, #tpu.memory_space<vmem>>[vector<16xi32>, vector<16xi32>], vector<16xf32>,
      %parallel_loop3A_1074 = arith.index_cast %parallel_loop3A_1045 : i32 to index
      %parallel_loop3A_1075 = arith.constant 112 : index
      %parallel_loop3A_1076 = tpu.vector_load %arg10[%parallel_loop3A_1074, %parallel_loop3A_1075] {strides = array<i32>} : memref<64x128xf32, #tpu.memory_space<vmem>>, vector<16xf32>,
      tpu.vector_store %arg10[%parallel_loop3A_1074, %parallel_loop3A_1075], %parallel_loop3A_1073 {strides = array<i32>} : memref<64x128xf32, #tpu.memory_space<vmem>>, vector<16xf32>,
    } {sc.loop_unroll_factor = 1 : i64, sc.parallel_access}
    %add3A_274 = arith.constant 3 : i32
    %add3A_275 = arith.addi %add3A_274, %add3A_72 : i32
    %mul3A_276 = arith.constant 512 : i32
    %mul3A_277 = vector.broadcast %mul3A_276 : i32 to vector<16xi32>
    %mul3A_278 = arith.muli %add3A_56, %mul3A_277 : vector<16xi32>
    %add3A_279 = vector.broadcast %add3A_275 : i32 to vector<16xi32>
    %add3A_280 = arith.addi %mul3A_278, %add3A_279 : vector<16xi32>
    %swap3A_281 = arith.constant 0 : index
    %swap3A_282 = tpu.vector_load %arg12[%swap3A_281] {strides = array<i32>} : memref<64xi32, #tpu.memory_space<vmem>>, vector<16xi32>,
    tpu.vector_store %arg12[%swap3A_281], %add3A_280 {strides = array<i32>} : memref<64xi32, #tpu.memory_space<vmem>>, vector<16xi32>,
    %mul3A_283 = arith.constant 512 : i32
    %mul3A_284 = vector.broadcast %mul3A_283 : i32 to vector<16xi32>
    %mul3A_285 = arith.muli %add3A_59, %mul3A_284 : vector<16xi32>
    %add3A_286 = vector.broadcast %add3A_275 : i32 to vector<16xi32>
    %add3A_287 = arith.addi %mul3A_285, %add3A_286 : vector<16xi32>
    %swap3A_288 = arith.constant 16 : index
    %swap3A_289 = tpu.vector_load %arg12[%swap3A_288] {strides = array<i32>} : memref<64xi32, #tpu.memory_space<vmem>>, vector<16xi32>,
    tpu.vector_store %arg12[%swap3A_288], %add3A_287 {strides = array<i32>} : memref<64xi32, #tpu.memory_space<vmem>>, vector<16xi32>,
    %mul3A_290 = arith.constant 512 : i32
    %mul3A_291 = vector.broadcast %mul3A_290 : i32 to vector<16xi32>
    %mul3A_292 = arith.muli %add3A_62, %mul3A_291 : vector<16xi32>
    %add3A_293 = vector.broadcast %add3A_275 : i32 to vector<16xi32>
    %add3A_294 = arith.addi %mul3A_292, %add3A_293 : vector<16xi32>
    %swap3A_295 = arith.constant 32 : index
    %swap3A_296 = tpu.vector_load %arg12[%swap3A_295] {strides = array<i32>} : memref<64xi32, #tpu.memory_space<vmem>>, vector<16xi32>,
    tpu.vector_store %arg12[%swap3A_295], %add3A_294 {strides = array<i32>} : memref<64xi32, #tpu.memory_space<vmem>>, vector<16xi32>,
    %mul3A_297 = arith.constant 512 : i32
    %mul3A_298 = vector.broadcast %mul3A_297 : i32 to vector<16xi32>
    %mul3A_299 = arith.muli %add3A_65, %mul3A_298 : vector<16xi32>
    %add3A_300 = vector.broadcast %add3A_275 : i32 to vector<16xi32>
    %add3A_301 = arith.addi %mul3A_299, %add3A_300 : vector<16xi32>
    %swap3A_302 = arith.constant 48 : index
    %swap3A_303 = tpu.vector_load %arg12[%swap3A_302] {strides = array<i32>} : memref<64xi32, #tpu.memory_space<vmem>>, vector<16xi32>,
    tpu.vector_store %arg12[%swap3A_302], %add3A_301 {strides = array<i32>} : memref<64xi32, #tpu.memory_space<vmem>>, vector<16xi32>,
    %dma_start3A_304 = arith.constant 0 : i32
    %dma_start3A_305 = arith.constant 0 : i32
    %dma_start3A_306 = tpu.memref_slice %arg4[%dma_start3A_304, %dma_start3A_305] : memref<32768x128xf32, #tpu.memory_space<hbm>> -> memref<32768x128xf32, #tpu.memory_space<hbm>>
    tpu.enqueue_indirect_dma source(%arg10 : memref<64x128xf32, #tpu.memory_space<vmem>>) target(%dma_start3A_306 : memref<32768x128xf32, #tpu.memory_space<hbm>>) offsets(%arg12 : memref<64xi32, #tpu.memory_space<vmem>>) semaphore(%arg18 : memref<!tpu.dma_semaphore, #tpu.memory_space<semaphore_mem>>)
    %add3A_307 = arith.constant 640 : i32
    %add3A_308 = arith.addi %add3A_36, %add3A_307 : i32
    %dma_start3A_309 = arith.constant 0 : i32
    %dma_start3A_310 = tpu.memref_slice %arg2[%add3A_308, %dma_start3A_309] : memref<65536x512xf32, #tpu.memory_space<hbm>> -> memref<64x512xf32, #tpu.memory_space<hbm>>
    %dma_start3A_311 = arith.constant 0 : i32
    %dma_start3A_312 = tpu.memref_slice %arg2[%add3A_308, %dma_start3A_311] : memref<65536x512xf32, #tpu.memory_space<hbm>> -> memref<64x512xf32, #tpu.memory_space<hbm>>
    tpu.enqueue_dma source(%dma_start3A_312 : memref<64x512xf32, #tpu.memory_space<hbm>>) target(%arg7 : memref<64x512xf32, #tpu.memory_space<vmem>>) target_semaphore(%arg15 : memref<!tpu.dma_semaphore, #tpu.memory_space<semaphore_mem>>)
    %dma_wait3A_313 = arith.constant 0 : i32
    %dma_wait3A_314 = arith.constant 0 : i32
    %dma_wait3A_315 = tpu.memref_slice %arg4[%dma_wait3A_313, %dma_wait3A_314] : memref<32768x128xf32, #tpu.memory_space<hbm>> -> memref<32768x128xf32, #tpu.memory_space<hbm>>
    tpu.wait_indirect_dma semaphore(%arg17 : memref<!tpu.dma_semaphore, #tpu.memory_space<semaphore_mem>>) src(%arg9 : memref<64x128xf32, #tpu.memory_space<vmem>>) dst(%dma_wait3A_315 : memref<32768x128xf32, #tpu.memory_space<hbm>>)
    %dma_wait3A_316 = arith.constant 0 : i32
    %dma_wait3A_317 = tpu.memref_slice %arg2[%add3A_246, %dma_wait3A_316] : memref<65536x512xf32, #tpu.memory_space<hbm>> -> memref<64x512xf32, #tpu.memory_space<hbm>>
    %dma_wait3A_318 = arith.constant 0 : i32
    %dma_wait3A_319 = tpu.memref_slice %arg2[%add3A_246, %dma_wait3A_318] : memref<65536x512xf32, #tpu.memory_space<hbm>> -> memref<64x512xf32, #tpu.memory_space<hbm>>
    tpu.wait_dma2 semaphore(%arg16 : memref<!tpu.dma_semaphore, #tpu.memory_space<semaphore_mem>>) src(%dma_wait3A_319 : memref<64x512xf32, #tpu.memory_space<hbm>>) dst(%arg8 : memref<64x512xf32, #tpu.memory_space<vmem>>)
    %parallel_loop3A_320 = arith.constant 0 : i32
    %parallel_loop3A_321 = arith.constant 64 : i32
    %parallel_loop3A_322 = arith.constant 1 : i32
    scf.for %parallel_loop3A_1045 = %parallel_loop3A_320 to %parallel_loop3A_321 step %parallel_loop3A_322  : i32 {
      %parallel_loop3A_1046 = arith.index_cast %parallel_loop3A_1045 : i32 to index
      %parallel_loop3A_1047 = arith.constant 0 : index
      %parallel_loop3A_1048 = tpu.vector_load %arg13[%parallel_loop3A_1046, %parallel_loop3A_1047] {strides = array<i32>} : memref<64x16xi32, #tpu.memory_space<vmem>>, vector<16xi32>,
      %parallel_loop3A_1049 = arith.constant 0 : i32
      %parallel_loop3A_1050 = vector.broadcast %parallel_loop3A_1049 : i32 to vector<16xi32>
      %parallel_loop3A_1051 = arith.addi %iota3A, %parallel_loop3A_1050 : vector<16xi32>
      %parallel_loop3A_1052 = tpu.vector_load_idx %arg8[%parallel_loop3A_1051, %parallel_loop3A_1048] : memref<64x512xf32, #tpu.memory_space<vmem>>[vector<16xi32>, vector<16xi32>], vector<16xf32>,
      %parallel_loop3A_1053 = arith.index_cast %parallel_loop3A_1045 : i32 to index
      %parallel_loop3A_1054 = arith.constant 0 : index
      %parallel_loop3A_1055 = tpu.vector_load %arg9[%parallel_loop3A_1053, %parallel_loop3A_1054] {strides = array<i32>} : memref<64x128xf32, #tpu.memory_space<vmem>>, vector<16xf32>,
      tpu.vector_store %arg9[%parallel_loop3A_1053, %parallel_loop3A_1054], %parallel_loop3A_1052 {strides = array<i32>} : memref<64x128xf32, #tpu.memory_space<vmem>>, vector<16xf32>,
      %parallel_loop3A_1056 = arith.constant 16 : i32
      %parallel_loop3A_1057 = vector.broadcast %parallel_loop3A_1056 : i32 to vector<16xi32>
      %parallel_loop3A_1058 = arith.addi %iota3A, %parallel_loop3A_1057 : vector<16xi32>
      %parallel_loop3A_1059 = tpu.vector_load_idx %arg8[%parallel_loop3A_1058, %parallel_loop3A_1048] : memref<64x512xf32, #tpu.memory_space<vmem>>[vector<16xi32>, vector<16xi32>], vector<16xf32>,
      %parallel_loop3A_1060 = arith.index_cast %parallel_loop3A_1045 : i32 to index
      %parallel_loop3A_1061 = arith.constant 16 : index
      %parallel_loop3A_1062 = tpu.vector_load %arg9[%parallel_loop3A_1060, %parallel_loop3A_1061] {strides = array<i32>} : memref<64x128xf32, #tpu.memory_space<vmem>>, vector<16xf32>,
      tpu.vector_store %arg9[%parallel_loop3A_1060, %parallel_loop3A_1061], %parallel_loop3A_1059 {strides = array<i32>} : memref<64x128xf32, #tpu.memory_space<vmem>>, vector<16xf32>,
      %parallel_loop3A_1063 = arith.constant 32 : i32
      %parallel_loop3A_1064 = vector.broadcast %parallel_loop3A_1063 : i32 to vector<16xi32>
      %parallel_loop3A_1065 = arith.addi %iota3A, %parallel_loop3A_1064 : vector<16xi32>
      %parallel_loop3A_1066 = tpu.vector_load_idx %arg8[%parallel_loop3A_1065, %parallel_loop3A_1048] : memref<64x512xf32, #tpu.memory_space<vmem>>[vector<16xi32>, vector<16xi32>], vector<16xf32>,
      %parallel_loop3A_1067 = arith.index_cast %parallel_loop3A_1045 : i32 to index
      %parallel_loop3A_1068 = arith.constant 32 : index
      %parallel_loop3A_1069 = tpu.vector_load %arg9[%parallel_loop3A_1067, %parallel_loop3A_1068] {strides = array<i32>} : memref<64x128xf32, #tpu.memory_space<vmem>>, vector<16xf32>,
      tpu.vector_store %arg9[%parallel_loop3A_1067, %parallel_loop3A_1068], %parallel_loop3A_1066 {strides = array<i32>} : memref<64x128xf32, #tpu.memory_space<vmem>>, vector<16xf32>,
      %parallel_loop3A_1070 = arith.constant 48 : i32
      %parallel_loop3A_1071 = vector.broadcast %parallel_loop3A_1070 : i32 to vector<16xi32>
      %parallel_loop3A_1072 = arith.addi %iota3A, %parallel_loop3A_1071 : vector<16xi32>
      %parallel_loop3A_1073 = tpu.vector_load_idx %arg8[%parallel_loop3A_1072, %parallel_loop3A_1048] : memref<64x512xf32, #tpu.memory_space<vmem>>[vector<16xi32>, vector<16xi32>], vector<16xf32>,
      %parallel_loop3A_1074 = arith.index_cast %parallel_loop3A_1045 : i32 to index
      %parallel_loop3A_1075 = arith.constant 48 : index
      %parallel_loop3A_1076 = tpu.vector_load %arg9[%parallel_loop3A_1074, %parallel_loop3A_1075] {strides = array<i32>} : memref<64x128xf32, #tpu.memory_space<vmem>>, vector<16xf32>,
      tpu.vector_store %arg9[%parallel_loop3A_1074, %parallel_loop3A_1075], %parallel_loop3A_1073 {strides = array<i32>} : memref<64x128xf32, #tpu.memory_space<vmem>>, vector<16xf32>,
    } {sc.loop_unroll_factor = 1 : i64, sc.parallel_access}
    %add3A_323 = arith.constant 704 : i32
    %add3A_324 = arith.addi %add3A_36, %add3A_323 : i32
    %dma_start3A_325 = arith.constant 0 : i32
    %dma_start3A_326 = tpu.memref_slice %arg2[%add3A_324, %dma_start3A_325] : memref<65536x512xf32, #tpu.memory_space<hbm>> -> memref<64x512xf32, #tpu.memory_space<hbm>>
    %dma_start3A_327 = arith.constant 0 : i32
    %dma_start3A_328 = tpu.memref_slice %arg2[%add3A_324, %dma_start3A_327] : memref<65536x512xf32, #tpu.memory_space<hbm>> -> memref<64x512xf32, #tpu.memory_space<hbm>>
    tpu.enqueue_dma source(%dma_start3A_328 : memref<64x512xf32, #tpu.memory_space<hbm>>) target(%arg8 : memref<64x512xf32, #tpu.memory_space<vmem>>) target_semaphore(%arg16 : memref<!tpu.dma_semaphore, #tpu.memory_space<semaphore_mem>>)
    %dma_wait3A_329 = arith.constant 0 : i32
    %dma_wait3A_330 = tpu.memref_slice %arg2[%add3A_262, %dma_wait3A_329] : memref<65536x512xf32, #tpu.memory_space<hbm>> -> memref<64x512xf32, #tpu.memory_space<hbm>>
    %dma_wait3A_331 = arith.constant 0 : i32
    %dma_wait3A_332 = tpu.memref_slice %arg2[%add3A_262, %dma_wait3A_331] : memref<65536x512xf32, #tpu.memory_space<hbm>> -> memref<64x512xf32, #tpu.memory_space<hbm>>
    tpu.wait_dma2 semaphore(%arg14 : memref<!tpu.dma_semaphore, #tpu.memory_space<semaphore_mem>>) src(%dma_wait3A_332 : memref<64x512xf32, #tpu.memory_space<hbm>>) dst(%arg6 : memref<64x512xf32, #tpu.memory_space<vmem>>)
    %parallel_loop3A_333 = arith.constant 0 : i32
    %parallel_loop3A_334 = arith.constant 64 : i32
    %parallel_loop3A_335 = arith.constant 1 : i32
    scf.for %parallel_loop3A_1045 = %parallel_loop3A_333 to %parallel_loop3A_334 step %parallel_loop3A_335  : i32 {
      %parallel_loop3A_1046 = arith.index_cast %parallel_loop3A_1045 : i32 to index
      %parallel_loop3A_1047 = arith.constant 0 : index
      %parallel_loop3A_1048 = tpu.vector_load %arg13[%parallel_loop3A_1046, %parallel_loop3A_1047] {strides = array<i32>} : memref<64x16xi32, #tpu.memory_space<vmem>>, vector<16xi32>,
      %parallel_loop3A_1049 = arith.constant 0 : i32
      %parallel_loop3A_1050 = vector.broadcast %parallel_loop3A_1049 : i32 to vector<16xi32>
      %parallel_loop3A_1051 = arith.addi %iota3A, %parallel_loop3A_1050 : vector<16xi32>
      %parallel_loop3A_1052 = tpu.vector_load_idx %arg6[%parallel_loop3A_1051, %parallel_loop3A_1048] : memref<64x512xf32, #tpu.memory_space<vmem>>[vector<16xi32>, vector<16xi32>], vector<16xf32>,
      %parallel_loop3A_1053 = arith.index_cast %parallel_loop3A_1045 : i32 to index
      %parallel_loop3A_1054 = arith.constant 64 : index
      %parallel_loop3A_1055 = tpu.vector_load %arg9[%parallel_loop3A_1053, %parallel_loop3A_1054] {strides = array<i32>} : memref<64x128xf32, #tpu.memory_space<vmem>>, vector<16xf32>,
      tpu.vector_store %arg9[%parallel_loop3A_1053, %parallel_loop3A_1054], %parallel_loop3A_1052 {strides = array<i32>} : memref<64x128xf32, #tpu.memory_space<vmem>>, vector<16xf32>,
      %parallel_loop3A_1056 = arith.constant 16 : i32
      %parallel_loop3A_1057 = vector.broadcast %parallel_loop3A_1056 : i32 to vector<16xi32>
      %parallel_loop3A_1058 = arith.addi %iota3A, %parallel_loop3A_1057 : vector<16xi32>
      %parallel_loop3A_1059 = tpu.vector_load_idx %arg6[%parallel_loop3A_1058, %parallel_loop3A_1048] : memref<64x512xf32, #tpu.memory_space<vmem>>[vector<16xi32>, vector<16xi32>], vector<16xf32>,
      %parallel_loop3A_1060 = arith.index_cast %parallel_loop3A_1045 : i32 to index
      %parallel_loop3A_1061 = arith.constant 80 : index
      %parallel_loop3A_1062 = tpu.vector_load %arg9[%parallel_loop3A_1060, %parallel_loop3A_1061] {strides = array<i32>} : memref<64x128xf32, #tpu.memory_space<vmem>>, vector<16xf32>,
      tpu.vector_store %arg9[%parallel_loop3A_1060, %parallel_loop3A_1061], %parallel_loop3A_1059 {strides = array<i32>} : memref<64x128xf32, #tpu.memory_space<vmem>>, vector<16xf32>,
      %parallel_loop3A_1063 = arith.constant 32 : i32
      %parallel_loop3A_1064 = vector.broadcast %parallel_loop3A_1063 : i32 to vector<16xi32>
      %parallel_loop3A_1065 = arith.addi %iota3A, %parallel_loop3A_1064 : vector<16xi32>
      %parallel_loop3A_1066 = tpu.vector_load_idx %arg6[%parallel_loop3A_1065, %parallel_loop3A_1048] : memref<64x512xf32, #tpu.memory_space<vmem>>[vector<16xi32>, vector<16xi32>], vector<16xf32>,
      %parallel_loop3A_1067 = arith.index_cast %parallel_loop3A_1045 : i32 to index
      %parallel_loop3A_1068 = arith.constant 96 : index
      %parallel_loop3A_1069 = tpu.vector_load %arg9[%parallel_loop3A_1067, %parallel_loop3A_1068] {strides = array<i32>} : memref<64x128xf32, #tpu.memory_space<vmem>>, vector<16xf32>,
      tpu.vector_store %arg9[%parallel_loop3A_1067, %parallel_loop3A_1068], %parallel_loop3A_1066 {strides = array<i32>} : memref<64x128xf32, #tpu.memory_space<vmem>>, vector<16xf32>,
      %parallel_loop3A_1070 = arith.constant 48 : i32
      %parallel_loop3A_1071 = vector.broadcast %parallel_loop3A_1070 : i32 to vector<16xi32>
      %parallel_loop3A_1072 = arith.addi %iota3A, %parallel_loop3A_1071 : vector<16xi32>
      %parallel_loop3A_1073 = tpu.vector_load_idx %arg6[%parallel_loop3A_1072, %parallel_loop3A_1048] : memref<64x512xf32, #tpu.memory_space<vmem>>[vector<16xi32>, vector<16xi32>], vector<16xf32>,
      %parallel_loop3A_1074 = arith.index_cast %parallel_loop3A_1045 : i32 to index
      %parallel_loop3A_1075 = arith.constant 112 : index
      %parallel_loop3A_1076 = tpu.vector_load %arg9[%parallel_loop3A_1074, %parallel_loop3A_1075] {strides = array<i32>} : memref<64x128xf32, #tpu.memory_space<vmem>>, vector<16xf32>,
      tpu.vector_store %arg9[%parallel_loop3A_1074, %parallel_loop3A_1075], %parallel_loop3A_1073 {strides = array<i32>} : memref<64x128xf32, #tpu.memory_space<vmem>>, vector<16xf32>,
    } {sc.loop_unroll_factor = 1 : i64, sc.parallel_access}
    %add3A_336 = arith.constant 4 : i32
    %add3A_337 = arith.addi %add3A_336, %add3A_72 : i32
    %mul3A_338 = arith.constant 512 : i32
    %mul3A_339 = vector.broadcast %mul3A_338 : i32 to vector<16xi32>
    %mul3A_340 = arith.muli %add3A_56, %mul3A_339 : vector<16xi32>
    %add3A_341 = vector.broadcast %add3A_337 : i32 to vector<16xi32>
    %add3A_342 = arith.addi %mul3A_340, %add3A_341 : vector<16xi32>
    %swap3A_343 = arith.constant 0 : index
    %swap3A_344 = tpu.vector_load %arg11[%swap3A_343] {strides = array<i32>} : memref<64xi32, #tpu.memory_space<vmem>>, vector<16xi32>,
    tpu.vector_store %arg11[%swap3A_343], %add3A_342 {strides = array<i32>} : memref<64xi32, #tpu.memory_space<vmem>>, vector<16xi32>,
    %mul3A_345 = arith.constant 512 : i32
    %mul3A_346 = vector.broadcast %mul3A_345 : i32 to vector<16xi32>
    %mul3A_347 = arith.muli %add3A_59, %mul3A_346 : vector<16xi32>
    %add3A_348 = vector.broadcast %add3A_337 : i32 to vector<16xi32>
    %add3A_349 = arith.addi %mul3A_347, %add3A_348 : vector<16xi32>
    %swap3A_350 = arith.constant 16 : index
    %swap3A_351 = tpu.vector_load %arg11[%swap3A_350] {strides = array<i32>} : memref<64xi32, #tpu.memory_space<vmem>>, vector<16xi32>,
    tpu.vector_store %arg11[%swap3A_350], %add3A_349 {strides = array<i32>} : memref<64xi32, #tpu.memory_space<vmem>>, vector<16xi32>,
    %mul3A_352 = arith.constant 512 : i32
    %mul3A_353 = vector.broadcast %mul3A_352 : i32 to vector<16xi32>
    %mul3A_354 = arith.muli %add3A_62, %mul3A_353 : vector<16xi32>
    %add3A_355 = vector.broadcast %add3A_337 : i32 to vector<16xi32>
    %add3A_356 = arith.addi %mul3A_354, %add3A_355 : vector<16xi32>
    %swap3A_357 = arith.constant 32 : index
    %swap3A_358 = tpu.vector_load %arg11[%swap3A_357] {strides = array<i32>} : memref<64xi32, #tpu.memory_space<vmem>>, vector<16xi32>,
    tpu.vector_store %arg11[%swap3A_357], %add3A_356 {strides = array<i32>} : memref<64xi32, #tpu.memory_space<vmem>>, vector<16xi32>,
    %mul3A_359 = arith.constant 512 : i32
    %mul3A_360 = vector.broadcast %mul3A_359 : i32 to vector<16xi32>
    %mul3A_361 = arith.muli %add3A_65, %mul3A_360 : vector<16xi32>
    %add3A_362 = vector.broadcast %add3A_337 : i32 to vector<16xi32>
    %add3A_363 = arith.addi %mul3A_361, %add3A_362 : vector<16xi32>
    %swap3A_364 = arith.constant 48 : index
    %swap3A_365 = tpu.vector_load %arg11[%swap3A_364] {strides = array<i32>} : memref<64xi32, #tpu.memory_space<vmem>>, vector<16xi32>,
    tpu.vector_store %arg11[%swap3A_364], %add3A_363 {strides = array<i32>} : memref<64xi32, #tpu.memory_space<vmem>>, vector<16xi32>,
    %dma_start3A_366 = arith.constant 0 : i32
    %dma_start3A_367 = arith.constant 0 : i32
    %dma_start3A_368 = tpu.memref_slice %arg4[%dma_start3A_366, %dma_start3A_367] : memref<32768x128xf32, #tpu.memory_space<hbm>> -> memref<32768x128xf32, #tpu.memory_space<hbm>>
    tpu.enqueue_indirect_dma source(%arg9 : memref<64x128xf32, #tpu.memory_space<vmem>>) target(%dma_start3A_368 : memref<32768x128xf32, #tpu.memory_space<hbm>>) offsets(%arg11 : memref<64xi32, #tpu.memory_space<vmem>>) semaphore(%arg17 : memref<!tpu.dma_semaphore, #tpu.memory_space<semaphore_mem>>)
    %add3A_369 = arith.constant 768 : i32
    %add3A_370 = arith.addi %add3A_36, %add3A_369 : i32
    %dma_start3A_371 = arith.constant 0 : i32
    %dma_start3A_372 = tpu.memref_slice %arg2[%add3A_370, %dma_start3A_371] : memref<65536x512xf32, #tpu.memory_space<hbm>> -> memref<64x512xf32, #tpu.memory_space<hbm>>
    %dma_start3A_373 = arith.constant 0 : i32
    %dma_start3A_374 = tpu.memref_slice %arg2[%add3A_370, %dma_start3A_373] : memref<65536x512xf32, #tpu.memory_space<hbm>> -> memref<64x512xf32, #tpu.memory_space<hbm>>
    tpu.enqueue_dma source(%dma_start3A_374 : memref<64x512xf32, #tpu.memory_space<hbm>>) target(%arg6 : memref<64x512xf32, #tpu.memory_space<vmem>>) target_semaphore(%arg14 : memref<!tpu.dma_semaphore, #tpu.memory_space<semaphore_mem>>)
    %dma_wait3A_375 = arith.constant 0 : i32
    %dma_wait3A_376 = arith.constant 0 : i32
    %dma_wait3A_377 = tpu.memref_slice %arg4[%dma_wait3A_375, %dma_wait3A_376] : memref<32768x128xf32, #tpu.memory_space<hbm>> -> memref<32768x128xf32, #tpu.memory_space<hbm>>
    tpu.wait_indirect_dma semaphore(%arg18 : memref<!tpu.dma_semaphore, #tpu.memory_space<semaphore_mem>>) src(%arg10 : memref<64x128xf32, #tpu.memory_space<vmem>>) dst(%dma_wait3A_377 : memref<32768x128xf32, #tpu.memory_space<hbm>>)
    %dma_wait3A_378 = arith.constant 0 : i32
    %dma_wait3A_379 = tpu.memref_slice %arg2[%add3A_308, %dma_wait3A_378] : memref<65536x512xf32, #tpu.memory_space<hbm>> -> memref<64x512xf32, #tpu.memory_space<hbm>>
    %dma_wait3A_380 = arith.constant 0 : i32
    %dma_wait3A_381 = tpu.memref_slice %arg2[%add3A_308, %dma_wait3A_380] : memref<65536x512xf32, #tpu.memory_space<hbm>> -> memref<64x512xf32, #tpu.memory_space<hbm>>
    tpu.wait_dma2 semaphore(%arg15 : memref<!tpu.dma_semaphore, #tpu.memory_space<semaphore_mem>>) src(%dma_wait3A_381 : memref<64x512xf32, #tpu.memory_space<hbm>>) dst(%arg7 : memref<64x512xf32, #tpu.memory_space<vmem>>)
    %parallel_loop3A_382 = arith.constant 0 : i32
    %parallel_loop3A_383 = arith.constant 64 : i32
    %parallel_loop3A_384 = arith.constant 1 : i32
    scf.for %parallel_loop3A_1045 = %parallel_loop3A_382 to %parallel_loop3A_383 step %parallel_loop3A_384  : i32 {
      %parallel_loop3A_1046 = arith.index_cast %parallel_loop3A_1045 : i32 to index
      %parallel_loop3A_1047 = arith.constant 0 : index
      %parallel_loop3A_1048 = tpu.vector_load %arg13[%parallel_loop3A_1046, %parallel_loop3A_1047] {strides = array<i32>} : memref<64x16xi32, #tpu.memory_space<vmem>>, vector<16xi32>,
      %parallel_loop3A_1049 = arith.constant 0 : i32
      %parallel_loop3A_1050 = vector.broadcast %parallel_loop3A_1049 : i32 to vector<16xi32>
      %parallel_loop3A_1051 = arith.addi %iota3A, %parallel_loop3A_1050 : vector<16xi32>
      %parallel_loop3A_1052 = tpu.vector_load_idx %arg7[%parallel_loop3A_1051, %parallel_loop3A_1048] : memref<64x512xf32, #tpu.memory_space<vmem>>[vector<16xi32>, vector<16xi32>], vector<16xf32>,
      %parallel_loop3A_1053 = arith.index_cast %parallel_loop3A_1045 : i32 to index
      %parallel_loop3A_1054 = arith.constant 0 : index
      %parallel_loop3A_1055 = tpu.vector_load %arg10[%parallel_loop3A_1053, %parallel_loop3A_1054] {strides = array<i32>} : memref<64x128xf32, #tpu.memory_space<vmem>>, vector<16xf32>,
      tpu.vector_store %arg10[%parallel_loop3A_1053, %parallel_loop3A_1054], %parallel_loop3A_1052 {strides = array<i32>} : memref<64x128xf32, #tpu.memory_space<vmem>>, vector<16xf32>,
      %parallel_loop3A_1056 = arith.constant 16 : i32
      %parallel_loop3A_1057 = vector.broadcast %parallel_loop3A_1056 : i32 to vector<16xi32>
      %parallel_loop3A_1058 = arith.addi %iota3A, %parallel_loop3A_1057 : vector<16xi32>
      %parallel_loop3A_1059 = tpu.vector_load_idx %arg7[%parallel_loop3A_1058, %parallel_loop3A_1048] : memref<64x512xf32, #tpu.memory_space<vmem>>[vector<16xi32>, vector<16xi32>], vector<16xf32>,
      %parallel_loop3A_1060 = arith.index_cast %parallel_loop3A_1045 : i32 to index
      %parallel_loop3A_1061 = arith.constant 16 : index
      %parallel_loop3A_1062 = tpu.vector_load %arg10[%parallel_loop3A_1060, %parallel_loop3A_1061] {strides = array<i32>} : memref<64x128xf32, #tpu.memory_space<vmem>>, vector<16xf32>,
      tpu.vector_store %arg10[%parallel_loop3A_1060, %parallel_loop3A_1061], %parallel_loop3A_1059 {strides = array<i32>} : memref<64x128xf32, #tpu.memory_space<vmem>>, vector<16xf32>,
      %parallel_loop3A_1063 = arith.constant 32 : i32
      %parallel_loop3A_1064 = vector.broadcast %parallel_loop3A_1063 : i32 to vector<16xi32>
      %parallel_loop3A_1065 = arith.addi %iota3A, %parallel_loop3A_1064 : vector<16xi32>
      %parallel_loop3A_1066 = tpu.vector_load_idx %arg7[%parallel_loop3A_1065, %parallel_loop3A_1048] : memref<64x512xf32, #tpu.memory_space<vmem>>[vector<16xi32>, vector<16xi32>], vector<16xf32>,
      %parallel_loop3A_1067 = arith.index_cast %parallel_loop3A_1045 : i32 to index
      %parallel_loop3A_1068 = arith.constant 32 : index
      %parallel_loop3A_1069 = tpu.vector_load %arg10[%parallel_loop3A_1067, %parallel_loop3A_1068] {strides = array<i32>} : memref<64x128xf32, #tpu.memory_space<vmem>>, vector<16xf32>,
      tpu.vector_store %arg10[%parallel_loop3A_1067, %parallel_loop3A_1068], %parallel_loop3A_1066 {strides = array<i32>} : memref<64x128xf32, #tpu.memory_space<vmem>>, vector<16xf32>,
      %parallel_loop3A_1070 = arith.constant 48 : i32
      %parallel_loop3A_1071 = vector.broadcast %parallel_loop3A_1070 : i32 to vector<16xi32>
      %parallel_loop3A_1072 = arith.addi %iota3A, %parallel_loop3A_1071 : vector<16xi32>
      %parallel_loop3A_1073 = tpu.vector_load_idx %arg7[%parallel_loop3A_1072, %parallel_loop3A_1048] : memref<64x512xf32, #tpu.memory_space<vmem>>[vector<16xi32>, vector<16xi32>], vector<16xf32>,
      %parallel_loop3A_1074 = arith.index_cast %parallel_loop3A_1045 : i32 to index
      %parallel_loop3A_1075 = arith.constant 48 : index
      %parallel_loop3A_1076 = tpu.vector_load %arg10[%parallel_loop3A_1074, %parallel_loop3A_1075] {strides = array<i32>} : memref<64x128xf32, #tpu.memory_space<vmem>>, vector<16xf32>,
      tpu.vector_store %arg10[%parallel_loop3A_1074, %parallel_loop3A_1075], %parallel_loop3A_1073 {strides = array<i32>} : memref<64x128xf32, #tpu.memory_space<vmem>>, vector<16xf32>,
    } {sc.loop_unroll_factor = 1 : i64, sc.parallel_access}
    %add3A_385 = arith.constant 832 : i32
    %add3A_386 = arith.addi %add3A_36, %add3A_385 : i32
    %dma_start3A_387 = arith.constant 0 : i32
    %dma_start3A_388 = tpu.memref_slice %arg2[%add3A_386, %dma_start3A_387] : memref<65536x512xf32, #tpu.memory_space<hbm>> -> memref<64x512xf32, #tpu.memory_space<hbm>>
    %dma_start3A_389 = arith.constant 0 : i32
    %dma_start3A_390 = tpu.memref_slice %arg2[%add3A_386, %dma_start3A_389] : memref<65536x512xf32, #tpu.memory_space<hbm>> -> memref<64x512xf32, #tpu.memory_space<hbm>>
    tpu.enqueue_dma source(%dma_start3A_390 : memref<64x512xf32, #tpu.memory_space<hbm>>) target(%arg7 : memref<64x512xf32, #tpu.memory_space<vmem>>) target_semaphore(%arg15 : memref<!tpu.dma_semaphore, #tpu.memory_space<semaphore_mem>>)
    %dma_wait3A_391 = arith.constant 0 : i32
    %dma_wait3A_392 = tpu.memref_slice %arg2[%add3A_324, %dma_wait3A_391] : memref<65536x512xf32, #tpu.memory_space<hbm>> -> memref<64x512xf32, #tpu.memory_space<hbm>>
    %dma_wait3A_393 = arith.constant 0 : i32
    %dma_wait3A_394 = tpu.memref_slice %arg2[%add3A_324, %dma_wait3A_393] : memref<65536x512xf32, #tpu.memory_space<hbm>> -> memref<64x512xf32, #tpu.memory_space<hbm>>
    tpu.wait_dma2 semaphore(%arg16 : memref<!tpu.dma_semaphore, #tpu.memory_space<semaphore_mem>>) src(%dma_wait3A_394 : memref<64x512xf32, #tpu.memory_space<hbm>>) dst(%arg8 : memref<64x512xf32, #tpu.memory_space<vmem>>)
    %parallel_loop3A_395 = arith.constant 0 : i32
    %parallel_loop3A_396 = arith.constant 64 : i32
    %parallel_loop3A_397 = arith.constant 1 : i32
    scf.for %parallel_loop3A_1045 = %parallel_loop3A_395 to %parallel_loop3A_396 step %parallel_loop3A_397  : i32 {
      %parallel_loop3A_1046 = arith.index_cast %parallel_loop3A_1045 : i32 to index
      %parallel_loop3A_1047 = arith.constant 0 : index
      %parallel_loop3A_1048 = tpu.vector_load %arg13[%parallel_loop3A_1046, %parallel_loop3A_1047] {strides = array<i32>} : memref<64x16xi32, #tpu.memory_space<vmem>>, vector<16xi32>,
      %parallel_loop3A_1049 = arith.constant 0 : i32
      %parallel_loop3A_1050 = vector.broadcast %parallel_loop3A_1049 : i32 to vector<16xi32>
      %parallel_loop3A_1051 = arith.addi %iota3A, %parallel_loop3A_1050 : vector<16xi32>
      %parallel_loop3A_1052 = tpu.vector_load_idx %arg8[%parallel_loop3A_1051, %parallel_loop3A_1048] : memref<64x512xf32, #tpu.memory_space<vmem>>[vector<16xi32>, vector<16xi32>], vector<16xf32>,
      %parallel_loop3A_1053 = arith.index_cast %parallel_loop3A_1045 : i32 to index
      %parallel_loop3A_1054 = arith.constant 64 : index
      %parallel_loop3A_1055 = tpu.vector_load %arg10[%parallel_loop3A_1053, %parallel_loop3A_1054] {strides = array<i32>} : memref<64x128xf32, #tpu.memory_space<vmem>>, vector<16xf32>,
      tpu.vector_store %arg10[%parallel_loop3A_1053, %parallel_loop3A_1054], %parallel_loop3A_1052 {strides = array<i32>} : memref<64x128xf32, #tpu.memory_space<vmem>>, vector<16xf32>,
      %parallel_loop3A_1056 = arith.constant 16 : i32
      %parallel_loop3A_1057 = vector.broadcast %parallel_loop3A_1056 : i32 to vector<16xi32>
      %parallel_loop3A_1058 = arith.addi %iota3A, %parallel_loop3A_1057 : vector<16xi32>
      %parallel_loop3A_1059 = tpu.vector_load_idx %arg8[%parallel_loop3A_1058, %parallel_loop3A_1048] : memref<64x512xf32, #tpu.memory_space<vmem>>[vector<16xi32>, vector<16xi32>], vector<16xf32>,
      %parallel_loop3A_1060 = arith.index_cast %parallel_loop3A_1045 : i32 to index
      %parallel_loop3A_1061 = arith.constant 80 : index
      %parallel_loop3A_1062 = tpu.vector_load %arg10[%parallel_loop3A_1060, %parallel_loop3A_1061] {strides = array<i32>} : memref<64x128xf32, #tpu.memory_space<vmem>>, vector<16xf32>,
      tpu.vector_store %arg10[%parallel_loop3A_1060, %parallel_loop3A_1061], %parallel_loop3A_1059 {strides = array<i32>} : memref<64x128xf32, #tpu.memory_space<vmem>>, vector<16xf32>,
      %parallel_loop3A_1063 = arith.constant 32 : i32
      %parallel_loop3A_1064 = vector.broadcast %parallel_loop3A_1063 : i32 to vector<16xi32>
      %parallel_loop3A_1065 = arith.addi %iota3A, %parallel_loop3A_1064 : vector<16xi32>
      %parallel_loop3A_1066 = tpu.vector_load_idx %arg8[%parallel_loop3A_1065, %parallel_loop3A_1048] : memref<64x512xf32, #tpu.memory_space<vmem>>[vector<16xi32>, vector<16xi32>], vector<16xf32>,
      %parallel_loop3A_1067 = arith.index_cast %parallel_loop3A_1045 : i32 to index
      %parallel_loop3A_1068 = arith.constant 96 : index
      %parallel_loop3A_1069 = tpu.vector_load %arg10[%parallel_loop3A_1067, %parallel_loop3A_1068] {strides = array<i32>} : memref<64x128xf32, #tpu.memory_space<vmem>>, vector<16xf32>,
      tpu.vector_store %arg10[%parallel_loop3A_1067, %parallel_loop3A_1068], %parallel_loop3A_1066 {strides = array<i32>} : memref<64x128xf32, #tpu.memory_space<vmem>>, vector<16xf32>,
      %parallel_loop3A_1070 = arith.constant 48 : i32
      %parallel_loop3A_1071 = vector.broadcast %parallel_loop3A_1070 : i32 to vector<16xi32>
      %parallel_loop3A_1072 = arith.addi %iota3A, %parallel_loop3A_1071 : vector<16xi32>
      %parallel_loop3A_1073 = tpu.vector_load_idx %arg8[%parallel_loop3A_1072, %parallel_loop3A_1048] : memref<64x512xf32, #tpu.memory_space<vmem>>[vector<16xi32>, vector<16xi32>], vector<16xf32>,
      %parallel_loop3A_1074 = arith.index_cast %parallel_loop3A_1045 : i32 to index
      %parallel_loop3A_1075 = arith.constant 112 : index
      %parallel_loop3A_1076 = tpu.vector_load %arg10[%parallel_loop3A_1074, %parallel_loop3A_1075] {strides = array<i32>} : memref<64x128xf32, #tpu.memory_space<vmem>>, vector<16xf32>,
      tpu.vector_store %arg10[%parallel_loop3A_1074, %parallel_loop3A_1075], %parallel_loop3A_1073 {strides = array<i32>} : memref<64x128xf32, #tpu.memory_space<vmem>>, vector<16xf32>,
    } {sc.loop_unroll_factor = 1 : i64, sc.parallel_access}
    %add3A_398 = arith.constant 5 : i32
    %add3A_399 = arith.addi %add3A_398, %add3A_72 : i32
    %mul3A_400 = arith.constant 512 : i32
    %mul3A_401 = vector.broadcast %mul3A_400 : i32 to vector<16xi32>
    %mul3A_402 = arith.muli %add3A_56, %mul3A_401 : vector<16xi32>
    %add3A_403 = vector.broadcast %add3A_399 : i32 to vector<16xi32>
    %add3A_404 = arith.addi %mul3A_402, %add3A_403 : vector<16xi32>
    %swap3A_405 = arith.constant 0 : index
    %swap3A_406 = tpu.vector_load %arg12[%swap3A_405] {strides = array<i32>} : memref<64xi32, #tpu.memory_space<vmem>>, vector<16xi32>,
    tpu.vector_store %arg12[%swap3A_405], %add3A_404 {strides = array<i32>} : memref<64xi32, #tpu.memory_space<vmem>>, vector<16xi32>,
    %mul3A_407 = arith.constant 512 : i32
    %mul3A_408 = vector.broadcast %mul3A_407 : i32 to vector<16xi32>
    %mul3A_409 = arith.muli %add3A_59, %mul3A_408 : vector<16xi32>
    %add3A_410 = vector.broadcast %add3A_399 : i32 to vector<16xi32>
    %add3A_411 = arith.addi %mul3A_409, %add3A_410 : vector<16xi32>
    %swap3A_412 = arith.constant 16 : index
    %swap3A_413 = tpu.vector_load %arg12[%swap3A_412] {strides = array<i32>} : memref<64xi32, #tpu.memory_space<vmem>>, vector<16xi32>,
    tpu.vector_store %arg12[%swap3A_412], %add3A_411 {strides = array<i32>} : memref<64xi32, #tpu.memory_space<vmem>>, vector<16xi32>,
    %mul3A_414 = arith.constant 512 : i32
    %mul3A_415 = vector.broadcast %mul3A_414 : i32 to vector<16xi32>
    %mul3A_416 = arith.muli %add3A_62, %mul3A_415 : vector<16xi32>
    %add3A_417 = vector.broadcast %add3A_399 : i32 to vector<16xi32>
    %add3A_418 = arith.addi %mul3A_416, %add3A_417 : vector<16xi32>
    %swap3A_419 = arith.constant 32 : index
    %swap3A_420 = tpu.vector_load %arg12[%swap3A_419] {strides = array<i32>} : memref<64xi32, #tpu.memory_space<vmem>>, vector<16xi32>,
    tpu.vector_store %arg12[%swap3A_419], %add3A_418 {strides = array<i32>} : memref<64xi32, #tpu.memory_space<vmem>>, vector<16xi32>,
    %mul3A_421 = arith.constant 512 : i32
    %mul3A_422 = vector.broadcast %mul3A_421 : i32 to vector<16xi32>
    %mul3A_423 = arith.muli %add3A_65, %mul3A_422 : vector<16xi32>
    %add3A_424 = vector.broadcast %add3A_399 : i32 to vector<16xi32>
    %add3A_425 = arith.addi %mul3A_423, %add3A_424 : vector<16xi32>
    %swap3A_426 = arith.constant 48 : index
    %swap3A_427 = tpu.vector_load %arg12[%swap3A_426] {strides = array<i32>} : memref<64xi32, #tpu.memory_space<vmem>>, vector<16xi32>,
    tpu.vector_store %arg12[%swap3A_426], %add3A_425 {strides = array<i32>} : memref<64xi32, #tpu.memory_space<vmem>>, vector<16xi32>,
    %dma_start3A_428 = arith.constant 0 : i32
    %dma_start3A_429 = arith.constant 0 : i32
    %dma_start3A_430 = tpu.memref_slice %arg4[%dma_start3A_428, %dma_start3A_429] : memref<32768x128xf32, #tpu.memory_space<hbm>> -> memref<32768x128xf32, #tpu.memory_space<hbm>>
    tpu.enqueue_indirect_dma source(%arg10 : memref<64x128xf32, #tpu.memory_space<vmem>>) target(%dma_start3A_430 : memref<32768x128xf32, #tpu.memory_space<hbm>>) offsets(%arg12 : memref<64xi32, #tpu.memory_space<vmem>>) semaphore(%arg18 : memref<!tpu.dma_semaphore, #tpu.memory_space<semaphore_mem>>)
    %add3A_431 = arith.constant 896 : i32
    %add3A_432 = arith.addi %add3A_36, %add3A_431 : i32
    %dma_start3A_433 = arith.constant 0 : i32
    %dma_start3A_434 = tpu.memref_slice %arg2[%add3A_432, %dma_start3A_433] : memref<65536x512xf32, #tpu.memory_space<hbm>> -> memref<64x512xf32, #tpu.memory_space<hbm>>
    %dma_start3A_435 = arith.constant 0 : i32
    %dma_start3A_436 = tpu.memref_slice %arg2[%add3A_432, %dma_start3A_435] : memref<65536x512xf32, #tpu.memory_space<hbm>> -> memref<64x512xf32, #tpu.memory_space<hbm>>
    tpu.enqueue_dma source(%dma_start3A_436 : memref<64x512xf32, #tpu.memory_space<hbm>>) target(%arg8 : memref<64x512xf32, #tpu.memory_space<vmem>>) target_semaphore(%arg16 : memref<!tpu.dma_semaphore, #tpu.memory_space<semaphore_mem>>)
    %dma_wait3A_437 = arith.constant 0 : i32
    %dma_wait3A_438 = arith.constant 0 : i32
    %dma_wait3A_439 = tpu.memref_slice %arg4[%dma_wait3A_437, %dma_wait3A_438] : memref<32768x128xf32, #tpu.memory_space<hbm>> -> memref<32768x128xf32, #tpu.memory_space<hbm>>
    tpu.wait_indirect_dma semaphore(%arg17 : memref<!tpu.dma_semaphore, #tpu.memory_space<semaphore_mem>>) src(%arg9 : memref<64x128xf32, #tpu.memory_space<vmem>>) dst(%dma_wait3A_439 : memref<32768x128xf32, #tpu.memory_space<hbm>>)
    %dma_wait3A_440 = arith.constant 0 : i32
    %dma_wait3A_441 = tpu.memref_slice %arg2[%add3A_370, %dma_wait3A_440] : memref<65536x512xf32, #tpu.memory_space<hbm>> -> memref<64x512xf32, #tpu.memory_space<hbm>>
    %dma_wait3A_442 = arith.constant 0 : i32
    %dma_wait3A_443 = tpu.memref_slice %arg2[%add3A_370, %dma_wait3A_442] : memref<65536x512xf32, #tpu.memory_space<hbm>> -> memref<64x512xf32, #tpu.memory_space<hbm>>
    tpu.wait_dma2 semaphore(%arg14 : memref<!tpu.dma_semaphore, #tpu.memory_space<semaphore_mem>>) src(%dma_wait3A_443 : memref<64x512xf32, #tpu.memory_space<hbm>>) dst(%arg6 : memref<64x512xf32, #tpu.memory_space<vmem>>)
    %parallel_loop3A_444 = arith.constant 0 : i32
    %parallel_loop3A_445 = arith.constant 64 : i32
    %parallel_loop3A_446 = arith.constant 1 : i32
    scf.for %parallel_loop3A_1045 = %parallel_loop3A_444 to %parallel_loop3A_445 step %parallel_loop3A_446  : i32 {
      %parallel_loop3A_1046 = arith.index_cast %parallel_loop3A_1045 : i32 to index
      %parallel_loop3A_1047 = arith.constant 0 : index
      %parallel_loop3A_1048 = tpu.vector_load %arg13[%parallel_loop3A_1046, %parallel_loop3A_1047] {strides = array<i32>} : memref<64x16xi32, #tpu.memory_space<vmem>>, vector<16xi32>,
      %parallel_loop3A_1049 = arith.constant 0 : i32
      %parallel_loop3A_1050 = vector.broadcast %parallel_loop3A_1049 : i32 to vector<16xi32>
      %parallel_loop3A_1051 = arith.addi %iota3A, %parallel_loop3A_1050 : vector<16xi32>
      %parallel_loop3A_1052 = tpu.vector_load_idx %arg6[%parallel_loop3A_1051, %parallel_loop3A_1048] : memref<64x512xf32, #tpu.memory_space<vmem>>[vector<16xi32>, vector<16xi32>], vector<16xf32>,
      %parallel_loop3A_1053 = arith.index_cast %parallel_loop3A_1045 : i32 to index
      %parallel_loop3A_1054 = arith.constant 0 : index
      %parallel_loop3A_1055 = tpu.vector_load %arg9[%parallel_loop3A_1053, %parallel_loop3A_1054] {strides = array<i32>} : memref<64x128xf32, #tpu.memory_space<vmem>>, vector<16xf32>,
      tpu.vector_store %arg9[%parallel_loop3A_1053, %parallel_loop3A_1054], %parallel_loop3A_1052 {strides = array<i32>} : memref<64x128xf32, #tpu.memory_space<vmem>>, vector<16xf32>,
      %parallel_loop3A_1056 = arith.constant 16 : i32
      %parallel_loop3A_1057 = vector.broadcast %parallel_loop3A_1056 : i32 to vector<16xi32>
      %parallel_loop3A_1058 = arith.addi %iota3A, %parallel_loop3A_1057 : vector<16xi32>
      %parallel_loop3A_1059 = tpu.vector_load_idx %arg6[%parallel_loop3A_1058, %parallel_loop3A_1048] : memref<64x512xf32, #tpu.memory_space<vmem>>[vector<16xi32>, vector<16xi32>], vector<16xf32>,
      %parallel_loop3A_1060 = arith.index_cast %parallel_loop3A_1045 : i32 to index
      %parallel_loop3A_1061 = arith.constant 16 : index
      %parallel_loop3A_1062 = tpu.vector_load %arg9[%parallel_loop3A_1060, %parallel_loop3A_1061] {strides = array<i32>} : memref<64x128xf32, #tpu.memory_space<vmem>>, vector<16xf32>,
      tpu.vector_store %arg9[%parallel_loop3A_1060, %parallel_loop3A_1061], %parallel_loop3A_1059 {strides = array<i32>} : memref<64x128xf32, #tpu.memory_space<vmem>>, vector<16xf32>,
      %parallel_loop3A_1063 = arith.constant 32 : i32
      %parallel_loop3A_1064 = vector.broadcast %parallel_loop3A_1063 : i32 to vector<16xi32>
      %parallel_loop3A_1065 = arith.addi %iota3A, %parallel_loop3A_1064 : vector<16xi32>
      %parallel_loop3A_1066 = tpu.vector_load_idx %arg6[%parallel_loop3A_1065, %parallel_loop3A_1048] : memref<64x512xf32, #tpu.memory_space<vmem>>[vector<16xi32>, vector<16xi32>], vector<16xf32>,
      %parallel_loop3A_1067 = arith.index_cast %parallel_loop3A_1045 : i32 to index
      %parallel_loop3A_1068 = arith.constant 32 : index
      %parallel_loop3A_1069 = tpu.vector_load %arg9[%parallel_loop3A_1067, %parallel_loop3A_1068] {strides = array<i32>} : memref<64x128xf32, #tpu.memory_space<vmem>>, vector<16xf32>,
      tpu.vector_store %arg9[%parallel_loop3A_1067, %parallel_loop3A_1068], %parallel_loop3A_1066 {strides = array<i32>} : memref<64x128xf32, #tpu.memory_space<vmem>>, vector<16xf32>,
      %parallel_loop3A_1070 = arith.constant 48 : i32
      %parallel_loop3A_1071 = vector.broadcast %parallel_loop3A_1070 : i32 to vector<16xi32>
      %parallel_loop3A_1072 = arith.addi %iota3A, %parallel_loop3A_1071 : vector<16xi32>
      %parallel_loop3A_1073 = tpu.vector_load_idx %arg6[%parallel_loop3A_1072, %parallel_loop3A_1048] : memref<64x512xf32, #tpu.memory_space<vmem>>[vector<16xi32>, vector<16xi32>], vector<16xf32>,
      %parallel_loop3A_1074 = arith.index_cast %parallel_loop3A_1045 : i32 to index
      %parallel_loop3A_1075 = arith.constant 48 : index
      %parallel_loop3A_1076 = tpu.vector_load %arg9[%parallel_loop3A_1074, %parallel_loop3A_1075] {strides = array<i32>} : memref<64x128xf32, #tpu.memory_space<vmem>>, vector<16xf32>,
      tpu.vector_store %arg9[%parallel_loop3A_1074, %parallel_loop3A_1075], %parallel_loop3A_1073 {strides = array<i32>} : memref<64x128xf32, #tpu.memory_space<vmem>>, vector<16xf32>,
    } {sc.loop_unroll_factor = 1 : i64, sc.parallel_access}
    %add3A_447 = arith.constant 960 : i32
    %add3A_448 = arith.addi %add3A_36, %add3A_447 : i32
    %dma_start3A_449 = arith.constant 0 : i32
    %dma_start3A_450 = tpu.memref_slice %arg2[%add3A_448, %dma_start3A_449] : memref<65536x512xf32, #tpu.memory_space<hbm>> -> memref<64x512xf32, #tpu.memory_space<hbm>>
    %dma_start3A_451 = arith.constant 0 : i32
    %dma_start3A_452 = tpu.memref_slice %arg2[%add3A_448, %dma_start3A_451] : memref<65536x512xf32, #tpu.memory_space<hbm>> -> memref<64x512xf32, #tpu.memory_space<hbm>>
    tpu.enqueue_dma source(%dma_start3A_452 : memref<64x512xf32, #tpu.memory_space<hbm>>) target(%arg6 : memref<64x512xf32, #tpu.memory_space<vmem>>) target_semaphore(%arg14 : memref<!tpu.dma_semaphore, #tpu.memory_space<semaphore_mem>>)
    %dma_wait3A_453 = arith.constant 0 : i32
    %dma_wait3A_454 = tpu.memref_slice %arg2[%add3A_386, %dma_wait3A_453] : memref<65536x512xf32, #tpu.memory_space<hbm>> -> memref<64x512xf32, #tpu.memory_space<hbm>>
    %dma_wait3A_455 = arith.constant 0 : i32
    %dma_wait3A_456 = tpu.memref_slice %arg2[%add3A_386, %dma_wait3A_455] : memref<65536x512xf32, #tpu.memory_space<hbm>> -> memref<64x512xf32, #tpu.memory_space<hbm>>
    tpu.wait_dma2 semaphore(%arg15 : memref<!tpu.dma_semaphore, #tpu.memory_space<semaphore_mem>>) src(%dma_wait3A_456 : memref<64x512xf32, #tpu.memory_space<hbm>>) dst(%arg7 : memref<64x512xf32, #tpu.memory_space<vmem>>)
    %parallel_loop3A_457 = arith.constant 0 : i32
    %parallel_loop3A_458 = arith.constant 64 : i32
    %parallel_loop3A_459 = arith.constant 1 : i32
    scf.for %parallel_loop3A_1045 = %parallel_loop3A_457 to %parallel_loop3A_458 step %parallel_loop3A_459  : i32 {
      %parallel_loop3A_1046 = arith.index_cast %parallel_loop3A_1045 : i32 to index
      %parallel_loop3A_1047 = arith.constant 0 : index
      %parallel_loop3A_1048 = tpu.vector_load %arg13[%parallel_loop3A_1046, %parallel_loop3A_1047] {strides = array<i32>} : memref<64x16xi32, #tpu.memory_space<vmem>>, vector<16xi32>,
      %parallel_loop3A_1049 = arith.constant 0 : i32
      %parallel_loop3A_1050 = vector.broadcast %parallel_loop3A_1049 : i32 to vector<16xi32>
      %parallel_loop3A_1051 = arith.addi %iota3A, %parallel_loop3A_1050 : vector<16xi32>
      %parallel_loop3A_1052 = tpu.vector_load_idx %arg7[%parallel_loop3A_1051, %parallel_loop3A_1048] : memref<64x512xf32, #tpu.memory_space<vmem>>[vector<16xi32>, vector<16xi32>], vector<16xf32>,
      %parallel_loop3A_1053 = arith.index_cast %parallel_loop3A_1045 : i32 to index
      %parallel_loop3A_1054 = arith.constant 64 : index
      %parallel_loop3A_1055 = tpu.vector_load %arg9[%parallel_loop3A_1053, %parallel_loop3A_1054] {strides = array<i32>} : memref<64x128xf32, #tpu.memory_space<vmem>>, vector<16xf32>,
      tpu.vector_store %arg9[%parallel_loop3A_1053, %parallel_loop3A_1054], %parallel_loop3A_1052 {strides = array<i32>} : memref<64x128xf32, #tpu.memory_space<vmem>>, vector<16xf32>,
      %parallel_loop3A_1056 = arith.constant 16 : i32
      %parallel_loop3A_1057 = vector.broadcast %parallel_loop3A_1056 : i32 to vector<16xi32>
      %parallel_loop3A_1058 = arith.addi %iota3A, %parallel_loop3A_1057 : vector<16xi32>
      %parallel_loop3A_1059 = tpu.vector_load_idx %arg7[%parallel_loop3A_1058, %parallel_loop3A_1048] : memref<64x512xf32, #tpu.memory_space<vmem>>[vector<16xi32>, vector<16xi32>], vector<16xf32>,
      %parallel_loop3A_1060 = arith.index_cast %parallel_loop3A_1045 : i32 to index
      %parallel_loop3A_1061 = arith.constant 80 : index
      %parallel_loop3A_1062 = tpu.vector_load %arg9[%parallel_loop3A_1060, %parallel_loop3A_1061] {strides = array<i32>} : memref<64x128xf32, #tpu.memory_space<vmem>>, vector<16xf32>,
      tpu.vector_store %arg9[%parallel_loop3A_1060, %parallel_loop3A_1061], %parallel_loop3A_1059 {strides = array<i32>} : memref<64x128xf32, #tpu.memory_space<vmem>>, vector<16xf32>,
      %parallel_loop3A_1063 = arith.constant 32 : i32
      %parallel_loop3A_1064 = vector.broadcast %parallel_loop3A_1063 : i32 to vector<16xi32>
      %parallel_loop3A_1065 = arith.addi %iota3A, %parallel_loop3A_1064 : vector<16xi32>
      %parallel_loop3A_1066 = tpu.vector_load_idx %arg7[%parallel_loop3A_1065, %parallel_loop3A_1048] : memref<64x512xf32, #tpu.memory_space<vmem>>[vector<16xi32>, vector<16xi32>], vector<16xf32>,
      %parallel_loop3A_1067 = arith.index_cast %parallel_loop3A_1045 : i32 to index
      %parallel_loop3A_1068 = arith.constant 96 : index
      %parallel_loop3A_1069 = tpu.vector_load %arg9[%parallel_loop3A_1067, %parallel_loop3A_1068] {strides = array<i32>} : memref<64x128xf32, #tpu.memory_space<vmem>>, vector<16xf32>,
      tpu.vector_store %arg9[%parallel_loop3A_1067, %parallel_loop3A_1068], %parallel_loop3A_1066 {strides = array<i32>} : memref<64x128xf32, #tpu.memory_space<vmem>>, vector<16xf32>,
      %parallel_loop3A_1070 = arith.constant 48 : i32
      %parallel_loop3A_1071 = vector.broadcast %parallel_loop3A_1070 : i32 to vector<16xi32>
      %parallel_loop3A_1072 = arith.addi %iota3A, %parallel_loop3A_1071 : vector<16xi32>
      %parallel_loop3A_1073 = tpu.vector_load_idx %arg7[%parallel_loop3A_1072, %parallel_loop3A_1048] : memref<64x512xf32, #tpu.memory_space<vmem>>[vector<16xi32>, vector<16xi32>], vector<16xf32>,
      %parallel_loop3A_1074 = arith.index_cast %parallel_loop3A_1045 : i32 to index
      %parallel_loop3A_1075 = arith.constant 112 : index
      %parallel_loop3A_1076 = tpu.vector_load %arg9[%parallel_loop3A_1074, %parallel_loop3A_1075] {strides = array<i32>} : memref<64x128xf32, #tpu.memory_space<vmem>>, vector<16xf32>,
      tpu.vector_store %arg9[%parallel_loop3A_1074, %parallel_loop3A_1075], %parallel_loop3A_1073 {strides = array<i32>} : memref<64x128xf32, #tpu.memory_space<vmem>>, vector<16xf32>,
    } {sc.loop_unroll_factor = 1 : i64, sc.parallel_access}
    %add3A_460 = arith.constant 6 : i32
    %add3A_461 = arith.addi %add3A_460, %add3A_72 : i32
    %mul3A_462 = arith.constant 512 : i32
    %mul3A_463 = vector.broadcast %mul3A_462 : i32 to vector<16xi32>
    %mul3A_464 = arith.muli %add3A_56, %mul3A_463 : vector<16xi32>
    %add3A_465 = vector.broadcast %add3A_461 : i32 to vector<16xi32>
    %add3A_466 = arith.addi %mul3A_464, %add3A_465 : vector<16xi32>
    %swap3A_467 = arith.constant 0 : index
    %swap3A_468 = tpu.vector_load %arg11[%swap3A_467] {strides = array<i32>} : memref<64xi32, #tpu.memory_space<vmem>>, vector<16xi32>,
    tpu.vector_store %arg11[%swap3A_467], %add3A_466 {strides = array<i32>} : memref<64xi32, #tpu.memory_space<vmem>>, vector<16xi32>,
    %mul3A_469 = arith.constant 512 : i32
    %mul3A_470 = vector.broadcast %mul3A_469 : i32 to vector<16xi32>
    %mul3A_471 = arith.muli %add3A_59, %mul3A_470 : vector<16xi32>
    %add3A_472 = vector.broadcast %add3A_461 : i32 to vector<16xi32>
    %add3A_473 = arith.addi %mul3A_471, %add3A_472 : vector<16xi32>
    %swap3A_474 = arith.constant 16 : index
    %swap3A_475 = tpu.vector_load %arg11[%swap3A_474] {strides = array<i32>} : memref<64xi32, #tpu.memory_space<vmem>>, vector<16xi32>,
    tpu.vector_store %arg11[%swap3A_474], %add3A_473 {strides = array<i32>} : memref<64xi32, #tpu.memory_space<vmem>>, vector<16xi32>,
    %mul3A_476 = arith.constant 512 : i32
    %mul3A_477 = vector.broadcast %mul3A_476 : i32 to vector<16xi32>
    %mul3A_478 = arith.muli %add3A_62, %mul3A_477 : vector<16xi32>
    %add3A_479 = vector.broadcast %add3A_461 : i32 to vector<16xi32>
    %add3A_480 = arith.addi %mul3A_478, %add3A_479 : vector<16xi32>
    %swap3A_481 = arith.constant 32 : index
    %swap3A_482 = tpu.vector_load %arg11[%swap3A_481] {strides = array<i32>} : memref<64xi32, #tpu.memory_space<vmem>>, vector<16xi32>,
    tpu.vector_store %arg11[%swap3A_481], %add3A_480 {strides = array<i32>} : memref<64xi32, #tpu.memory_space<vmem>>, vector<16xi32>,
    %mul3A_483 = arith.constant 512 : i32
    %mul3A_484 = vector.broadcast %mul3A_483 : i32 to vector<16xi32>
    %mul3A_485 = arith.muli %add3A_65, %mul3A_484 : vector<16xi32>
    %add3A_486 = vector.broadcast %add3A_461 : i32 to vector<16xi32>
    %add3A_487 = arith.addi %mul3A_485, %add3A_486 : vector<16xi32>
    %swap3A_488 = arith.constant 48 : index
    %swap3A_489 = tpu.vector_load %arg11[%swap3A_488] {strides = array<i32>} : memref<64xi32, #tpu.memory_space<vmem>>, vector<16xi32>,
    tpu.vector_store %arg11[%swap3A_488], %add3A_487 {strides = array<i32>} : memref<64xi32, #tpu.memory_space<vmem>>, vector<16xi32>,
    %dma_start3A_490 = arith.constant 0 : i32
    %dma_start3A_491 = arith.constant 0 : i32
    %dma_start3A_492 = tpu.memref_slice %arg4[%dma_start3A_490, %dma_start3A_491] : memref<32768x128xf32, #tpu.memory_space<hbm>> -> memref<32768x128xf32, #tpu.memory_space<hbm>>
    tpu.enqueue_indirect_dma source(%arg9 : memref<64x128xf32, #tpu.memory_space<vmem>>) target(%dma_start3A_492 : memref<32768x128xf32, #tpu.memory_space<hbm>>) offsets(%arg11 : memref<64xi32, #tpu.memory_space<vmem>>) semaphore(%arg17 : memref<!tpu.dma_semaphore, #tpu.memory_space<semaphore_mem>>)
    %add3A_493 = arith.constant 1024 : i32
    %add3A_494 = arith.addi %add3A_36, %add3A_493 : i32
    %dma_start3A_495 = arith.constant 0 : i32
    %dma_start3A_496 = tpu.memref_slice %arg2[%add3A_494, %dma_start3A_495] : memref<65536x512xf32, #tpu.memory_space<hbm>> -> memref<64x512xf32, #tpu.memory_space<hbm>>
    %dma_start3A_497 = arith.constant 0 : i32
    %dma_start3A_498 = tpu.memref_slice %arg2[%add3A_494, %dma_start3A_497] : memref<65536x512xf32, #tpu.memory_space<hbm>> -> memref<64x512xf32, #tpu.memory_space<hbm>>
    tpu.enqueue_dma source(%dma_start3A_498 : memref<64x512xf32, #tpu.memory_space<hbm>>) target(%arg7 : memref<64x512xf32, #tpu.memory_space<vmem>>) target_semaphore(%arg15 : memref<!tpu.dma_semaphore, #tpu.memory_space<semaphore_mem>>)
    %dma_wait3A_499 = arith.constant 0 : i32
    %dma_wait3A_500 = arith.constant 0 : i32
    %dma_wait3A_501 = tpu.memref_slice %arg4[%dma_wait3A_499, %dma_wait3A_500] : memref<32768x128xf32, #tpu.memory_space<hbm>> -> memref<32768x128xf32, #tpu.memory_space<hbm>>
    tpu.wait_indirect_dma semaphore(%arg18 : memref<!tpu.dma_semaphore, #tpu.memory_space<semaphore_mem>>) src(%arg10 : memref<64x128xf32, #tpu.memory_space<vmem>>) dst(%dma_wait3A_501 : memref<32768x128xf32, #tpu.memory_space<hbm>>)
    %dma_wait3A_502 = arith.constant 0 : i32
    %dma_wait3A_503 = tpu.memref_slice %arg2[%add3A_432, %dma_wait3A_502] : memref<65536x512xf32, #tpu.memory_space<hbm>> -> memref<64x512xf32, #tpu.memory_space<hbm>>
    %dma_wait3A_504 = arith.constant 0 : i32
    %dma_wait3A_505 = tpu.memref_slice %arg2[%add3A_432, %dma_wait3A_504] : memref<65536x512xf32, #tpu.memory_space<hbm>> -> memref<64x512xf32, #tpu.memory_space<hbm>>
    tpu.wait_dma2 semaphore(%arg16 : memref<!tpu.dma_semaphore, #tpu.memory_space<semaphore_mem>>) src(%dma_wait3A_505 : memref<64x512xf32, #tpu.memory_space<hbm>>) dst(%arg8 : memref<64x512xf32, #tpu.memory_space<vmem>>)
    %parallel_loop3A_506 = arith.constant 0 : i32
    %parallel_loop3A_507 = arith.constant 64 : i32
    %parallel_loop3A_508 = arith.constant 1 : i32
    scf.for %parallel_loop3A_1045 = %parallel_loop3A_506 to %parallel_loop3A_507 step %parallel_loop3A_508  : i32 {
      %parallel_loop3A_1046 = arith.index_cast %parallel_loop3A_1045 : i32 to index
      %parallel_loop3A_1047 = arith.constant 0 : index
      %parallel_loop3A_1048 = tpu.vector_load %arg13[%parallel_loop3A_1046, %parallel_loop3A_1047] {strides = array<i32>} : memref<64x16xi32, #tpu.memory_space<vmem>>, vector<16xi32>,
      %parallel_loop3A_1049 = arith.constant 0 : i32
      %parallel_loop3A_1050 = vector.broadcast %parallel_loop3A_1049 : i32 to vector<16xi32>
      %parallel_loop3A_1051 = arith.addi %iota3A, %parallel_loop3A_1050 : vector<16xi32>
      %parallel_loop3A_1052 = tpu.vector_load_idx %arg8[%parallel_loop3A_1051, %parallel_loop3A_1048] : memref<64x512xf32, #tpu.memory_space<vmem>>[vector<16xi32>, vector<16xi32>], vector<16xf32>,
      %parallel_loop3A_1053 = arith.index_cast %parallel_loop3A_1045 : i32 to index
      %parallel_loop3A_1054 = arith.constant 0 : index
      %parallel_loop3A_1055 = tpu.vector_load %arg10[%parallel_loop3A_1053, %parallel_loop3A_1054] {strides = array<i32>} : memref<64x128xf32, #tpu.memory_space<vmem>>, vector<16xf32>,
      tpu.vector_store %arg10[%parallel_loop3A_1053, %parallel_loop3A_1054], %parallel_loop3A_1052 {strides = array<i32>} : memref<64x128xf32, #tpu.memory_space<vmem>>, vector<16xf32>,
      %parallel_loop3A_1056 = arith.constant 16 : i32
      %parallel_loop3A_1057 = vector.broadcast %parallel_loop3A_1056 : i32 to vector<16xi32>
      %parallel_loop3A_1058 = arith.addi %iota3A, %parallel_loop3A_1057 : vector<16xi32>
      %parallel_loop3A_1059 = tpu.vector_load_idx %arg8[%parallel_loop3A_1058, %parallel_loop3A_1048] : memref<64x512xf32, #tpu.memory_space<vmem>>[vector<16xi32>, vector<16xi32>], vector<16xf32>,
      %parallel_loop3A_1060 = arith.index_cast %parallel_loop3A_1045 : i32 to index
      %parallel_loop3A_1061 = arith.constant 16 : index
      %parallel_loop3A_1062 = tpu.vector_load %arg10[%parallel_loop3A_1060, %parallel_loop3A_1061] {strides = array<i32>} : memref<64x128xf32, #tpu.memory_space<vmem>>, vector<16xf32>,
      tpu.vector_store %arg10[%parallel_loop3A_1060, %parallel_loop3A_1061], %parallel_loop3A_1059 {strides = array<i32>} : memref<64x128xf32, #tpu.memory_space<vmem>>, vector<16xf32>,
      %parallel_loop3A_1063 = arith.constant 32 : i32
      %parallel_loop3A_1064 = vector.broadcast %parallel_loop3A_1063 : i32 to vector<16xi32>
      %parallel_loop3A_1065 = arith.addi %iota3A, %parallel_loop3A_1064 : vector<16xi32>
      %parallel_loop3A_1066 = tpu.vector_load_idx %arg8[%parallel_loop3A_1065, %parallel_loop3A_1048] : memref<64x512xf32, #tpu.memory_space<vmem>>[vector<16xi32>, vector<16xi32>], vector<16xf32>,
      %parallel_loop3A_1067 = arith.index_cast %parallel_loop3A_1045 : i32 to index
      %parallel_loop3A_1068 = arith.constant 32 : index
      %parallel_loop3A_1069 = tpu.vector_load %arg10[%parallel_loop3A_1067, %parallel_loop3A_1068] {strides = array<i32>} : memref<64x128xf32, #tpu.memory_space<vmem>>, vector<16xf32>,
      tpu.vector_store %arg10[%parallel_loop3A_1067, %parallel_loop3A_1068], %parallel_loop3A_1066 {strides = array<i32>} : memref<64x128xf32, #tpu.memory_space<vmem>>, vector<16xf32>,
      %parallel_loop3A_1070 = arith.constant 48 : i32
      %parallel_loop3A_1071 = vector.broadcast %parallel_loop3A_1070 : i32 to vector<16xi32>
      %parallel_loop3A_1072 = arith.addi %iota3A, %parallel_loop3A_1071 : vector<16xi32>
      %parallel_loop3A_1073 = tpu.vector_load_idx %arg8[%parallel_loop3A_1072, %parallel_loop3A_1048] : memref<64x512xf32, #tpu.memory_space<vmem>>[vector<16xi32>, vector<16xi32>], vector<16xf32>,
      %parallel_loop3A_1074 = arith.index_cast %parallel_loop3A_1045 : i32 to index
      %parallel_loop3A_1075 = arith.constant 48 : index
      %parallel_loop3A_1076 = tpu.vector_load %arg10[%parallel_loop3A_1074, %parallel_loop3A_1075] {strides = array<i32>} : memref<64x128xf32, #tpu.memory_space<vmem>>, vector<16xf32>,
      tpu.vector_store %arg10[%parallel_loop3A_1074, %parallel_loop3A_1075], %parallel_loop3A_1073 {strides = array<i32>} : memref<64x128xf32, #tpu.memory_space<vmem>>, vector<16xf32>,
    } {sc.loop_unroll_factor = 1 : i64, sc.parallel_access}
    %add3A_509 = arith.constant 1088 : i32
    %add3A_510 = arith.addi %add3A_36, %add3A_509 : i32
    %dma_start3A_511 = arith.constant 0 : i32
    %dma_start3A_512 = tpu.memref_slice %arg2[%add3A_510, %dma_start3A_511] : memref<65536x512xf32, #tpu.memory_space<hbm>> -> memref<64x512xf32, #tpu.memory_space<hbm>>
    %dma_start3A_513 = arith.constant 0 : i32
    %dma_start3A_514 = tpu.memref_slice %arg2[%add3A_510, %dma_start3A_513] : memref<65536x512xf32, #tpu.memory_space<hbm>> -> memref<64x512xf32, #tpu.memory_space<hbm>>
    tpu.enqueue_dma source(%dma_start3A_514 : memref<64x512xf32, #tpu.memory_space<hbm>>) target(%arg8 : memref<64x512xf32, #tpu.memory_space<vmem>>) target_semaphore(%arg16 : memref<!tpu.dma_semaphore, #tpu.memory_space<semaphore_mem>>)
    %dma_wait3A_515 = arith.constant 0 : i32
    %dma_wait3A_516 = tpu.memref_slice %arg2[%add3A_448, %dma_wait3A_515] : memref<65536x512xf32, #tpu.memory_space<hbm>> -> memref<64x512xf32, #tpu.memory_space<hbm>>
    %dma_wait3A_517 = arith.constant 0 : i32
    %dma_wait3A_518 = tpu.memref_slice %arg2[%add3A_448, %dma_wait3A_517] : memref<65536x512xf32, #tpu.memory_space<hbm>> -> memref<64x512xf32, #tpu.memory_space<hbm>>
    tpu.wait_dma2 semaphore(%arg14 : memref<!tpu.dma_semaphore, #tpu.memory_space<semaphore_mem>>) src(%dma_wait3A_518 : memref<64x512xf32, #tpu.memory_space<hbm>>) dst(%arg6 : memref<64x512xf32, #tpu.memory_space<vmem>>)
    %parallel_loop3A_519 = arith.constant 0 : i32
    %parallel_loop3A_520 = arith.constant 64 : i32
    %parallel_loop3A_521 = arith.constant 1 : i32
    scf.for %parallel_loop3A_1045 = %parallel_loop3A_519 to %parallel_loop3A_520 step %parallel_loop3A_521  : i32 {
      %parallel_loop3A_1046 = arith.index_cast %parallel_loop3A_1045 : i32 to index
      %parallel_loop3A_1047 = arith.constant 0 : index
      %parallel_loop3A_1048 = tpu.vector_load %arg13[%parallel_loop3A_1046, %parallel_loop3A_1047] {strides = array<i32>} : memref<64x16xi32, #tpu.memory_space<vmem>>, vector<16xi32>,
      %parallel_loop3A_1049 = arith.constant 0 : i32
      %parallel_loop3A_1050 = vector.broadcast %parallel_loop3A_1049 : i32 to vector<16xi32>
      %parallel_loop3A_1051 = arith.addi %iota3A, %parallel_loop3A_1050 : vector<16xi32>
      %parallel_loop3A_1052 = tpu.vector_load_idx %arg6[%parallel_loop3A_1051, %parallel_loop3A_1048] : memref<64x512xf32, #tpu.memory_space<vmem>>[vector<16xi32>, vector<16xi32>], vector<16xf32>,
      %parallel_loop3A_1053 = arith.index_cast %parallel_loop3A_1045 : i32 to index
      %parallel_loop3A_1054 = arith.constant 64 : index
      %parallel_loop3A_1055 = tpu.vector_load %arg10[%parallel_loop3A_1053, %parallel_loop3A_1054] {strides = array<i32>} : memref<64x128xf32, #tpu.memory_space<vmem>>, vector<16xf32>,
      tpu.vector_store %arg10[%parallel_loop3A_1053, %parallel_loop3A_1054], %parallel_loop3A_1052 {strides = array<i32>} : memref<64x128xf32, #tpu.memory_space<vmem>>, vector<16xf32>,
      %parallel_loop3A_1056 = arith.constant 16 : i32
      %parallel_loop3A_1057 = vector.broadcast %parallel_loop3A_1056 : i32 to vector<16xi32>
      %parallel_loop3A_1058 = arith.addi %iota3A, %parallel_loop3A_1057 : vector<16xi32>
      %parallel_loop3A_1059 = tpu.vector_load_idx %arg6[%parallel_loop3A_1058, %parallel_loop3A_1048] : memref<64x512xf32, #tpu.memory_space<vmem>>[vector<16xi32>, vector<16xi32>], vector<16xf32>,
      %parallel_loop3A_1060 = arith.index_cast %parallel_loop3A_1045 : i32 to index
      %parallel_loop3A_1061 = arith.constant 80 : index
      %parallel_loop3A_1062 = tpu.vector_load %arg10[%parallel_loop3A_1060, %parallel_loop3A_1061] {strides = array<i32>} : memref<64x128xf32, #tpu.memory_space<vmem>>, vector<16xf32>,
      tpu.vector_store %arg10[%parallel_loop3A_1060, %parallel_loop3A_1061], %parallel_loop3A_1059 {strides = array<i32>} : memref<64x128xf32, #tpu.memory_space<vmem>>, vector<16xf32>,
      %parallel_loop3A_1063 = arith.constant 32 : i32
      %parallel_loop3A_1064 = vector.broadcast %parallel_loop3A_1063 : i32 to vector<16xi32>
      %parallel_loop3A_1065 = arith.addi %iota3A, %parallel_loop3A_1064 : vector<16xi32>
      %parallel_loop3A_1066 = tpu.vector_load_idx %arg6[%parallel_loop3A_1065, %parallel_loop3A_1048] : memref<64x512xf32, #tpu.memory_space<vmem>>[vector<16xi32>, vector<16xi32>], vector<16xf32>,
      %parallel_loop3A_1067 = arith.index_cast %parallel_loop3A_1045 : i32 to index
      %parallel_loop3A_1068 = arith.constant 96 : index
      %parallel_loop3A_1069 = tpu.vector_load %arg10[%parallel_loop3A_1067, %parallel_loop3A_1068] {strides = array<i32>} : memref<64x128xf32, #tpu.memory_space<vmem>>, vector<16xf32>,
      tpu.vector_store %arg10[%parallel_loop3A_1067, %parallel_loop3A_1068], %parallel_loop3A_1066 {strides = array<i32>} : memref<64x128xf32, #tpu.memory_space<vmem>>, vector<16xf32>,
      %parallel_loop3A_1070 = arith.constant 48 : i32
      %parallel_loop3A_1071 = vector.broadcast %parallel_loop3A_1070 : i32 to vector<16xi32>
      %parallel_loop3A_1072 = arith.addi %iota3A, %parallel_loop3A_1071 : vector<16xi32>
      %parallel_loop3A_1073 = tpu.vector_load_idx %arg6[%parallel_loop3A_1072, %parallel_loop3A_1048] : memref<64x512xf32, #tpu.memory_space<vmem>>[vector<16xi32>, vector<16xi32>], vector<16xf32>,
      %parallel_loop3A_1074 = arith.index_cast %parallel_loop3A_1045 : i32 to index
      %parallel_loop3A_1075 = arith.constant 112 : index
      %parallel_loop3A_1076 = tpu.vector_load %arg10[%parallel_loop3A_1074, %parallel_loop3A_1075] {strides = array<i32>} : memref<64x128xf32, #tpu.memory_space<vmem>>, vector<16xf32>,
      tpu.vector_store %arg10[%parallel_loop3A_1074, %parallel_loop3A_1075], %parallel_loop3A_1073 {strides = array<i32>} : memref<64x128xf32, #tpu.memory_space<vmem>>, vector<16xf32>,
    } {sc.loop_unroll_factor = 1 : i64, sc.parallel_access}
    %add3A_522 = arith.constant 7 : i32
    %add3A_523 = arith.addi %add3A_522, %add3A_72 : i32
    %mul3A_524 = arith.constant 512 : i32
    %mul3A_525 = vector.broadcast %mul3A_524 : i32 to vector<16xi32>
    %mul3A_526 = arith.muli %add3A_56, %mul3A_525 : vector<16xi32>
    %add3A_527 = vector.broadcast %add3A_523 : i32 to vector<16xi32>
    %add3A_528 = arith.addi %mul3A_526, %add3A_527 : vector<16xi32>
    %swap3A_529 = arith.constant 0 : index
    %swap3A_530 = tpu.vector_load %arg12[%swap3A_529] {strides = array<i32>} : memref<64xi32, #tpu.memory_space<vmem>>, vector<16xi32>,
    tpu.vector_store %arg12[%swap3A_529], %add3A_528 {strides = array<i32>} : memref<64xi32, #tpu.memory_space<vmem>>, vector<16xi32>,
    %mul3A_531 = arith.constant 512 : i32
    %mul3A_532 = vector.broadcast %mul3A_531 : i32 to vector<16xi32>
    %mul3A_533 = arith.muli %add3A_59, %mul3A_532 : vector<16xi32>
    %add3A_534 = vector.broadcast %add3A_523 : i32 to vector<16xi32>
    %add3A_535 = arith.addi %mul3A_533, %add3A_534 : vector<16xi32>
    %swap3A_536 = arith.constant 16 : index
    %swap3A_537 = tpu.vector_load %arg12[%swap3A_536] {strides = array<i32>} : memref<64xi32, #tpu.memory_space<vmem>>, vector<16xi32>,
    tpu.vector_store %arg12[%swap3A_536], %add3A_535 {strides = array<i32>} : memref<64xi32, #tpu.memory_space<vmem>>, vector<16xi32>,
    %mul3A_538 = arith.constant 512 : i32
    %mul3A_539 = vector.broadcast %mul3A_538 : i32 to vector<16xi32>
    %mul3A_540 = arith.muli %add3A_62, %mul3A_539 : vector<16xi32>
    %add3A_541 = vector.broadcast %add3A_523 : i32 to vector<16xi32>
    %add3A_542 = arith.addi %mul3A_540, %add3A_541 : vector<16xi32>
    %swap3A_543 = arith.constant 32 : index
    %swap3A_544 = tpu.vector_load %arg12[%swap3A_543] {strides = array<i32>} : memref<64xi32, #tpu.memory_space<vmem>>, vector<16xi32>,
    tpu.vector_store %arg12[%swap3A_543], %add3A_542 {strides = array<i32>} : memref<64xi32, #tpu.memory_space<vmem>>, vector<16xi32>,
    %mul3A_545 = arith.constant 512 : i32
    %mul3A_546 = vector.broadcast %mul3A_545 : i32 to vector<16xi32>
    %mul3A_547 = arith.muli %add3A_65, %mul3A_546 : vector<16xi32>
    %add3A_548 = vector.broadcast %add3A_523 : i32 to vector<16xi32>
    %add3A_549 = arith.addi %mul3A_547, %add3A_548 : vector<16xi32>
    %swap3A_550 = arith.constant 48 : index
    %swap3A_551 = tpu.vector_load %arg12[%swap3A_550] {strides = array<i32>} : memref<64xi32, #tpu.memory_space<vmem>>, vector<16xi32>,
    tpu.vector_store %arg12[%swap3A_550], %add3A_549 {strides = array<i32>} : memref<64xi32, #tpu.memory_space<vmem>>, vector<16xi32>,
    %dma_start3A_552 = arith.constant 0 : i32
    %dma_start3A_553 = arith.constant 0 : i32
    %dma_start3A_554 = tpu.memref_slice %arg4[%dma_start3A_552, %dma_start3A_553] : memref<32768x128xf32, #tpu.memory_space<hbm>> -> memref<32768x128xf32, #tpu.memory_space<hbm>>
    tpu.enqueue_indirect_dma source(%arg10 : memref<64x128xf32, #tpu.memory_space<vmem>>) target(%dma_start3A_554 : memref<32768x128xf32, #tpu.memory_space<hbm>>) offsets(%arg12 : memref<64xi32, #tpu.memory_space<vmem>>) semaphore(%arg18 : memref<!tpu.dma_semaphore, #tpu.memory_space<semaphore_mem>>)
    %add3A_555 = arith.constant 1152 : i32
    %add3A_556 = arith.addi %add3A_36, %add3A_555 : i32
    %dma_start3A_557 = arith.constant 0 : i32
    %dma_start3A_558 = tpu.memref_slice %arg2[%add3A_556, %dma_start3A_557] : memref<65536x512xf32, #tpu.memory_space<hbm>> -> memref<64x512xf32, #tpu.memory_space<hbm>>
    %dma_start3A_559 = arith.constant 0 : i32
    %dma_start3A_560 = tpu.memref_slice %arg2[%add3A_556, %dma_start3A_559] : memref<65536x512xf32, #tpu.memory_space<hbm>> -> memref<64x512xf32, #tpu.memory_space<hbm>>
    tpu.enqueue_dma source(%dma_start3A_560 : memref<64x512xf32, #tpu.memory_space<hbm>>) target(%arg6 : memref<64x512xf32, #tpu.memory_space<vmem>>) target_semaphore(%arg14 : memref<!tpu.dma_semaphore, #tpu.memory_space<semaphore_mem>>)
    %dma_wait3A_561 = arith.constant 0 : i32
    %dma_wait3A_562 = arith.constant 0 : i32
    %dma_wait3A_563 = tpu.memref_slice %arg4[%dma_wait3A_561, %dma_wait3A_562] : memref<32768x128xf32, #tpu.memory_space<hbm>> -> memref<32768x128xf32, #tpu.memory_space<hbm>>
    tpu.wait_indirect_dma semaphore(%arg17 : memref<!tpu.dma_semaphore, #tpu.memory_space<semaphore_mem>>) src(%arg9 : memref<64x128xf32, #tpu.memory_space<vmem>>) dst(%dma_wait3A_563 : memref<32768x128xf32, #tpu.memory_space<hbm>>)
    %dma_wait3A_564 = arith.constant 0 : i32
    %dma_wait3A_565 = tpu.memref_slice %arg2[%add3A_494, %dma_wait3A_564] : memref<65536x512xf32, #tpu.memory_space<hbm>> -> memref<64x512xf32, #tpu.memory_space<hbm>>
    %dma_wait3A_566 = arith.constant 0 : i32
    %dma_wait3A_567 = tpu.memref_slice %arg2[%add3A_494, %dma_wait3A_566] : memref<65536x512xf32, #tpu.memory_space<hbm>> -> memref<64x512xf32, #tpu.memory_space<hbm>>
    tpu.wait_dma2 semaphore(%arg15 : memref<!tpu.dma_semaphore, #tpu.memory_space<semaphore_mem>>) src(%dma_wait3A_567 : memref<64x512xf32, #tpu.memory_space<hbm>>) dst(%arg7 : memref<64x512xf32, #tpu.memory_space<vmem>>)
    %parallel_loop3A_568 = arith.constant 0 : i32
    %parallel_loop3A_569 = arith.constant 64 : i32
    %parallel_loop3A_570 = arith.constant 1 : i32
    scf.for %parallel_loop3A_1045 = %parallel_loop3A_568 to %parallel_loop3A_569 step %parallel_loop3A_570  : i32 {
      %parallel_loop3A_1046 = arith.index_cast %parallel_loop3A_1045 : i32 to index
      %parallel_loop3A_1047 = arith.constant 0 : index
      %parallel_loop3A_1048 = tpu.vector_load %arg13[%parallel_loop3A_1046, %parallel_loop3A_1047] {strides = array<i32>} : memref<64x16xi32, #tpu.memory_space<vmem>>, vector<16xi32>,
      %parallel_loop3A_1049 = arith.constant 0 : i32
      %parallel_loop3A_1050 = vector.broadcast %parallel_loop3A_1049 : i32 to vector<16xi32>
      %parallel_loop3A_1051 = arith.addi %iota3A, %parallel_loop3A_1050 : vector<16xi32>
      %parallel_loop3A_1052 = tpu.vector_load_idx %arg7[%parallel_loop3A_1051, %parallel_loop3A_1048] : memref<64x512xf32, #tpu.memory_space<vmem>>[vector<16xi32>, vector<16xi32>], vector<16xf32>,
      %parallel_loop3A_1053 = arith.index_cast %parallel_loop3A_1045 : i32 to index
      %parallel_loop3A_1054 = arith.constant 0 : index
      %parallel_loop3A_1055 = tpu.vector_load %arg9[%parallel_loop3A_1053, %parallel_loop3A_1054] {strides = array<i32>} : memref<64x128xf32, #tpu.memory_space<vmem>>, vector<16xf32>,
      tpu.vector_store %arg9[%parallel_loop3A_1053, %parallel_loop3A_1054], %parallel_loop3A_1052 {strides = array<i32>} : memref<64x128xf32, #tpu.memory_space<vmem>>, vector<16xf32>,
      %parallel_loop3A_1056 = arith.constant 16 : i32
      %parallel_loop3A_1057 = vector.broadcast %parallel_loop3A_1056 : i32 to vector<16xi32>
      %parallel_loop3A_1058 = arith.addi %iota3A, %parallel_loop3A_1057 : vector<16xi32>
      %parallel_loop3A_1059 = tpu.vector_load_idx %arg7[%parallel_loop3A_1058, %parallel_loop3A_1048] : memref<64x512xf32, #tpu.memory_space<vmem>>[vector<16xi32>, vector<16xi32>], vector<16xf32>,
      %parallel_loop3A_1060 = arith.index_cast %parallel_loop3A_1045 : i32 to index
      %parallel_loop3A_1061 = arith.constant 16 : index
      %parallel_loop3A_1062 = tpu.vector_load %arg9[%parallel_loop3A_1060, %parallel_loop3A_1061] {strides = array<i32>} : memref<64x128xf32, #tpu.memory_space<vmem>>, vector<16xf32>,
      tpu.vector_store %arg9[%parallel_loop3A_1060, %parallel_loop3A_1061], %parallel_loop3A_1059 {strides = array<i32>} : memref<64x128xf32, #tpu.memory_space<vmem>>, vector<16xf32>,
      %parallel_loop3A_1063 = arith.constant 32 : i32
      %parallel_loop3A_1064 = vector.broadcast %parallel_loop3A_1063 : i32 to vector<16xi32>
      %parallel_loop3A_1065 = arith.addi %iota3A, %parallel_loop3A_1064 : vector<16xi32>
      %parallel_loop3A_1066 = tpu.vector_load_idx %arg7[%parallel_loop3A_1065, %parallel_loop3A_1048] : memref<64x512xf32, #tpu.memory_space<vmem>>[vector<16xi32>, vector<16xi32>], vector<16xf32>,
      %parallel_loop3A_1067 = arith.index_cast %parallel_loop3A_1045 : i32 to index
      %parallel_loop3A_1068 = arith.constant 32 : index
      %parallel_loop3A_1069 = tpu.vector_load %arg9[%parallel_loop3A_1067, %parallel_loop3A_1068] {strides = array<i32>} : memref<64x128xf32, #tpu.memory_space<vmem>>, vector<16xf32>,
      tpu.vector_store %arg9[%parallel_loop3A_1067, %parallel_loop3A_1068], %parallel_loop3A_1066 {strides = array<i32>} : memref<64x128xf32, #tpu.memory_space<vmem>>, vector<16xf32>,
      %parallel_loop3A_1070 = arith.constant 48 : i32
      %parallel_loop3A_1071 = vector.broadcast %parallel_loop3A_1070 : i32 to vector<16xi32>
      %parallel_loop3A_1072 = arith.addi %iota3A, %parallel_loop3A_1071 : vector<16xi32>
      %parallel_loop3A_1073 = tpu.vector_load_idx %arg7[%parallel_loop3A_1072, %parallel_loop3A_1048] : memref<64x512xf32, #tpu.memory_space<vmem>>[vector<16xi32>, vector<16xi32>], vector<16xf32>,
      %parallel_loop3A_1074 = arith.index_cast %parallel_loop3A_1045 : i32 to index
      %parallel_loop3A_1075 = arith.constant 48 : index
      %parallel_loop3A_1076 = tpu.vector_load %arg9[%parallel_loop3A_1074, %parallel_loop3A_1075] {strides = array<i32>} : memref<64x128xf32, #tpu.memory_space<vmem>>, vector<16xf32>,
      tpu.vector_store %arg9[%parallel_loop3A_1074, %parallel_loop3A_1075], %parallel_loop3A_1073 {strides = array<i32>} : memref<64x128xf32, #tpu.memory_space<vmem>>, vector<16xf32>,
    } {sc.loop_unroll_factor = 1 : i64, sc.parallel_access}
    %add3A_571 = arith.constant 1216 : i32
    %add3A_572 = arith.addi %add3A_36, %add3A_571 : i32
    %dma_start3A_573 = arith.constant 0 : i32
    %dma_start3A_574 = tpu.memref_slice %arg2[%add3A_572, %dma_start3A_573] : memref<65536x512xf32, #tpu.memory_space<hbm>> -> memref<64x512xf32, #tpu.memory_space<hbm>>
    %dma_start3A_575 = arith.constant 0 : i32
    %dma_start3A_576 = tpu.memref_slice %arg2[%add3A_572, %dma_start3A_575] : memref<65536x512xf32, #tpu.memory_space<hbm>> -> memref<64x512xf32, #tpu.memory_space<hbm>>
    tpu.enqueue_dma source(%dma_start3A_576 : memref<64x512xf32, #tpu.memory_space<hbm>>) target(%arg7 : memref<64x512xf32, #tpu.memory_space<vmem>>) target_semaphore(%arg15 : memref<!tpu.dma_semaphore, #tpu.memory_space<semaphore_mem>>)
    %dma_wait3A_577 = arith.constant 0 : i32
    %dma_wait3A_578 = tpu.memref_slice %arg2[%add3A_510, %dma_wait3A_577] : memref<65536x512xf32, #tpu.memory_space<hbm>> -> memref<64x512xf32, #tpu.memory_space<hbm>>
    %dma_wait3A_579 = arith.constant 0 : i32
    %dma_wait3A_580 = tpu.memref_slice %arg2[%add3A_510, %dma_wait3A_579] : memref<65536x512xf32, #tpu.memory_space<hbm>> -> memref<64x512xf32, #tpu.memory_space<hbm>>
    tpu.wait_dma2 semaphore(%arg16 : memref<!tpu.dma_semaphore, #tpu.memory_space<semaphore_mem>>) src(%dma_wait3A_580 : memref<64x512xf32, #tpu.memory_space<hbm>>) dst(%arg8 : memref<64x512xf32, #tpu.memory_space<vmem>>)
    %parallel_loop3A_581 = arith.constant 0 : i32
    %parallel_loop3A_582 = arith.constant 64 : i32
    %parallel_loop3A_583 = arith.constant 1 : i32
    scf.for %parallel_loop3A_1045 = %parallel_loop3A_581 to %parallel_loop3A_582 step %parallel_loop3A_583  : i32 {
      %parallel_loop3A_1046 = arith.index_cast %parallel_loop3A_1045 : i32 to index
      %parallel_loop3A_1047 = arith.constant 0 : index
      %parallel_loop3A_1048 = tpu.vector_load %arg13[%parallel_loop3A_1046, %parallel_loop3A_1047] {strides = array<i32>} : memref<64x16xi32, #tpu.memory_space<vmem>>, vector<16xi32>,
      %parallel_loop3A_1049 = arith.constant 0 : i32
      %parallel_loop3A_1050 = vector.broadcast %parallel_loop3A_1049 : i32 to vector<16xi32>
      %parallel_loop3A_1051 = arith.addi %iota3A, %parallel_loop3A_1050 : vector<16xi32>
      %parallel_loop3A_1052 = tpu.vector_load_idx %arg8[%parallel_loop3A_1051, %parallel_loop3A_1048] : memref<64x512xf32, #tpu.memory_space<vmem>>[vector<16xi32>, vector<16xi32>], vector<16xf32>,
      %parallel_loop3A_1053 = arith.index_cast %parallel_loop3A_1045 : i32 to index
      %parallel_loop3A_1054 = arith.constant 64 : index
      %parallel_loop3A_1055 = tpu.vector_load %arg9[%parallel_loop3A_1053, %parallel_loop3A_1054] {strides = array<i32>} : memref<64x128xf32, #tpu.memory_space<vmem>>, vector<16xf32>,
      tpu.vector_store %arg9[%parallel_loop3A_1053, %parallel_loop3A_1054], %parallel_loop3A_1052 {strides = array<i32>} : memref<64x128xf32, #tpu.memory_space<vmem>>, vector<16xf32>,
      %parallel_loop3A_1056 = arith.constant 16 : i32
      %parallel_loop3A_1057 = vector.broadcast %parallel_loop3A_1056 : i32 to vector<16xi32>
      %parallel_loop3A_1058 = arith.addi %iota3A, %parallel_loop3A_1057 : vector<16xi32>
      %parallel_loop3A_1059 = tpu.vector_load_idx %arg8[%parallel_loop3A_1058, %parallel_loop3A_1048] : memref<64x512xf32, #tpu.memory_space<vmem>>[vector<16xi32>, vector<16xi32>], vector<16xf32>,
      %parallel_loop3A_1060 = arith.index_cast %parallel_loop3A_1045 : i32 to index
      %parallel_loop3A_1061 = arith.constant 80 : index
      %parallel_loop3A_1062 = tpu.vector_load %arg9[%parallel_loop3A_1060, %parallel_loop3A_1061] {strides = array<i32>} : memref<64x128xf32, #tpu.memory_space<vmem>>, vector<16xf32>,
      tpu.vector_store %arg9[%parallel_loop3A_1060, %parallel_loop3A_1061], %parallel_loop3A_1059 {strides = array<i32>} : memref<64x128xf32, #tpu.memory_space<vmem>>, vector<16xf32>,
      %parallel_loop3A_1063 = arith.constant 32 : i32
      %parallel_loop3A_1064 = vector.broadcast %parallel_loop3A_1063 : i32 to vector<16xi32>
      %parallel_loop3A_1065 = arith.addi %iota3A, %parallel_loop3A_1064 : vector<16xi32>
      %parallel_loop3A_1066 = tpu.vector_load_idx %arg8[%parallel_loop3A_1065, %parallel_loop3A_1048] : memref<64x512xf32, #tpu.memory_space<vmem>>[vector<16xi32>, vector<16xi32>], vector<16xf32>,
      %parallel_loop3A_1067 = arith.index_cast %parallel_loop3A_1045 : i32 to index
      %parallel_loop3A_1068 = arith.constant 96 : index
      %parallel_loop3A_1069 = tpu.vector_load %arg9[%parallel_loop3A_1067, %parallel_loop3A_1068] {strides = array<i32>} : memref<64x128xf32, #tpu.memory_space<vmem>>, vector<16xf32>,
      tpu.vector_store %arg9[%parallel_loop3A_1067, %parallel_loop3A_1068], %parallel_loop3A_1066 {strides = array<i32>} : memref<64x128xf32, #tpu.memory_space<vmem>>, vector<16xf32>,
      %parallel_loop3A_1070 = arith.constant 48 : i32
      %parallel_loop3A_1071 = vector.broadcast %parallel_loop3A_1070 : i32 to vector<16xi32>
      %parallel_loop3A_1072 = arith.addi %iota3A, %parallel_loop3A_1071 : vector<16xi32>
      %parallel_loop3A_1073 = tpu.vector_load_idx %arg8[%parallel_loop3A_1072, %parallel_loop3A_1048] : memref<64x512xf32, #tpu.memory_space<vmem>>[vector<16xi32>, vector<16xi32>], vector<16xf32>,
      %parallel_loop3A_1074 = arith.index_cast %parallel_loop3A_1045 : i32 to index
      %parallel_loop3A_1075 = arith.constant 112 : index
      %parallel_loop3A_1076 = tpu.vector_load %arg9[%parallel_loop3A_1074, %parallel_loop3A_1075] {strides = array<i32>} : memref<64x128xf32, #tpu.memory_space<vmem>>, vector<16xf32>,
      tpu.vector_store %arg9[%parallel_loop3A_1074, %parallel_loop3A_1075], %parallel_loop3A_1073 {strides = array<i32>} : memref<64x128xf32, #tpu.memory_space<vmem>>, vector<16xf32>,
    } {sc.loop_unroll_factor = 1 : i64, sc.parallel_access}
    %add3A_584 = arith.constant 8 : i32
    %add3A_585 = arith.addi %add3A_584, %add3A_72 : i32
    %mul3A_586 = arith.constant 512 : i32
    %mul3A_587 = vector.broadcast %mul3A_586 : i32 to vector<16xi32>
    %mul3A_588 = arith.muli %add3A_56, %mul3A_587 : vector<16xi32>
    %add3A_589 = vector.broadcast %add3A_585 : i32 to vector<16xi32>
    %add3A_590 = arith.addi %mul3A_588, %add3A_589 : vector<16xi32>
    %swap3A_591 = arith.constant 0 : index
    %swap3A_592 = tpu.vector_load %arg11[%swap3A_591] {strides = array<i32>} : memref<64xi32, #tpu.memory_space<vmem>>, vector<16xi32>,
    tpu.vector_store %arg11[%swap3A_591], %add3A_590 {strides = array<i32>} : memref<64xi32, #tpu.memory_space<vmem>>, vector<16xi32>,
    %mul3A_593 = arith.constant 512 : i32
    %mul3A_594 = vector.broadcast %mul3A_593 : i32 to vector<16xi32>
    %mul3A_595 = arith.muli %add3A_59, %mul3A_594 : vector<16xi32>
    %add3A_596 = vector.broadcast %add3A_585 : i32 to vector<16xi32>
    %add3A_597 = arith.addi %mul3A_595, %add3A_596 : vector<16xi32>
    %swap3A_598 = arith.constant 16 : index
    %swap3A_599 = tpu.vector_load %arg11[%swap3A_598] {strides = array<i32>} : memref<64xi32, #tpu.memory_space<vmem>>, vector<16xi32>,
    tpu.vector_store %arg11[%swap3A_598], %add3A_597 {strides = array<i32>} : memref<64xi32, #tpu.memory_space<vmem>>, vector<16xi32>,
    %mul3A_600 = arith.constant 512 : i32
    %mul3A_601 = vector.broadcast %mul3A_600 : i32 to vector<16xi32>
    %mul3A_602 = arith.muli %add3A_62, %mul3A_601 : vector<16xi32>
    %add3A_603 = vector.broadcast %add3A_585 : i32 to vector<16xi32>
    %add3A_604 = arith.addi %mul3A_602, %add3A_603 : vector<16xi32>
    %swap3A_605 = arith.constant 32 : index
    %swap3A_606 = tpu.vector_load %arg11[%swap3A_605] {strides = array<i32>} : memref<64xi32, #tpu.memory_space<vmem>>, vector<16xi32>,
    tpu.vector_store %arg11[%swap3A_605], %add3A_604 {strides = array<i32>} : memref<64xi32, #tpu.memory_space<vmem>>, vector<16xi32>,
    %mul3A_607 = arith.constant 512 : i32
    %mul3A_608 = vector.broadcast %mul3A_607 : i32 to vector<16xi32>
    %mul3A_609 = arith.muli %add3A_65, %mul3A_608 : vector<16xi32>
    %add3A_610 = vector.broadcast %add3A_585 : i32 to vector<16xi32>
    %add3A_611 = arith.addi %mul3A_609, %add3A_610 : vector<16xi32>
    %swap3A_612 = arith.constant 48 : index
    %swap3A_613 = tpu.vector_load %arg11[%swap3A_612] {strides = array<i32>} : memref<64xi32, #tpu.memory_space<vmem>>, vector<16xi32>,
    tpu.vector_store %arg11[%swap3A_612], %add3A_611 {strides = array<i32>} : memref<64xi32, #tpu.memory_space<vmem>>, vector<16xi32>,
    %dma_start3A_614 = arith.constant 0 : i32
    %dma_start3A_615 = arith.constant 0 : i32
    %dma_start3A_616 = tpu.memref_slice %arg4[%dma_start3A_614, %dma_start3A_615] : memref<32768x128xf32, #tpu.memory_space<hbm>> -> memref<32768x128xf32, #tpu.memory_space<hbm>>
    tpu.enqueue_indirect_dma source(%arg9 : memref<64x128xf32, #tpu.memory_space<vmem>>) target(%dma_start3A_616 : memref<32768x128xf32, #tpu.memory_space<hbm>>) offsets(%arg11 : memref<64xi32, #tpu.memory_space<vmem>>) semaphore(%arg17 : memref<!tpu.dma_semaphore, #tpu.memory_space<semaphore_mem>>)
    %add3A_617 = arith.constant 1280 : i32
    %add3A_618 = arith.addi %add3A_36, %add3A_617 : i32
    %dma_start3A_619 = arith.constant 0 : i32
    %dma_start3A_620 = tpu.memref_slice %arg2[%add3A_618, %dma_start3A_619] : memref<65536x512xf32, #tpu.memory_space<hbm>> -> memref<64x512xf32, #tpu.memory_space<hbm>>
    %dma_start3A_621 = arith.constant 0 : i32
    %dma_start3A_622 = tpu.memref_slice %arg2[%add3A_618, %dma_start3A_621] : memref<65536x512xf32, #tpu.memory_space<hbm>> -> memref<64x512xf32, #tpu.memory_space<hbm>>
    tpu.enqueue_dma source(%dma_start3A_622 : memref<64x512xf32, #tpu.memory_space<hbm>>) target(%arg8 : memref<64x512xf32, #tpu.memory_space<vmem>>) target_semaphore(%arg16 : memref<!tpu.dma_semaphore, #tpu.memory_space<semaphore_mem>>)
    %dma_wait3A_623 = arith.constant 0 : i32
    %dma_wait3A_624 = arith.constant 0 : i32
    %dma_wait3A_625 = tpu.memref_slice %arg4[%dma_wait3A_623, %dma_wait3A_624] : memref<32768x128xf32, #tpu.memory_space<hbm>> -> memref<32768x128xf32, #tpu.memory_space<hbm>>
    tpu.wait_indirect_dma semaphore(%arg18 : memref<!tpu.dma_semaphore, #tpu.memory_space<semaphore_mem>>) src(%arg10 : memref<64x128xf32, #tpu.memory_space<vmem>>) dst(%dma_wait3A_625 : memref<32768x128xf32, #tpu.memory_space<hbm>>)
    %dma_wait3A_626 = arith.constant 0 : i32
    %dma_wait3A_627 = tpu.memref_slice %arg2[%add3A_556, %dma_wait3A_626] : memref<65536x512xf32, #tpu.memory_space<hbm>> -> memref<64x512xf32, #tpu.memory_space<hbm>>
    %dma_wait3A_628 = arith.constant 0 : i32
    %dma_wait3A_629 = tpu.memref_slice %arg2[%add3A_556, %dma_wait3A_628] : memref<65536x512xf32, #tpu.memory_space<hbm>> -> memref<64x512xf32, #tpu.memory_space<hbm>>
    tpu.wait_dma2 semaphore(%arg14 : memref<!tpu.dma_semaphore, #tpu.memory_space<semaphore_mem>>) src(%dma_wait3A_629 : memref<64x512xf32, #tpu.memory_space<hbm>>) dst(%arg6 : memref<64x512xf32, #tpu.memory_space<vmem>>)
    %parallel_loop3A_630 = arith.constant 0 : i32
    %parallel_loop3A_631 = arith.constant 64 : i32
    %parallel_loop3A_632 = arith.constant 1 : i32
    scf.for %parallel_loop3A_1045 = %parallel_loop3A_630 to %parallel_loop3A_631 step %parallel_loop3A_632  : i32 {
      %parallel_loop3A_1046 = arith.index_cast %parallel_loop3A_1045 : i32 to index
      %parallel_loop3A_1047 = arith.constant 0 : index
      %parallel_loop3A_1048 = tpu.vector_load %arg13[%parallel_loop3A_1046, %parallel_loop3A_1047] {strides = array<i32>} : memref<64x16xi32, #tpu.memory_space<vmem>>, vector<16xi32>,
      %parallel_loop3A_1049 = arith.constant 0 : i32
      %parallel_loop3A_1050 = vector.broadcast %parallel_loop3A_1049 : i32 to vector<16xi32>
      %parallel_loop3A_1051 = arith.addi %iota3A, %parallel_loop3A_1050 : vector<16xi32>
      %parallel_loop3A_1052 = tpu.vector_load_idx %arg6[%parallel_loop3A_1051, %parallel_loop3A_1048] : memref<64x512xf32, #tpu.memory_space<vmem>>[vector<16xi32>, vector<16xi32>], vector<16xf32>,
      %parallel_loop3A_1053 = arith.index_cast %parallel_loop3A_1045 : i32 to index
      %parallel_loop3A_1054 = arith.constant 0 : index
      %parallel_loop3A_1055 = tpu.vector_load %arg10[%parallel_loop3A_1053, %parallel_loop3A_1054] {strides = array<i32>} : memref<64x128xf32, #tpu.memory_space<vmem>>, vector<16xf32>,
      tpu.vector_store %arg10[%parallel_loop3A_1053, %parallel_loop3A_1054], %parallel_loop3A_1052 {strides = array<i32>} : memref<64x128xf32, #tpu.memory_space<vmem>>, vector<16xf32>,
      %parallel_loop3A_1056 = arith.constant 16 : i32
      %parallel_loop3A_1057 = vector.broadcast %parallel_loop3A_1056 : i32 to vector<16xi32>
      %parallel_loop3A_1058 = arith.addi %iota3A, %parallel_loop3A_1057 : vector<16xi32>
      %parallel_loop3A_1059 = tpu.vector_load_idx %arg6[%parallel_loop3A_1058, %parallel_loop3A_1048] : memref<64x512xf32, #tpu.memory_space<vmem>>[vector<16xi32>, vector<16xi32>], vector<16xf32>,
      %parallel_loop3A_1060 = arith.index_cast %parallel_loop3A_1045 : i32 to index
      %parallel_loop3A_1061 = arith.constant 16 : index
      %parallel_loop3A_1062 = tpu.vector_load %arg10[%parallel_loop3A_1060, %parallel_loop3A_1061] {strides = array<i32>} : memref<64x128xf32, #tpu.memory_space<vmem>>, vector<16xf32>,
      tpu.vector_store %arg10[%parallel_loop3A_1060, %parallel_loop3A_1061], %parallel_loop3A_1059 {strides = array<i32>} : memref<64x128xf32, #tpu.memory_space<vmem>>, vector<16xf32>,
      %parallel_loop3A_1063 = arith.constant 32 : i32
      %parallel_loop3A_1064 = vector.broadcast %parallel_loop3A_1063 : i32 to vector<16xi32>
      %parallel_loop3A_1065 = arith.addi %iota3A, %parallel_loop3A_1064 : vector<16xi32>
      %parallel_loop3A_1066 = tpu.vector_load_idx %arg6[%parallel_loop3A_1065, %parallel_loop3A_1048] : memref<64x512xf32, #tpu.memory_space<vmem>>[vector<16xi32>, vector<16xi32>], vector<16xf32>,
      %parallel_loop3A_1067 = arith.index_cast %parallel_loop3A_1045 : i32 to index
      %parallel_loop3A_1068 = arith.constant 32 : index
      %parallel_loop3A_1069 = tpu.vector_load %arg10[%parallel_loop3A_1067, %parallel_loop3A_1068] {strides = array<i32>} : memref<64x128xf32, #tpu.memory_space<vmem>>, vector<16xf32>,
      tpu.vector_store %arg10[%parallel_loop3A_1067, %parallel_loop3A_1068], %parallel_loop3A_1066 {strides = array<i32>} : memref<64x128xf32, #tpu.memory_space<vmem>>, vector<16xf32>,
      %parallel_loop3A_1070 = arith.constant 48 : i32
      %parallel_loop3A_1071 = vector.broadcast %parallel_loop3A_1070 : i32 to vector<16xi32>
      %parallel_loop3A_1072 = arith.addi %iota3A, %parallel_loop3A_1071 : vector<16xi32>
      %parallel_loop3A_1073 = tpu.vector_load_idx %arg6[%parallel_loop3A_1072, %parallel_loop3A_1048] : memref<64x512xf32, #tpu.memory_space<vmem>>[vector<16xi32>, vector<16xi32>], vector<16xf32>,
      %parallel_loop3A_1074 = arith.index_cast %parallel_loop3A_1045 : i32 to index
      %parallel_loop3A_1075 = arith.constant 48 : index
      %parallel_loop3A_1076 = tpu.vector_load %arg10[%parallel_loop3A_1074, %parallel_loop3A_1075] {strides = array<i32>} : memref<64x128xf32, #tpu.memory_space<vmem>>, vector<16xf32>,
      tpu.vector_store %arg10[%parallel_loop3A_1074, %parallel_loop3A_1075], %parallel_loop3A_1073 {strides = array<i32>} : memref<64x128xf32, #tpu.memory_space<vmem>>, vector<16xf32>,
    } {sc.loop_unroll_factor = 1 : i64, sc.parallel_access}
    %add3A_633 = arith.constant 1344 : i32
    %add3A_634 = arith.addi %add3A_36, %add3A_633 : i32
    %dma_start3A_635 = arith.constant 0 : i32
    %dma_start3A_636 = tpu.memref_slice %arg2[%add3A_634, %dma_start3A_635] : memref<65536x512xf32, #tpu.memory_space<hbm>> -> memref<64x512xf32, #tpu.memory_space<hbm>>
    %dma_start3A_637 = arith.constant 0 : i32
    %dma_start3A_638 = tpu.memref_slice %arg2[%add3A_634, %dma_start3A_637] : memref<65536x512xf32, #tpu.memory_space<hbm>> -> memref<64x512xf32, #tpu.memory_space<hbm>>
    tpu.enqueue_dma source(%dma_start3A_638 : memref<64x512xf32, #tpu.memory_space<hbm>>) target(%arg6 : memref<64x512xf32, #tpu.memory_space<vmem>>) target_semaphore(%arg14 : memref<!tpu.dma_semaphore, #tpu.memory_space<semaphore_mem>>)
    %dma_wait3A_639 = arith.constant 0 : i32
    %dma_wait3A_640 = tpu.memref_slice %arg2[%add3A_572, %dma_wait3A_639] : memref<65536x512xf32, #tpu.memory_space<hbm>> -> memref<64x512xf32, #tpu.memory_space<hbm>>
    %dma_wait3A_641 = arith.constant 0 : i32
    %dma_wait3A_642 = tpu.memref_slice %arg2[%add3A_572, %dma_wait3A_641] : memref<65536x512xf32, #tpu.memory_space<hbm>> -> memref<64x512xf32, #tpu.memory_space<hbm>>
    tpu.wait_dma2 semaphore(%arg15 : memref<!tpu.dma_semaphore, #tpu.memory_space<semaphore_mem>>) src(%dma_wait3A_642 : memref<64x512xf32, #tpu.memory_space<hbm>>) dst(%arg7 : memref<64x512xf32, #tpu.memory_space<vmem>>)
    %parallel_loop3A_643 = arith.constant 0 : i32
    %parallel_loop3A_644 = arith.constant 64 : i32
    %parallel_loop3A_645 = arith.constant 1 : i32
    scf.for %parallel_loop3A_1045 = %parallel_loop3A_643 to %parallel_loop3A_644 step %parallel_loop3A_645  : i32 {
      %parallel_loop3A_1046 = arith.index_cast %parallel_loop3A_1045 : i32 to index
      %parallel_loop3A_1047 = arith.constant 0 : index
      %parallel_loop3A_1048 = tpu.vector_load %arg13[%parallel_loop3A_1046, %parallel_loop3A_1047] {strides = array<i32>} : memref<64x16xi32, #tpu.memory_space<vmem>>, vector<16xi32>,
      %parallel_loop3A_1049 = arith.constant 0 : i32
      %parallel_loop3A_1050 = vector.broadcast %parallel_loop3A_1049 : i32 to vector<16xi32>
      %parallel_loop3A_1051 = arith.addi %iota3A, %parallel_loop3A_1050 : vector<16xi32>
      %parallel_loop3A_1052 = tpu.vector_load_idx %arg7[%parallel_loop3A_1051, %parallel_loop3A_1048] : memref<64x512xf32, #tpu.memory_space<vmem>>[vector<16xi32>, vector<16xi32>], vector<16xf32>,
      %parallel_loop3A_1053 = arith.index_cast %parallel_loop3A_1045 : i32 to index
      %parallel_loop3A_1054 = arith.constant 64 : index
      %parallel_loop3A_1055 = tpu.vector_load %arg10[%parallel_loop3A_1053, %parallel_loop3A_1054] {strides = array<i32>} : memref<64x128xf32, #tpu.memory_space<vmem>>, vector<16xf32>,
      tpu.vector_store %arg10[%parallel_loop3A_1053, %parallel_loop3A_1054], %parallel_loop3A_1052 {strides = array<i32>} : memref<64x128xf32, #tpu.memory_space<vmem>>, vector<16xf32>,
      %parallel_loop3A_1056 = arith.constant 16 : i32
      %parallel_loop3A_1057 = vector.broadcast %parallel_loop3A_1056 : i32 to vector<16xi32>
      %parallel_loop3A_1058 = arith.addi %iota3A, %parallel_loop3A_1057 : vector<16xi32>
      %parallel_loop3A_1059 = tpu.vector_load_idx %arg7[%parallel_loop3A_1058, %parallel_loop3A_1048] : memref<64x512xf32, #tpu.memory_space<vmem>>[vector<16xi32>, vector<16xi32>], vector<16xf32>,
      %parallel_loop3A_1060 = arith.index_cast %parallel_loop3A_1045 : i32 to index
      %parallel_loop3A_1061 = arith.constant 80 : index
      %parallel_loop3A_1062 = tpu.vector_load %arg10[%parallel_loop3A_1060, %parallel_loop3A_1061] {strides = array<i32>} : memref<64x128xf32, #tpu.memory_space<vmem>>, vector<16xf32>,
      tpu.vector_store %arg10[%parallel_loop3A_1060, %parallel_loop3A_1061], %parallel_loop3A_1059 {strides = array<i32>} : memref<64x128xf32, #tpu.memory_space<vmem>>, vector<16xf32>,
      %parallel_loop3A_1063 = arith.constant 32 : i32
      %parallel_loop3A_1064 = vector.broadcast %parallel_loop3A_1063 : i32 to vector<16xi32>
      %parallel_loop3A_1065 = arith.addi %iota3A, %parallel_loop3A_1064 : vector<16xi32>
      %parallel_loop3A_1066 = tpu.vector_load_idx %arg7[%parallel_loop3A_1065, %parallel_loop3A_1048] : memref<64x512xf32, #tpu.memory_space<vmem>>[vector<16xi32>, vector<16xi32>], vector<16xf32>,
      %parallel_loop3A_1067 = arith.index_cast %parallel_loop3A_1045 : i32 to index
      %parallel_loop3A_1068 = arith.constant 96 : index
      %parallel_loop3A_1069 = tpu.vector_load %arg10[%parallel_loop3A_1067, %parallel_loop3A_1068] {strides = array<i32>} : memref<64x128xf32, #tpu.memory_space<vmem>>, vector<16xf32>,
      tpu.vector_store %arg10[%parallel_loop3A_1067, %parallel_loop3A_1068], %parallel_loop3A_1066 {strides = array<i32>} : memref<64x128xf32, #tpu.memory_space<vmem>>, vector<16xf32>,
      %parallel_loop3A_1070 = arith.constant 48 : i32
      %parallel_loop3A_1071 = vector.broadcast %parallel_loop3A_1070 : i32 to vector<16xi32>
      %parallel_loop3A_1072 = arith.addi %iota3A, %parallel_loop3A_1071 : vector<16xi32>
      %parallel_loop3A_1073 = tpu.vector_load_idx %arg7[%parallel_loop3A_1072, %parallel_loop3A_1048] : memref<64x512xf32, #tpu.memory_space<vmem>>[vector<16xi32>, vector<16xi32>], vector<16xf32>,
      %parallel_loop3A_1074 = arith.index_cast %parallel_loop3A_1045 : i32 to index
      %parallel_loop3A_1075 = arith.constant 112 : index
      %parallel_loop3A_1076 = tpu.vector_load %arg10[%parallel_loop3A_1074, %parallel_loop3A_1075] {strides = array<i32>} : memref<64x128xf32, #tpu.memory_space<vmem>>, vector<16xf32>,
      tpu.vector_store %arg10[%parallel_loop3A_1074, %parallel_loop3A_1075], %parallel_loop3A_1073 {strides = array<i32>} : memref<64x128xf32, #tpu.memory_space<vmem>>, vector<16xf32>,
    } {sc.loop_unroll_factor = 1 : i64, sc.parallel_access}
    %add3A_646 = arith.constant 9 : i32
    %add3A_647 = arith.addi %add3A_646, %add3A_72 : i32
    %mul3A_648 = arith.constant 512 : i32
    %mul3A_649 = vector.broadcast %mul3A_648 : i32 to vector<16xi32>
    %mul3A_650 = arith.muli %add3A_56, %mul3A_649 : vector<16xi32>
    %add3A_651 = vector.broadcast %add3A_647 : i32 to vector<16xi32>
    %add3A_652 = arith.addi %mul3A_650, %add3A_651 : vector<16xi32>
    %swap3A_653 = arith.constant 0 : index
    %swap3A_654 = tpu.vector_load %arg12[%swap3A_653] {strides = array<i32>} : memref<64xi32, #tpu.memory_space<vmem>>, vector<16xi32>,
    tpu.vector_store %arg12[%swap3A_653], %add3A_652 {strides = array<i32>} : memref<64xi32, #tpu.memory_space<vmem>>, vector<16xi32>,
    %mul3A_655 = arith.constant 512 : i32
    %mul3A_656 = vector.broadcast %mul3A_655 : i32 to vector<16xi32>
    %mul3A_657 = arith.muli %add3A_59, %mul3A_656 : vector<16xi32>
    %add3A_658 = vector.broadcast %add3A_647 : i32 to vector<16xi32>
    %add3A_659 = arith.addi %mul3A_657, %add3A_658 : vector<16xi32>
    %swap3A_660 = arith.constant 16 : index
    %swap3A_661 = tpu.vector_load %arg12[%swap3A_660] {strides = array<i32>} : memref<64xi32, #tpu.memory_space<vmem>>, vector<16xi32>,
    tpu.vector_store %arg12[%swap3A_660], %add3A_659 {strides = array<i32>} : memref<64xi32, #tpu.memory_space<vmem>>, vector<16xi32>,
    %mul3A_662 = arith.constant 512 : i32
    %mul3A_663 = vector.broadcast %mul3A_662 : i32 to vector<16xi32>
    %mul3A_664 = arith.muli %add3A_62, %mul3A_663 : vector<16xi32>
    %add3A_665 = vector.broadcast %add3A_647 : i32 to vector<16xi32>
    %add3A_666 = arith.addi %mul3A_664, %add3A_665 : vector<16xi32>
    %swap3A_667 = arith.constant 32 : index
    %swap3A_668 = tpu.vector_load %arg12[%swap3A_667] {strides = array<i32>} : memref<64xi32, #tpu.memory_space<vmem>>, vector<16xi32>,
    tpu.vector_store %arg12[%swap3A_667], %add3A_666 {strides = array<i32>} : memref<64xi32, #tpu.memory_space<vmem>>, vector<16xi32>,
    %mul3A_669 = arith.constant 512 : i32
    %mul3A_670 = vector.broadcast %mul3A_669 : i32 to vector<16xi32>
    %mul3A_671 = arith.muli %add3A_65, %mul3A_670 : vector<16xi32>
    %add3A_672 = vector.broadcast %add3A_647 : i32 to vector<16xi32>
    %add3A_673 = arith.addi %mul3A_671, %add3A_672 : vector<16xi32>
    %swap3A_674 = arith.constant 48 : index
    %swap3A_675 = tpu.vector_load %arg12[%swap3A_674] {strides = array<i32>} : memref<64xi32, #tpu.memory_space<vmem>>, vector<16xi32>,
    tpu.vector_store %arg12[%swap3A_674], %add3A_673 {strides = array<i32>} : memref<64xi32, #tpu.memory_space<vmem>>, vector<16xi32>,
    %dma_start3A_676 = arith.constant 0 : i32
    %dma_start3A_677 = arith.constant 0 : i32
    %dma_start3A_678 = tpu.memref_slice %arg4[%dma_start3A_676, %dma_start3A_677] : memref<32768x128xf32, #tpu.memory_space<hbm>> -> memref<32768x128xf32, #tpu.memory_space<hbm>>
    tpu.enqueue_indirect_dma source(%arg10 : memref<64x128xf32, #tpu.memory_space<vmem>>) target(%dma_start3A_678 : memref<32768x128xf32, #tpu.memory_space<hbm>>) offsets(%arg12 : memref<64xi32, #tpu.memory_space<vmem>>) semaphore(%arg18 : memref<!tpu.dma_semaphore, #tpu.memory_space<semaphore_mem>>)
    %add3A_679 = arith.constant 1408 : i32
    %add3A_680 = arith.addi %add3A_36, %add3A_679 : i32
    %dma_start3A_681 = arith.constant 0 : i32
    %dma_start3A_682 = tpu.memref_slice %arg2[%add3A_680, %dma_start3A_681] : memref<65536x512xf32, #tpu.memory_space<hbm>> -> memref<64x512xf32, #tpu.memory_space<hbm>>
    %dma_start3A_683 = arith.constant 0 : i32
    %dma_start3A_684 = tpu.memref_slice %arg2[%add3A_680, %dma_start3A_683] : memref<65536x512xf32, #tpu.memory_space<hbm>> -> memref<64x512xf32, #tpu.memory_space<hbm>>
    tpu.enqueue_dma source(%dma_start3A_684 : memref<64x512xf32, #tpu.memory_space<hbm>>) target(%arg7 : memref<64x512xf32, #tpu.memory_space<vmem>>) target_semaphore(%arg15 : memref<!tpu.dma_semaphore, #tpu.memory_space<semaphore_mem>>)
    %dma_wait3A_685 = arith.constant 0 : i32
    %dma_wait3A_686 = arith.constant 0 : i32
    %dma_wait3A_687 = tpu.memref_slice %arg4[%dma_wait3A_685, %dma_wait3A_686] : memref<32768x128xf32, #tpu.memory_space<hbm>> -> memref<32768x128xf32, #tpu.memory_space<hbm>>
    tpu.wait_indirect_dma semaphore(%arg17 : memref<!tpu.dma_semaphore, #tpu.memory_space<semaphore_mem>>) src(%arg9 : memref<64x128xf32, #tpu.memory_space<vmem>>) dst(%dma_wait3A_687 : memref<32768x128xf32, #tpu.memory_space<hbm>>)
    %dma_wait3A_688 = arith.constant 0 : i32
    %dma_wait3A_689 = tpu.memref_slice %arg2[%add3A_618, %dma_wait3A_688] : memref<65536x512xf32, #tpu.memory_space<hbm>> -> memref<64x512xf32, #tpu.memory_space<hbm>>
    %dma_wait3A_690 = arith.constant 0 : i32
    %dma_wait3A_691 = tpu.memref_slice %arg2[%add3A_618, %dma_wait3A_690] : memref<65536x512xf32, #tpu.memory_space<hbm>> -> memref<64x512xf32, #tpu.memory_space<hbm>>
    tpu.wait_dma2 semaphore(%arg16 : memref<!tpu.dma_semaphore, #tpu.memory_space<semaphore_mem>>) src(%dma_wait3A_691 : memref<64x512xf32, #tpu.memory_space<hbm>>) dst(%arg8 : memref<64x512xf32, #tpu.memory_space<vmem>>)
    %parallel_loop3A_692 = arith.constant 0 : i32
    %parallel_loop3A_693 = arith.constant 64 : i32
    %parallel_loop3A_694 = arith.constant 1 : i32
    scf.for %parallel_loop3A_1045 = %parallel_loop3A_692 to %parallel_loop3A_693 step %parallel_loop3A_694  : i32 {
      %parallel_loop3A_1046 = arith.index_cast %parallel_loop3A_1045 : i32 to index
      %parallel_loop3A_1047 = arith.constant 0 : index
      %parallel_loop3A_1048 = tpu.vector_load %arg13[%parallel_loop3A_1046, %parallel_loop3A_1047] {strides = array<i32>} : memref<64x16xi32, #tpu.memory_space<vmem>>, vector<16xi32>,
      %parallel_loop3A_1049 = arith.constant 0 : i32
      %parallel_loop3A_1050 = vector.broadcast %parallel_loop3A_1049 : i32 to vector<16xi32>
      %parallel_loop3A_1051 = arith.addi %iota3A, %parallel_loop3A_1050 : vector<16xi32>
      %parallel_loop3A_1052 = tpu.vector_load_idx %arg8[%parallel_loop3A_1051, %parallel_loop3A_1048] : memref<64x512xf32, #tpu.memory_space<vmem>>[vector<16xi32>, vector<16xi32>], vector<16xf32>,
      %parallel_loop3A_1053 = arith.index_cast %parallel_loop3A_1045 : i32 to index
      %parallel_loop3A_1054 = arith.constant 0 : index
      %parallel_loop3A_1055 = tpu.vector_load %arg9[%parallel_loop3A_1053, %parallel_loop3A_1054] {strides = array<i32>} : memref<64x128xf32, #tpu.memory_space<vmem>>, vector<16xf32>,
      tpu.vector_store %arg9[%parallel_loop3A_1053, %parallel_loop3A_1054], %parallel_loop3A_1052 {strides = array<i32>} : memref<64x128xf32, #tpu.memory_space<vmem>>, vector<16xf32>,
      %parallel_loop3A_1056 = arith.constant 16 : i32
      %parallel_loop3A_1057 = vector.broadcast %parallel_loop3A_1056 : i32 to vector<16xi32>
      %parallel_loop3A_1058 = arith.addi %iota3A, %parallel_loop3A_1057 : vector<16xi32>
      %parallel_loop3A_1059 = tpu.vector_load_idx %arg8[%parallel_loop3A_1058, %parallel_loop3A_1048] : memref<64x512xf32, #tpu.memory_space<vmem>>[vector<16xi32>, vector<16xi32>], vector<16xf32>,
      %parallel_loop3A_1060 = arith.index_cast %parallel_loop3A_1045 : i32 to index
      %parallel_loop3A_1061 = arith.constant 16 : index
      %parallel_loop3A_1062 = tpu.vector_load %arg9[%parallel_loop3A_1060, %parallel_loop3A_1061] {strides = array<i32>} : memref<64x128xf32, #tpu.memory_space<vmem>>, vector<16xf32>,
      tpu.vector_store %arg9[%parallel_loop3A_1060, %parallel_loop3A_1061], %parallel_loop3A_1059 {strides = array<i32>} : memref<64x128xf32, #tpu.memory_space<vmem>>, vector<16xf32>,
      %parallel_loop3A_1063 = arith.constant 32 : i32
      %parallel_loop3A_1064 = vector.broadcast %parallel_loop3A_1063 : i32 to vector<16xi32>
      %parallel_loop3A_1065 = arith.addi %iota3A, %parallel_loop3A_1064 : vector<16xi32>
      %parallel_loop3A_1066 = tpu.vector_load_idx %arg8[%parallel_loop3A_1065, %parallel_loop3A_1048] : memref<64x512xf32, #tpu.memory_space<vmem>>[vector<16xi32>, vector<16xi32>], vector<16xf32>,
      %parallel_loop3A_1067 = arith.index_cast %parallel_loop3A_1045 : i32 to index
      %parallel_loop3A_1068 = arith.constant 32 : index
      %parallel_loop3A_1069 = tpu.vector_load %arg9[%parallel_loop3A_1067, %parallel_loop3A_1068] {strides = array<i32>} : memref<64x128xf32, #tpu.memory_space<vmem>>, vector<16xf32>,
      tpu.vector_store %arg9[%parallel_loop3A_1067, %parallel_loop3A_1068], %parallel_loop3A_1066 {strides = array<i32>} : memref<64x128xf32, #tpu.memory_space<vmem>>, vector<16xf32>,
      %parallel_loop3A_1070 = arith.constant 48 : i32
      %parallel_loop3A_1071 = vector.broadcast %parallel_loop3A_1070 : i32 to vector<16xi32>
      %parallel_loop3A_1072 = arith.addi %iota3A, %parallel_loop3A_1071 : vector<16xi32>
      %parallel_loop3A_1073 = tpu.vector_load_idx %arg8[%parallel_loop3A_1072, %parallel_loop3A_1048] : memref<64x512xf32, #tpu.memory_space<vmem>>[vector<16xi32>, vector<16xi32>], vector<16xf32>,
      %parallel_loop3A_1074 = arith.index_cast %parallel_loop3A_1045 : i32 to index
      %parallel_loop3A_1075 = arith.constant 48 : index
      %parallel_loop3A_1076 = tpu.vector_load %arg9[%parallel_loop3A_1074, %parallel_loop3A_1075] {strides = array<i32>} : memref<64x128xf32, #tpu.memory_space<vmem>>, vector<16xf32>,
      tpu.vector_store %arg9[%parallel_loop3A_1074, %parallel_loop3A_1075], %parallel_loop3A_1073 {strides = array<i32>} : memref<64x128xf32, #tpu.memory_space<vmem>>, vector<16xf32>,
    } {sc.loop_unroll_factor = 1 : i64, sc.parallel_access}
    %add3A_695 = arith.constant 1472 : i32
    %add3A_696 = arith.addi %add3A_36, %add3A_695 : i32
    %dma_start3A_697 = arith.constant 0 : i32
    %dma_start3A_698 = tpu.memref_slice %arg2[%add3A_696, %dma_start3A_697] : memref<65536x512xf32, #tpu.memory_space<hbm>> -> memref<64x512xf32, #tpu.memory_space<hbm>>
    %dma_start3A_699 = arith.constant 0 : i32
    %dma_start3A_700 = tpu.memref_slice %arg2[%add3A_696, %dma_start3A_699] : memref<65536x512xf32, #tpu.memory_space<hbm>> -> memref<64x512xf32, #tpu.memory_space<hbm>>
    tpu.enqueue_dma source(%dma_start3A_700 : memref<64x512xf32, #tpu.memory_space<hbm>>) target(%arg8 : memref<64x512xf32, #tpu.memory_space<vmem>>) target_semaphore(%arg16 : memref<!tpu.dma_semaphore, #tpu.memory_space<semaphore_mem>>)
    %dma_wait3A_701 = arith.constant 0 : i32
    %dma_wait3A_702 = tpu.memref_slice %arg2[%add3A_634, %dma_wait3A_701] : memref<65536x512xf32, #tpu.memory_space<hbm>> -> memref<64x512xf32, #tpu.memory_space<hbm>>
    %dma_wait3A_703 = arith.constant 0 : i32
    %dma_wait3A_704 = tpu.memref_slice %arg2[%add3A_634, %dma_wait3A_703] : memref<65536x512xf32, #tpu.memory_space<hbm>> -> memref<64x512xf32, #tpu.memory_space<hbm>>
    tpu.wait_dma2 semaphore(%arg14 : memref<!tpu.dma_semaphore, #tpu.memory_space<semaphore_mem>>) src(%dma_wait3A_704 : memref<64x512xf32, #tpu.memory_space<hbm>>) dst(%arg6 : memref<64x512xf32, #tpu.memory_space<vmem>>)
    %parallel_loop3A_705 = arith.constant 0 : i32
    %parallel_loop3A_706 = arith.constant 64 : i32
    %parallel_loop3A_707 = arith.constant 1 : i32
    scf.for %parallel_loop3A_1045 = %parallel_loop3A_705 to %parallel_loop3A_706 step %parallel_loop3A_707  : i32 {
      %parallel_loop3A_1046 = arith.index_cast %parallel_loop3A_1045 : i32 to index
      %parallel_loop3A_1047 = arith.constant 0 : index
      %parallel_loop3A_1048 = tpu.vector_load %arg13[%parallel_loop3A_1046, %parallel_loop3A_1047] {strides = array<i32>} : memref<64x16xi32, #tpu.memory_space<vmem>>, vector<16xi32>,
      %parallel_loop3A_1049 = arith.constant 0 : i32
      %parallel_loop3A_1050 = vector.broadcast %parallel_loop3A_1049 : i32 to vector<16xi32>
      %parallel_loop3A_1051 = arith.addi %iota3A, %parallel_loop3A_1050 : vector<16xi32>
      %parallel_loop3A_1052 = tpu.vector_load_idx %arg6[%parallel_loop3A_1051, %parallel_loop3A_1048] : memref<64x512xf32, #tpu.memory_space<vmem>>[vector<16xi32>, vector<16xi32>], vector<16xf32>,
      %parallel_loop3A_1053 = arith.index_cast %parallel_loop3A_1045 : i32 to index
      %parallel_loop3A_1054 = arith.constant 64 : index
      %parallel_loop3A_1055 = tpu.vector_load %arg9[%parallel_loop3A_1053, %parallel_loop3A_1054] {strides = array<i32>} : memref<64x128xf32, #tpu.memory_space<vmem>>, vector<16xf32>,
      tpu.vector_store %arg9[%parallel_loop3A_1053, %parallel_loop3A_1054], %parallel_loop3A_1052 {strides = array<i32>} : memref<64x128xf32, #tpu.memory_space<vmem>>, vector<16xf32>,
      %parallel_loop3A_1056 = arith.constant 16 : i32
      %parallel_loop3A_1057 = vector.broadcast %parallel_loop3A_1056 : i32 to vector<16xi32>
      %parallel_loop3A_1058 = arith.addi %iota3A, %parallel_loop3A_1057 : vector<16xi32>
      %parallel_loop3A_1059 = tpu.vector_load_idx %arg6[%parallel_loop3A_1058, %parallel_loop3A_1048] : memref<64x512xf32, #tpu.memory_space<vmem>>[vector<16xi32>, vector<16xi32>], vector<16xf32>,
      %parallel_loop3A_1060 = arith.index_cast %parallel_loop3A_1045 : i32 to index
      %parallel_loop3A_1061 = arith.constant 80 : index
      %parallel_loop3A_1062 = tpu.vector_load %arg9[%parallel_loop3A_1060, %parallel_loop3A_1061] {strides = array<i32>} : memref<64x128xf32, #tpu.memory_space<vmem>>, vector<16xf32>,
      tpu.vector_store %arg9[%parallel_loop3A_1060, %parallel_loop3A_1061], %parallel_loop3A_1059 {strides = array<i32>} : memref<64x128xf32, #tpu.memory_space<vmem>>, vector<16xf32>,
      %parallel_loop3A_1063 = arith.constant 32 : i32
      %parallel_loop3A_1064 = vector.broadcast %parallel_loop3A_1063 : i32 to vector<16xi32>
      %parallel_loop3A_1065 = arith.addi %iota3A, %parallel_loop3A_1064 : vector<16xi32>
      %parallel_loop3A_1066 = tpu.vector_load_idx %arg6[%parallel_loop3A_1065, %parallel_loop3A_1048] : memref<64x512xf32, #tpu.memory_space<vmem>>[vector<16xi32>, vector<16xi32>], vector<16xf32>,
      %parallel_loop3A_1067 = arith.index_cast %parallel_loop3A_1045 : i32 to index
      %parallel_loop3A_1068 = arith.constant 96 : index
      %parallel_loop3A_1069 = tpu.vector_load %arg9[%parallel_loop3A_1067, %parallel_loop3A_1068] {strides = array<i32>} : memref<64x128xf32, #tpu.memory_space<vmem>>, vector<16xf32>,
      tpu.vector_store %arg9[%parallel_loop3A_1067, %parallel_loop3A_1068], %parallel_loop3A_1066 {strides = array<i32>} : memref<64x128xf32, #tpu.memory_space<vmem>>, vector<16xf32>,
      %parallel_loop3A_1070 = arith.constant 48 : i32
      %parallel_loop3A_1071 = vector.broadcast %parallel_loop3A_1070 : i32 to vector<16xi32>
      %parallel_loop3A_1072 = arith.addi %iota3A, %parallel_loop3A_1071 : vector<16xi32>
      %parallel_loop3A_1073 = tpu.vector_load_idx %arg6[%parallel_loop3A_1072, %parallel_loop3A_1048] : memref<64x512xf32, #tpu.memory_space<vmem>>[vector<16xi32>, vector<16xi32>], vector<16xf32>,
      %parallel_loop3A_1074 = arith.index_cast %parallel_loop3A_1045 : i32 to index
      %parallel_loop3A_1075 = arith.constant 112 : index
      %parallel_loop3A_1076 = tpu.vector_load %arg9[%parallel_loop3A_1074, %parallel_loop3A_1075] {strides = array<i32>} : memref<64x128xf32, #tpu.memory_space<vmem>>, vector<16xf32>,
      tpu.vector_store %arg9[%parallel_loop3A_1074, %parallel_loop3A_1075], %parallel_loop3A_1073 {strides = array<i32>} : memref<64x128xf32, #tpu.memory_space<vmem>>, vector<16xf32>,
    } {sc.loop_unroll_factor = 1 : i64, sc.parallel_access}
    %add3A_708 = arith.constant 10 : i32
    %add3A_709 = arith.addi %add3A_708, %add3A_72 : i32
    %mul3A_710 = arith.constant 512 : i32
    %mul3A_711 = vector.broadcast %mul3A_710 : i32 to vector<16xi32>
    %mul3A_712 = arith.muli %add3A_56, %mul3A_711 : vector<16xi32>
    %add3A_713 = vector.broadcast %add3A_709 : i32 to vector<16xi32>
    %add3A_714 = arith.addi %mul3A_712, %add3A_713 : vector<16xi32>
    %swap3A_715 = arith.constant 0 : index
    %swap3A_716 = tpu.vector_load %arg11[%swap3A_715] {strides = array<i32>} : memref<64xi32, #tpu.memory_space<vmem>>, vector<16xi32>,
    tpu.vector_store %arg11[%swap3A_715], %add3A_714 {strides = array<i32>} : memref<64xi32, #tpu.memory_space<vmem>>, vector<16xi32>,
    %mul3A_717 = arith.constant 512 : i32
    %mul3A_718 = vector.broadcast %mul3A_717 : i32 to vector<16xi32>
    %mul3A_719 = arith.muli %add3A_59, %mul3A_718 : vector<16xi32>
    %add3A_720 = vector.broadcast %add3A_709 : i32 to vector<16xi32>
    %add3A_721 = arith.addi %mul3A_719, %add3A_720 : vector<16xi32>
    %swap3A_722 = arith.constant 16 : index
    %swap3A_723 = tpu.vector_load %arg11[%swap3A_722] {strides = array<i32>} : memref<64xi32, #tpu.memory_space<vmem>>, vector<16xi32>,
    tpu.vector_store %arg11[%swap3A_722], %add3A_721 {strides = array<i32>} : memref<64xi32, #tpu.memory_space<vmem>>, vector<16xi32>,
    %mul3A_724 = arith.constant 512 : i32
    %mul3A_725 = vector.broadcast %mul3A_724 : i32 to vector<16xi32>
    %mul3A_726 = arith.muli %add3A_62, %mul3A_725 : vector<16xi32>
    %add3A_727 = vector.broadcast %add3A_709 : i32 to vector<16xi32>
    %add3A_728 = arith.addi %mul3A_726, %add3A_727 : vector<16xi32>
    %swap3A_729 = arith.constant 32 : index
    %swap3A_730 = tpu.vector_load %arg11[%swap3A_729] {strides = array<i32>} : memref<64xi32, #tpu.memory_space<vmem>>, vector<16xi32>,
    tpu.vector_store %arg11[%swap3A_729], %add3A_728 {strides = array<i32>} : memref<64xi32, #tpu.memory_space<vmem>>, vector<16xi32>,
    %mul3A_731 = arith.constant 512 : i32
    %mul3A_732 = vector.broadcast %mul3A_731 : i32 to vector<16xi32>
    %mul3A_733 = arith.muli %add3A_65, %mul3A_732 : vector<16xi32>
    %add3A_734 = vector.broadcast %add3A_709 : i32 to vector<16xi32>
    %add3A_735 = arith.addi %mul3A_733, %add3A_734 : vector<16xi32>
    %swap3A_736 = arith.constant 48 : index
    %swap3A_737 = tpu.vector_load %arg11[%swap3A_736] {strides = array<i32>} : memref<64xi32, #tpu.memory_space<vmem>>, vector<16xi32>,
    tpu.vector_store %arg11[%swap3A_736], %add3A_735 {strides = array<i32>} : memref<64xi32, #tpu.memory_space<vmem>>, vector<16xi32>,
    %dma_start3A_738 = arith.constant 0 : i32
    %dma_start3A_739 = arith.constant 0 : i32
    %dma_start3A_740 = tpu.memref_slice %arg4[%dma_start3A_738, %dma_start3A_739] : memref<32768x128xf32, #tpu.memory_space<hbm>> -> memref<32768x128xf32, #tpu.memory_space<hbm>>
    tpu.enqueue_indirect_dma source(%arg9 : memref<64x128xf32, #tpu.memory_space<vmem>>) target(%dma_start3A_740 : memref<32768x128xf32, #tpu.memory_space<hbm>>) offsets(%arg11 : memref<64xi32, #tpu.memory_space<vmem>>) semaphore(%arg17 : memref<!tpu.dma_semaphore, #tpu.memory_space<semaphore_mem>>)
    %add3A_741 = arith.constant 1536 : i32
    %add3A_742 = arith.addi %add3A_36, %add3A_741 : i32
    %dma_start3A_743 = arith.constant 0 : i32
    %dma_start3A_744 = tpu.memref_slice %arg2[%add3A_742, %dma_start3A_743] : memref<65536x512xf32, #tpu.memory_space<hbm>> -> memref<64x512xf32, #tpu.memory_space<hbm>>
    %dma_start3A_745 = arith.constant 0 : i32
    %dma_start3A_746 = tpu.memref_slice %arg2[%add3A_742, %dma_start3A_745] : memref<65536x512xf32, #tpu.memory_space<hbm>> -> memref<64x512xf32, #tpu.memory_space<hbm>>
    tpu.enqueue_dma source(%dma_start3A_746 : memref<64x512xf32, #tpu.memory_space<hbm>>) target(%arg6 : memref<64x512xf32, #tpu.memory_space<vmem>>) target_semaphore(%arg14 : memref<!tpu.dma_semaphore, #tpu.memory_space<semaphore_mem>>)
    %dma_wait3A_747 = arith.constant 0 : i32
    %dma_wait3A_748 = arith.constant 0 : i32
    %dma_wait3A_749 = tpu.memref_slice %arg4[%dma_wait3A_747, %dma_wait3A_748] : memref<32768x128xf32, #tpu.memory_space<hbm>> -> memref<32768x128xf32, #tpu.memory_space<hbm>>
    tpu.wait_indirect_dma semaphore(%arg18 : memref<!tpu.dma_semaphore, #tpu.memory_space<semaphore_mem>>) src(%arg10 : memref<64x128xf32, #tpu.memory_space<vmem>>) dst(%dma_wait3A_749 : memref<32768x128xf32, #tpu.memory_space<hbm>>)
    %dma_wait3A_750 = arith.constant 0 : i32
    %dma_wait3A_751 = tpu.memref_slice %arg2[%add3A_680, %dma_wait3A_750] : memref<65536x512xf32, #tpu.memory_space<hbm>> -> memref<64x512xf32, #tpu.memory_space<hbm>>
    %dma_wait3A_752 = arith.constant 0 : i32
    %dma_wait3A_753 = tpu.memref_slice %arg2[%add3A_680, %dma_wait3A_752] : memref<65536x512xf32, #tpu.memory_space<hbm>> -> memref<64x512xf32, #tpu.memory_space<hbm>>
    tpu.wait_dma2 semaphore(%arg15 : memref<!tpu.dma_semaphore, #tpu.memory_space<semaphore_mem>>) src(%dma_wait3A_753 : memref<64x512xf32, #tpu.memory_space<hbm>>) dst(%arg7 : memref<64x512xf32, #tpu.memory_space<vmem>>)
    %parallel_loop3A_754 = arith.constant 0 : i32
    %parallel_loop3A_755 = arith.constant 64 : i32
    %parallel_loop3A_756 = arith.constant 1 : i32
    scf.for %parallel_loop3A_1045 = %parallel_loop3A_754 to %parallel_loop3A_755 step %parallel_loop3A_756  : i32 {
      %parallel_loop3A_1046 = arith.index_cast %parallel_loop3A_1045 : i32 to index
      %parallel_loop3A_1047 = arith.constant 0 : index
      %parallel_loop3A_1048 = tpu.vector_load %arg13[%parallel_loop3A_1046, %parallel_loop3A_1047] {strides = array<i32>} : memref<64x16xi32, #tpu.memory_space<vmem>>, vector<16xi32>,
      %parallel_loop3A_1049 = arith.constant 0 : i32
      %parallel_loop3A_1050 = vector.broadcast %parallel_loop3A_1049 : i32 to vector<16xi32>
      %parallel_loop3A_1051 = arith.addi %iota3A, %parallel_loop3A_1050 : vector<16xi32>
      %parallel_loop3A_1052 = tpu.vector_load_idx %arg7[%parallel_loop3A_1051, %parallel_loop3A_1048] : memref<64x512xf32, #tpu.memory_space<vmem>>[vector<16xi32>, vector<16xi32>], vector<16xf32>,
      %parallel_loop3A_1053 = arith.index_cast %parallel_loop3A_1045 : i32 to index
      %parallel_loop3A_1054 = arith.constant 0 : index
      %parallel_loop3A_1055 = tpu.vector_load %arg10[%parallel_loop3A_1053, %parallel_loop3A_1054] {strides = array<i32>} : memref<64x128xf32, #tpu.memory_space<vmem>>, vector<16xf32>,
      tpu.vector_store %arg10[%parallel_loop3A_1053, %parallel_loop3A_1054], %parallel_loop3A_1052 {strides = array<i32>} : memref<64x128xf32, #tpu.memory_space<vmem>>, vector<16xf32>,
      %parallel_loop3A_1056 = arith.constant 16 : i32
      %parallel_loop3A_1057 = vector.broadcast %parallel_loop3A_1056 : i32 to vector<16xi32>
      %parallel_loop3A_1058 = arith.addi %iota3A, %parallel_loop3A_1057 : vector<16xi32>
      %parallel_loop3A_1059 = tpu.vector_load_idx %arg7[%parallel_loop3A_1058, %parallel_loop3A_1048] : memref<64x512xf32, #tpu.memory_space<vmem>>[vector<16xi32>, vector<16xi32>], vector<16xf32>,
      %parallel_loop3A_1060 = arith.index_cast %parallel_loop3A_1045 : i32 to index
      %parallel_loop3A_1061 = arith.constant 16 : index
      %parallel_loop3A_1062 = tpu.vector_load %arg10[%parallel_loop3A_1060, %parallel_loop3A_1061] {strides = array<i32>} : memref<64x128xf32, #tpu.memory_space<vmem>>, vector<16xf32>,
      tpu.vector_store %arg10[%parallel_loop3A_1060, %parallel_loop3A_1061], %parallel_loop3A_1059 {strides = array<i32>} : memref<64x128xf32, #tpu.memory_space<vmem>>, vector<16xf32>,
      %parallel_loop3A_1063 = arith.constant 32 : i32
      %parallel_loop3A_1064 = vector.broadcast %parallel_loop3A_1063 : i32 to vector<16xi32>
      %parallel_loop3A_1065 = arith.addi %iota3A, %parallel_loop3A_1064 : vector<16xi32>
      %parallel_loop3A_1066 = tpu.vector_load_idx %arg7[%parallel_loop3A_1065, %parallel_loop3A_1048] : memref<64x512xf32, #tpu.memory_space<vmem>>[vector<16xi32>, vector<16xi32>], vector<16xf32>,
      %parallel_loop3A_1067 = arith.index_cast %parallel_loop3A_1045 : i32 to index
      %parallel_loop3A_1068 = arith.constant 32 : index
      %parallel_loop3A_1069 = tpu.vector_load %arg10[%parallel_loop3A_1067, %parallel_loop3A_1068] {strides = array<i32>} : memref<64x128xf32, #tpu.memory_space<vmem>>, vector<16xf32>,
      tpu.vector_store %arg10[%parallel_loop3A_1067, %parallel_loop3A_1068], %parallel_loop3A_1066 {strides = array<i32>} : memref<64x128xf32, #tpu.memory_space<vmem>>, vector<16xf32>,
      %parallel_loop3A_1070 = arith.constant 48 : i32
      %parallel_loop3A_1071 = vector.broadcast %parallel_loop3A_1070 : i32 to vector<16xi32>
      %parallel_loop3A_1072 = arith.addi %iota3A, %parallel_loop3A_1071 : vector<16xi32>
      %parallel_loop3A_1073 = tpu.vector_load_idx %arg7[%parallel_loop3A_1072, %parallel_loop3A_1048] : memref<64x512xf32, #tpu.memory_space<vmem>>[vector<16xi32>, vector<16xi32>], vector<16xf32>,
      %parallel_loop3A_1074 = arith.index_cast %parallel_loop3A_1045 : i32 to index
      %parallel_loop3A_1075 = arith.constant 48 : index
      %parallel_loop3A_1076 = tpu.vector_load %arg10[%parallel_loop3A_1074, %parallel_loop3A_1075] {strides = array<i32>} : memref<64x128xf32, #tpu.memory_space<vmem>>, vector<16xf32>,
      tpu.vector_store %arg10[%parallel_loop3A_1074, %parallel_loop3A_1075], %parallel_loop3A_1073 {strides = array<i32>} : memref<64x128xf32, #tpu.memory_space<vmem>>, vector<16xf32>,
    } {sc.loop_unroll_factor = 1 : i64, sc.parallel_access}
    %add3A_757 = arith.constant 1600 : i32
    %add3A_758 = arith.addi %add3A_36, %add3A_757 : i32
    %dma_start3A_759 = arith.constant 0 : i32
    %dma_start3A_760 = tpu.memref_slice %arg2[%add3A_758, %dma_start3A_759] : memref<65536x512xf32, #tpu.memory_space<hbm>> -> memref<64x512xf32, #tpu.memory_space<hbm>>
    %dma_start3A_761 = arith.constant 0 : i32
    %dma_start3A_762 = tpu.memref_slice %arg2[%add3A_758, %dma_start3A_761] : memref<65536x512xf32, #tpu.memory_space<hbm>> -> memref<64x512xf32, #tpu.memory_space<hbm>>
    tpu.enqueue_dma source(%dma_start3A_762 : memref<64x512xf32, #tpu.memory_space<hbm>>) target(%arg7 : memref<64x512xf32, #tpu.memory_space<vmem>>) target_semaphore(%arg15 : memref<!tpu.dma_semaphore, #tpu.memory_space<semaphore_mem>>)
    %dma_wait3A_763 = arith.constant 0 : i32
    %dma_wait3A_764 = tpu.memref_slice %arg2[%add3A_696, %dma_wait3A_763] : memref<65536x512xf32, #tpu.memory_space<hbm>> -> memref<64x512xf32, #tpu.memory_space<hbm>>
    %dma_wait3A_765 = arith.constant 0 : i32
    %dma_wait3A_766 = tpu.memref_slice %arg2[%add3A_696, %dma_wait3A_765] : memref<65536x512xf32, #tpu.memory_space<hbm>> -> memref<64x512xf32, #tpu.memory_space<hbm>>
    tpu.wait_dma2 semaphore(%arg16 : memref<!tpu.dma_semaphore, #tpu.memory_space<semaphore_mem>>) src(%dma_wait3A_766 : memref<64x512xf32, #tpu.memory_space<hbm>>) dst(%arg8 : memref<64x512xf32, #tpu.memory_space<vmem>>)
    %parallel_loop3A_767 = arith.constant 0 : i32
    %parallel_loop3A_768 = arith.constant 64 : i32
    %parallel_loop3A_769 = arith.constant 1 : i32
    scf.for %parallel_loop3A_1045 = %parallel_loop3A_767 to %parallel_loop3A_768 step %parallel_loop3A_769  : i32 {
      %parallel_loop3A_1046 = arith.index_cast %parallel_loop3A_1045 : i32 to index
      %parallel_loop3A_1047 = arith.constant 0 : index
      %parallel_loop3A_1048 = tpu.vector_load %arg13[%parallel_loop3A_1046, %parallel_loop3A_1047] {strides = array<i32>} : memref<64x16xi32, #tpu.memory_space<vmem>>, vector<16xi32>,
      %parallel_loop3A_1049 = arith.constant 0 : i32
      %parallel_loop3A_1050 = vector.broadcast %parallel_loop3A_1049 : i32 to vector<16xi32>
      %parallel_loop3A_1051 = arith.addi %iota3A, %parallel_loop3A_1050 : vector<16xi32>
      %parallel_loop3A_1052 = tpu.vector_load_idx %arg8[%parallel_loop3A_1051, %parallel_loop3A_1048] : memref<64x512xf32, #tpu.memory_space<vmem>>[vector<16xi32>, vector<16xi32>], vector<16xf32>,
      %parallel_loop3A_1053 = arith.index_cast %parallel_loop3A_1045 : i32 to index
      %parallel_loop3A_1054 = arith.constant 64 : index
      %parallel_loop3A_1055 = tpu.vector_load %arg10[%parallel_loop3A_1053, %parallel_loop3A_1054] {strides = array<i32>} : memref<64x128xf32, #tpu.memory_space<vmem>>, vector<16xf32>,
      tpu.vector_store %arg10[%parallel_loop3A_1053, %parallel_loop3A_1054], %parallel_loop3A_1052 {strides = array<i32>} : memref<64x128xf32, #tpu.memory_space<vmem>>, vector<16xf32>,
      %parallel_loop3A_1056 = arith.constant 16 : i32
      %parallel_loop3A_1057 = vector.broadcast %parallel_loop3A_1056 : i32 to vector<16xi32>
      %parallel_loop3A_1058 = arith.addi %iota3A, %parallel_loop3A_1057 : vector<16xi32>
      %parallel_loop3A_1059 = tpu.vector_load_idx %arg8[%parallel_loop3A_1058, %parallel_loop3A_1048] : memref<64x512xf32, #tpu.memory_space<vmem>>[vector<16xi32>, vector<16xi32>], vector<16xf32>,
      %parallel_loop3A_1060 = arith.index_cast %parallel_loop3A_1045 : i32 to index
      %parallel_loop3A_1061 = arith.constant 80 : index
      %parallel_loop3A_1062 = tpu.vector_load %arg10[%parallel_loop3A_1060, %parallel_loop3A_1061] {strides = array<i32>} : memref<64x128xf32, #tpu.memory_space<vmem>>, vector<16xf32>,
      tpu.vector_store %arg10[%parallel_loop3A_1060, %parallel_loop3A_1061], %parallel_loop3A_1059 {strides = array<i32>} : memref<64x128xf32, #tpu.memory_space<vmem>>, vector<16xf32>,
      %parallel_loop3A_1063 = arith.constant 32 : i32
      %parallel_loop3A_1064 = vector.broadcast %parallel_loop3A_1063 : i32 to vector<16xi32>
      %parallel_loop3A_1065 = arith.addi %iota3A, %parallel_loop3A_1064 : vector<16xi32>
      %parallel_loop3A_1066 = tpu.vector_load_idx %arg8[%parallel_loop3A_1065, %parallel_loop3A_1048] : memref<64x512xf32, #tpu.memory_space<vmem>>[vector<16xi32>, vector<16xi32>], vector<16xf32>,
      %parallel_loop3A_1067 = arith.index_cast %parallel_loop3A_1045 : i32 to index
      %parallel_loop3A_1068 = arith.constant 96 : index
      %parallel_loop3A_1069 = tpu.vector_load %arg10[%parallel_loop3A_1067, %parallel_loop3A_1068] {strides = array<i32>} : memref<64x128xf32, #tpu.memory_space<vmem>>, vector<16xf32>,
      tpu.vector_store %arg10[%parallel_loop3A_1067, %parallel_loop3A_1068], %parallel_loop3A_1066 {strides = array<i32>} : memref<64x128xf32, #tpu.memory_space<vmem>>, vector<16xf32>,
      %parallel_loop3A_1070 = arith.constant 48 : i32
      %parallel_loop3A_1071 = vector.broadcast %parallel_loop3A_1070 : i32 to vector<16xi32>
      %parallel_loop3A_1072 = arith.addi %iota3A, %parallel_loop3A_1071 : vector<16xi32>
      %parallel_loop3A_1073 = tpu.vector_load_idx %arg8[%parallel_loop3A_1072, %parallel_loop3A_1048] : memref<64x512xf32, #tpu.memory_space<vmem>>[vector<16xi32>, vector<16xi32>], vector<16xf32>,
      %parallel_loop3A_1074 = arith.index_cast %parallel_loop3A_1045 : i32 to index
      %parallel_loop3A_1075 = arith.constant 112 : index
      %parallel_loop3A_1076 = tpu.vector_load %arg10[%parallel_loop3A_1074, %parallel_loop3A_1075] {strides = array<i32>} : memref<64x128xf32, #tpu.memory_space<vmem>>, vector<16xf32>,
      tpu.vector_store %arg10[%parallel_loop3A_1074, %parallel_loop3A_1075], %parallel_loop3A_1073 {strides = array<i32>} : memref<64x128xf32, #tpu.memory_space<vmem>>, vector<16xf32>,
    } {sc.loop_unroll_factor = 1 : i64, sc.parallel_access}
    %add3A_770 = arith.constant 11 : i32
    %add3A_771 = arith.addi %add3A_770, %add3A_72 : i32
    %mul3A_772 = arith.constant 512 : i32
    %mul3A_773 = vector.broadcast %mul3A_772 : i32 to vector<16xi32>
    %mul3A_774 = arith.muli %add3A_56, %mul3A_773 : vector<16xi32>
    %add3A_775 = vector.broadcast %add3A_771 : i32 to vector<16xi32>
    %add3A_776 = arith.addi %mul3A_774, %add3A_775 : vector<16xi32>
    %swap3A_777 = arith.constant 0 : index
    %swap3A_778 = tpu.vector_load %arg12[%swap3A_777] {strides = array<i32>} : memref<64xi32, #tpu.memory_space<vmem>>, vector<16xi32>,
    tpu.vector_store %arg12[%swap3A_777], %add3A_776 {strides = array<i32>} : memref<64xi32, #tpu.memory_space<vmem>>, vector<16xi32>,
    %mul3A_779 = arith.constant 512 : i32
    %mul3A_780 = vector.broadcast %mul3A_779 : i32 to vector<16xi32>
    %mul3A_781 = arith.muli %add3A_59, %mul3A_780 : vector<16xi32>
    %add3A_782 = vector.broadcast %add3A_771 : i32 to vector<16xi32>
    %add3A_783 = arith.addi %mul3A_781, %add3A_782 : vector<16xi32>
    %swap3A_784 = arith.constant 16 : index
    %swap3A_785 = tpu.vector_load %arg12[%swap3A_784] {strides = array<i32>} : memref<64xi32, #tpu.memory_space<vmem>>, vector<16xi32>,
    tpu.vector_store %arg12[%swap3A_784], %add3A_783 {strides = array<i32>} : memref<64xi32, #tpu.memory_space<vmem>>, vector<16xi32>,
    %mul3A_786 = arith.constant 512 : i32
    %mul3A_787 = vector.broadcast %mul3A_786 : i32 to vector<16xi32>
    %mul3A_788 = arith.muli %add3A_62, %mul3A_787 : vector<16xi32>
    %add3A_789 = vector.broadcast %add3A_771 : i32 to vector<16xi32>
    %add3A_790 = arith.addi %mul3A_788, %add3A_789 : vector<16xi32>
    %swap3A_791 = arith.constant 32 : index
    %swap3A_792 = tpu.vector_load %arg12[%swap3A_791] {strides = array<i32>} : memref<64xi32, #tpu.memory_space<vmem>>, vector<16xi32>,
    tpu.vector_store %arg12[%swap3A_791], %add3A_790 {strides = array<i32>} : memref<64xi32, #tpu.memory_space<vmem>>, vector<16xi32>,
    %mul3A_793 = arith.constant 512 : i32
    %mul3A_794 = vector.broadcast %mul3A_793 : i32 to vector<16xi32>
    %mul3A_795 = arith.muli %add3A_65, %mul3A_794 : vector<16xi32>
    %add3A_796 = vector.broadcast %add3A_771 : i32 to vector<16xi32>
    %add3A_797 = arith.addi %mul3A_795, %add3A_796 : vector<16xi32>
    %swap3A_798 = arith.constant 48 : index
    %swap3A_799 = tpu.vector_load %arg12[%swap3A_798] {strides = array<i32>} : memref<64xi32, #tpu.memory_space<vmem>>, vector<16xi32>,
    tpu.vector_store %arg12[%swap3A_798], %add3A_797 {strides = array<i32>} : memref<64xi32, #tpu.memory_space<vmem>>, vector<16xi32>,
    %dma_start3A_800 = arith.constant 0 : i32
    %dma_start3A_801 = arith.constant 0 : i32
    %dma_start3A_802 = tpu.memref_slice %arg4[%dma_start3A_800, %dma_start3A_801] : memref<32768x128xf32, #tpu.memory_space<hbm>> -> memref<32768x128xf32, #tpu.memory_space<hbm>>
    tpu.enqueue_indirect_dma source(%arg10 : memref<64x128xf32, #tpu.memory_space<vmem>>) target(%dma_start3A_802 : memref<32768x128xf32, #tpu.memory_space<hbm>>) offsets(%arg12 : memref<64xi32, #tpu.memory_space<vmem>>) semaphore(%arg18 : memref<!tpu.dma_semaphore, #tpu.memory_space<semaphore_mem>>)
    %add3A_803 = arith.constant 1664 : i32
    %add3A_804 = arith.addi %add3A_36, %add3A_803 : i32
    %dma_start3A_805 = arith.constant 0 : i32
    %dma_start3A_806 = tpu.memref_slice %arg2[%add3A_804, %dma_start3A_805] : memref<65536x512xf32, #tpu.memory_space<hbm>> -> memref<64x512xf32, #tpu.memory_space<hbm>>
    %dma_start3A_807 = arith.constant 0 : i32
    %dma_start3A_808 = tpu.memref_slice %arg2[%add3A_804, %dma_start3A_807] : memref<65536x512xf32, #tpu.memory_space<hbm>> -> memref<64x512xf32, #tpu.memory_space<hbm>>
    tpu.enqueue_dma source(%dma_start3A_808 : memref<64x512xf32, #tpu.memory_space<hbm>>) target(%arg8 : memref<64x512xf32, #tpu.memory_space<vmem>>) target_semaphore(%arg16 : memref<!tpu.dma_semaphore, #tpu.memory_space<semaphore_mem>>)
    %dma_wait3A_809 = arith.constant 0 : i32
    %dma_wait3A_810 = arith.constant 0 : i32
    %dma_wait3A_811 = tpu.memref_slice %arg4[%dma_wait3A_809, %dma_wait3A_810] : memref<32768x128xf32, #tpu.memory_space<hbm>> -> memref<32768x128xf32, #tpu.memory_space<hbm>>
    tpu.wait_indirect_dma semaphore(%arg17 : memref<!tpu.dma_semaphore, #tpu.memory_space<semaphore_mem>>) src(%arg9 : memref<64x128xf32, #tpu.memory_space<vmem>>) dst(%dma_wait3A_811 : memref<32768x128xf32, #tpu.memory_space<hbm>>)
    %dma_wait3A_812 = arith.constant 0 : i32
    %dma_wait3A_813 = tpu.memref_slice %arg2[%add3A_742, %dma_wait3A_812] : memref<65536x512xf32, #tpu.memory_space<hbm>> -> memref<64x512xf32, #tpu.memory_space<hbm>>
    %dma_wait3A_814 = arith.constant 0 : i32
    %dma_wait3A_815 = tpu.memref_slice %arg2[%add3A_742, %dma_wait3A_814] : memref<65536x512xf32, #tpu.memory_space<hbm>> -> memref<64x512xf32, #tpu.memory_space<hbm>>
    tpu.wait_dma2 semaphore(%arg14 : memref<!tpu.dma_semaphore, #tpu.memory_space<semaphore_mem>>) src(%dma_wait3A_815 : memref<64x512xf32, #tpu.memory_space<hbm>>) dst(%arg6 : memref<64x512xf32, #tpu.memory_space<vmem>>)
    %parallel_loop3A_816 = arith.constant 0 : i32
    %parallel_loop3A_817 = arith.constant 64 : i32
    %parallel_loop3A_818 = arith.constant 1 : i32
    scf.for %parallel_loop3A_1045 = %parallel_loop3A_816 to %parallel_loop3A_817 step %parallel_loop3A_818  : i32 {
      %parallel_loop3A_1046 = arith.index_cast %parallel_loop3A_1045 : i32 to index
      %parallel_loop3A_1047 = arith.constant 0 : index
      %parallel_loop3A_1048 = tpu.vector_load %arg13[%parallel_loop3A_1046, %parallel_loop3A_1047] {strides = array<i32>} : memref<64x16xi32, #tpu.memory_space<vmem>>, vector<16xi32>,
      %parallel_loop3A_1049 = arith.constant 0 : i32
      %parallel_loop3A_1050 = vector.broadcast %parallel_loop3A_1049 : i32 to vector<16xi32>
      %parallel_loop3A_1051 = arith.addi %iota3A, %parallel_loop3A_1050 : vector<16xi32>
      %parallel_loop3A_1052 = tpu.vector_load_idx %arg6[%parallel_loop3A_1051, %parallel_loop3A_1048] : memref<64x512xf32, #tpu.memory_space<vmem>>[vector<16xi32>, vector<16xi32>], vector<16xf32>,
      %parallel_loop3A_1053 = arith.index_cast %parallel_loop3A_1045 : i32 to index
      %parallel_loop3A_1054 = arith.constant 0 : index
      %parallel_loop3A_1055 = tpu.vector_load %arg9[%parallel_loop3A_1053, %parallel_loop3A_1054] {strides = array<i32>} : memref<64x128xf32, #tpu.memory_space<vmem>>, vector<16xf32>,
      tpu.vector_store %arg9[%parallel_loop3A_1053, %parallel_loop3A_1054], %parallel_loop3A_1052 {strides = array<i32>} : memref<64x128xf32, #tpu.memory_space<vmem>>, vector<16xf32>,
      %parallel_loop3A_1056 = arith.constant 16 : i32
      %parallel_loop3A_1057 = vector.broadcast %parallel_loop3A_1056 : i32 to vector<16xi32>
      %parallel_loop3A_1058 = arith.addi %iota3A, %parallel_loop3A_1057 : vector<16xi32>
      %parallel_loop3A_1059 = tpu.vector_load_idx %arg6[%parallel_loop3A_1058, %parallel_loop3A_1048] : memref<64x512xf32, #tpu.memory_space<vmem>>[vector<16xi32>, vector<16xi32>], vector<16xf32>,
      %parallel_loop3A_1060 = arith.index_cast %parallel_loop3A_1045 : i32 to index
      %parallel_loop3A_1061 = arith.constant 16 : index
      %parallel_loop3A_1062 = tpu.vector_load %arg9[%parallel_loop3A_1060, %parallel_loop3A_1061] {strides = array<i32>} : memref<64x128xf32, #tpu.memory_space<vmem>>, vector<16xf32>,
      tpu.vector_store %arg9[%parallel_loop3A_1060, %parallel_loop3A_1061], %parallel_loop3A_1059 {strides = array<i32>} : memref<64x128xf32, #tpu.memory_space<vmem>>, vector<16xf32>,
      %parallel_loop3A_1063 = arith.constant 32 : i32
      %parallel_loop3A_1064 = vector.broadcast %parallel_loop3A_1063 : i32 to vector<16xi32>
      %parallel_loop3A_1065 = arith.addi %iota3A, %parallel_loop3A_1064 : vector<16xi32>
      %parallel_loop3A_1066 = tpu.vector_load_idx %arg6[%parallel_loop3A_1065, %parallel_loop3A_1048] : memref<64x512xf32, #tpu.memory_space<vmem>>[vector<16xi32>, vector<16xi32>], vector<16xf32>,
      %parallel_loop3A_1067 = arith.index_cast %parallel_loop3A_1045 : i32 to index
      %parallel_loop3A_1068 = arith.constant 32 : index
      %parallel_loop3A_1069 = tpu.vector_load %arg9[%parallel_loop3A_1067, %parallel_loop3A_1068] {strides = array<i32>} : memref<64x128xf32, #tpu.memory_space<vmem>>, vector<16xf32>,
      tpu.vector_store %arg9[%parallel_loop3A_1067, %parallel_loop3A_1068], %parallel_loop3A_1066 {strides = array<i32>} : memref<64x128xf32, #tpu.memory_space<vmem>>, vector<16xf32>,
      %parallel_loop3A_1070 = arith.constant 48 : i32
      %parallel_loop3A_1071 = vector.broadcast %parallel_loop3A_1070 : i32 to vector<16xi32>
      %parallel_loop3A_1072 = arith.addi %iota3A, %parallel_loop3A_1071 : vector<16xi32>
      %parallel_loop3A_1073 = tpu.vector_load_idx %arg6[%parallel_loop3A_1072, %parallel_loop3A_1048] : memref<64x512xf32, #tpu.memory_space<vmem>>[vector<16xi32>, vector<16xi32>], vector<16xf32>,
      %parallel_loop3A_1074 = arith.index_cast %parallel_loop3A_1045 : i32 to index
      %parallel_loop3A_1075 = arith.constant 48 : index
      %parallel_loop3A_1076 = tpu.vector_load %arg9[%parallel_loop3A_1074, %parallel_loop3A_1075] {strides = array<i32>} : memref<64x128xf32, #tpu.memory_space<vmem>>, vector<16xf32>,
      tpu.vector_store %arg9[%parallel_loop3A_1074, %parallel_loop3A_1075], %parallel_loop3A_1073 {strides = array<i32>} : memref<64x128xf32, #tpu.memory_space<vmem>>, vector<16xf32>,
    } {sc.loop_unroll_factor = 1 : i64, sc.parallel_access}
    %add3A_819 = arith.constant 1728 : i32
    %add3A_820 = arith.addi %add3A_36, %add3A_819 : i32
    %dma_start3A_821 = arith.constant 0 : i32
    %dma_start3A_822 = tpu.memref_slice %arg2[%add3A_820, %dma_start3A_821] : memref<65536x512xf32, #tpu.memory_space<hbm>> -> memref<64x512xf32, #tpu.memory_space<hbm>>
    %dma_start3A_823 = arith.constant 0 : i32
    %dma_start3A_824 = tpu.memref_slice %arg2[%add3A_820, %dma_start3A_823] : memref<65536x512xf32, #tpu.memory_space<hbm>> -> memref<64x512xf32, #tpu.memory_space<hbm>>
    tpu.enqueue_dma source(%dma_start3A_824 : memref<64x512xf32, #tpu.memory_space<hbm>>) target(%arg6 : memref<64x512xf32, #tpu.memory_space<vmem>>) target_semaphore(%arg14 : memref<!tpu.dma_semaphore, #tpu.memory_space<semaphore_mem>>)
    %dma_wait3A_825 = arith.constant 0 : i32
    %dma_wait3A_826 = tpu.memref_slice %arg2[%add3A_758, %dma_wait3A_825] : memref<65536x512xf32, #tpu.memory_space<hbm>> -> memref<64x512xf32, #tpu.memory_space<hbm>>
    %dma_wait3A_827 = arith.constant 0 : i32
    %dma_wait3A_828 = tpu.memref_slice %arg2[%add3A_758, %dma_wait3A_827] : memref<65536x512xf32, #tpu.memory_space<hbm>> -> memref<64x512xf32, #tpu.memory_space<hbm>>
    tpu.wait_dma2 semaphore(%arg15 : memref<!tpu.dma_semaphore, #tpu.memory_space<semaphore_mem>>) src(%dma_wait3A_828 : memref<64x512xf32, #tpu.memory_space<hbm>>) dst(%arg7 : memref<64x512xf32, #tpu.memory_space<vmem>>)
    %parallel_loop3A_829 = arith.constant 0 : i32
    %parallel_loop3A_830 = arith.constant 64 : i32
    %parallel_loop3A_831 = arith.constant 1 : i32
    scf.for %parallel_loop3A_1045 = %parallel_loop3A_829 to %parallel_loop3A_830 step %parallel_loop3A_831  : i32 {
      %parallel_loop3A_1046 = arith.index_cast %parallel_loop3A_1045 : i32 to index
      %parallel_loop3A_1047 = arith.constant 0 : index
      %parallel_loop3A_1048 = tpu.vector_load %arg13[%parallel_loop3A_1046, %parallel_loop3A_1047] {strides = array<i32>} : memref<64x16xi32, #tpu.memory_space<vmem>>, vector<16xi32>,
      %parallel_loop3A_1049 = arith.constant 0 : i32
      %parallel_loop3A_1050 = vector.broadcast %parallel_loop3A_1049 : i32 to vector<16xi32>
      %parallel_loop3A_1051 = arith.addi %iota3A, %parallel_loop3A_1050 : vector<16xi32>
      %parallel_loop3A_1052 = tpu.vector_load_idx %arg7[%parallel_loop3A_1051, %parallel_loop3A_1048] : memref<64x512xf32, #tpu.memory_space<vmem>>[vector<16xi32>, vector<16xi32>], vector<16xf32>,
      %parallel_loop3A_1053 = arith.index_cast %parallel_loop3A_1045 : i32 to index
      %parallel_loop3A_1054 = arith.constant 64 : index
      %parallel_loop3A_1055 = tpu.vector_load %arg9[%parallel_loop3A_1053, %parallel_loop3A_1054] {strides = array<i32>} : memref<64x128xf32, #tpu.memory_space<vmem>>, vector<16xf32>,
      tpu.vector_store %arg9[%parallel_loop3A_1053, %parallel_loop3A_1054], %parallel_loop3A_1052 {strides = array<i32>} : memref<64x128xf32, #tpu.memory_space<vmem>>, vector<16xf32>,
      %parallel_loop3A_1056 = arith.constant 16 : i32
      %parallel_loop3A_1057 = vector.broadcast %parallel_loop3A_1056 : i32 to vector<16xi32>
      %parallel_loop3A_1058 = arith.addi %iota3A, %parallel_loop3A_1057 : vector<16xi32>
      %parallel_loop3A_1059 = tpu.vector_load_idx %arg7[%parallel_loop3A_1058, %parallel_loop3A_1048] : memref<64x512xf32, #tpu.memory_space<vmem>>[vector<16xi32>, vector<16xi32>], vector<16xf32>,
      %parallel_loop3A_1060 = arith.index_cast %parallel_loop3A_1045 : i32 to index
      %parallel_loop3A_1061 = arith.constant 80 : index
      %parallel_loop3A_1062 = tpu.vector_load %arg9[%parallel_loop3A_1060, %parallel_loop3A_1061] {strides = array<i32>} : memref<64x128xf32, #tpu.memory_space<vmem>>, vector<16xf32>,
      tpu.vector_store %arg9[%parallel_loop3A_1060, %parallel_loop3A_1061], %parallel_loop3A_1059 {strides = array<i32>} : memref<64x128xf32, #tpu.memory_space<vmem>>, vector<16xf32>,
      %parallel_loop3A_1063 = arith.constant 32 : i32
      %parallel_loop3A_1064 = vector.broadcast %parallel_loop3A_1063 : i32 to vector<16xi32>
      %parallel_loop3A_1065 = arith.addi %iota3A, %parallel_loop3A_1064 : vector<16xi32>
      %parallel_loop3A_1066 = tpu.vector_load_idx %arg7[%parallel_loop3A_1065, %parallel_loop3A_1048] : memref<64x512xf32, #tpu.memory_space<vmem>>[vector<16xi32>, vector<16xi32>], vector<16xf32>,
      %parallel_loop3A_1067 = arith.index_cast %parallel_loop3A_1045 : i32 to index
      %parallel_loop3A_1068 = arith.constant 96 : index
      %parallel_loop3A_1069 = tpu.vector_load %arg9[%parallel_loop3A_1067, %parallel_loop3A_1068] {strides = array<i32>} : memref<64x128xf32, #tpu.memory_space<vmem>>, vector<16xf32>,
      tpu.vector_store %arg9[%parallel_loop3A_1067, %parallel_loop3A_1068], %parallel_loop3A_1066 {strides = array<i32>} : memref<64x128xf32, #tpu.memory_space<vmem>>, vector<16xf32>,
      %parallel_loop3A_1070 = arith.constant 48 : i32
      %parallel_loop3A_1071 = vector.broadcast %parallel_loop3A_1070 : i32 to vector<16xi32>
      %parallel_loop3A_1072 = arith.addi %iota3A, %parallel_loop3A_1071 : vector<16xi32>
      %parallel_loop3A_1073 = tpu.vector_load_idx %arg7[%parallel_loop3A_1072, %parallel_loop3A_1048] : memref<64x512xf32, #tpu.memory_space<vmem>>[vector<16xi32>, vector<16xi32>], vector<16xf32>,
      %parallel_loop3A_1074 = arith.index_cast %parallel_loop3A_1045 : i32 to index
      %parallel_loop3A_1075 = arith.constant 112 : index
      %parallel_loop3A_1076 = tpu.vector_load %arg9[%parallel_loop3A_1074, %parallel_loop3A_1075] {strides = array<i32>} : memref<64x128xf32, #tpu.memory_space<vmem>>, vector<16xf32>,
      tpu.vector_store %arg9[%parallel_loop3A_1074, %parallel_loop3A_1075], %parallel_loop3A_1073 {strides = array<i32>} : memref<64x128xf32, #tpu.memory_space<vmem>>, vector<16xf32>,
    } {sc.loop_unroll_factor = 1 : i64, sc.parallel_access}
    %add3A_832 = arith.constant 12 : i32
    %add3A_833 = arith.addi %add3A_832, %add3A_72 : i32
    %mul3A_834 = arith.constant 512 : i32
    %mul3A_835 = vector.broadcast %mul3A_834 : i32 to vector<16xi32>
    %mul3A_836 = arith.muli %add3A_56, %mul3A_835 : vector<16xi32>
    %add3A_837 = vector.broadcast %add3A_833 : i32 to vector<16xi32>
    %add3A_838 = arith.addi %mul3A_836, %add3A_837 : vector<16xi32>
    %swap3A_839 = arith.constant 0 : index
    %swap3A_840 = tpu.vector_load %arg11[%swap3A_839] {strides = array<i32>} : memref<64xi32, #tpu.memory_space<vmem>>, vector<16xi32>,
    tpu.vector_store %arg11[%swap3A_839], %add3A_838 {strides = array<i32>} : memref<64xi32, #tpu.memory_space<vmem>>, vector<16xi32>,
    %mul3A_841 = arith.constant 512 : i32
    %mul3A_842 = vector.broadcast %mul3A_841 : i32 to vector<16xi32>
    %mul3A_843 = arith.muli %add3A_59, %mul3A_842 : vector<16xi32>
    %add3A_844 = vector.broadcast %add3A_833 : i32 to vector<16xi32>
    %add3A_845 = arith.addi %mul3A_843, %add3A_844 : vector<16xi32>
    %swap3A_846 = arith.constant 16 : index
    %swap3A_847 = tpu.vector_load %arg11[%swap3A_846] {strides = array<i32>} : memref<64xi32, #tpu.memory_space<vmem>>, vector<16xi32>,
    tpu.vector_store %arg11[%swap3A_846], %add3A_845 {strides = array<i32>} : memref<64xi32, #tpu.memory_space<vmem>>, vector<16xi32>,
    %mul3A_848 = arith.constant 512 : i32
    %mul3A_849 = vector.broadcast %mul3A_848 : i32 to vector<16xi32>
    %mul3A_850 = arith.muli %add3A_62, %mul3A_849 : vector<16xi32>
    %add3A_851 = vector.broadcast %add3A_833 : i32 to vector<16xi32>
    %add3A_852 = arith.addi %mul3A_850, %add3A_851 : vector<16xi32>
    %swap3A_853 = arith.constant 32 : index
    %swap3A_854 = tpu.vector_load %arg11[%swap3A_853] {strides = array<i32>} : memref<64xi32, #tpu.memory_space<vmem>>, vector<16xi32>,
    tpu.vector_store %arg11[%swap3A_853], %add3A_852 {strides = array<i32>} : memref<64xi32, #tpu.memory_space<vmem>>, vector<16xi32>,
    %mul3A_855 = arith.constant 512 : i32
    %mul3A_856 = vector.broadcast %mul3A_855 : i32 to vector<16xi32>
    %mul3A_857 = arith.muli %add3A_65, %mul3A_856 : vector<16xi32>
    %add3A_858 = vector.broadcast %add3A_833 : i32 to vector<16xi32>
    %add3A_859 = arith.addi %mul3A_857, %add3A_858 : vector<16xi32>
    %swap3A_860 = arith.constant 48 : index
    %swap3A_861 = tpu.vector_load %arg11[%swap3A_860] {strides = array<i32>} : memref<64xi32, #tpu.memory_space<vmem>>, vector<16xi32>,
    tpu.vector_store %arg11[%swap3A_860], %add3A_859 {strides = array<i32>} : memref<64xi32, #tpu.memory_space<vmem>>, vector<16xi32>,
    %dma_start3A_862 = arith.constant 0 : i32
    %dma_start3A_863 = arith.constant 0 : i32
    %dma_start3A_864 = tpu.memref_slice %arg4[%dma_start3A_862, %dma_start3A_863] : memref<32768x128xf32, #tpu.memory_space<hbm>> -> memref<32768x128xf32, #tpu.memory_space<hbm>>
    tpu.enqueue_indirect_dma source(%arg9 : memref<64x128xf32, #tpu.memory_space<vmem>>) target(%dma_start3A_864 : memref<32768x128xf32, #tpu.memory_space<hbm>>) offsets(%arg11 : memref<64xi32, #tpu.memory_space<vmem>>) semaphore(%arg17 : memref<!tpu.dma_semaphore, #tpu.memory_space<semaphore_mem>>)
    %add3A_865 = arith.constant 1792 : i32
    %add3A_866 = arith.addi %add3A_36, %add3A_865 : i32
    %dma_start3A_867 = arith.constant 0 : i32
    %dma_start3A_868 = tpu.memref_slice %arg2[%add3A_866, %dma_start3A_867] : memref<65536x512xf32, #tpu.memory_space<hbm>> -> memref<64x512xf32, #tpu.memory_space<hbm>>
    %dma_start3A_869 = arith.constant 0 : i32
    %dma_start3A_870 = tpu.memref_slice %arg2[%add3A_866, %dma_start3A_869] : memref<65536x512xf32, #tpu.memory_space<hbm>> -> memref<64x512xf32, #tpu.memory_space<hbm>>
    tpu.enqueue_dma source(%dma_start3A_870 : memref<64x512xf32, #tpu.memory_space<hbm>>) target(%arg7 : memref<64x512xf32, #tpu.memory_space<vmem>>) target_semaphore(%arg15 : memref<!tpu.dma_semaphore, #tpu.memory_space<semaphore_mem>>)
    %dma_wait3A_871 = arith.constant 0 : i32
    %dma_wait3A_872 = arith.constant 0 : i32
    %dma_wait3A_873 = tpu.memref_slice %arg4[%dma_wait3A_871, %dma_wait3A_872] : memref<32768x128xf32, #tpu.memory_space<hbm>> -> memref<32768x128xf32, #tpu.memory_space<hbm>>
    tpu.wait_indirect_dma semaphore(%arg18 : memref<!tpu.dma_semaphore, #tpu.memory_space<semaphore_mem>>) src(%arg10 : memref<64x128xf32, #tpu.memory_space<vmem>>) dst(%dma_wait3A_873 : memref<32768x128xf32, #tpu.memory_space<hbm>>)
    %dma_wait3A_874 = arith.constant 0 : i32
    %dma_wait3A_875 = tpu.memref_slice %arg2[%add3A_804, %dma_wait3A_874] : memref<65536x512xf32, #tpu.memory_space<hbm>> -> memref<64x512xf32, #tpu.memory_space<hbm>>
    %dma_wait3A_876 = arith.constant 0 : i32
    %dma_wait3A_877 = tpu.memref_slice %arg2[%add3A_804, %dma_wait3A_876] : memref<65536x512xf32, #tpu.memory_space<hbm>> -> memref<64x512xf32, #tpu.memory_space<hbm>>
    tpu.wait_dma2 semaphore(%arg16 : memref<!tpu.dma_semaphore, #tpu.memory_space<semaphore_mem>>) src(%dma_wait3A_877 : memref<64x512xf32, #tpu.memory_space<hbm>>) dst(%arg8 : memref<64x512xf32, #tpu.memory_space<vmem>>)
    %parallel_loop3A_878 = arith.constant 0 : i32
    %parallel_loop3A_879 = arith.constant 64 : i32
    %parallel_loop3A_880 = arith.constant 1 : i32
    scf.for %parallel_loop3A_1045 = %parallel_loop3A_878 to %parallel_loop3A_879 step %parallel_loop3A_880  : i32 {
      %parallel_loop3A_1046 = arith.index_cast %parallel_loop3A_1045 : i32 to index
      %parallel_loop3A_1047 = arith.constant 0 : index
      %parallel_loop3A_1048 = tpu.vector_load %arg13[%parallel_loop3A_1046, %parallel_loop3A_1047] {strides = array<i32>} : memref<64x16xi32, #tpu.memory_space<vmem>>, vector<16xi32>,
      %parallel_loop3A_1049 = arith.constant 0 : i32
      %parallel_loop3A_1050 = vector.broadcast %parallel_loop3A_1049 : i32 to vector<16xi32>
      %parallel_loop3A_1051 = arith.addi %iota3A, %parallel_loop3A_1050 : vector<16xi32>
      %parallel_loop3A_1052 = tpu.vector_load_idx %arg8[%parallel_loop3A_1051, %parallel_loop3A_1048] : memref<64x512xf32, #tpu.memory_space<vmem>>[vector<16xi32>, vector<16xi32>], vector<16xf32>,
      %parallel_loop3A_1053 = arith.index_cast %parallel_loop3A_1045 : i32 to index
      %parallel_loop3A_1054 = arith.constant 0 : index
      %parallel_loop3A_1055 = tpu.vector_load %arg10[%parallel_loop3A_1053, %parallel_loop3A_1054] {strides = array<i32>} : memref<64x128xf32, #tpu.memory_space<vmem>>, vector<16xf32>,
      tpu.vector_store %arg10[%parallel_loop3A_1053, %parallel_loop3A_1054], %parallel_loop3A_1052 {strides = array<i32>} : memref<64x128xf32, #tpu.memory_space<vmem>>, vector<16xf32>,
      %parallel_loop3A_1056 = arith.constant 16 : i32
      %parallel_loop3A_1057 = vector.broadcast %parallel_loop3A_1056 : i32 to vector<16xi32>
      %parallel_loop3A_1058 = arith.addi %iota3A, %parallel_loop3A_1057 : vector<16xi32>
      %parallel_loop3A_1059 = tpu.vector_load_idx %arg8[%parallel_loop3A_1058, %parallel_loop3A_1048] : memref<64x512xf32, #tpu.memory_space<vmem>>[vector<16xi32>, vector<16xi32>], vector<16xf32>,
      %parallel_loop3A_1060 = arith.index_cast %parallel_loop3A_1045 : i32 to index
      %parallel_loop3A_1061 = arith.constant 16 : index
      %parallel_loop3A_1062 = tpu.vector_load %arg10[%parallel_loop3A_1060, %parallel_loop3A_1061] {strides = array<i32>} : memref<64x128xf32, #tpu.memory_space<vmem>>, vector<16xf32>,
      tpu.vector_store %arg10[%parallel_loop3A_1060, %parallel_loop3A_1061], %parallel_loop3A_1059 {strides = array<i32>} : memref<64x128xf32, #tpu.memory_space<vmem>>, vector<16xf32>,
      %parallel_loop3A_1063 = arith.constant 32 : i32
      %parallel_loop3A_1064 = vector.broadcast %parallel_loop3A_1063 : i32 to vector<16xi32>
      %parallel_loop3A_1065 = arith.addi %iota3A, %parallel_loop3A_1064 : vector<16xi32>
      %parallel_loop3A_1066 = tpu.vector_load_idx %arg8[%parallel_loop3A_1065, %parallel_loop3A_1048] : memref<64x512xf32, #tpu.memory_space<vmem>>[vector<16xi32>, vector<16xi32>], vector<16xf32>,
      %parallel_loop3A_1067 = arith.index_cast %parallel_loop3A_1045 : i32 to index
      %parallel_loop3A_1068 = arith.constant 32 : index
      %parallel_loop3A_1069 = tpu.vector_load %arg10[%parallel_loop3A_1067, %parallel_loop3A_1068] {strides = array<i32>} : memref<64x128xf32, #tpu.memory_space<vmem>>, vector<16xf32>,
      tpu.vector_store %arg10[%parallel_loop3A_1067, %parallel_loop3A_1068], %parallel_loop3A_1066 {strides = array<i32>} : memref<64x128xf32, #tpu.memory_space<vmem>>, vector<16xf32>,
      %parallel_loop3A_1070 = arith.constant 48 : i32
      %parallel_loop3A_1071 = vector.broadcast %parallel_loop3A_1070 : i32 to vector<16xi32>
      %parallel_loop3A_1072 = arith.addi %iota3A, %parallel_loop3A_1071 : vector<16xi32>
      %parallel_loop3A_1073 = tpu.vector_load_idx %arg8[%parallel_loop3A_1072, %parallel_loop3A_1048] : memref<64x512xf32, #tpu.memory_space<vmem>>[vector<16xi32>, vector<16xi32>], vector<16xf32>,
      %parallel_loop3A_1074 = arith.index_cast %parallel_loop3A_1045 : i32 to index
      %parallel_loop3A_1075 = arith.constant 48 : index
      %parallel_loop3A_1076 = tpu.vector_load %arg10[%parallel_loop3A_1074, %parallel_loop3A_1075] {strides = array<i32>} : memref<64x128xf32, #tpu.memory_space<vmem>>, vector<16xf32>,
      tpu.vector_store %arg10[%parallel_loop3A_1074, %parallel_loop3A_1075], %parallel_loop3A_1073 {strides = array<i32>} : memref<64x128xf32, #tpu.memory_space<vmem>>, vector<16xf32>,
    } {sc.loop_unroll_factor = 1 : i64, sc.parallel_access}
    %add3A_881 = arith.constant 1856 : i32
    %add3A_882 = arith.addi %add3A_36, %add3A_881 : i32
    %dma_start3A_883 = arith.constant 0 : i32
    %dma_start3A_884 = tpu.memref_slice %arg2[%add3A_882, %dma_start3A_883] : memref<65536x512xf32, #tpu.memory_space<hbm>> -> memref<64x512xf32, #tpu.memory_space<hbm>>
    %dma_start3A_885 = arith.constant 0 : i32
    %dma_start3A_886 = tpu.memref_slice %arg2[%add3A_882, %dma_start3A_885] : memref<65536x512xf32, #tpu.memory_space<hbm>> -> memref<64x512xf32, #tpu.memory_space<hbm>>
    tpu.enqueue_dma source(%dma_start3A_886 : memref<64x512xf32, #tpu.memory_space<hbm>>) target(%arg8 : memref<64x512xf32, #tpu.memory_space<vmem>>) target_semaphore(%arg16 : memref<!tpu.dma_semaphore, #tpu.memory_space<semaphore_mem>>)
    %dma_wait3A_887 = arith.constant 0 : i32
    %dma_wait3A_888 = tpu.memref_slice %arg2[%add3A_820, %dma_wait3A_887] : memref<65536x512xf32, #tpu.memory_space<hbm>> -> memref<64x512xf32, #tpu.memory_space<hbm>>
    %dma_wait3A_889 = arith.constant 0 : i32
    %dma_wait3A_890 = tpu.memref_slice %arg2[%add3A_820, %dma_wait3A_889] : memref<65536x512xf32, #tpu.memory_space<hbm>> -> memref<64x512xf32, #tpu.memory_space<hbm>>
    tpu.wait_dma2 semaphore(%arg14 : memref<!tpu.dma_semaphore, #tpu.memory_space<semaphore_mem>>) src(%dma_wait3A_890 : memref<64x512xf32, #tpu.memory_space<hbm>>) dst(%arg6 : memref<64x512xf32, #tpu.memory_space<vmem>>)
    %parallel_loop3A_891 = arith.constant 0 : i32
    %parallel_loop3A_892 = arith.constant 64 : i32
    %parallel_loop3A_893 = arith.constant 1 : i32
    scf.for %parallel_loop3A_1045 = %parallel_loop3A_891 to %parallel_loop3A_892 step %parallel_loop3A_893  : i32 {
      %parallel_loop3A_1046 = arith.index_cast %parallel_loop3A_1045 : i32 to index
      %parallel_loop3A_1047 = arith.constant 0 : index
      %parallel_loop3A_1048 = tpu.vector_load %arg13[%parallel_loop3A_1046, %parallel_loop3A_1047] {strides = array<i32>} : memref<64x16xi32, #tpu.memory_space<vmem>>, vector<16xi32>,
      %parallel_loop3A_1049 = arith.constant 0 : i32
      %parallel_loop3A_1050 = vector.broadcast %parallel_loop3A_1049 : i32 to vector<16xi32>
      %parallel_loop3A_1051 = arith.addi %iota3A, %parallel_loop3A_1050 : vector<16xi32>
      %parallel_loop3A_1052 = tpu.vector_load_idx %arg6[%parallel_loop3A_1051, %parallel_loop3A_1048] : memref<64x512xf32, #tpu.memory_space<vmem>>[vector<16xi32>, vector<16xi32>], vector<16xf32>,
      %parallel_loop3A_1053 = arith.index_cast %parallel_loop3A_1045 : i32 to index
      %parallel_loop3A_1054 = arith.constant 64 : index
      %parallel_loop3A_1055 = tpu.vector_load %arg10[%parallel_loop3A_1053, %parallel_loop3A_1054] {strides = array<i32>} : memref<64x128xf32, #tpu.memory_space<vmem>>, vector<16xf32>,
      tpu.vector_store %arg10[%parallel_loop3A_1053, %parallel_loop3A_1054], %parallel_loop3A_1052 {strides = array<i32>} : memref<64x128xf32, #tpu.memory_space<vmem>>, vector<16xf32>,
      %parallel_loop3A_1056 = arith.constant 16 : i32
      %parallel_loop3A_1057 = vector.broadcast %parallel_loop3A_1056 : i32 to vector<16xi32>
      %parallel_loop3A_1058 = arith.addi %iota3A, %parallel_loop3A_1057 : vector<16xi32>
      %parallel_loop3A_1059 = tpu.vector_load_idx %arg6[%parallel_loop3A_1058, %parallel_loop3A_1048] : memref<64x512xf32, #tpu.memory_space<vmem>>[vector<16xi32>, vector<16xi32>], vector<16xf32>,
      %parallel_loop3A_1060 = arith.index_cast %parallel_loop3A_1045 : i32 to index
      %parallel_loop3A_1061 = arith.constant 80 : index
      %parallel_loop3A_1062 = tpu.vector_load %arg10[%parallel_loop3A_1060, %parallel_loop3A_1061] {strides = array<i32>} : memref<64x128xf32, #tpu.memory_space<vmem>>, vector<16xf32>,
      tpu.vector_store %arg10[%parallel_loop3A_1060, %parallel_loop3A_1061], %parallel_loop3A_1059 {strides = array<i32>} : memref<64x128xf32, #tpu.memory_space<vmem>>, vector<16xf32>,
      %parallel_loop3A_1063 = arith.constant 32 : i32
      %parallel_loop3A_1064 = vector.broadcast %parallel_loop3A_1063 : i32 to vector<16xi32>
      %parallel_loop3A_1065 = arith.addi %iota3A, %parallel_loop3A_1064 : vector<16xi32>
      %parallel_loop3A_1066 = tpu.vector_load_idx %arg6[%parallel_loop3A_1065, %parallel_loop3A_1048] : memref<64x512xf32, #tpu.memory_space<vmem>>[vector<16xi32>, vector<16xi32>], vector<16xf32>,
      %parallel_loop3A_1067 = arith.index_cast %parallel_loop3A_1045 : i32 to index
      %parallel_loop3A_1068 = arith.constant 96 : index
      %parallel_loop3A_1069 = tpu.vector_load %arg10[%parallel_loop3A_1067, %parallel_loop3A_1068] {strides = array<i32>} : memref<64x128xf32, #tpu.memory_space<vmem>>, vector<16xf32>,
      tpu.vector_store %arg10[%parallel_loop3A_1067, %parallel_loop3A_1068], %parallel_loop3A_1066 {strides = array<i32>} : memref<64x128xf32, #tpu.memory_space<vmem>>, vector<16xf32>,
      %parallel_loop3A_1070 = arith.constant 48 : i32
      %parallel_loop3A_1071 = vector.broadcast %parallel_loop3A_1070 : i32 to vector<16xi32>
      %parallel_loop3A_1072 = arith.addi %iota3A, %parallel_loop3A_1071 : vector<16xi32>
      %parallel_loop3A_1073 = tpu.vector_load_idx %arg6[%parallel_loop3A_1072, %parallel_loop3A_1048] : memref<64x512xf32, #tpu.memory_space<vmem>>[vector<16xi32>, vector<16xi32>], vector<16xf32>,
      %parallel_loop3A_1074 = arith.index_cast %parallel_loop3A_1045 : i32 to index
      %parallel_loop3A_1075 = arith.constant 112 : index
      %parallel_loop3A_1076 = tpu.vector_load %arg10[%parallel_loop3A_1074, %parallel_loop3A_1075] {strides = array<i32>} : memref<64x128xf32, #tpu.memory_space<vmem>>, vector<16xf32>,
      tpu.vector_store %arg10[%parallel_loop3A_1074, %parallel_loop3A_1075], %parallel_loop3A_1073 {strides = array<i32>} : memref<64x128xf32, #tpu.memory_space<vmem>>, vector<16xf32>,
    } {sc.loop_unroll_factor = 1 : i64, sc.parallel_access}
    %add3A_894 = arith.constant 13 : i32
    %add3A_895 = arith.addi %add3A_894, %add3A_72 : i32
    %mul3A_896 = arith.constant 512 : i32
    %mul3A_897 = vector.broadcast %mul3A_896 : i32 to vector<16xi32>
    %mul3A_898 = arith.muli %add3A_56, %mul3A_897 : vector<16xi32>
    %add3A_899 = vector.broadcast %add3A_895 : i32 to vector<16xi32>
    %add3A_900 = arith.addi %mul3A_898, %add3A_899 : vector<16xi32>
    %swap3A_901 = arith.constant 0 : index
    %swap3A_902 = tpu.vector_load %arg12[%swap3A_901] {strides = array<i32>} : memref<64xi32, #tpu.memory_space<vmem>>, vector<16xi32>,
    tpu.vector_store %arg12[%swap3A_901], %add3A_900 {strides = array<i32>} : memref<64xi32, #tpu.memory_space<vmem>>, vector<16xi32>,
    %mul3A_903 = arith.constant 512 : i32
    %mul3A_904 = vector.broadcast %mul3A_903 : i32 to vector<16xi32>
    %mul3A_905 = arith.muli %add3A_59, %mul3A_904 : vector<16xi32>
    %add3A_906 = vector.broadcast %add3A_895 : i32 to vector<16xi32>
    %add3A_907 = arith.addi %mul3A_905, %add3A_906 : vector<16xi32>
    %swap3A_908 = arith.constant 16 : index
    %swap3A_909 = tpu.vector_load %arg12[%swap3A_908] {strides = array<i32>} : memref<64xi32, #tpu.memory_space<vmem>>, vector<16xi32>,
    tpu.vector_store %arg12[%swap3A_908], %add3A_907 {strides = array<i32>} : memref<64xi32, #tpu.memory_space<vmem>>, vector<16xi32>,
    %mul3A_910 = arith.constant 512 : i32
    %mul3A_911 = vector.broadcast %mul3A_910 : i32 to vector<16xi32>
    %mul3A_912 = arith.muli %add3A_62, %mul3A_911 : vector<16xi32>
    %add3A_913 = vector.broadcast %add3A_895 : i32 to vector<16xi32>
    %add3A_914 = arith.addi %mul3A_912, %add3A_913 : vector<16xi32>
    %swap3A_915 = arith.constant 32 : index
    %swap3A_916 = tpu.vector_load %arg12[%swap3A_915] {strides = array<i32>} : memref<64xi32, #tpu.memory_space<vmem>>, vector<16xi32>,
    tpu.vector_store %arg12[%swap3A_915], %add3A_914 {strides = array<i32>} : memref<64xi32, #tpu.memory_space<vmem>>, vector<16xi32>,
    %mul3A_917 = arith.constant 512 : i32
    %mul3A_918 = vector.broadcast %mul3A_917 : i32 to vector<16xi32>
    %mul3A_919 = arith.muli %add3A_65, %mul3A_918 : vector<16xi32>
    %add3A_920 = vector.broadcast %add3A_895 : i32 to vector<16xi32>
    %add3A_921 = arith.addi %mul3A_919, %add3A_920 : vector<16xi32>
    %swap3A_922 = arith.constant 48 : index
    %swap3A_923 = tpu.vector_load %arg12[%swap3A_922] {strides = array<i32>} : memref<64xi32, #tpu.memory_space<vmem>>, vector<16xi32>,
    tpu.vector_store %arg12[%swap3A_922], %add3A_921 {strides = array<i32>} : memref<64xi32, #tpu.memory_space<vmem>>, vector<16xi32>,
    %dma_start3A_924 = arith.constant 0 : i32
    %dma_start3A_925 = arith.constant 0 : i32
    %dma_start3A_926 = tpu.memref_slice %arg4[%dma_start3A_924, %dma_start3A_925] : memref<32768x128xf32, #tpu.memory_space<hbm>> -> memref<32768x128xf32, #tpu.memory_space<hbm>>
    tpu.enqueue_indirect_dma source(%arg10 : memref<64x128xf32, #tpu.memory_space<vmem>>) target(%dma_start3A_926 : memref<32768x128xf32, #tpu.memory_space<hbm>>) offsets(%arg12 : memref<64xi32, #tpu.memory_space<vmem>>) semaphore(%arg18 : memref<!tpu.dma_semaphore, #tpu.memory_space<semaphore_mem>>)
    %add3A_927 = arith.constant 1920 : i32
    %add3A_928 = arith.addi %add3A_36, %add3A_927 : i32
    %dma_start3A_929 = arith.constant 0 : i32
    %dma_start3A_930 = tpu.memref_slice %arg2[%add3A_928, %dma_start3A_929] : memref<65536x512xf32, #tpu.memory_space<hbm>> -> memref<64x512xf32, #tpu.memory_space<hbm>>
    %dma_start3A_931 = arith.constant 0 : i32
    %dma_start3A_932 = tpu.memref_slice %arg2[%add3A_928, %dma_start3A_931] : memref<65536x512xf32, #tpu.memory_space<hbm>> -> memref<64x512xf32, #tpu.memory_space<hbm>>
    tpu.enqueue_dma source(%dma_start3A_932 : memref<64x512xf32, #tpu.memory_space<hbm>>) target(%arg6 : memref<64x512xf32, #tpu.memory_space<vmem>>) target_semaphore(%arg14 : memref<!tpu.dma_semaphore, #tpu.memory_space<semaphore_mem>>)
    %dma_wait3A_933 = arith.constant 0 : i32
    %dma_wait3A_934 = arith.constant 0 : i32
    %dma_wait3A_935 = tpu.memref_slice %arg4[%dma_wait3A_933, %dma_wait3A_934] : memref<32768x128xf32, #tpu.memory_space<hbm>> -> memref<32768x128xf32, #tpu.memory_space<hbm>>
    tpu.wait_indirect_dma semaphore(%arg17 : memref<!tpu.dma_semaphore, #tpu.memory_space<semaphore_mem>>) src(%arg9 : memref<64x128xf32, #tpu.memory_space<vmem>>) dst(%dma_wait3A_935 : memref<32768x128xf32, #tpu.memory_space<hbm>>)
    %dma_wait3A_936 = arith.constant 0 : i32
    %dma_wait3A_937 = tpu.memref_slice %arg2[%add3A_866, %dma_wait3A_936] : memref<65536x512xf32, #tpu.memory_space<hbm>> -> memref<64x512xf32, #tpu.memory_space<hbm>>
    %dma_wait3A_938 = arith.constant 0 : i32
    %dma_wait3A_939 = tpu.memref_slice %arg2[%add3A_866, %dma_wait3A_938] : memref<65536x512xf32, #tpu.memory_space<hbm>> -> memref<64x512xf32, #tpu.memory_space<hbm>>
    tpu.wait_dma2 semaphore(%arg15 : memref<!tpu.dma_semaphore, #tpu.memory_space<semaphore_mem>>) src(%dma_wait3A_939 : memref<64x512xf32, #tpu.memory_space<hbm>>) dst(%arg7 : memref<64x512xf32, #tpu.memory_space<vmem>>)
    %parallel_loop3A_940 = arith.constant 0 : i32
    %parallel_loop3A_941 = arith.constant 64 : i32
    %parallel_loop3A_942 = arith.constant 1 : i32
    scf.for %parallel_loop3A_1045 = %parallel_loop3A_940 to %parallel_loop3A_941 step %parallel_loop3A_942  : i32 {
      %parallel_loop3A_1046 = arith.index_cast %parallel_loop3A_1045 : i32 to index
      %parallel_loop3A_1047 = arith.constant 0 : index
      %parallel_loop3A_1048 = tpu.vector_load %arg13[%parallel_loop3A_1046, %parallel_loop3A_1047] {strides = array<i32>} : memref<64x16xi32, #tpu.memory_space<vmem>>, vector<16xi32>,
      %parallel_loop3A_1049 = arith.constant 0 : i32
      %parallel_loop3A_1050 = vector.broadcast %parallel_loop3A_1049 : i32 to vector<16xi32>
      %parallel_loop3A_1051 = arith.addi %iota3A, %parallel_loop3A_1050 : vector<16xi32>
      %parallel_loop3A_1052 = tpu.vector_load_idx %arg7[%parallel_loop3A_1051, %parallel_loop3A_1048] : memref<64x512xf32, #tpu.memory_space<vmem>>[vector<16xi32>, vector<16xi32>], vector<16xf32>,
      %parallel_loop3A_1053 = arith.index_cast %parallel_loop3A_1045 : i32 to index
      %parallel_loop3A_1054 = arith.constant 0 : index
      %parallel_loop3A_1055 = tpu.vector_load %arg9[%parallel_loop3A_1053, %parallel_loop3A_1054] {strides = array<i32>} : memref<64x128xf32, #tpu.memory_space<vmem>>, vector<16xf32>,
      tpu.vector_store %arg9[%parallel_loop3A_1053, %parallel_loop3A_1054], %parallel_loop3A_1052 {strides = array<i32>} : memref<64x128xf32, #tpu.memory_space<vmem>>, vector<16xf32>,
      %parallel_loop3A_1056 = arith.constant 16 : i32
      %parallel_loop3A_1057 = vector.broadcast %parallel_loop3A_1056 : i32 to vector<16xi32>
      %parallel_loop3A_1058 = arith.addi %iota3A, %parallel_loop3A_1057 : vector<16xi32>
      %parallel_loop3A_1059 = tpu.vector_load_idx %arg7[%parallel_loop3A_1058, %parallel_loop3A_1048] : memref<64x512xf32, #tpu.memory_space<vmem>>[vector<16xi32>, vector<16xi32>], vector<16xf32>,
      %parallel_loop3A_1060 = arith.index_cast %parallel_loop3A_1045 : i32 to index
      %parallel_loop3A_1061 = arith.constant 16 : index
      %parallel_loop3A_1062 = tpu.vector_load %arg9[%parallel_loop3A_1060, %parallel_loop3A_1061] {strides = array<i32>} : memref<64x128xf32, #tpu.memory_space<vmem>>, vector<16xf32>,
      tpu.vector_store %arg9[%parallel_loop3A_1060, %parallel_loop3A_1061], %parallel_loop3A_1059 {strides = array<i32>} : memref<64x128xf32, #tpu.memory_space<vmem>>, vector<16xf32>,
      %parallel_loop3A_1063 = arith.constant 32 : i32
      %parallel_loop3A_1064 = vector.broadcast %parallel_loop3A_1063 : i32 to vector<16xi32>
      %parallel_loop3A_1065 = arith.addi %iota3A, %parallel_loop3A_1064 : vector<16xi32>
      %parallel_loop3A_1066 = tpu.vector_load_idx %arg7[%parallel_loop3A_1065, %parallel_loop3A_1048] : memref<64x512xf32, #tpu.memory_space<vmem>>[vector<16xi32>, vector<16xi32>], vector<16xf32>,
      %parallel_loop3A_1067 = arith.index_cast %parallel_loop3A_1045 : i32 to index
      %parallel_loop3A_1068 = arith.constant 32 : index
      %parallel_loop3A_1069 = tpu.vector_load %arg9[%parallel_loop3A_1067, %parallel_loop3A_1068] {strides = array<i32>} : memref<64x128xf32, #tpu.memory_space<vmem>>, vector<16xf32>,
      tpu.vector_store %arg9[%parallel_loop3A_1067, %parallel_loop3A_1068], %parallel_loop3A_1066 {strides = array<i32>} : memref<64x128xf32, #tpu.memory_space<vmem>>, vector<16xf32>,
      %parallel_loop3A_1070 = arith.constant 48 : i32
      %parallel_loop3A_1071 = vector.broadcast %parallel_loop3A_1070 : i32 to vector<16xi32>
      %parallel_loop3A_1072 = arith.addi %iota3A, %parallel_loop3A_1071 : vector<16xi32>
      %parallel_loop3A_1073 = tpu.vector_load_idx %arg7[%parallel_loop3A_1072, %parallel_loop3A_1048] : memref<64x512xf32, #tpu.memory_space<vmem>>[vector<16xi32>, vector<16xi32>], vector<16xf32>,
      %parallel_loop3A_1074 = arith.index_cast %parallel_loop3A_1045 : i32 to index
      %parallel_loop3A_1075 = arith.constant 48 : index
      %parallel_loop3A_1076 = tpu.vector_load %arg9[%parallel_loop3A_1074, %parallel_loop3A_1075] {strides = array<i32>} : memref<64x128xf32, #tpu.memory_space<vmem>>, vector<16xf32>,
      tpu.vector_store %arg9[%parallel_loop3A_1074, %parallel_loop3A_1075], %parallel_loop3A_1073 {strides = array<i32>} : memref<64x128xf32, #tpu.memory_space<vmem>>, vector<16xf32>,
    } {sc.loop_unroll_factor = 1 : i64, sc.parallel_access}
    %add3A_943 = arith.constant 1984 : i32
    %add3A_944 = arith.addi %add3A_36, %add3A_943 : i32
    %dma_start3A_945 = arith.constant 0 : i32
    %dma_start3A_946 = tpu.memref_slice %arg2[%add3A_944, %dma_start3A_945] : memref<65536x512xf32, #tpu.memory_space<hbm>> -> memref<64x512xf32, #tpu.memory_space<hbm>>
    %dma_start3A_947 = arith.constant 0 : i32
    %dma_start3A_948 = tpu.memref_slice %arg2[%add3A_944, %dma_start3A_947] : memref<65536x512xf32, #tpu.memory_space<hbm>> -> memref<64x512xf32, #tpu.memory_space<hbm>>
    tpu.enqueue_dma source(%dma_start3A_948 : memref<64x512xf32, #tpu.memory_space<hbm>>) target(%arg7 : memref<64x512xf32, #tpu.memory_space<vmem>>) target_semaphore(%arg15 : memref<!tpu.dma_semaphore, #tpu.memory_space<semaphore_mem>>)
    %dma_wait3A_949 = arith.constant 0 : i32
    %dma_wait3A_950 = tpu.memref_slice %arg2[%add3A_882, %dma_wait3A_949] : memref<65536x512xf32, #tpu.memory_space<hbm>> -> memref<64x512xf32, #tpu.memory_space<hbm>>
    %dma_wait3A_951 = arith.constant 0 : i32
    %dma_wait3A_952 = tpu.memref_slice %arg2[%add3A_882, %dma_wait3A_951] : memref<65536x512xf32, #tpu.memory_space<hbm>> -> memref<64x512xf32, #tpu.memory_space<hbm>>
    tpu.wait_dma2 semaphore(%arg16 : memref<!tpu.dma_semaphore, #tpu.memory_space<semaphore_mem>>) src(%dma_wait3A_952 : memref<64x512xf32, #tpu.memory_space<hbm>>) dst(%arg8 : memref<64x512xf32, #tpu.memory_space<vmem>>)
    %parallel_loop3A_953 = arith.constant 0 : i32
    %parallel_loop3A_954 = arith.constant 64 : i32
    %parallel_loop3A_955 = arith.constant 1 : i32
    scf.for %parallel_loop3A_1045 = %parallel_loop3A_953 to %parallel_loop3A_954 step %parallel_loop3A_955  : i32 {
      %parallel_loop3A_1046 = arith.index_cast %parallel_loop3A_1045 : i32 to index
      %parallel_loop3A_1047 = arith.constant 0 : index
      %parallel_loop3A_1048 = tpu.vector_load %arg13[%parallel_loop3A_1046, %parallel_loop3A_1047] {strides = array<i32>} : memref<64x16xi32, #tpu.memory_space<vmem>>, vector<16xi32>,
      %parallel_loop3A_1049 = arith.constant 0 : i32
      %parallel_loop3A_1050 = vector.broadcast %parallel_loop3A_1049 : i32 to vector<16xi32>
      %parallel_loop3A_1051 = arith.addi %iota3A, %parallel_loop3A_1050 : vector<16xi32>
      %parallel_loop3A_1052 = tpu.vector_load_idx %arg8[%parallel_loop3A_1051, %parallel_loop3A_1048] : memref<64x512xf32, #tpu.memory_space<vmem>>[vector<16xi32>, vector<16xi32>], vector<16xf32>,
      %parallel_loop3A_1053 = arith.index_cast %parallel_loop3A_1045 : i32 to index
      %parallel_loop3A_1054 = arith.constant 64 : index
      %parallel_loop3A_1055 = tpu.vector_load %arg9[%parallel_loop3A_1053, %parallel_loop3A_1054] {strides = array<i32>} : memref<64x128xf32, #tpu.memory_space<vmem>>, vector<16xf32>,
      tpu.vector_store %arg9[%parallel_loop3A_1053, %parallel_loop3A_1054], %parallel_loop3A_1052 {strides = array<i32>} : memref<64x128xf32, #tpu.memory_space<vmem>>, vector<16xf32>,
      %parallel_loop3A_1056 = arith.constant 16 : i32
      %parallel_loop3A_1057 = vector.broadcast %parallel_loop3A_1056 : i32 to vector<16xi32>
      %parallel_loop3A_1058 = arith.addi %iota3A, %parallel_loop3A_1057 : vector<16xi32>
      %parallel_loop3A_1059 = tpu.vector_load_idx %arg8[%parallel_loop3A_1058, %parallel_loop3A_1048] : memref<64x512xf32, #tpu.memory_space<vmem>>[vector<16xi32>, vector<16xi32>], vector<16xf32>,
      %parallel_loop3A_1060 = arith.index_cast %parallel_loop3A_1045 : i32 to index
      %parallel_loop3A_1061 = arith.constant 80 : index
      %parallel_loop3A_1062 = tpu.vector_load %arg9[%parallel_loop3A_1060, %parallel_loop3A_1061] {strides = array<i32>} : memref<64x128xf32, #tpu.memory_space<vmem>>, vector<16xf32>,
      tpu.vector_store %arg9[%parallel_loop3A_1060, %parallel_loop3A_1061], %parallel_loop3A_1059 {strides = array<i32>} : memref<64x128xf32, #tpu.memory_space<vmem>>, vector<16xf32>,
      %parallel_loop3A_1063 = arith.constant 32 : i32
      %parallel_loop3A_1064 = vector.broadcast %parallel_loop3A_1063 : i32 to vector<16xi32>
      %parallel_loop3A_1065 = arith.addi %iota3A, %parallel_loop3A_1064 : vector<16xi32>
      %parallel_loop3A_1066 = tpu.vector_load_idx %arg8[%parallel_loop3A_1065, %parallel_loop3A_1048] : memref<64x512xf32, #tpu.memory_space<vmem>>[vector<16xi32>, vector<16xi32>], vector<16xf32>,
      %parallel_loop3A_1067 = arith.index_cast %parallel_loop3A_1045 : i32 to index
      %parallel_loop3A_1068 = arith.constant 96 : index
      %parallel_loop3A_1069 = tpu.vector_load %arg9[%parallel_loop3A_1067, %parallel_loop3A_1068] {strides = array<i32>} : memref<64x128xf32, #tpu.memory_space<vmem>>, vector<16xf32>,
      tpu.vector_store %arg9[%parallel_loop3A_1067, %parallel_loop3A_1068], %parallel_loop3A_1066 {strides = array<i32>} : memref<64x128xf32, #tpu.memory_space<vmem>>, vector<16xf32>,
      %parallel_loop3A_1070 = arith.constant 48 : i32
      %parallel_loop3A_1071 = vector.broadcast %parallel_loop3A_1070 : i32 to vector<16xi32>
      %parallel_loop3A_1072 = arith.addi %iota3A, %parallel_loop3A_1071 : vector<16xi32>
      %parallel_loop3A_1073 = tpu.vector_load_idx %arg8[%parallel_loop3A_1072, %parallel_loop3A_1048] : memref<64x512xf32, #tpu.memory_space<vmem>>[vector<16xi32>, vector<16xi32>], vector<16xf32>,
      %parallel_loop3A_1074 = arith.index_cast %parallel_loop3A_1045 : i32 to index
      %parallel_loop3A_1075 = arith.constant 112 : index
      %parallel_loop3A_1076 = tpu.vector_load %arg9[%parallel_loop3A_1074, %parallel_loop3A_1075] {strides = array<i32>} : memref<64x128xf32, #tpu.memory_space<vmem>>, vector<16xf32>,
      tpu.vector_store %arg9[%parallel_loop3A_1074, %parallel_loop3A_1075], %parallel_loop3A_1073 {strides = array<i32>} : memref<64x128xf32, #tpu.memory_space<vmem>>, vector<16xf32>,
    } {sc.loop_unroll_factor = 1 : i64, sc.parallel_access}
    %add3A_956 = arith.constant 14 : i32
    %add3A_957 = arith.addi %add3A_956, %add3A_72 : i32
    %mul3A_958 = arith.constant 512 : i32
    %mul3A_959 = vector.broadcast %mul3A_958 : i32 to vector<16xi32>
    %mul3A_960 = arith.muli %add3A_56, %mul3A_959 : vector<16xi32>
    %add3A_961 = vector.broadcast %add3A_957 : i32 to vector<16xi32>
    %add3A_962 = arith.addi %mul3A_960, %add3A_961 : vector<16xi32>
    %swap3A_963 = arith.constant 0 : index
    %swap3A_964 = tpu.vector_load %arg11[%swap3A_963] {strides = array<i32>} : memref<64xi32, #tpu.memory_space<vmem>>, vector<16xi32>,
    tpu.vector_store %arg11[%swap3A_963], %add3A_962 {strides = array<i32>} : memref<64xi32, #tpu.memory_space<vmem>>, vector<16xi32>,
    %mul3A_965 = arith.constant 512 : i32
    %mul3A_966 = vector.broadcast %mul3A_965 : i32 to vector<16xi32>
    %mul3A_967 = arith.muli %add3A_59, %mul3A_966 : vector<16xi32>
    %add3A_968 = vector.broadcast %add3A_957 : i32 to vector<16xi32>
    %add3A_969 = arith.addi %mul3A_967, %add3A_968 : vector<16xi32>
    %swap3A_970 = arith.constant 16 : index
    %swap3A_971 = tpu.vector_load %arg11[%swap3A_970] {strides = array<i32>} : memref<64xi32, #tpu.memory_space<vmem>>, vector<16xi32>,
    tpu.vector_store %arg11[%swap3A_970], %add3A_969 {strides = array<i32>} : memref<64xi32, #tpu.memory_space<vmem>>, vector<16xi32>,
    %mul3A_972 = arith.constant 512 : i32
    %mul3A_973 = vector.broadcast %mul3A_972 : i32 to vector<16xi32>
    %mul3A_974 = arith.muli %add3A_62, %mul3A_973 : vector<16xi32>
    %add3A_975 = vector.broadcast %add3A_957 : i32 to vector<16xi32>
    %add3A_976 = arith.addi %mul3A_974, %add3A_975 : vector<16xi32>
    %swap3A_977 = arith.constant 32 : index
    %swap3A_978 = tpu.vector_load %arg11[%swap3A_977] {strides = array<i32>} : memref<64xi32, #tpu.memory_space<vmem>>, vector<16xi32>,
    tpu.vector_store %arg11[%swap3A_977], %add3A_976 {strides = array<i32>} : memref<64xi32, #tpu.memory_space<vmem>>, vector<16xi32>,
    %mul3A_979 = arith.constant 512 : i32
    %mul3A_980 = vector.broadcast %mul3A_979 : i32 to vector<16xi32>
    %mul3A_981 = arith.muli %add3A_65, %mul3A_980 : vector<16xi32>
    %add3A_982 = vector.broadcast %add3A_957 : i32 to vector<16xi32>
    %add3A_983 = arith.addi %mul3A_981, %add3A_982 : vector<16xi32>
    %swap3A_984 = arith.constant 48 : index
    %swap3A_985 = tpu.vector_load %arg11[%swap3A_984] {strides = array<i32>} : memref<64xi32, #tpu.memory_space<vmem>>, vector<16xi32>,
    tpu.vector_store %arg11[%swap3A_984], %add3A_983 {strides = array<i32>} : memref<64xi32, #tpu.memory_space<vmem>>, vector<16xi32>,
    %dma_start3A_986 = arith.constant 0 : i32
    %dma_start3A_987 = arith.constant 0 : i32
    %dma_start3A_988 = tpu.memref_slice %arg4[%dma_start3A_986, %dma_start3A_987] : memref<32768x128xf32, #tpu.memory_space<hbm>> -> memref<32768x128xf32, #tpu.memory_space<hbm>>
    tpu.enqueue_indirect_dma source(%arg9 : memref<64x128xf32, #tpu.memory_space<vmem>>) target(%dma_start3A_988 : memref<32768x128xf32, #tpu.memory_space<hbm>>) offsets(%arg11 : memref<64xi32, #tpu.memory_space<vmem>>) semaphore(%arg17 : memref<!tpu.dma_semaphore, #tpu.memory_space<semaphore_mem>>)
    %dma_wait3A_989 = arith.constant 0 : i32
    %dma_wait3A_990 = arith.constant 0 : i32
    %dma_wait3A_991 = tpu.memref_slice %arg4[%dma_wait3A_989, %dma_wait3A_990] : memref<32768x128xf32, #tpu.memory_space<hbm>> -> memref<32768x128xf32, #tpu.memory_space<hbm>>
    tpu.wait_indirect_dma semaphore(%arg18 : memref<!tpu.dma_semaphore, #tpu.memory_space<semaphore_mem>>) src(%arg10 : memref<64x128xf32, #tpu.memory_space<vmem>>) dst(%dma_wait3A_991 : memref<32768x128xf32, #tpu.memory_space<hbm>>)
    %dma_wait3A_992 = arith.constant 0 : i32
    %dma_wait3A_993 = tpu.memref_slice %arg2[%add3A_928, %dma_wait3A_992] : memref<65536x512xf32, #tpu.memory_space<hbm>> -> memref<64x512xf32, #tpu.memory_space<hbm>>
    %dma_wait3A_994 = arith.constant 0 : i32
    %dma_wait3A_995 = tpu.memref_slice %arg2[%add3A_928, %dma_wait3A_994] : memref<65536x512xf32, #tpu.memory_space<hbm>> -> memref<64x512xf32, #tpu.memory_space<hbm>>
    tpu.wait_dma2 semaphore(%arg14 : memref<!tpu.dma_semaphore, #tpu.memory_space<semaphore_mem>>) src(%dma_wait3A_995 : memref<64x512xf32, #tpu.memory_space<hbm>>) dst(%arg6 : memref<64x512xf32, #tpu.memory_space<vmem>>)
    %parallel_loop3A_996 = arith.constant 0 : i32
    %parallel_loop3A_997 = arith.constant 64 : i32
    %parallel_loop3A_998 = arith.constant 1 : i32
    scf.for %parallel_loop3A_1045 = %parallel_loop3A_996 to %parallel_loop3A_997 step %parallel_loop3A_998  : i32 {
      %parallel_loop3A_1046 = arith.index_cast %parallel_loop3A_1045 : i32 to index
      %parallel_loop3A_1047 = arith.constant 0 : index
      %parallel_loop3A_1048 = tpu.vector_load %arg13[%parallel_loop3A_1046, %parallel_loop3A_1047] {strides = array<i32>} : memref<64x16xi32, #tpu.memory_space<vmem>>, vector<16xi32>,
      %parallel_loop3A_1049 = arith.constant 0 : i32
      %parallel_loop3A_1050 = vector.broadcast %parallel_loop3A_1049 : i32 to vector<16xi32>
      %parallel_loop3A_1051 = arith.addi %iota3A, %parallel_loop3A_1050 : vector<16xi32>
      %parallel_loop3A_1052 = tpu.vector_load_idx %arg6[%parallel_loop3A_1051, %parallel_loop3A_1048] : memref<64x512xf32, #tpu.memory_space<vmem>>[vector<16xi32>, vector<16xi32>], vector<16xf32>,
      %parallel_loop3A_1053 = arith.index_cast %parallel_loop3A_1045 : i32 to index
      %parallel_loop3A_1054 = arith.constant 0 : index
      %parallel_loop3A_1055 = tpu.vector_load %arg10[%parallel_loop3A_1053, %parallel_loop3A_1054] {strides = array<i32>} : memref<64x128xf32, #tpu.memory_space<vmem>>, vector<16xf32>,
      tpu.vector_store %arg10[%parallel_loop3A_1053, %parallel_loop3A_1054], %parallel_loop3A_1052 {strides = array<i32>} : memref<64x128xf32, #tpu.memory_space<vmem>>, vector<16xf32>,
      %parallel_loop3A_1056 = arith.constant 16 : i32
      %parallel_loop3A_1057 = vector.broadcast %parallel_loop3A_1056 : i32 to vector<16xi32>
      %parallel_loop3A_1058 = arith.addi %iota3A, %parallel_loop3A_1057 : vector<16xi32>
      %parallel_loop3A_1059 = tpu.vector_load_idx %arg6[%parallel_loop3A_1058, %parallel_loop3A_1048] : memref<64x512xf32, #tpu.memory_space<vmem>>[vector<16xi32>, vector<16xi32>], vector<16xf32>,
      %parallel_loop3A_1060 = arith.index_cast %parallel_loop3A_1045 : i32 to index
      %parallel_loop3A_1061 = arith.constant 16 : index
      %parallel_loop3A_1062 = tpu.vector_load %arg10[%parallel_loop3A_1060, %parallel_loop3A_1061] {strides = array<i32>} : memref<64x128xf32, #tpu.memory_space<vmem>>, vector<16xf32>,
      tpu.vector_store %arg10[%parallel_loop3A_1060, %parallel_loop3A_1061], %parallel_loop3A_1059 {strides = array<i32>} : memref<64x128xf32, #tpu.memory_space<vmem>>, vector<16xf32>,
      %parallel_loop3A_1063 = arith.constant 32 : i32
      %parallel_loop3A_1064 = vector.broadcast %parallel_loop3A_1063 : i32 to vector<16xi32>
      %parallel_loop3A_1065 = arith.addi %iota3A, %parallel_loop3A_1064 : vector<16xi32>
      %parallel_loop3A_1066 = tpu.vector_load_idx %arg6[%parallel_loop3A_1065, %parallel_loop3A_1048] : memref<64x512xf32, #tpu.memory_space<vmem>>[vector<16xi32>, vector<16xi32>], vector<16xf32>,
      %parallel_loop3A_1067 = arith.index_cast %parallel_loop3A_1045 : i32 to index
      %parallel_loop3A_1068 = arith.constant 32 : index
      %parallel_loop3A_1069 = tpu.vector_load %arg10[%parallel_loop3A_1067, %parallel_loop3A_1068] {strides = array<i32>} : memref<64x128xf32, #tpu.memory_space<vmem>>, vector<16xf32>,
      tpu.vector_store %arg10[%parallel_loop3A_1067, %parallel_loop3A_1068], %parallel_loop3A_1066 {strides = array<i32>} : memref<64x128xf32, #tpu.memory_space<vmem>>, vector<16xf32>,
      %parallel_loop3A_1070 = arith.constant 48 : i32
      %parallel_loop3A_1071 = vector.broadcast %parallel_loop3A_1070 : i32 to vector<16xi32>
      %parallel_loop3A_1072 = arith.addi %iota3A, %parallel_loop3A_1071 : vector<16xi32>
      %parallel_loop3A_1073 = tpu.vector_load_idx %arg6[%parallel_loop3A_1072, %parallel_loop3A_1048] : memref<64x512xf32, #tpu.memory_space<vmem>>[vector<16xi32>, vector<16xi32>], vector<16xf32>,
      %parallel_loop3A_1074 = arith.index_cast %parallel_loop3A_1045 : i32 to index
      %parallel_loop3A_1075 = arith.constant 48 : index
      %parallel_loop3A_1076 = tpu.vector_load %arg10[%parallel_loop3A_1074, %parallel_loop3A_1075] {strides = array<i32>} : memref<64x128xf32, #tpu.memory_space<vmem>>, vector<16xf32>,
      tpu.vector_store %arg10[%parallel_loop3A_1074, %parallel_loop3A_1075], %parallel_loop3A_1073 {strides = array<i32>} : memref<64x128xf32, #tpu.memory_space<vmem>>, vector<16xf32>,
    } {sc.loop_unroll_factor = 1 : i64, sc.parallel_access}
    %dma_wait3A_999 = arith.constant 0 : i32
    %dma_wait3A_1000 = tpu.memref_slice %arg2[%add3A_944, %dma_wait3A_999] : memref<65536x512xf32, #tpu.memory_space<hbm>> -> memref<64x512xf32, #tpu.memory_space<hbm>>
    %dma_wait3A_1001 = arith.constant 0 : i32
    %dma_wait3A_1002 = tpu.memref_slice %arg2[%add3A_944, %dma_wait3A_1001] : memref<65536x512xf32, #tpu.memory_space<hbm>> -> memref<64x512xf32, #tpu.memory_space<hbm>>
    tpu.wait_dma2 semaphore(%arg15 : memref<!tpu.dma_semaphore, #tpu.memory_space<semaphore_mem>>) src(%dma_wait3A_1002 : memref<64x512xf32, #tpu.memory_space<hbm>>) dst(%arg7 : memref<64x512xf32, #tpu.memory_space<vmem>>)
    %parallel_loop3A_1003 = arith.constant 0 : i32
    %parallel_loop3A_1004 = arith.constant 64 : i32
    %parallel_loop3A_1005 = arith.constant 1 : i32
    scf.for %parallel_loop3A_1045 = %parallel_loop3A_1003 to %parallel_loop3A_1004 step %parallel_loop3A_1005  : i32 {
      %parallel_loop3A_1046 = arith.index_cast %parallel_loop3A_1045 : i32 to index
      %parallel_loop3A_1047 = arith.constant 0 : index
      %parallel_loop3A_1048 = tpu.vector_load %arg13[%parallel_loop3A_1046, %parallel_loop3A_1047] {strides = array<i32>} : memref<64x16xi32, #tpu.memory_space<vmem>>, vector<16xi32>,
      %parallel_loop3A_1049 = arith.constant 0 : i32
      %parallel_loop3A_1050 = vector.broadcast %parallel_loop3A_1049 : i32 to vector<16xi32>
      %parallel_loop3A_1051 = arith.addi %iota3A, %parallel_loop3A_1050 : vector<16xi32>
      %parallel_loop3A_1052 = tpu.vector_load_idx %arg7[%parallel_loop3A_1051, %parallel_loop3A_1048] : memref<64x512xf32, #tpu.memory_space<vmem>>[vector<16xi32>, vector<16xi32>], vector<16xf32>,
      %parallel_loop3A_1053 = arith.index_cast %parallel_loop3A_1045 : i32 to index
      %parallel_loop3A_1054 = arith.constant 64 : index
      %parallel_loop3A_1055 = tpu.vector_load %arg10[%parallel_loop3A_1053, %parallel_loop3A_1054] {strides = array<i32>} : memref<64x128xf32, #tpu.memory_space<vmem>>, vector<16xf32>,
      tpu.vector_store %arg10[%parallel_loop3A_1053, %parallel_loop3A_1054], %parallel_loop3A_1052 {strides = array<i32>} : memref<64x128xf32, #tpu.memory_space<vmem>>, vector<16xf32>,
      %parallel_loop3A_1056 = arith.constant 16 : i32
      %parallel_loop3A_1057 = vector.broadcast %parallel_loop3A_1056 : i32 to vector<16xi32>
      %parallel_loop3A_1058 = arith.addi %iota3A, %parallel_loop3A_1057 : vector<16xi32>
      %parallel_loop3A_1059 = tpu.vector_load_idx %arg7[%parallel_loop3A_1058, %parallel_loop3A_1048] : memref<64x512xf32, #tpu.memory_space<vmem>>[vector<16xi32>, vector<16xi32>], vector<16xf32>,
      %parallel_loop3A_1060 = arith.index_cast %parallel_loop3A_1045 : i32 to index
      %parallel_loop3A_1061 = arith.constant 80 : index
      %parallel_loop3A_1062 = tpu.vector_load %arg10[%parallel_loop3A_1060, %parallel_loop3A_1061] {strides = array<i32>} : memref<64x128xf32, #tpu.memory_space<vmem>>, vector<16xf32>,
      tpu.vector_store %arg10[%parallel_loop3A_1060, %parallel_loop3A_1061], %parallel_loop3A_1059 {strides = array<i32>} : memref<64x128xf32, #tpu.memory_space<vmem>>, vector<16xf32>,
      %parallel_loop3A_1063 = arith.constant 32 : i32
      %parallel_loop3A_1064 = vector.broadcast %parallel_loop3A_1063 : i32 to vector<16xi32>
      %parallel_loop3A_1065 = arith.addi %iota3A, %parallel_loop3A_1064 : vector<16xi32>
      %parallel_loop3A_1066 = tpu.vector_load_idx %arg7[%parallel_loop3A_1065, %parallel_loop3A_1048] : memref<64x512xf32, #tpu.memory_space<vmem>>[vector<16xi32>, vector<16xi32>], vector<16xf32>,
      %parallel_loop3A_1067 = arith.index_cast %parallel_loop3A_1045 : i32 to index
      %parallel_loop3A_1068 = arith.constant 96 : index
      %parallel_loop3A_1069 = tpu.vector_load %arg10[%parallel_loop3A_1067, %parallel_loop3A_1068] {strides = array<i32>} : memref<64x128xf32, #tpu.memory_space<vmem>>, vector<16xf32>,
      tpu.vector_store %arg10[%parallel_loop3A_1067, %parallel_loop3A_1068], %parallel_loop3A_1066 {strides = array<i32>} : memref<64x128xf32, #tpu.memory_space<vmem>>, vector<16xf32>,
      %parallel_loop3A_1070 = arith.constant 48 : i32
      %parallel_loop3A_1071 = vector.broadcast %parallel_loop3A_1070 : i32 to vector<16xi32>
      %parallel_loop3A_1072 = arith.addi %iota3A, %parallel_loop3A_1071 : vector<16xi32>
      %parallel_loop3A_1073 = tpu.vector_load_idx %arg7[%parallel_loop3A_1072, %parallel_loop3A_1048] : memref<64x512xf32, #tpu.memory_space<vmem>>[vector<16xi32>, vector<16xi32>], vector<16xf32>,
      %parallel_loop3A_1074 = arith.index_cast %parallel_loop3A_1045 : i32 to index
      %parallel_loop3A_1075 = arith.constant 112 : index
      %parallel_loop3A_1076 = tpu.vector_load %arg10[%parallel_loop3A_1074, %parallel_loop3A_1075] {strides = array<i32>} : memref<64x128xf32, #tpu.memory_space<vmem>>, vector<16xf32>,
      tpu.vector_store %arg10[%parallel_loop3A_1074, %parallel_loop3A_1075], %parallel_loop3A_1073 {strides = array<i32>} : memref<64x128xf32, #tpu.memory_space<vmem>>, vector<16xf32>,
    } {sc.loop_unroll_factor = 1 : i64, sc.parallel_access}
    %add3A_1006 = arith.constant 15 : i32
    %add3A_1007 = arith.addi %add3A_1006, %add3A_72 : i32
    %mul3A_1008 = arith.constant 512 : i32
    %mul3A_1009 = vector.broadcast %mul3A_1008 : i32 to vector<16xi32>
    %mul3A_1010 = arith.muli %add3A_56, %mul3A_1009 : vector<16xi32>
    %add3A_1011 = vector.broadcast %add3A_1007 : i32 to vector<16xi32>
    %add3A_1012 = arith.addi %mul3A_1010, %add3A_1011 : vector<16xi32>
    %swap3A_1013 = arith.constant 0 : index
    %swap3A_1014 = tpu.vector_load %arg12[%swap3A_1013] {strides = array<i32>} : memref<64xi32, #tpu.memory_space<vmem>>, vector<16xi32>,
    tpu.vector_store %arg12[%swap3A_1013], %add3A_1012 {strides = array<i32>} : memref<64xi32, #tpu.memory_space<vmem>>, vector<16xi32>,
    %mul3A_1015 = arith.constant 512 : i32
    %mul3A_1016 = vector.broadcast %mul3A_1015 : i32 to vector<16xi32>
    %mul3A_1017 = arith.muli %add3A_59, %mul3A_1016 : vector<16xi32>
    %add3A_1018 = vector.broadcast %add3A_1007 : i32 to vector<16xi32>
    %add3A_1019 = arith.addi %mul3A_1017, %add3A_1018 : vector<16xi32>
    %swap3A_1020 = arith.constant 16 : index
    %swap3A_1021 = tpu.vector_load %arg12[%swap3A_1020] {strides = array<i32>} : memref<64xi32, #tpu.memory_space<vmem>>, vector<16xi32>,
    tpu.vector_store %arg12[%swap3A_1020], %add3A_1019 {strides = array<i32>} : memref<64xi32, #tpu.memory_space<vmem>>, vector<16xi32>,
    %mul3A_1022 = arith.constant 512 : i32
    %mul3A_1023 = vector.broadcast %mul3A_1022 : i32 to vector<16xi32>
    %mul3A_1024 = arith.muli %add3A_62, %mul3A_1023 : vector<16xi32>
    %add3A_1025 = vector.broadcast %add3A_1007 : i32 to vector<16xi32>
    %add3A_1026 = arith.addi %mul3A_1024, %add3A_1025 : vector<16xi32>
    %swap3A_1027 = arith.constant 32 : index
    %swap3A_1028 = tpu.vector_load %arg12[%swap3A_1027] {strides = array<i32>} : memref<64xi32, #tpu.memory_space<vmem>>, vector<16xi32>,
    tpu.vector_store %arg12[%swap3A_1027], %add3A_1026 {strides = array<i32>} : memref<64xi32, #tpu.memory_space<vmem>>, vector<16xi32>,
    %mul3A_1029 = arith.constant 512 : i32
    %mul3A_1030 = vector.broadcast %mul3A_1029 : i32 to vector<16xi32>
    %mul3A_1031 = arith.muli %add3A_65, %mul3A_1030 : vector<16xi32>
    %add3A_1032 = vector.broadcast %add3A_1007 : i32 to vector<16xi32>
    %add3A_1033 = arith.addi %mul3A_1031, %add3A_1032 : vector<16xi32>
    %swap3A_1034 = arith.constant 48 : index
    %swap3A_1035 = tpu.vector_load %arg12[%swap3A_1034] {strides = array<i32>} : memref<64xi32, #tpu.memory_space<vmem>>, vector<16xi32>,
    tpu.vector_store %arg12[%swap3A_1034], %add3A_1033 {strides = array<i32>} : memref<64xi32, #tpu.memory_space<vmem>>, vector<16xi32>,
    %dma_start3A_1036 = arith.constant 0 : i32
    %dma_start3A_1037 = arith.constant 0 : i32
    %dma_start3A_1038 = tpu.memref_slice %arg4[%dma_start3A_1036, %dma_start3A_1037] : memref<32768x128xf32, #tpu.memory_space<hbm>> -> memref<32768x128xf32, #tpu.memory_space<hbm>>
    tpu.enqueue_indirect_dma source(%arg10 : memref<64x128xf32, #tpu.memory_space<vmem>>) target(%dma_start3A_1038 : memref<32768x128xf32, #tpu.memory_space<hbm>>) offsets(%arg12 : memref<64xi32, #tpu.memory_space<vmem>>) semaphore(%arg18 : memref<!tpu.dma_semaphore, #tpu.memory_space<semaphore_mem>>)
    %dma_wait3A_1039 = arith.constant 0 : i32
    %dma_wait3A_1040 = arith.constant 0 : i32
    %dma_wait3A_1041 = tpu.memref_slice %arg4[%dma_wait3A_1039, %dma_wait3A_1040] : memref<32768x128xf32, #tpu.memory_space<hbm>> -> memref<32768x128xf32, #tpu.memory_space<hbm>>
    tpu.wait_indirect_dma semaphore(%arg17 : memref<!tpu.dma_semaphore, #tpu.memory_space<semaphore_mem>>) src(%arg9 : memref<64x128xf32, #tpu.memory_space<vmem>>) dst(%dma_wait3A_1041 : memref<32768x128xf32, #tpu.memory_space<hbm>>)
    %dma_wait3A_1042 = arith.constant 0 : i32
    %dma_wait3A_1043 = arith.constant 0 : i32
    %dma_wait3A_1044 = tpu.memref_slice %arg4[%dma_wait3A_1042, %dma_wait3A_1043] : memref<32768x128xf32, #tpu.memory_space<hbm>> -> memref<32768x128xf32, #tpu.memory_space<hbm>>
    tpu.wait_indirect_dma semaphore(%arg18 : memref<!tpu.dma_semaphore, #tpu.memory_space<semaphore_mem>>) src(%arg10 : memref<64x128xf32, #tpu.memory_space<vmem>>) dst(%dma_wait3A_1044 : memref<32768x128xf32, #tpu.memory_space<hbm>>)
    return
  }
}

module attributes {stable_mosaic.version = 14 : i64} {
  func.func @_a_onehot_body(%arg0: memref<16x64xi32, #tpu.memory_space<vmem>>, %arg1: memref<16x64x512xf32, #tpu.memory_space<vmem>>, %arg2: memref<16x64x512xf32, #tpu.memory_space<vmem>>) attributes {dimension_semantics = [], scalar_prefetch = 0 : i64, scratch_operands = 0 : i64, tpu.core_type = #tpu.core_type<tc>} {
    %iota3A = tpu.iota {dimensions = array<i32: 2>} : vector<16x64x512xi32>
    %get3A = arith.constant 0 : index
    %get3A_0 = arith.constant 0 : index
    %get3A_1 = vector.load %arg0[%get3A, %get3A_0] : memref<16x64xi32, #tpu.memory_space<vmem>>, vector<16x64xi32>
    %broadcast_in_dim3A = vector.shape_cast %get3A_1 : vector<16x64xi32> to vector<16x64x1xi32>
    %eq3A = vector.broadcast %broadcast_in_dim3A : vector<16x64x1xi32> to vector<16x64x512xi32>
    %eq3A_2 = arith.cmpi eq, %eq3A, %iota3A : vector<16x64x512xi32>
    %jit3A = arith.constant 1.000000e+00 : f32
    %jit3A_3 = arith.constant 0.000000e+00 : f32
    %broadcast_in_dim3A_4 = vector.broadcast %jit3A : f32 to vector<16x64x512xf32>
    %broadcast_in_dim3A_5 = vector.broadcast %jit3A_3 : f32 to vector<16x64x512xf32>
    %select_n3A = arith.select %eq3A_2, %broadcast_in_dim3A_4, %broadcast_in_dim3A_5 : vector<16x64x512xi1>, vector<16x64x512xf32>
    %swap3A = arith.constant 0 : index
    %swap3A_6 = arith.constant 0 : index
    %swap3A_7 = arith.constant 0 : index
    %swap3A_8 = vector.load %arg1[%swap3A, %swap3A_6, %swap3A_7] : memref<16x64x512xf32, #tpu.memory_space<vmem>>, vector<16x64x512xf32>
    tpu.vector_store %arg1[%swap3A, %swap3A_6, %swap3A_7], %select_n3A {strides = array<i32>} : memref<16x64x512xf32, #tpu.memory_space<vmem>>, vector<16x64x512xf32>,
    %swap3A_9 = arith.constant 0 : index
    %swap3A_10 = arith.constant 0 : index
    %swap3A_11 = arith.constant 0 : index
    %swap3A_12 = vector.load %arg2[%swap3A_9, %swap3A_10, %swap3A_11] : memref<16x64x512xf32, #tpu.memory_space<vmem>>, vector<16x64x512xf32>
    tpu.vector_store %arg2[%swap3A_9, %swap3A_10, %swap3A_11], %select_n3A {strides = array<i32>} : memref<16x64x512xf32, #tpu.memory_space<vmem>>, vector<16x64x512xf32>,
    return
  }
}

</mosaic_0001>

<sc_bundles>
// kernel: kernel.4.cloned.1.call-start
scs
__scs_entry_jumppad:
0x0: {  	(pc) =	sbr.rel $0x88, $3  }
0x1: {  	(tag) =	ssettag $0x0;
	lr =	simm.s32 $0x1  }
0x2: {  	[smem:$0x3F9F] =	sst lr;
	_ =	strace $0xD0000000  }
0x3: {  	_ = 	snop  }
0x4: {  	_ = 	snop  }
0x5: {  	_ = 	snop  }
0x6: {  	_ = 	snop  }
0x7: {  	_ = 	snop  }
__scs_overlays_trampoline_lowered:
0x8: {  	[smem:$0x3FAE] =	sst s0  }
0x9: {  	[smem:$0x3FAF] =	sst s1  }
0xa: {  	[smem:$0x3FB0] =	sst s2  }
0xb: {  	[smem:$0x3FB1] =	sst s3  }
0xc: {  	[smem:$0x3FB2] =	sst s4  }
0xd: {  	[smem:$0x3FB3] =	sst s5  }
0xe: {  	[smem:$0x3FB4] =	sst s6  }
0xf: {  	[smem:$0x3FB5] =	sst s7  }
0x10: {  	[smem:$0x3FB6] =	sst s8  }
0x11: {  	[smem:$0x3FB7] =	sst s9;
	s0 =	simm.s32 @!p0 $0x0  }
0x12: {  	s1 =	sld [smem:$0x3F9D];
	s0 =	simm.s32 @p0 $0x1  }
0x13: {  	[smem:$0x3FB8] =	sst s0;
	s0 =	simm.s32 @!p1 $0x0  }
0x14: {  	s2 =	sld [smem:$0x3F9C];
	s0 =	simm.s32 @p1 $0x1  }
0x15: {  	[smem:$0x3FB9] =	sst s0;
	s0 =	simm.s32 @!p2 $0x0  }
0x16: {  	s3 =	sld [smem:$0x3FDB];
	s0 =	simm.s32 @p2 $0x1  }
0x17: {  	s4 =	simm.s32 $0x1BF5;
	[smem:$0x3FBB] =	sst s0  }
0x18: {  	s0 =	sld [smem:$0x3F9E];
	_ =	swait.ge [sflag:s4], $0x0  }
0x19: {  	s7 =	sld [smem:$0x3F9F]  }
0x1a: {  	s8 =	sadd.s32 $0xFFFFE003, lr  }
0x1b: {  	s9 =	sadd.s32 $0xFFFFFEF7, lr;
	s5 =	simm.s32 $0xFFFFFFFF;
	p2 =	slt.u32 s8, $0xFFFFF086  }
0x1c: {  	p1 =	slt.u32 s9, $0xF7A;
	s5 =	simm.s32 @!p2 $0x0  }
0x1d: {  	s5 =	simm.s32 @p1 $0x1;
	p0 =	seq.s32 s7, s2  }
0x1e: {  	s7 =	smul.u32 @!p0 $0xF7A, s2;
	p2 =	seq.s32 @!p0 s5, $0x0  }
0x1f: {  	s9 =	smul.u32 $0xF7A, s1;
	s8 =	simm.s32 @!p0 $0x1BF5;
	p2 =	por !p2, p0  }
0x20: {  	[sflag:s8] =	ssyncset.s32 @!p0 $0xFFFFF086;
	s6 =	sadd.s32 @!p0 s3, s7;
	s7 =	simm.s32 @!p0 $0x108  }
0x21: {  	s3 =	sadd.s32 s3, s9;
	s6 =	sadd.s32 @!p0 $0x88, s6;
	s7 =	simm.s32 @p2 $0x1082  }
0x22: {  	[simem:s7], [sflag:s8] =	dma.local @!p0 [hbm:s6], $0xF7A  }
0x23: {  	s9 =	sor.u32 $0xD0000000, s2;
	s6 =	simm.s32 $0x108;
	_ =	swait.ge @!p0 [sflag:s8], $0x0  }
0x24: {  	s3 =	sadd.s32 $0x88, s3;
	s6 =	simm.s32 @!p1 $0x1082;
	[sflag:s4] =	ssyncset.s32 $0xFFFFF086  }
0x25: {  	[simem:s6], [sflag:s4] =	dma.local [hbm:s3], $0xF7A  }
0x26: {  	[smem:$0x3F9F] =	sst s1;
	(tag) =	ssettag s2;
	_ =	strace s9  }
0x27: {  	s1 =	sld [smem:$0x3FAF]  }
0x28: {  	s2 =	sld [smem:$0x3FB0]  }
0x29: {  	s4 =	sld [smem:$0x3FB2]  }
0x2a: {  	p0 =	seq.s32 s5, $0x0;
	s5 =	sld [smem:$0x3FB3]  }
0x2b: {  	s6 =	sld [smem:$0x3FB4]  }
0x2c: {  	s7 =	sld [smem:$0x3FB5]  }
0x2d: {  	s3 =	simm.s32 $0x108;
	s8 =	sld [smem:$0x3FB6]  }
0x2e: {  	s3 =	simm.s32 @!p0 $0x1082;
	s9 =	sld [smem:$0x3FB7]  }
0x2f: {  	lr =	sadd.s32 s0, s3;
	s0 =	sld [smem:$0x3FAE]  }
0x30: {  	s3 =	sld [smem:$0x3FB1]  }
0x31: {  	[smem:$0x3FBA] =	sst s10  }
0x32: {  	s10 =	sld [smem:$0x3FB8];
	_ =	sdelay $0x3  }
0x33: {  	p0 =	seq.s32 s10, $0x1;
	s10 =	sld [smem:$0x3FBA];
	_ =	sdelay $0x3  }
0x34: {  	[smem:$0x3FBA] =	sst s10  }
0x35: {  	s10 =	sld [smem:$0x3FB9];
	_ =	sdelay $0x3  }
0x36: {  	p1 =	seq.s32 s10, $0x1;
	s10 =	sld [smem:$0x3FBA];
	_ =	sdelay $0x3  }
0x37: {  	[smem:$0x3FBA] =	sst s10  }
0x38: {  	s10 =	sld [smem:$0x3FBB]  }
0x39: {  	_ = 	snop;
	(pc) =	sbr.ind lr, $3  }
0x3a: {  	_ = 	snop  }
0x3b: {  	_ = 	snop  }
0x3c: {  	p2 =	seq.s32 s10, $0x1;
	s10 =	sld [smem:$0x3FBA]  }
0x3d: {  	_ =	shalt  }
0x3e: {  	_ =	shalt  }
0x3f: {  	_ =	shalt  }
0x40: {  	_ =	shalt  }
0x41: {  	_ =	shalt  }
0x42: {  	_ =	shalt  }
0x43: {  	_ =	shalt  }
0x44: {  	_ =	shalt  }
0x45: {  	_ =	shalt  }
0x46: {  	_ =	shalt  }
0x47: {  	_ =	shalt  }
0x48: {  	_ =	shalt  }
0x49: {  	_ =	shalt  }
0x4a: {  	_ =	shalt  }
0x4b: {  	_ =	shalt  }
0x4c: {  	_ =	shalt  }
0x4d: {  	_ =	shalt  }
0x4e: {  	_ =	shalt  }
0x4f: {  	_ =	shalt  }
0x50: {  	_ =	shalt  }
0x51: {  	_ =	shalt  }
0x52: {  	_ =	shalt  }
0x53: {  	_ =	shalt  }
0x54: {  	_ =	shalt  }
0x55: {  	_ =	shalt  }
0x56: {  	_ =	shalt  }
0x57: {  	_ =	shalt  }
0x58: {  	_ =	shalt  }
0x59: {  	_ =	shalt  }
0x5a: {  	_ =	shalt  }
0x5b: {  	_ =	shalt  }
0x5c: {  	_ =	shalt  }
0x5d: {  	_ =	shalt  }
0x5e: {  	_ =	shalt  }
0x5f: {  	_ =	shalt  }
0x60: {  	_ =	shalt  }
0x61: {  	_ =	shalt  }
0x62: {  	_ =	shalt  }
0x63: {  	_ =	shalt  }
0x64: {  	_ =	shalt  }
0x65: {  	_ =	shalt  }
0x66: {  	_ =	shalt  }
0x67: {  	_ =	shalt  }
0x68: {  	_ =	shalt  }
0x69: {  	_ =	shalt  }
0x6a: {  	_ =	shalt  }
0x6b: {  	_ =	shalt  }
0x6c: {  	_ =	shalt  }
0x6d: {  	_ =	shalt  }
0x6e: {  	_ =	shalt  }
0x6f: {  	_ =	shalt  }
0x70: {  	_ =	shalt  }
0x71: {  	_ =	shalt  }
0x72: {  	_ =	shalt  }
0x73: {  	_ =	shalt  }
0x74: {  	_ =	shalt  }
0x75: {  	_ =	shalt  }
0x76: {  	_ =	shalt  }
0x77: {  	_ =	shalt  }
0x78: {  	_ =	shalt  }
0x79: {  	_ =	shalt  }
0x7a: {  	_ =	shalt  }
0x7b: {  	_ =	shalt  }
0x7c: {  	_ =	shalt  }
0x7d: {  	_ =	shalt  }
0x7e: {  	_ =	shalt  }
0x7f: {  	_ =	shalt  }
0x80: {  	_ =	shalt  }
0x81: {  	_ =	shalt  }
0x82: {  	_ =	shalt  }
0x83: {  	_ =	shalt  }
0x84: {  	_ =	shalt  }
0x85: {  	_ =	shalt  }
0x86: {  	_ =	shalt  }
0x87: {  	_ =	shalt  }
.Lfunc_end0:
.L_simem_size_0:
called_computation_lowered:
.L_overlay_start_0:
0x88: {  	s2 =	sld [smem:$0x3FD9]  }
0x89: {  	s3 =	sld [smem:$0x3FFE];
	_ =	sdelay $0x1  }
0x8a: {  	s1 =	srdreg.scid  }
0x8b: {  	s0 =	sand.u32 $0x1, s1  }
0x8c: {  	s14 =	sshll.u32 s0, $0xA;
	s2 =	sadd.s32 s3, s2  }
0x8d: {  	s2 =	sadd.s32 s2, s14  }
0x8e: {  	[smem:$0x3FC6] =	sst s2  }
0x8f: {  	_ = 	snop  }
0x90: {  	s2 =	sld [smem:$0x3FD0];
	_ =	sdelay $0x2  }
0x91: {  	s4 =	simm.s32 $0xA;
	s5 =	simm.s32 $0x10;
	s15 =	sld [smem:$0x3FC9]  }
0x92: {  	[smem:s5], [sflag:s4] =	dma.local [hbm:s2], $0x1  }
0x93: {  	_ =	swait.eq [sflag:s4], $0x1  }
0x94: {  	[sflag:s4] =	ssyncset.done $0x0  }
0x95: {  	[sflag:s4] =	ssyncadd.s32 $0xFFFFFFFF  }
0x96: {  	s16 =	sld [smem:$0x10];
	(tm) =	ssettm $0x1  }
0x97: {  	s17 =	sld [smem:$0x3FFB];
	_ =	sdelay $0x3  }
0x98: {  	_ =	strace s17  }
0x99: {  	s4 =	sld [smem:$0x3FFC];
	_ =	sdelay $0x3  }
0x9a: {  	_ =	strace s4  }
0x9b: {  	s4 =	sld [smem:$0x3FFD];
	_ =	sdelay $0x3  }
0x9c: {  	_ =	strace s4  }
0x9d: {  	_ =	strace $0x8FFFFFFF  }
0x9e: {  	s18 =	sld [smem:$0x3FDB];
	_ =	sdelay $0x1  }
0x9f: {  	s19 =	simm.s32 $_scs_section_size  }
0xa0: {  	s6 =	simm.s32 $_size__tile_overlayer_lowered;
	s7 =	simm.s32 $_tile_overlayer_lowered  }
0xa1: {  	s22 =	simm.s32 $0x1BFF;
	s21 =	sshll.u32 s7, $0x1;
	s4 =	sadd.s32 s19, s18  }
0xa2: {  	s8 =	simm.s32 $0x0;
	s20 =	sshll.u32 s6, $0x1;
	s6 =	sadd.s32 s21, s4  }
0xa3: {  	[timem:s8], [sflag:s22] =	dma.local [hbm:s6], s20  }
0xa4: {  	_ =	swait.ge [sflag:s22], s20  }
0xa5: {  	s5 =	ssub.s32 $0x0, s20;
	[sflag:s22] =	ssyncset.done $0x0  }
0xa6: {  	[sflag:s22] =	ssyncadd.s32 s5;
	_ =	sdelay $0x1  }
0xa7: {  	s23 =	simm.s32 $0x1B8B  }
0xa8: {  	_ =	swait.ge [sflag:s23], $0x1  }
0xa9: {  	[sflag:s23] =	ssyncset.done $0x0  }
0xaa: {  	s25 =	simm.s32 $0x1B8E;
	s24 =	sld [smem:$0x3FFE];
	[sflag:s23] =	ssyncadd.s32 $0xFFFFFFFF  }
0xab: {  	s26 =	simm.s32 $execute0_lowered;
	[smem:$0x3FD2] =	sst s25  }
0xac: {  	s6 =	sshll.u32 s26, $0x1;
	_ =	strace $0x80000046;
	[dreg:$0x1] =	wrdreg $0xFFFFFFFF  }
0xad: {  	s28 =	simm.s32 $_size_execute0_lowered;
	s4 =	sadd.s32 s4, s6;
	[dreg:$0x0] =	wrdreg $0x0  }
0xae: {  	s6 =	sshll.u32 s28, $0x1;
	[dreg:$0x2] =	wrdreg s4  }
0xaf: {  	[dreg:$0x3] =	wrdreg s6  }
0xb0: {  	[dreg:$0x4] =	wrdreg $0xC0  }
0xb1: {  	_ =	task [dreg:s8], $0x5FFFF  }
0xb2: {  	[dreg:$0x1] =	wrdreg $0xFFFFFFFF  }
0xb3: {  	[dreg:$0x0] =	wrdreg $0x60  }
0xb4: {  	[dreg:$0x2] =	wrdreg s15  }
0xb5: {  	[dreg:$0x3] =	wrdreg s16  }
0xb6: {  	[dreg:$0x4] =	wrdreg s24  }
0xb7: {  	[dreg:$0x5] =	wrdreg $0x9  }
0xb8: {  	_ =	task.clear_ibuf [dreg:s8], $0x6FFFF;
	_ =	strace $0x90000046  }
0xb9: {  	s29 =	simm.s32 $0x9;
	_ =	strace $0x80000048  }
0xba: {  	_ =	swait.ge [sflag:s29], $0x1  }
0xbb: {  	[sflag:s29] =	ssyncadd.s32 $0xFFFFFFFF  }
0xbc: {  	_ =	strace $0x90000048  }
0xbd: {  	_ =	sfence  }
0xbe: {  	s30 =	sld [smem:$0x0];
	_ =	sdelay $0x2  }
0xbf: {  	s31 =	sshll.u32 s1, $0xD;
	s1 =	sshrl.u32 s1, $0x2  }
0xc0: {  	s3 =	sand.u32 $0x4000, s31;
	s1 =	sadd.s32 s1, s30  }
0xc1: {  	s0 =	sor.u32 s3, s0;
	s1 =	sshll.u32 s1, $0x11  }
0xc2: {  	s0 =	sor.u32 s1, s0  }
0xc3: {  	s0 =	sadd.s32 $0x8F2B, s0  }
0xc4: {  	[sflag:s0] =	ssyncadd.remote.s32 $0x1  }
0xc5: {  	_ =	sfence.sel $0xFFFF  }
0xc6: {  	[dreg:$0x0] =	wrdreg $0xFFFFFFFF;
	(pc) =	sbr.abs _section_cstart, $3  }
0xc7: {  	[dreg:$0x1] =	wrdreg $0xFFFFFFFF  }
0xc8: {  	_ =	task.clear_ibuf [dreg:s8], $0x2FFFF;
	_ =	strace $0x9FFFFFFF  }
0xc9: {  	(tm) =	ssettm $0x7FFFFFFF  }
tec
execute0_lowered:
.L_overlay_start_1:
0x0: {  	(tag) =	ssettag $0x1  }
0x1: {  	s0 =	srdreg.scid  }
0x2: {  	s10 =	stileid.u32;
	s0 =	sand.u32 $0x1, s0  }
0x3: {  	s1 =	sor.u32 s0, s10  }
0x4: {  	p1 =	seq.s32 s0, $0x1;
	p0 =	seq.s32 s1, $0x0  }
0x5: {  	p0 =	por !p0, !p1  }
0x6: {  	s1 =	simm.s32 $0x1;
	p0 =	por !p0, !p0  }
0x7: {  	s1 =	simm.s32 @!p0 $0x0  }
0x8: {  	v0 =	vlaneseq.u32;
	s1 =	ssub.s32 s10, s1  }
0x9: {  	v0 =	vmul.u32 $0x200, v0;
	s3 =	sshll.u32 s0, $0x4;
	s2 =	sshll.u32 s1, $0x5  }
0xa: {  	s2 =	sor.u32 s3, s2  }
0xb: {  	v1 =	vadd.s32 s2, v0  }
0xc: {  	[tilespmem:$0x1FED0] =	vst v1;
	v1 =	vor.u32 $0x2000, v0  }
0xd: {  	v2 =	vadd.s32 s2, v1  }
0xe: {  	[tilespmem:$0x1FEE0] =	vst v2;
	v2 =	vor.u32 $0x4000, v0  }
0xf: {  	v3 =	vor.u32 $0x6000, v0;
	v4 =	vadd.s32 s2, v2  }
0x10: {  	s3 =	sor.u32 $0x1, s2;
	[tilespmem:$0x1FEF0] =	vst v4;
	v4 =	vadd.s32 s2, v3  }
0x11: {  	[tilespmem:$0x1FF00] =	vst v4;
	v4 =	vadd.s32 s3, v0  }
0x12: {  	vm14 =	vcmask $0x300;
	vm13 =	vcmask $0x704;
	[tilespmem:$0x1FF10] =	vst v4;
	v4 =	vadd.s32 s3, v1  }
0x13: {  	vm12 =	vcmask $0xB08;
	vm11 =	vcmask $0xF0C;
	[tilespmem:$0x1FF20] =	vst v4;
	v4 =	vadd.s32 s3, v2  }
0x14: {  	vm9 =	vcmask $0x1310;
	vm10 =	vcmask $0x1714;
	s11 =	sor.u32 $0x2, s2;
	[tilespmem:$0x1FF30] =	vst v4;
	v4 =	vadd.s32 s3, v3  }
0x15: {  	vm8 =	vcmask $0x1B18;
	vm6 =	vcmask $0x1F1C;
	[tilespmem:$0x1FF40] =	vst v4;
	v4 =	vadd.s32 s11, v0  }
0x16: {  	vm7 =	vcmask $0x2320;
	vm0 =	vcmask $0x2724;
	[tilespmem:$0x1FF50] =	vst v4;
	v4 =	vadd.s32 s11, v1  }
0x17: {  	vm1 =	vcmask $0x2B28;
	vm2 =	vcmask $0x2F2C;
	[tilespmem:$0x1FF60] =	vst v4;
	v4 =	vadd.s32 s11, v2  }
0x18: {  	vm3 =	vcmask $0x3330;
	vm4 =	vcmask $0x3734;
	s4 =	sor.u32 $0x3, s2;
	s12 =	sor.u32 $0x4, s2;
	[tilespmem:$0x1FF70] =	vst v4;
	v4 =	vadd.s32 s11, v3  }
0x19: {  	vm5 =	vcmask $0x3B38;
	s13 =	sor.u32 $0x5, s2;
	v19 =	vadd.s32 s12, v3;
	[tilespmem:$0x1FF80] =	vst v4;
	v4 =	vadd.s32 s4, v0  }
0x1a: {  	s5 =	rddreg [dreg:$0x0];
	s14 =	sor.u32 $0x6, s2;
	v20 =	vadd.s32 s13, v0;
	v23 =	vadd.s32 s13, v3;
	[tilespmem:$0x1FF90] =	vst v4;
	v4 =	vadd.s32 s4, v1  }
0x1b: {  	s8 =	sshll.u32 s0, $0x11;
	s1 =	sshll.u32 s1, $0x12;
	s15 =	sor.u32 $0x7, s2;
	v24 =	vadd.s32 s14, v0;
	v27 =	vadd.s32 s14, v3;
	[tilespmem:$0x1FFA0] =	vst v4;
	v4 =	vadd.s32 s4, v2  }
0x1c: {  	s6 =	rddreg [dreg:$0x2];
	s1 =	sor.u32 s8, s1;
	s16 =	sor.u32 $0x8, s2;
	v28 =	vadd.s32 s15, v0;
	v31 =	vadd.s32 s15, v3;
	[tilespmem:$0x1FFB0] =	vst v4;
	v4 =	vadd.s32 s4, v3  }
0x1d: {  	s17 =	sor.u32 $0x9, s2;
	s18 =	sor.u32 $0xA, s2;
	s19 =	sor.u32 $0xB, s2;
	v32 =	vadd.s32 s16, v0;
	v35 =	vadd.s32 s16, v3;
	[tilespmem:$0x1FFC0] =	vst v4;
	v4 =	vadd.s32 s12, v0  }
0x1e: {  	s20 =	sor.u32 $0xC, s2;
	s21 =	sor.u32 $0xD, s2;
	s7 =	sor.u32 $0xE, s2;
	v36 =	vadd.s32 s17, v0;
	v39 =	vadd.s32 s17, v3;
	[tilespmem:$0x1FFD0] =	vst v4;
	v4 =	vadd.s32 s12, v1  }
0x1f: {  	s9 =	sor.u32 $0xF, s2;
	s8 =	sand.u32 $0x1FFE0000, s1;
	v40 =	vadd.s32 s18, v0;
	v43 =	vadd.s32 s18, v3;
	s3 =	simm.s32 $0x0;
	[tilespmem:$0x1FFE0] =	vst v4;
	v4 =	vadd.s32 s12, v2  }
0x20: {  	s23 =	sadd.s32 s5, s1;
	v44 =	vadd.s32 s19, v0;
	v47 =	vadd.s32 s19, v3;
	v48 =	vadd.s32 s20, v0;
	s8 =	sadd.s32 s8, s5;
	[smem:$0x7FF] =	sst s3;
	[tilespmem:$0x1FFF0] =	vst v4  }
0x21: {  	v51 =	vadd.s32 s20, v3;
	v52 =	vadd.s32 s21, v0;
	v55 =	vadd.s32 s21, v3;
	s24 =	sadd.s32 $0x1000, s8;
	_ =	strace $0x80000047;
	[dreg:$0x4] =	wrdreg s23  }
0x22: {  	v56 =	vadd.s32 s7, v0;
	v59 =	vadd.s32 s9, v0;
	v62 =	vadd.s32 s7, v3;
	s25 =	sadd.s32 $0x2000, s8;
	[dreg:$0x5] =	wrdreg s24  }
0x23: {  	v63 =	vadd.s32 s9, v3;
	v21 =	vadd.s32 s13, v1;
	v25 =	vadd.s32 s14, v1;
	s26 =	sadd.s32 $0x3000, s8;
	[dreg:$0x6] =	wrdreg s25  }
0x24: {  	v29 =	vadd.s32 s15, v1;
	v33 =	vadd.s32 s16, v1;
	v37 =	vadd.s32 s17, v1;
	s28 =	sadd.s32 $0x4000, s8;
	[dreg:$0x7] =	wrdreg s26  }
0x25: {  	v41 =	vadd.s32 s18, v1;
	v45 =	vadd.s32 s19, v1;
	v49 =	vadd.s32 s20, v1;
	s29 =	sadd.s32 $0x5000, s8;
	[dreg:$0x8] =	wrdreg s28  }
0x26: {  	v53 =	vadd.s32 s21, v1;
	v57 =	vadd.s32 s7, v1;
	v60 =	vadd.s32 s9, v1;
	s30 =	sadd.s32 $0x6000, s8;
	[dreg:$0x9] =	wrdreg s29  }
0x27: {  	s31 =	sadd.s32 $0x7000, s8;
	v22 =	vadd.s32 s13, v2;
	v26 =	vadd.s32 s14, v2;
	v30 =	vadd.s32 s15, v2;
	[dreg:$0xa] =	wrdreg s30  }
0x28: {  	s1 =	sadd.s32 $0x8000, s8;
	v34 =	vadd.s32 s16, v2;
	v38 =	vadd.s32 s17, v2;
	v42 =	vadd.s32 s18, v2;
	[dreg:$0xb] =	wrdreg s31  }
0x29: {  	s0 =	ssub.s32 $0x2, s0;
	s5 =	sadd.s32 $0x9000, s8;
	v46 =	vadd.s32 s19, v2;
	v50 =	vadd.s32 s20, v2;
	v3 =	vimm.s32 $0x7380;
	[dreg:$0xc] =	wrdreg s1  }
0x2a: {  	s22 =	sshrl.u32 s0, $0x1;
	v54 =	vadd.s32 s21, v2;
	v58 =	vadd.s32 s7, v2;
	s7 =	sadd.s32 $0xA000, s8;
	v3 =	vsel vm14, $0x6000, v3;
	[dreg:$0xd] =	wrdreg s5  }
0x2b: {  	v61 =	vadd.s32 s9, v2;
	s9 =	sadd.s32 $0xB000, s8;
	s13 =	sadd.s32 $0xE000, s8;
	v1 =	vimm.s32 $0x3380;
	v3 =	vsel vm13, $0x6080, v3;
	[dreg:$0xe] =	wrdreg s7  }
0x2c: {  	s14 =	sadd.s32 $0xF000, s8;
	s11 =	sadd.s32 $0xC000, s8;
	v2 =	vimm.s32 $0x5380;
	v1 =	vsel vm14, $0x2000, v1;
	v3 =	vsel vm12, $0x6100, v3;
	[dreg:$0xf] =	wrdreg s9  }
0x2d: {  	s15 =	sshll.u32 s10, $0x6;
	s12 =	sadd.s32 $0xD000, s8;
	v4 =	vimm.s32 $0x1380;
	v2 =	vsel vm14, $0x4000, v2;
	v1 =	vsel vm13, $0x2080, v1;
	[dreg:$0x10] =	wrdreg s11  }
0x2e: {  	s17 =	sadd.s32 $0x10000, s8;
	s18 =	sadd.s32 $0x11000, s8;
	v3 =	vsel vm11, $0x6180, v3;
	v4 =	vsel vm14, $0x0, v4;
	v2 =	vsel vm13, $0x4080, v2;
	[dreg:$0x11] =	wrdreg s12  }
0x2f: {  	s19 =	sadd.s32 $0x12000, s8;
	s20 =	sadd.s32 $0x13000, s8;
	[dreg:$0x12] =	wrdreg s13;
	v1 =	vsel vm12, $0x2100, v1;
	v3 =	vsel vm9, $0x6200, v3;
	v4 =	vsel vm13, $0x80, v4  }
0x30: {  	s21 =	sadd.s32 $0x14000, s8;
	s10 =	simm.s32 $0x1;
	[dreg:$0x13] =	wrdreg s14;
	v2 =	vsel vm12, $0x4100, v2;
	v1 =	vsel vm11, $0x2180, v1;
	v3 =	vsel vm10, $0x6280, v3  }
0x31: {  	s4 =	sadd.s32 $0x800, s6;
	s6 =	simm.s32 $0xFFFFFFFF;
	[dreg:$0x14] =	wrdreg s17;
	v4 =	vsel vm12, $0x100, v4;
	v2 =	vsel vm11, $0x4180, v2;
	v1 =	vsel vm9, $0x2200, v1  }
0x32: {  	s2 =	ssub.s32 s0, s22;
	s6 =	simm.s32 @!p0 $0x0;
	[dreg:$0x15] =	wrdreg s18;
	v3 =	vsel vm8, $0x6300, v3;
	v4 =	vsel vm11, $0x180, v4;
	v2 =	vsel vm9, $0x4200, v2  }
0x33: {  	s16 =	sshll.u32 s6, $0x6;
	s6 =	sadd.s32 $0x1D000, s8;
	[dreg:$0x16] =	wrdreg s19;
	v1 =	vsel vm10, $0x2280, v1;
	v3 =	vsel vm6, $0x6380, v3;
	v4 =	vsel vm9, $0x200, v4  }
0x34: {  	s22 =	sadd.s32 s16, s15;
	s15 =	simm.s32 $0x2;
	[dreg:$0x17] =	wrdreg s20;
	v2 =	vsel vm10, $0x4280, v2;
	v1 =	vsel vm8, $0x2300, v1;
	v3 =	vsel vm7, $0x7000, v3  }
0x35: {  	s16 =	simm.s32 $0x40;
	[dreg:$0x18] =	wrdreg s21;
	s23 =	sadd.s32 $0x15000, s8;
	v4 =	vsel vm10, $0x280, v4;
	v2 =	vsel vm8, $0x4300, v2;
	v1 =	vsel vm6, $0x2380, v1  }
0x36: {  	s24 =	sadd.s32 $0x16000, s8;
	s25 =	sadd.s32 $0x17000, s8;
	s26 =	sadd.s32 $0x18000, s8;
	v3 =	vsel vm0, $0x7080, v3;
	v4 =	vsel vm8, $0x300, v4;
	v2 =	vsel vm6, $0x4380, v2  }
0x37: {  	s28 =	sadd.s32 $0x19000, s8;
	s29 =	sadd.s32 $0x1A000, s8;
	[dreg:$0x19] =	wrdreg s23;
	v1 =	vsel vm7, $0x3000, v1;
	v3 =	vsel vm1, $0x7100, v3;
	v4 =	vsel vm6, $0x380, v4  }
0x38: {  	s30 =	sadd.s32 $0x1B000, s8;
	s31 =	sadd.s32 $0x1C000, s8;
	[dreg:$0x1a] =	wrdreg s24;
	v2 =	vsel vm7, $0x5000, v2;
	v1 =	vsel vm0, $0x3080, v1;
	v3 =	vsel vm2, $0x7180, v3  }
0x39: {  	s7 =	sadd.s32 $0x1E000, s8;
	s8 =	sadd.s32 $0x1F000, s8;
	[dreg:$0x1b] =	wrdreg s25;
	v4 =	vsel vm7, $0x1000, v4;
	v2 =	vsel vm0, $0x5080, v2;
	v1 =	vsel vm1, $0x3100, v1  }
0x3a: {  	s9 =	smax.u32 s2, $0x1;
	s11 =	simm.s32 $0x400;
	[dreg:$0x1c] =	wrdreg s26;
	v3 =	vsel vm3, $0x7200, v3;
	v4 =	vsel vm0, $0x1080, v4;
	v2 =	vsel vm1, $0x5100, v2  }
0x3b: {  	s12 =	simm.s32 $0x8400;
	s13 =	simm.s32 $0x10400;
	[dreg:$0x1d] =	wrdreg s28;
	v1 =	vsel vm2, $0x3180, v1;
	v3 =	vsel vm4, $0x7280, v3;
	v4 =	vsel vm1, $0x1100, v4  }
0x3c: {  	s14 =	simm.s32 $0x6;
	s17 =	simm.s32 $0x1C400;
	[dreg:$0x1e] =	wrdreg s29;
	v2 =	vsel vm2, $0x5180, v2;
	v1 =	vsel vm3, $0x3200, v1;
	v0 =	vsel vm2, $0x1180, v4  }
0x3d: {  	s18 =	simm.s32 $0x18400;
	s19 =	simm.s32 $0x3;
	[dreg:$0x1f] =	wrdreg s30;
	v3 =	vsel vm5, $0x7300, v3;
	v2 =	vsel vm3, $0x5200, v2;
	v0 =	vsel vm3, $0x1200, v0  }
0x3e: {  	s20 =	simm.s32 $0x1C480;
	s21 =	simm.s32 $0x1A400;
	[smem:$0x7FD] =	sst s31;
	v1 =	vsel vm4, $0x3280, v1;
	v2 =	vsel vm4, $0x5280, v2;
	v0 =	vsel vm4, $0x1280, v0  }
0x3f: {  	s23 =	simm.s32 $0x4;
	s24 =	simm.s32 $0x5;
	s25 =	simm.s32 $0x0;
	v1 =	vsel vm5, $0x3300, v1;
	v2 =	vsel vm5, $0x5300, v2;
	v0 =	vsel vm5, $0x1300, v0  }
.LBB2_1:
0x40: {  	s0 =	rddreg [dreg:$0x4]  }
0x41: {  	s29 =	rddreg [dreg:$0x5]  }
0x42: {  	[tilespmem:s11], [sflag:$0x1] =	stream.linear.gather [hbm4b:s0+s3], $0x8000, $0x38;
	[tilespmem:$0x1E500] =	vst v63  }
0x43: {  	s30 =	rddreg [dreg:$0x6];
	s31 =	sadd.s32 $0xFFFFFFFC, s22  }
0x44: {  	[tilespmem:s12], [sflag:$0x2] =	stream.linear.gather [hbm4b:s29+s3], $0x8000, $0x38;
	[tilespmem:$0x1E500] =	vst v63  }
0x45: {  	s2 =	sadd.s32 $0x4, s31;
	s26 =	sadd.s32 $0x6, s31;
	s1 =	sadd.s32 $0x7, s31  }
0x46: {  	v4 =	vmov s2;
	[tilespmem:s13], [sflag:$0x3] =	stream.linear.gather [hbm4b:s30+s3], $0x8000, $0x38;
	[tilespmem:$0x1E500] =	vst v63  }
0x47: {  	s0 =	sadd.s32 $0x5, s31;
	v5 =	vmov s26;
	v6 =	vmov s1;
	s1 =	rddreg [dreg:$0x1];
	v4 =	vand.u32 $0xFFFFFFFC, v4  }
0x48: {  	v7 =	vmov s0;
	v5 =	vand.u32 $0xFFFFFFFE, v5;
	v4 =	vbroadcast v4, $0x0;
	[tilespmem:s3], [sflag:$0x6] =	stream.linear.gather [hbm4b:s1+s3], $0x400, $0x38;
	[tilespmem:$0x1E500] =	vst v63  }
0x49: {  	s5 =	sadd.s32 $0x0, s22;
	v7 =	vand.u32 $0xFFFFFFFD, v7;
	v8 =	vbroadcast v5, $0x0;
	_ =	swait.ge [sflag:s14], $0x400  }
0x4a: {  	s26 =	sadd.s32 $0x4, s5;
	v9 =	vbroadcast v7, $0x0;
	[sflag:s14] =	ssyncset.done $0x0  }
0x4b: {  	s0 =	sadd.s32 $0x6, s5;
	s29 =	sadd.s32 $0x7, s5;
	v5 =	vmov s26;
	[sflag:s14] =	ssyncadd.s32 $0xFFFFFC00  }
0x4c: {  	s28 =	sadd.s32 $0x5, s5;
	v10 =	vmov s29;
	v7 =	vmov s0;
	v5 =	vand.u32 $0xFFFFFFFC, v5;
	v14 =	vld.idx.msk [tilespmem:v6+s3+$0x0], $0xffff  }
0x4d: {  	v7 =	vand.u32 $0xFFFFFFFE, v7;
	v5 =	vbroadcast v5, $0x0;
	v6 =	vmov s28  }
0x4e: {  	s30 =	sadd.s32 $0x4, s22;
	v7 =	vbroadcast v7, $0x0;
	v11 =	vand.u32 $0xFFFFFFFD, v6;
	v6 =	vld.idx.msk [tilespmem:v4+s3+$0x0], $0xffff  }
0x4f: {  	s31 =	sadd.s32 $0x4, s30;
	s29 =	sadd.s32 $0x6, s30;
	v8 =	vld.idx.msk [tilespmem:v8+s3+$0x0], $0xffff;
	s28 =	sadd.s32 $0x5, s30;
	v4 =	vbroadcast v11, $0x0  }
0x50: {  	s2 =	simm.s32 $0x1C600;
	v15 =	vmov s29;
	v9 =	vld.idx.msk [tilespmem:v9+s3+$0x0], $0xffff;
	v13 =	vmov s28;
	v11 =	vmov s31  }
0x51: {  	s26 =	simm.s32 $0x1C600;
	s0 =	sadd.s32 $0x7, s30;
	v10 =	vld.idx.msk [tilespmem:v10+s3+$0x0], $0xffff;
	s28 =	simm.s32 $0x8;
	v13 =	vand.u32 $0xFFFFFFFD, v13;
	v12 =	vand.u32 $0xFFFFFFFC, v11;
	v11 =	vand.u32 $0xFFFFFFFE, v15;
	[tilespmem:s2+$0x80] =	vst v14  }
.LBB2_2:
0x52: {  	v14 =	vmov s0;
	s0 =	smov.u32 s28;
	s28 =	sadd.s32 $0x4, s28  }
0x53: {  	v13 =	vbroadcast v13, $0x0;
	[tilespmem:s2+$0xFFFFFF00] =	vst v6;
	v6 =	vld.idx.msk [tilespmem:v5+s3+$0x0], $0xffff;
	v5 =	vbroadcast v12, $0x0;
	s26 =	sadd.s32 $0x200, s26;
	p0 =	slt.u32 s28, $0x3C  }
.Ltmp0:
0x54: {  	[tilespmem:s2+$0x0] =	vst v8;
	v8 =	vld.idx.msk [tilespmem:v7+s3+$0x0], $0xffff;
	v7 =	vbroadcast v11, $0x0;
	(pc) =	sbr.rel @p0 .LBB2_2-.Ltmp0, $4  }
0x55: {  	s0 =	sadd.s32 s0, s22;
	[tilespmem:s2+$0xFFFFFF80] =	vst v9;
	v9 =	vld.idx.msk [tilespmem:v4+s3+$0x0], $0xffff;
	v4 =	vmov v13;
	s2 =	smov.u32 s26  }
0x56: {  	s29 =	sadd.s32 $0x4, s0;
	s30 =	sadd.s32 $0x5, s0;
	s31 =	sadd.s32 $0x6, s0  }
0x57: {  	s0 =	sadd.s32 $0x7, s0;
	v11 =	vmov s29;
	v13 =	vmov s30;
	v15 =	vmov s31  }
0x58: {  	v12 =	vand.u32 $0xFFFFFFFC, v11;
	v13 =	vand.u32 $0xFFFFFFFD, v13;
	v11 =	vand.u32 $0xFFFFFFFE, v15;
	[tilespmem:s26+$0x80] =	vst v10;
	v10 =	vld.idx.msk [tilespmem:v14+s3+$0x0], $0xffff  }
0x59: {  	_ =	sdelay $0x1  }
0x5a: {  	v12 =	vbroadcast v12, $0x0;
	v14 =	vmov s0  }
0x5b: {  	v11 =	vbroadcast v11, $0x0  }
0x5c: {  	v13 =	vbroadcast v13, $0x0;
	v5 =	vld.idx.msk [tilespmem:v5+s3+$0x0], $0xffff  }
0x5d: {  	[tilespmem:s2+$0xFFFFFF00] =	vst v6;
	v6 =	vld.idx.msk [tilespmem:v7+s3+$0x0], $0xffff  }
0x5e: {  	[tilespmem:s2+$0x0] =	vst v8;
	v4 =	vld.idx.msk [tilespmem:v4+s3+$0x0], $0xffff  }
0x5f: {  	s5 =	sadd.s32 $0x200, s26;
	[tilespmem:s2+$0xFFFFFF80] =	vst v9;
	v7 =	vld.idx.msk [tilespmem:v14+s3+$0x0], $0xffff  }
0x60: {  	[tilespmem:s5+$0x80] =	vst v10;
	v8 =	vld.idx.msk [tilespmem:v12+s3+$0x0], $0xffff  }
0x61: {  	[tilespmem:s5+$0xFFFFFF00] =	vst v5;
	v5 =	vld.idx.msk [tilespmem:v11+s3+$0x0], $0xffff  }
0x62: {  	[tilespmem:s5+$0x0] =	vst v6;
	v6 =	vld.idx.msk [tilespmem:v13+s3+$0x0], $0xffff  }
0x63: {  	s26 =	sadd.s32 $0x200, s5;
	[tilespmem:s5+$0xFFFFFF80] =	vst v4  }
0x64: {  	[tilespmem:s26+$0x80] =	vst v7  }
0x65: {  	[tilespmem:s26+$0xFFFFFF00] =	vst v8  }
0x66: {  	[tilespmem:s26+$0x0] =	vst v5  }
0x67: {  	[tilespmem:s26+$0xFFFFFF80] =	vst v6  }
0x68: {  	_ =	swait.ge [sflag:s10], $0x8000  }
0x69: {  	[sflag:s10] =	ssyncset.done $0x0  }
0x6a: {  	s28 =	simm.s32 $0x0;
	[sflag:s10] =	ssyncadd.s32 $0xFFFF8000  }
0x6b: {  	v4 =	vld [tilespmem:s28+$0x1C500];
	_ =	sdelay $0x3  }
0x6c: {  	s26 =	simm.s32 $0x80  }
0x6d: {  	v6 =	vld [tilespmem:s26+$0x1C500];
	v5 =	vshll.u32 v4, $0x3  }
0x6e: {  	v4 =	vand.u32 $0x7F, v4;
	v5 =	vand.u32 $0xFFFFFC00, v5  }
0x6f: {  	v7 =	vor.u32 v4, v5  }
0x70: {  	v5 =	vadd.s32 v0, v7  }
0x71: {  	s29 =	simm.s32 $0x100  }
0x72: {  	v8 =	vld [tilespmem:s29+$0x1C500];
	v4 =	vshll.u32 v6, $0x3  }
0x73: {  	v6 =	vand.u32 $0x7F, v6;
	v4 =	vand.u32 $0xFFFFFC00, v4  }
0x74: {  	v4 =	vor.u32 v6, v4  }
0x75: {  	v9 =	vadd.s32 v0, v4;
	v6 =	vld.idx.msk [tilespmem:v5+s11+$0x0], $0xffff  }
0x76: {  	s30 =	simm.s32 $0x180;
	v10 =	vadd.s32 v1, v7  }
0x77: {  	v11 =	vld [tilespmem:s30+$0x1C500];
	v5 =	vshll.u32 v8, $0x3  }
0x78: {  	v8 =	vand.u32 $0x7F, v8;
	v5 =	vand.u32 $0xFFFFFC00, v5  }
0x79: {  	v5 =	vor.u32 v8, v5  }
0x7a: {  	v8 =	vld.idx.msk [tilespmem:v9+s11+$0x0], $0xffff;
	v9 =	vadd.s32 v0, v5;
	[tilespmem:s28+$0x18400] =	vst v6  }
0x7b: {  	v12 =	vadd.s32 v1, v4;
	v10 =	vld.idx.msk [tilespmem:v10+s11+$0x0], $0xffff  }
0x7c: {  	v13 =	vadd.s32 v2, v7;
	v6 =	vshll.u32 v11, $0x3  }
0x7d: {  	s31 =	simm.s32 $0x200;
	v11 =	vand.u32 $0x7F, v11;
	v6 =	vand.u32 $0xFFFFFC00, v6  }
0x7e: {  	v14 =	vld [tilespmem:s31+$0x1C500];
	v6 =	vor.u32 v11, v6  }
0x7f: {  	[tilespmem:s26+$0x18400] =	vst v8;
	v9 =	vld.idx.msk [tilespmem:v9+s11+$0x0], $0xffff;
	v8 =	vadd.s32 v0, v6  }
0x80: {  	v12 =	vld.idx.msk [tilespmem:v12+s11+$0x0], $0xffff;
	[tilespmem:s28+$0x18410] =	vst v10  }
0x81: {  	v16 =	vadd.s32 v2, v4;
	v15 =	vld.idx.msk [tilespmem:v13+s11+$0x0], $0xffff  }
0x82: {  	s2 =	simm.s32 $0x280;
	v10 =	vadd.s32 v1, v5  }
0x83: {  	v17 =	vshll.u32 v14, $0x3;
	v7 =	vadd.s32 v3, v7;
	v13 =	vld [tilespmem:s2+$0x1C500]  }
0x84: {  	v11 =	vld.idx.msk [tilespmem:v8+s11+$0x0], $0xffff;
	[tilespmem:s29+$0x18400] =	vst v9;
	v8 =	vand.u32 $0x7F, v14;
	v9 =	vand.u32 $0xFFFFFC00, v17  }
0x85: {  	[tilespmem:s26+$0x18410] =	vst v12;
	v9 =	vor.u32 v8, v9  }
0x86: {  	v8 =	vld.idx.msk [tilespmem:v16+s11+$0x0], $0xffff;
	[tilespmem:s28+$0x18420] =	vst v15;
	v15 =	vadd.s32 v0, v9  }
0x87: {  	v14 =	vadd.s32 v1, v6;
	v10 =	vld.idx.msk [tilespmem:v10+s11+$0x0], $0xffff  }
0x88: {  	s0 =	simm.s32 $0xC00;
	v12 =	vadd.s32 v2, v5;
	v7 =	vld.idx.msk [tilespmem:v7+s11+$0x0], $0xffff  }
.LBB2_4:
0x89: {  	s1 =	sshra.s32 s0, $0x2;
	p0 =	sne.s32 s0, $0x7E00;
	s0 =	sadd.s32 $0x200, s0;
	v16 =	vshll.u32 v13, $0x3;
	v17 =	vadd.s32 v3, v4;
	v4 =	vmovc v5;
	v5 =	vmovc v6;
	v6 =	vmov v9  }
.Ltmp1:
0x8a: {  	v9 =	vand.u32 $0x7F, v13;
	s5 =	smov.u32 s30;
	s30 =	smov.u32 s31;
	v13 =	vld [tilespmem:s1+$0x1C500];
	v16 =	vand.u32 $0xFFFFFC00, v16;
	(pc) =	sbr.rel @p0 .LBB2_4-.Ltmp1, $4  }
0x8b: {  	s31 =	smov.u32 s2;
	s2 =	smov.u32 s1;
	v9 =	vor.u32 v9, v16;
	[tilespmem:s5+$0x18400] =	vst v11;
	v11 =	vld.idx.msk [tilespmem:v15+s11+$0x0], $0xffff  }
0x8c: {  	v15 =	vadd.s32 v0, v9;
	[tilespmem:s29+$0x18410] =	vst v10;
	v10 =	vld.idx.msk [tilespmem:v14+s11+$0x0], $0xffff  }
0x8d: {  	v14 =	vadd.s32 v1, v6;
	[tilespmem:s26+$0x18420] =	vst v8;
	v8 =	vld.idx.msk [tilespmem:v12+s11+$0x0], $0xffff  }
0x8e: {  	v12 =	vadd.s32 v2, v5;
	[tilespmem:s28+$0x18430] =	vst v7;
	v7 =	vld.idx.msk [tilespmem:v17+s11+$0x0], $0xffff;
	s28 =	smov.u32 s26;
	s26 =	smov.u32 s29;
	s29 =	smov.u32 s5  }
0x8f: {  	v16 =	vshll.u32 v13, $0x3  }
0x90: {  	v13 =	vand.u32 $0x7F, v13;
	v16 =	vand.u32 $0xFFFFFC00, v16  }
0x91: {  	v13 =	vor.u32 v13, v16  }
0x92: {  	v16 =	vadd.s32 v0, v13;
	_ =	sdelay $0x3  }
0x93: {  	v15 =	vld.idx.msk [tilespmem:v15+s11+$0x0], $0xffff  }
0x94: {  	v17 =	vadd.s32 v1, v9;
	v16 =	vld.idx.msk [tilespmem:v16+s11+$0x0], $0xffff  }
0x95: {  	v18 =	vadd.s32 v1, v13;
	_ =	sdelay $0x1  }
0x96: {  	[tilespmem:s30+$0x18400] =	vst v11  }
0x97: {  	v11 =	vld.idx.msk [tilespmem:v14+s11+$0x0], $0xffff;
	[tilespmem:s31+$0x18400] =	vst v15  }
0x98: {  	v14 =	vadd.s32 v2, v6;
	v15 =	vld.idx.msk [tilespmem:v17+s11+$0x0], $0xffff;
	[tilespmem:s2+$0x18400] =	vst v16  }
0x99: {  	v16 =	vadd.s32 v2, v9;
	v17 =	vld.idx.msk [tilespmem:v18+s11+$0x0], $0xffff  }
0x9a: {  	v18 =	vadd.s32 v2, v13  }
0x9b: {  	[tilespmem:s29+$0x18410] =	vst v10  }
0x9c: {  	v4 =	vadd.s32 v3, v4;
	v10 =	vld.idx.msk [tilespmem:v12+s11+$0x0], $0xffff;
	[tilespmem:s30+$0x18410] =	vst v11  }
0x9d: {  	v5 =	vadd.s32 v3, v5;
	v11 =	vld.idx.msk [tilespmem:v14+s11+$0x0], $0xffff;
	[tilespmem:s31+$0x18410] =	vst v15  }
0x9e: {  	v6 =	vadd.s32 v3, v6;
	v12 =	vld.idx.msk [tilespmem:v16+s11+$0x0], $0xffff;
	[tilespmem:s2+$0x18410] =	vst v17  }
0x9f: {  	v9 =	vadd.s32 v3, v9;
	v14 =	vld.idx.msk [tilespmem:v18+s11+$0x0], $0xffff  }
0xa0: {  	[tilespmem:s26+$0x18420] =	vst v8;
	v8 =	vadd.s32 v3, v13  }
0xa1: {  	v4 =	vld.idx.msk [tilespmem:v4+s11+$0x0], $0xffff;
	[tilespmem:s29+$0x18420] =	vst v10  }
0xa2: {  	v5 =	vld.idx.msk [tilespmem:v5+s11+$0x0], $0xffff;
	[tilespmem:s30+$0x18420] =	vst v11  }
0xa3: {  	v6 =	vld.idx.msk [tilespmem:v6+s11+$0x0], $0xffff;
	[tilespmem:s31+$0x18420] =	vst v12  }
0xa4: {  	v9 =	vld.idx.msk [tilespmem:v9+s11+$0x0], $0xffff;
	[tilespmem:s2+$0x18420] =	vst v14  }
0xa5: {  	[tilespmem:s28+$0x18430] =	vst v7;
	v7 =	vld.idx.msk [tilespmem:v8+s11+$0x0], $0xffff  }
0xa6: {  	[tilespmem:s26+$0x18430] =	vst v4  }
0xa7: {  	[tilespmem:s29+$0x18430] =	vst v5  }
0xa8: {  	[tilespmem:s30+$0x18430] =	vst v6  }
0xa9: {  	[tilespmem:s31+$0x18430] =	vst v9  }
0xaa: {  	[tilespmem:s2+$0x18430] =	vst v7  }
0xab: {  	s0 =	simm.s32 $0x0;
	s1 =	rddreg [dreg:$0x7]  }
0xac: {  	[tilespmem:s11], [sflag:$0x1] =	stream.linear.gather [hbm4b:s1+s0], $0x8000, $0x38;
	[tilespmem:$0x1E500] =	vst v63  }
0xad: {  	_ =	swait.ge [sflag:s15], $0x8000  }
0xae: {  	[sflag:s15] =	ssyncset.done $0x0  }
0xaf: {  	s28 =	simm.s32 $0x0;
	[sflag:s15] =	ssyncadd.s32 $0xFFFF8000  }
0xb0: {  	v4 =	vld [tilespmem:s28+$0x1C500];
	_ =	sdelay $0x3  }
0xb1: {  	s26 =	simm.s32 $0x80  }
0xb2: {  	v6 =	vld [tilespmem:s26+$0x1C500];
	v5 =	vshll.u32 v4, $0x3  }
0xb3: {  	v4 =	vand.u32 $0x7F, v4;
	v5 =	vand.u32 $0xFFFFFC00, v5  }
0xb4: {  	v7 =	vor.u32 v4, v5  }
0xb5: {  	v5 =	vadd.s32 v0, v7  }
0xb6: {  	s29 =	simm.s32 $0x100  }
0xb7: {  	v8 =	vld [tilespmem:s29+$0x1C500];
	v4 =	vshll.u32 v6, $0x3  }
0xb8: {  	v6 =	vand.u32 $0x7F, v6;
	v4 =	vand.u32 $0xFFFFFC00, v4  }
0xb9: {  	v4 =	vor.u32 v6, v4  }
0xba: {  	v9 =	vadd.s32 v0, v4;
	v6 =	vld.idx.msk [tilespmem:v5+s12+$0x0], $0xffff  }
0xbb: {  	s30 =	simm.s32 $0x180;
	v10 =	vadd.s32 v1, v7  }
0xbc: {  	v11 =	vld [tilespmem:s30+$0x1C500];
	v5 =	vshll.u32 v8, $0x3  }
0xbd: {  	v8 =	vand.u32 $0x7F, v8;
	v5 =	vand.u32 $0xFFFFFC00, v5  }
0xbe: {  	v5 =	vor.u32 v8, v5  }
0xbf: {  	v8 =	vld.idx.msk [tilespmem:v9+s12+$0x0], $0xffff;
	v9 =	vadd.s32 v0, v5;
	[tilespmem:s28+$0x18440] =	vst v6  }
0xc0: {  	v12 =	vadd.s32 v1, v4;
	v10 =	vld.idx.msk [tilespmem:v10+s12+$0x0], $0xffff  }
0xc1: {  	v13 =	vadd.s32 v2, v7;
	v6 =	vshll.u32 v11, $0x3  }
0xc2: {  	s31 =	simm.s32 $0x200;
	v11 =	vand.u32 $0x7F, v11;
	v6 =	vand.u32 $0xFFFFFC00, v6  }
0xc3: {  	v14 =	vld [tilespmem:s31+$0x1C500];
	v6 =	vor.u32 v11, v6  }
0xc4: {  	[tilespmem:s26+$0x18440] =	vst v8;
	v9 =	vld.idx.msk [tilespmem:v9+s12+$0x0], $0xffff;
	v8 =	vadd.s32 v0, v6  }
0xc5: {  	v12 =	vld.idx.msk [tilespmem:v12+s12+$0x0], $0xffff;
	[tilespmem:s28+$0x18450] =	vst v10  }
0xc6: {  	v16 =	vadd.s32 v2, v4;
	v15 =	vld.idx.msk [tilespmem:v13+s12+$0x0], $0xffff  }
0xc7: {  	s2 =	simm.s32 $0x280;
	v10 =	vadd.s32 v1, v5  }
0xc8: {  	v17 =	vshll.u32 v14, $0x3;
	v7 =	vadd.s32 v3, v7;
	v13 =	vld [tilespmem:s2+$0x1C500]  }
0xc9: {  	v11 =	vld.idx.msk [tilespmem:v8+s12+$0x0], $0xffff;
	[tilespmem:s29+$0x18440] =	vst v9;
	v8 =	vand.u32 $0x7F, v14;
	v9 =	vand.u32 $0xFFFFFC00, v17  }
0xca: {  	[tilespmem:s26+$0x18450] =	vst v12;
	v9 =	vor.u32 v8, v9  }
0xcb: {  	v8 =	vld.idx.msk [tilespmem:v16+s12+$0x0], $0xffff;
	[tilespmem:s28+$0x18460] =	vst v15;
	v15 =	vadd.s32 v0, v9  }
0xcc: {  	v14 =	vadd.s32 v1, v6;
	v10 =	vld.idx.msk [tilespmem:v10+s12+$0x0], $0xffff  }
0xcd: {  	s0 =	simm.s32 $0xC00;
	v12 =	vadd.s32 v2, v5;
	v7 =	vld.idx.msk [tilespmem:v7+s12+$0x0], $0xffff  }
.LBB2_6:
0xce: {  	s1 =	sshra.s32 s0, $0x2;
	p0 =	sne.s32 s0, $0x7E00;
	s0 =	sadd.s32 $0x200, s0;
	v16 =	vshll.u32 v13, $0x3;
	v17 =	vadd.s32 v3, v4;
	v4 =	vmovc v5;
	v5 =	vmovc v6;
	v6 =	vmov v9  }
.Ltmp2:
0xcf: {  	v9 =	vand.u32 $0x7F, v13;
	s5 =	smov.u32 s30;
	s30 =	smov.u32 s31;
	v13 =	vld [tilespmem:s1+$0x1C500];
	v16 =	vand.u32 $0xFFFFFC00, v16;
	(pc) =	sbr.rel @p0 .LBB2_6-.Ltmp2, $4  }
0xd0: {  	s31 =	smov.u32 s2;
	s2 =	smov.u32 s1;
	v9 =	vor.u32 v9, v16;
	[tilespmem:s5+$0x18440] =	vst v11;
	v11 =	vld.idx.msk [tilespmem:v15+s12+$0x0], $0xffff  }
0xd1: {  	v15 =	vadd.s32 v0, v9;
	[tilespmem:s29+$0x18450] =	vst v10;
	v10 =	vld.idx.msk [tilespmem:v14+s12+$0x0], $0xffff  }
0xd2: {  	v14 =	vadd.s32 v1, v6;
	[tilespmem:s26+$0x18460] =	vst v8;
	v8 =	vld.idx.msk [tilespmem:v12+s12+$0x0], $0xffff  }
0xd3: {  	v12 =	vadd.s32 v2, v5;
	[tilespmem:s28+$0x18470] =	vst v7;
	v7 =	vld.idx.msk [tilespmem:v17+s12+$0x0], $0xffff;
	s28 =	smov.u32 s26;
	s26 =	smov.u32 s29;
	s29 =	smov.u32 s5  }
0xd4: {  	v16 =	vshll.u32 v13, $0x3  }
0xd5: {  	v13 =	vand.u32 $0x7F, v13;
	v16 =	vand.u32 $0xFFFFFC00, v16  }
0xd6: {  	v13 =	vor.u32 v13, v16  }
0xd7: {  	v16 =	vadd.s32 v0, v13;
	_ =	sdelay $0x3  }
0xd8: {  	v15 =	vld.idx.msk [tilespmem:v15+s12+$0x0], $0xffff  }
0xd9: {  	v17 =	vadd.s32 v1, v9;
	v16 =	vld.idx.msk [tilespmem:v16+s12+$0x0], $0xffff  }
0xda: {  	v18 =	vadd.s32 v1, v13;
	_ =	sdelay $0x1  }
0xdb: {  	[tilespmem:s30+$0x18440] =	vst v11  }
0xdc: {  	v11 =	vld.idx.msk [tilespmem:v14+s12+$0x0], $0xffff;
	[tilespmem:s31+$0x18440] =	vst v15  }
0xdd: {  	v14 =	vadd.s32 v2, v6;
	v15 =	vld.idx.msk [tilespmem:v17+s12+$0x0], $0xffff;
	[tilespmem:s2+$0x18440] =	vst v16  }
0xde: {  	v16 =	vadd.s32 v2, v9;
	v17 =	vld.idx.msk [tilespmem:v18+s12+$0x0], $0xffff  }
0xdf: {  	v18 =	vadd.s32 v2, v13  }
0xe0: {  	[tilespmem:s29+$0x18450] =	vst v10  }
0xe1: {  	v4 =	vadd.s32 v3, v4;
	v10 =	vld.idx.msk [tilespmem:v12+s12+$0x0], $0xffff;
	[tilespmem:s30+$0x18450] =	vst v11  }
0xe2: {  	v5 =	vadd.s32 v3, v5;
	v11 =	vld.idx.msk [tilespmem:v14+s12+$0x0], $0xffff;
	[tilespmem:s31+$0x18450] =	vst v15  }
0xe3: {  	v6 =	vadd.s32 v3, v6;
	v12 =	vld.idx.msk [tilespmem:v16+s12+$0x0], $0xffff;
	[tilespmem:s2+$0x18450] =	vst v17  }
0xe4: {  	v9 =	vadd.s32 v3, v9;
	v14 =	vld.idx.msk [tilespmem:v18+s12+$0x0], $0xffff  }
0xe5: {  	[tilespmem:s26+$0x18460] =	vst v8;
	v8 =	vadd.s32 v3, v13  }
0xe6: {  	v4 =	vld.idx.msk [tilespmem:v4+s12+$0x0], $0xffff;
	[tilespmem:s29+$0x18460] =	vst v10  }
0xe7: {  	v5 =	vld.idx.msk [tilespmem:v5+s12+$0x0], $0xffff;
	[tilespmem:s30+$0x18460] =	vst v11  }
0xe8: {  	v6 =	vld.idx.msk [tilespmem:v6+s12+$0x0], $0xffff;
	[tilespmem:s31+$0x18460] =	vst v12  }
0xe9: {  	v9 =	vld.idx.msk [tilespmem:v9+s12+$0x0], $0xffff;
	[tilespmem:s2+$0x18460] =	vst v14  }
0xea: {  	[tilespmem:s28+$0x18470] =	vst v7;
	v7 =	vld.idx.msk [tilespmem:v8+s12+$0x0], $0xffff  }
0xeb: {  	[tilespmem:s26+$0x18470] =	vst v4  }
0xec: {  	[tilespmem:s29+$0x18470] =	vst v5  }
0xed: {  	[tilespmem:s30+$0x18470] =	vst v6  }
0xee: {  	[tilespmem:s31+$0x18470] =	vst v9  }
0xef: {  	[tilespmem:s2+$0x18470] =	vst v7  }
0xf0: {  	v4 =	vld [tilespmem:$0x1FED0];
	_ =	sdelay $0x4  }
0xf1: {  	[tilespmem:$0x1C400] =	vst v4;
	v4 =	vld [tilespmem:$0x1FEE0];
	_ =	sdelay $0x4  }
0xf2: {  	[tilespmem:$0x1C410] =	vst v4;
	v4 =	vld [tilespmem:$0x1FEF0];
	_ =	sdelay $0x4  }
0xf3: {  	[tilespmem:$0x1C420] =	vst v4;
	v4 =	vld [tilespmem:$0x1FF00];
	_ =	sdelay $0x4  }
0xf4: {  	[tilespmem:$0x1C430] =	vst v4  }
0xf5: {  	[hbm4b:s4+s16] =	stream.indirect.scatter [tilespmem:s18], [sflag:$0x4], $0x80, s17, s16, $0xb8;
	[tilespmem:$0x1E500] =	vst v63  }
0xf6: {  	s0 =	simm.s32 $0x0;
	s1 =	rddreg [dreg:$0x8]  }
0xf7: {  	[tilespmem:s12], [sflag:$0x2] =	stream.linear.gather [hbm4b:s1+s0], $0x8000, $0x38;
	[tilespmem:$0x1E500] =	vst v63  }
0xf8: {  	_ =	swait.ge [sflag:s19], $0x8000  }
0xf9: {  	[sflag:s19] =	ssyncset.done $0x0  }
0xfa: {  	s28 =	simm.s32 $0x0;
	[sflag:s19] =	ssyncadd.s32 $0xFFFF8000  }
0xfb: {  	v4 =	vld [tilespmem:s28+$0x1C500];
	_ =	sdelay $0x3  }
0xfc: {  	s26 =	simm.s32 $0x80  }
0xfd: {  	v6 =	vld [tilespmem:s26+$0x1C500];
	v5 =	vshll.u32 v4, $0x3  }
0xfe: {  	v4 =	vand.u32 $0x7F, v4;
	v5 =	vand.u32 $0xFFFFFC00, v5  }
0xff: {  	v7 =	vor.u32 v4, v5  }
0x100: {  	v5 =	vadd.s32 v0, v7  }
0x101: {  	s29 =	simm.s32 $0x100  }
0x102: {  	v8 =	vld [tilespmem:s29+$0x1C500];
	v4 =	vshll.u32 v6, $0x3  }
0x103: {  	v6 =	vand.u32 $0x7F, v6;
	v4 =	vand.u32 $0xFFFFFC00, v4  }
0x104: {  	v4 =	vor.u32 v6, v4  }
0x105: {  	v9 =	vadd.s32 v0, v4;
	v6 =	vld.idx.msk [tilespmem:v5+s13+$0x0], $0xffff  }
0x106: {  	s30 =	simm.s32 $0x180;
	v10 =	vadd.s32 v1, v7  }
0x107: {  	v11 =	vld [tilespmem:s30+$0x1C500];
	v5 =	vshll.u32 v8, $0x3  }
0x108: {  	v8 =	vand.u32 $0x7F, v8;
	v5 =	vand.u32 $0xFFFFFC00, v5  }
0x109: {  	v5 =	vor.u32 v8, v5  }
0x10a: {  	v8 =	vld.idx.msk [tilespmem:v9+s13+$0x0], $0xffff;
	v9 =	vadd.s32 v0, v5;
	[tilespmem:s28+$0x1A400] =	vst v6  }
0x10b: {  	v12 =	vadd.s32 v1, v4;
	v10 =	vld.idx.msk [tilespmem:v10+s13+$0x0], $0xffff  }
0x10c: {  	v13 =	vadd.s32 v2, v7;
	v6 =	vshll.u32 v11, $0x3  }
0x10d: {  	s31 =	simm.s32 $0x200;
	v11 =	vand.u32 $0x7F, v11;
	v6 =	vand.u32 $0xFFFFFC00, v6  }
0x10e: {  	v14 =	vld [tilespmem:s31+$0x1C500];
	v6 =	vor.u32 v11, v6  }
0x10f: {  	[tilespmem:s26+$0x1A400] =	vst v8;
	v9 =	vld.idx.msk [tilespmem:v9+s13+$0x0], $0xffff;
	v8 =	vadd.s32 v0, v6  }
0x110: {  	v12 =	vld.idx.msk [tilespmem:v12+s13+$0x0], $0xffff;
	[tilespmem:s28+$0x1A410] =	vst v10  }
0x111: {  	v16 =	vadd.s32 v2, v4;
	v15 =	vld.idx.msk [tilespmem:v13+s13+$0x0], $0xffff  }
0x112: {  	s2 =	simm.s32 $0x280;
	v10 =	vadd.s32 v1, v5  }
0x113: {  	v17 =	vshll.u32 v14, $0x3;
	v7 =	vadd.s32 v3, v7;
	v13 =	vld [tilespmem:s2+$0x1C500]  }
0x114: {  	v11 =	vld.idx.msk [tilespmem:v8+s13+$0x0], $0xffff;
	[tilespmem:s29+$0x1A400] =	vst v9;
	v8 =	vand.u32 $0x7F, v14;
	v9 =	vand.u32 $0xFFFFFC00, v17  }
0x115: {  	[tilespmem:s26+$0x1A410] =	vst v12;
	v9 =	vor.u32 v8, v9  }
0x116: {  	v8 =	vld.idx.msk [tilespmem:v16+s13+$0x0], $0xffff;
	[tilespmem:s28+$0x1A420] =	vst v15;
	v15 =	vadd.s32 v0, v9  }
0x117: {  	v14 =	vadd.s32 v1, v6;
	v10 =	vld.idx.msk [tilespmem:v10+s13+$0x0], $0xffff  }
0x118: {  	s0 =	simm.s32 $0xC00;
	v12 =	vadd.s32 v2, v5;
	v7 =	vld.idx.msk [tilespmem:v7+s13+$0x0], $0xffff  }
.LBB2_8:
0x119: {  	s1 =	sshra.s32 s0, $0x2;
	p0 =	sne.s32 s0, $0x7E00;
	s0 =	sadd.s32 $0x200, s0;
	v16 =	vshll.u32 v13, $0x3;
	v17 =	vadd.s32 v3, v4;
	v4 =	vmovc v5;
	v5 =	vmovc v6;
	v6 =	vmov v9  }
.Ltmp3:
0x11a: {  	v9 =	vand.u32 $0x7F, v13;
	s5 =	smov.u32 s30;
	s30 =	smov.u32 s31;
	v13 =	vld [tilespmem:s1+$0x1C500];
	v16 =	vand.u32 $0xFFFFFC00, v16;
	(pc) =	sbr.rel @p0 .LBB2_8-.Ltmp3, $4  }
0x11b: {  	s31 =	smov.u32 s2;
	s2 =	smov.u32 s1;
	v9 =	vor.u32 v9, v16;
	[tilespmem:s5+$0x1A400] =	vst v11;
	v11 =	vld.idx.msk [tilespmem:v15+s13+$0x0], $0xffff  }
0x11c: {  	v15 =	vadd.s32 v0, v9;
	[tilespmem:s29+$0x1A410] =	vst v10;
	v10 =	vld.idx.msk [tilespmem:v14+s13+$0x0], $0xffff  }
0x11d: {  	v14 =	vadd.s32 v1, v6;
	[tilespmem:s26+$0x1A420] =	vst v8;
	v8 =	vld.idx.msk [tilespmem:v12+s13+$0x0], $0xffff  }
0x11e: {  	v12 =	vadd.s32 v2, v5;
	[tilespmem:s28+$0x1A430] =	vst v7;
	v7 =	vld.idx.msk [tilespmem:v17+s13+$0x0], $0xffff;
	s28 =	smov.u32 s26;
	s26 =	smov.u32 s29;
	s29 =	smov.u32 s5  }
0x11f: {  	v16 =	vshll.u32 v13, $0x3  }
0x120: {  	v13 =	vand.u32 $0x7F, v13;
	v16 =	vand.u32 $0xFFFFFC00, v16  }
0x121: {  	v13 =	vor.u32 v13, v16  }
0x122: {  	v16 =	vadd.s32 v0, v13;
	_ =	sdelay $0x3  }
0x123: {  	v15 =	vld.idx.msk [tilespmem:v15+s13+$0x0], $0xffff  }
0x124: {  	v17 =	vadd.s32 v1, v9;
	v16 =	vld.idx.msk [tilespmem:v16+s13+$0x0], $0xffff  }
0x125: {  	v18 =	vadd.s32 v1, v13;
	_ =	sdelay $0x1  }
0x126: {  	[tilespmem:s30+$0x1A400] =	vst v11  }
0x127: {  	v11 =	vld.idx.msk [tilespmem:v14+s13+$0x0], $0xffff;
	[tilespmem:s31+$0x1A400] =	vst v15  }
0x128: {  	v14 =	vadd.s32 v2, v6;
	v15 =	vld.idx.msk [tilespmem:v17+s13+$0x0], $0xffff;
	[tilespmem:s2+$0x1A400] =	vst v16  }
0x129: {  	v16 =	vadd.s32 v2, v9;
	v17 =	vld.idx.msk [tilespmem:v18+s13+$0x0], $0xffff  }
0x12a: {  	v18 =	vadd.s32 v2, v13  }
0x12b: {  	[tilespmem:s29+$0x1A410] =	vst v10  }
0x12c: {  	v4 =	vadd.s32 v3, v4;
	v10 =	vld.idx.msk [tilespmem:v12+s13+$0x0], $0xffff;
	[tilespmem:s30+$0x1A410] =	vst v11  }
0x12d: {  	v5 =	vadd.s32 v3, v5;
	v11 =	vld.idx.msk [tilespmem:v14+s13+$0x0], $0xffff;
	[tilespmem:s31+$0x1A410] =	vst v15  }
0x12e: {  	v6 =	vadd.s32 v3, v6;
	v12 =	vld.idx.msk [tilespmem:v16+s13+$0x0], $0xffff;
	[tilespmem:s2+$0x1A410] =	vst v17  }
0x12f: {  	v9 =	vadd.s32 v3, v9;
	v14 =	vld.idx.msk [tilespmem:v18+s13+$0x0], $0xffff  }
0x130: {  	[tilespmem:s26+$0x1A420] =	vst v8;
	v8 =	vadd.s32 v3, v13  }
0x131: {  	v4 =	vld.idx.msk [tilespmem:v4+s13+$0x0], $0xffff;
	[tilespmem:s29+$0x1A420] =	vst v10  }
0x132: {  	v5 =	vld.idx.msk [tilespmem:v5+s13+$0x0], $0xffff;
	[tilespmem:s30+$0x1A420] =	vst v11  }
0x133: {  	v6 =	vld.idx.msk [tilespmem:v6+s13+$0x0], $0xffff;
	[tilespmem:s31+$0x1A420] =	vst v12  }
0x134: {  	v9 =	vld.idx.msk [tilespmem:v9+s13+$0x0], $0xffff;
	[tilespmem:s2+$0x1A420] =	vst v14  }
0x135: {  	[tilespmem:s28+$0x1A430] =	vst v7;
	v7 =	vld.idx.msk [tilespmem:v8+s13+$0x0], $0xffff  }
0x136: {  	[tilespmem:s26+$0x1A430] =	vst v4  }
0x137: {  	[tilespmem:s29+$0x1A430] =	vst v5  }
0x138: {  	[tilespmem:s30+$0x1A430] =	vst v6  }
0x139: {  	[tilespmem:s31+$0x1A430] =	vst v9  }
0x13a: {  	[tilespmem:s2+$0x1A430] =	vst v7  }
0x13b: {  	s0 =	simm.s32 $0x0;
	s1 =	rddreg [dreg:$0x9]  }
0x13c: {  	[tilespmem:s13], [sflag:$0x3] =	stream.linear.gather [hbm4b:s1+s0], $0x8000, $0x38;
	[tilespmem:$0x1E500] =	vst v63  }
0x13d: {  	_ =	swait.ge [sflag:s10], $0x8000  }
0x13e: {  	[sflag:s10] =	ssyncset.done $0x0  }
0x13f: {  	s28 =	simm.s32 $0x0;
	[sflag:s10] =	ssyncadd.s32 $0xFFFF8000  }
0x140: {  	v4 =	vld [tilespmem:s28+$0x1C500];
	_ =	sdelay $0x3  }
0x141: {  	s26 =	simm.s32 $0x80  }
0x142: {  	v6 =	vld [tilespmem:s26+$0x1C500];
	v5 =	vshll.u32 v4, $0x3  }
0x143: {  	v4 =	vand.u32 $0x7F, v4;
	v5 =	vand.u32 $0xFFFFFC00, v5  }
0x144: {  	v7 =	vor.u32 v4, v5  }
0x145: {  	v5 =	vadd.s32 v0, v7  }
0x146: {  	s29 =	simm.s32 $0x100  }
0x147: {  	v8 =	vld [tilespmem:s29+$0x1C500];
	v4 =	vshll.u32 v6, $0x3  }
0x148: {  	v6 =	vand.u32 $0x7F, v6;
	v4 =	vand.u32 $0xFFFFFC00, v4  }
0x149: {  	v4 =	vor.u32 v6, v4  }
0x14a: {  	v9 =	vadd.s32 v0, v4;
	v6 =	vld.idx.msk [tilespmem:v5+s11+$0x0], $0xffff  }
0x14b: {  	s30 =	simm.s32 $0x180;
	v10 =	vadd.s32 v1, v7  }
0x14c: {  	v11 =	vld [tilespmem:s30+$0x1C500];
	v5 =	vshll.u32 v8, $0x3  }
0x14d: {  	v8 =	vand.u32 $0x7F, v8;
	v5 =	vand.u32 $0xFFFFFC00, v5  }
0x14e: {  	v5 =	vor.u32 v8, v5  }
0x14f: {  	v8 =	vld.idx.msk [tilespmem:v9+s11+$0x0], $0xffff;
	v9 =	vadd.s32 v0, v5;
	[tilespmem:s28+$0x1A440] =	vst v6  }
0x150: {  	v12 =	vadd.s32 v1, v4;
	v10 =	vld.idx.msk [tilespmem:v10+s11+$0x0], $0xffff  }
0x151: {  	v13 =	vadd.s32 v2, v7;
	v6 =	vshll.u32 v11, $0x3  }
0x152: {  	s31 =	simm.s32 $0x200;
	v11 =	vand.u32 $0x7F, v11;
	v6 =	vand.u32 $0xFFFFFC00, v6  }
0x153: {  	v14 =	vld [tilespmem:s31+$0x1C500];
	v6 =	vor.u32 v11, v6  }
0x154: {  	[tilespmem:s26+$0x1A440] =	vst v8;
	v9 =	vld.idx.msk [tilespmem:v9+s11+$0x0], $0xffff;
	v8 =	vadd.s32 v0, v6  }
0x155: {  	v12 =	vld.idx.msk [tilespmem:v12+s11+$0x0], $0xffff;
	[tilespmem:s28+$0x1A450] =	vst v10  }
0x156: {  	v16 =	vadd.s32 v2, v4;
	v15 =	vld.idx.msk [tilespmem:v13+s11+$0x0], $0xffff  }
0x157: {  	s2 =	simm.s32 $0x280;
	v10 =	vadd.s32 v1, v5  }
0x158: {  	v17 =	vshll.u32 v14, $0x3;
	v7 =	vadd.s32 v3, v7;
	v13 =	vld [tilespmem:s2+$0x1C500]  }
0x159: {  	v11 =	vld.idx.msk [tilespmem:v8+s11+$0x0], $0xffff;
	[tilespmem:s29+$0x1A440] =	vst v9;
	v8 =	vand.u32 $0x7F, v14;
	v9 =	vand.u32 $0xFFFFFC00, v17  }
0x15a: {  	[tilespmem:s26+$0x1A450] =	vst v12;
	v9 =	vor.u32 v8, v9  }
0x15b: {  	v8 =	vld.idx.msk [tilespmem:v16+s11+$0x0], $0xffff;
	[tilespmem:s28+$0x1A460] =	vst v15;
	v15 =	vadd.s32 v0, v9  }
0x15c: {  	v14 =	vadd.s32 v1, v6;
	v10 =	vld.idx.msk [tilespmem:v10+s11+$0x0], $0xffff  }
0x15d: {  	s0 =	simm.s32 $0xC00;
	v12 =	vadd.s32 v2, v5;
	v7 =	vld.idx.msk [tilespmem:v7+s11+$0x0], $0xffff  }
.LBB2_10:
0x15e: {  	s1 =	sshra.s32 s0, $0x2;
	p0 =	sne.s32 s0, $0x7E00;
	s0 =	sadd.s32 $0x200, s0;
	v16 =	vshll.u32 v13, $0x3;
	v17 =	vadd.s32 v3, v4;
	v4 =	vmovc v5;
	v5 =	vmovc v6;
	v6 =	vmov v9  }
.Ltmp4:
0x15f: {  	v9 =	vand.u32 $0x7F, v13;
	s5 =	smov.u32 s30;
	s30 =	smov.u32 s31;
	v13 =	vld [tilespmem:s1+$0x1C500];
	v16 =	vand.u32 $0xFFFFFC00, v16;
	(pc) =	sbr.rel @p0 .LBB2_10-.Ltmp4, $4  }
0x160: {  	s31 =	smov.u32 s2;
	s2 =	smov.u32 s1;
	v9 =	vor.u32 v9, v16;
	[tilespmem:s5+$0x1A440] =	vst v11;
	v11 =	vld.idx.msk [tilespmem:v15+s11+$0x0], $0xffff  }
0x161: {  	v15 =	vadd.s32 v0, v9;
	[tilespmem:s29+$0x1A450] =	vst v10;
	v10 =	vld.idx.msk [tilespmem:v14+s11+$0x0], $0xffff  }
0x162: {  	v14 =	vadd.s32 v1, v6;
	[tilespmem:s26+$0x1A460] =	vst v8;
	v8 =	vld.idx.msk [tilespmem:v12+s11+$0x0], $0xffff  }
0x163: {  	v12 =	vadd.s32 v2, v5;
	[tilespmem:s28+$0x1A470] =	vst v7;
	v7 =	vld.idx.msk [tilespmem:v17+s11+$0x0], $0xffff;
	s28 =	smov.u32 s26;
	s26 =	smov.u32 s29;
	s29 =	smov.u32 s5  }
0x164: {  	v16 =	vshll.u32 v13, $0x3  }
0x165: {  	v13 =	vand.u32 $0x7F, v13;
	v16 =	vand.u32 $0xFFFFFC00, v16  }
0x166: {  	v13 =	vor.u32 v13, v16  }
0x167: {  	v16 =	vadd.s32 v0, v13;
	_ =	sdelay $0x3  }
0x168: {  	v15 =	vld.idx.msk [tilespmem:v15+s11+$0x0], $0xffff  }
0x169: {  	v17 =	vadd.s32 v1, v9;
	v16 =	vld.idx.msk [tilespmem:v16+s11+$0x0], $0xffff  }
0x16a: {  	v18 =	vadd.s32 v1, v13;
	_ =	sdelay $0x1  }
0x16b: {  	[tilespmem:s30+$0x1A440] =	vst v11  }
0x16c: {  	v11 =	vld.idx.msk [tilespmem:v14+s11+$0x0], $0xffff;
	[tilespmem:s31+$0x1A440] =	vst v15  }
0x16d: {  	v14 =	vadd.s32 v2, v6;
	v15 =	vld.idx.msk [tilespmem:v17+s11+$0x0], $0xffff;
	[tilespmem:s2+$0x1A440] =	vst v16  }
0x16e: {  	v16 =	vadd.s32 v2, v9;
	v17 =	vld.idx.msk [tilespmem:v18+s11+$0x0], $0xffff  }
0x16f: {  	v18 =	vadd.s32 v2, v13  }
0x170: {  	[tilespmem:s29+$0x1A450] =	vst v10  }
0x171: {  	v4 =	vadd.s32 v3, v4;
	v10 =	vld.idx.msk [tilespmem:v12+s11+$0x0], $0xffff;
	[tilespmem:s30+$0x1A450] =	vst v11  }
0x172: {  	v5 =	vadd.s32 v3, v5;
	v11 =	vld.idx.msk [tilespmem:v14+s11+$0x0], $0xffff;
	[tilespmem:s31+$0x1A450] =	vst v15  }
0x173: {  	v6 =	vadd.s32 v3, v6;
	v12 =	vld.idx.msk [tilespmem:v16+s11+$0x0], $0xffff;
	[tilespmem:s2+$0x1A450] =	vst v17  }
0x174: {  	v9 =	vadd.s32 v3, v9;
	v14 =	vld.idx.msk [tilespmem:v18+s11+$0x0], $0xffff  }
0x175: {  	[tilespmem:s26+$0x1A460] =	vst v8;
	v8 =	vadd.s32 v3, v13  }
0x176: {  	v4 =	vld.idx.msk [tilespmem:v4+s11+$0x0], $0xffff;
	[tilespmem:s29+$0x1A460] =	vst v10  }
0x177: {  	v5 =	vld.idx.msk [tilespmem:v5+s11+$0x0], $0xffff;
	[tilespmem:s30+$0x1A460] =	vst v11  }
0x178: {  	v6 =	vld.idx.msk [tilespmem:v6+s11+$0x0], $0xffff;
	[tilespmem:s31+$0x1A460] =	vst v12  }
0x179: {  	v9 =	vld.idx.msk [tilespmem:v9+s11+$0x0], $0xffff;
	[tilespmem:s2+$0x1A460] =	vst v14  }
0x17a: {  	[tilespmem:s28+$0x1A470] =	vst v7;
	v7 =	vld.idx.msk [tilespmem:v8+s11+$0x0], $0xffff  }
0x17b: {  	[tilespmem:s26+$0x1A470] =	vst v4  }
0x17c: {  	[tilespmem:s29+$0x1A470] =	vst v5  }
0x17d: {  	[tilespmem:s30+$0x1A470] =	vst v6  }
0x17e: {  	[tilespmem:s31+$0x1A470] =	vst v9  }
0x17f: {  	[tilespmem:s2+$0x1A470] =	vst v7  }
0x180: {  	v4 =	vld [tilespmem:$0x1FF10];
	_ =	sdelay $0x4  }
0x181: {  	[tilespmem:$0x1C480] =	vst v4;
	v4 =	vld [tilespmem:$0x1FF20];
	_ =	sdelay $0x4  }
0x182: {  	[tilespmem:$0x1C490] =	vst v4;
	v4 =	vld [tilespmem:$0x1FF30];
	_ =	sdelay $0x4  }
0x183: {  	[tilespmem:$0x1C4A0] =	vst v4;
	v4 =	vld [tilespmem:$0x1FF40];
	_ =	sdelay $0x4  }
0x184: {  	[tilespmem:$0x1C4B0] =	vst v4  }
0x185: {  	[hbm4b:s4+s16] =	stream.indirect.scatter [tilespmem:s21], [sflag:$0x5], $0x80, s20, s16, $0xb8;
	[tilespmem:$0x1E500] =	vst v63  }
0x186: {  	s0 =	simm.s32 $0x0;
	s1 =	rddreg [dreg:$0xa]  }
0x187: {  	[tilespmem:s11], [sflag:$0x1] =	stream.linear.gather [hbm4b:s1+s0], $0x8000, $0x38;
	[tilespmem:$0x1E500] =	vst v63  }
0x188: {  	_ =	swait.ge [sflag:s23], $0x2000  }
0x189: {  	[sflag:s23] =	ssyncset.done $0x0  }
0x18a: {  	[sflag:s23] =	ssyncadd.s32 $0xFFFFE000  }
0x18b: {  	_ =	swait.ge [sflag:s15], $0x8000  }
0x18c: {  	[sflag:s15] =	ssyncset.done $0x0  }
0x18d: {  	s28 =	simm.s32 $0x0;
	[sflag:s15] =	ssyncadd.s32 $0xFFFF8000  }
0x18e: {  	v4 =	vld [tilespmem:s28+$0x1C500];
	_ =	sdelay $0x3  }
0x18f: {  	s26 =	simm.s32 $0x80  }
0x190: {  	v6 =	vld [tilespmem:s26+$0x1C500];
	v5 =	vshll.u32 v4, $0x3  }
0x191: {  	v4 =	vand.u32 $0x7F, v4;
	v5 =	vand.u32 $0xFFFFFC00, v5  }
0x192: {  	v7 =	vor.u32 v4, v5  }
0x193: {  	v5 =	vadd.s32 v0, v7  }
0x194: {  	s29 =	simm.s32 $0x100  }
0x195: {  	v8 =	vld [tilespmem:s29+$0x1C500];
	v4 =	vshll.u32 v6, $0x3  }
0x196: {  	v6 =	vand.u32 $0x7F, v6;
	v4 =	vand.u32 $0xFFFFFC00, v4  }
0x197: {  	v4 =	vor.u32 v6, v4  }
0x198: {  	v9 =	vadd.s32 v0, v4;
	v6 =	vld.idx.msk [tilespmem:v5+s12+$0x0], $0xffff  }
0x199: {  	s30 =	simm.s32 $0x180;
	v10 =	vadd.s32 v1, v7  }
0x19a: {  	v11 =	vld [tilespmem:s30+$0x1C500];
	v5 =	vshll.u32 v8, $0x3  }
0x19b: {  	v8 =	vand.u32 $0x7F, v8;
	v5 =	vand.u32 $0xFFFFFC00, v5  }
0x19c: {  	v5 =	vor.u32 v8, v5  }
0x19d: {  	v8 =	vld.idx.msk [tilespmem:v9+s12+$0x0], $0xffff;
	v9 =	vadd.s32 v0, v5;
	[tilespmem:s28+$0x18400] =	vst v6  }
0x19e: {  	v12 =	vadd.s32 v1, v4;
	v10 =	vld.idx.msk [tilespmem:v10+s12+$0x0], $0xffff  }
0x19f: {  	v13 =	vadd.s32 v2, v7;
	v6 =	vshll.u32 v11, $0x3  }
0x1a0: {  	s31 =	simm.s32 $0x200;
	v11 =	vand.u32 $0x7F, v11;
	v6 =	vand.u32 $0xFFFFFC00, v6  }
0x1a1: {  	v14 =	vld [tilespmem:s31+$0x1C500];
	v6 =	vor.u32 v11, v6  }
0x1a2: {  	[tilespmem:s26+$0x18400] =	vst v8;
	v9 =	vld.idx.msk [tilespmem:v9+s12+$0x0], $0xffff;
	v8 =	vadd.s32 v0, v6  }
0x1a3: {  	v12 =	vld.idx.msk [tilespmem:v12+s12+$0x0], $0xffff;
	[tilespmem:s28+$0x18410] =	vst v10  }
0x1a4: {  	v16 =	vadd.s32 v2, v4;
	v15 =	vld.idx.msk [tilespmem:v13+s12+$0x0], $0xffff  }
0x1a5: {  	s2 =	simm.s32 $0x280;
	v10 =	vadd.s32 v1, v5  }
0x1a6: {  	v17 =	vshll.u32 v14, $0x3;
	v7 =	vadd.s32 v3, v7;
	v13 =	vld [tilespmem:s2+$0x1C500]  }
0x1a7: {  	v11 =	vld.idx.msk [tilespmem:v8+s12+$0x0], $0xffff;
	[tilespmem:s29+$0x18400] =	vst v9;
	v8 =	vand.u32 $0x7F, v14;
	v9 =	vand.u32 $0xFFFFFC00, v17  }
0x1a8: {  	[tilespmem:s26+$0x18410] =	vst v12;
	v9 =	vor.u32 v8, v9  }
0x1a9: {  	v8 =	vld.idx.msk [tilespmem:v16+s12+$0x0], $0xffff;
	[tilespmem:s28+$0x18420] =	vst v15;
	v15 =	vadd.s32 v0, v9  }
0x1aa: {  	v14 =	vadd.s32 v1, v6;
	v10 =	vld.idx.msk [tilespmem:v10+s12+$0x0], $0xffff  }
0x1ab: {  	s0 =	simm.s32 $0xC00;
	v12 =	vadd.s32 v2, v5;
	v7 =	vld.idx.msk [tilespmem:v7+s12+$0x0], $0xffff  }
.LBB2_12:
0x1ac: {  	s1 =	sshra.s32 s0, $0x2;
	p0 =	sne.s32 s0, $0x7E00;
	s0 =	sadd.s32 $0x200, s0;
	v16 =	vshll.u32 v13, $0x3;
	v17 =	vadd.s32 v3, v4;
	v4 =	vmovc v5;
	v5 =	vmovc v6;
	v6 =	vmov v9  }
.Ltmp5:
0x1ad: {  	v9 =	vand.u32 $0x7F, v13;
	s5 =	smov.u32 s30;
	s30 =	smov.u32 s31;
	v13 =	vld [tilespmem:s1+$0x1C500];
	v16 =	vand.u32 $0xFFFFFC00, v16;
	(pc) =	sbr.rel @p0 .LBB2_12-.Ltmp5, $4  }
0x1ae: {  	s31 =	smov.u32 s2;
	s2 =	smov.u32 s1;
	v9 =	vor.u32 v9, v16;
	[tilespmem:s5+$0x18400] =	vst v11;
	v11 =	vld.idx.msk [tilespmem:v15+s12+$0x0], $0xffff  }
0x1af: {  	v15 =	vadd.s32 v0, v9;
	[tilespmem:s29+$0x18410] =	vst v10;
	v10 =	vld.idx.msk [tilespmem:v14+s12+$0x0], $0xffff  }
0x1b0: {  	v14 =	vadd.s32 v1, v6;
	[tilespmem:s26+$0x18420] =	vst v8;
	v8 =	vld.idx.msk [tilespmem:v12+s12+$0x0], $0xffff  }
0x1b1: {  	v12 =	vadd.s32 v2, v5;
	[tilespmem:s28+$0x18430] =	vst v7;
	v7 =	vld.idx.msk [tilespmem:v17+s12+$0x0], $0xffff;
	s28 =	smov.u32 s26;
	s26 =	smov.u32 s29;
	s29 =	smov.u32 s5  }
0x1b2: {  	v16 =	vshll.u32 v13, $0x3  }
0x1b3: {  	v13 =	vand.u32 $0x7F, v13;
	v16 =	vand.u32 $0xFFFFFC00, v16  }
0x1b4: {  	v13 =	vor.u32 v13, v16  }
0x1b5: {  	v16 =	vadd.s32 v0, v13;
	_ =	sdelay $0x3  }
0x1b6: {  	v15 =	vld.idx.msk [tilespmem:v15+s12+$0x0], $0xffff  }
0x1b7: {  	v17 =	vadd.s32 v1, v9;
	v16 =	vld.idx.msk [tilespmem:v16+s12+$0x0], $0xffff  }
0x1b8: {  	v18 =	vadd.s32 v1, v13;
	_ =	sdelay $0x1  }
0x1b9: {  	[tilespmem:s30+$0x18400] =	vst v11  }
0x1ba: {  	v11 =	vld.idx.msk [tilespmem:v14+s12+$0x0], $0xffff;
	[tilespmem:s31+$0x18400] =	vst v15  }
0x1bb: {  	v14 =	vadd.s32 v2, v6;
	v15 =	vld.idx.msk [tilespmem:v17+s12+$0x0], $0xffff;
	[tilespmem:s2+$0x18400] =	vst v16  }
0x1bc: {  	v16 =	vadd.s32 v2, v9;
	v17 =	vld.idx.msk [tilespmem:v18+s12+$0x0], $0xffff  }
0x1bd: {  	v18 =	vadd.s32 v2, v13  }
0x1be: {  	[tilespmem:s29+$0x18410] =	vst v10  }
0x1bf: {  	v4 =	vadd.s32 v3, v4;
	v10 =	vld.idx.msk [tilespmem:v12+s12+$0x0], $0xffff;
	[tilespmem:s30+$0x18410] =	vst v11  }
0x1c0: {  	v5 =	vadd.s32 v3, v5;
	v11 =	vld.idx.msk [tilespmem:v14+s12+$0x0], $0xffff;
	[tilespmem:s31+$0x18410] =	vst v15  }
0x1c1: {  	v6 =	vadd.s32 v3, v6;
	v12 =	vld.idx.msk [tilespmem:v16+s12+$0x0], $0xffff;
	[tilespmem:s2+$0x18410] =	vst v17  }
0x1c2: {  	v9 =	vadd.s32 v3, v9;
	v14 =	vld.idx.msk [tilespmem:v18+s12+$0x0], $0xffff  }
0x1c3: {  	[tilespmem:s26+$0x18420] =	vst v8;
	v8 =	vadd.s32 v3, v13  }
0x1c4: {  	v4 =	vld.idx.msk [tilespmem:v4+s12+$0x0], $0xffff;
	[tilespmem:s29+$0x18420] =	vst v10  }
0x1c5: {  	v5 =	vld.idx.msk [tilespmem:v5+s12+$0x0], $0xffff;
	[tilespmem:s30+$0x18420] =	vst v11  }
0x1c6: {  	v6 =	vld.idx.msk [tilespmem:v6+s12+$0x0], $0xffff;
	[tilespmem:s31+$0x18420] =	vst v12  }
0x1c7: {  	v9 =	vld.idx.msk [tilespmem:v9+s12+$0x0], $0xffff;
	[tilespmem:s2+$0x18420] =	vst v14  }
0x1c8: {  	[tilespmem:s28+$0x18430] =	vst v7;
	v7 =	vld.idx.msk [tilespmem:v8+s12+$0x0], $0xffff  }
0x1c9: {  	[tilespmem:s26+$0x18430] =	vst v4  }
0x1ca: {  	[tilespmem:s29+$0x18430] =	vst v5  }
0x1cb: {  	[tilespmem:s30+$0x18430] =	vst v6  }
0x1cc: {  	[tilespmem:s31+$0x18430] =	vst v9  }
0x1cd: {  	[tilespmem:s2+$0x18430] =	vst v7  }
0x1ce: {  	s0 =	simm.s32 $0x0;
	s1 =	rddreg [dreg:$0xb]  }
0x1cf: {  	[tilespmem:s12], [sflag:$0x2] =	stream.linear.gather [hbm4b:s1+s0], $0x8000, $0x38;
	[tilespmem:$0x1E500] =	vst v63  }
0x1d0: {  	_ =	swait.ge [sflag:s19], $0x8000  }
0x1d1: {  	[sflag:s19] =	ssyncset.done $0x0  }
0x1d2: {  	s28 =	simm.s32 $0x0;
	[sflag:s19] =	ssyncadd.s32 $0xFFFF8000  }
0x1d3: {  	v4 =	vld [tilespmem:s28+$0x1C500];
	_ =	sdelay $0x3  }
0x1d4: {  	s26 =	simm.s32 $0x80  }
0x1d5: {  	v6 =	vld [tilespmem:s26+$0x1C500];
	v5 =	vshll.u32 v4, $0x3  }
0x1d6: {  	v4 =	vand.u32 $0x7F, v4;
	v5 =	vand.u32 $0xFFFFFC00, v5  }
0x1d7: {  	v7 =	vor.u32 v4, v5  }
0x1d8: {  	v5 =	vadd.s32 v0, v7  }
0x1d9: {  	s29 =	simm.s32 $0x100  }
0x1da: {  	v8 =	vld [tilespmem:s29+$0x1C500];
	v4 =	vshll.u32 v6, $0x3  }
0x1db: {  	v6 =	vand.u32 $0x7F, v6;
	v4 =	vand.u32 $0xFFFFFC00, v4  }
0x1dc: {  	v4 =	vor.u32 v6, v4  }
0x1dd: {  	v9 =	vadd.s32 v0, v4;
	v6 =	vld.idx.msk [tilespmem:v5+s13+$0x0], $0xffff  }
0x1de: {  	s30 =	simm.s32 $0x180;
	v10 =	vadd.s32 v1, v7  }
0x1df: {  	v11 =	vld [tilespmem:s30+$0x1C500];
	v5 =	vshll.u32 v8, $0x3  }
0x1e0: {  	v8 =	vand.u32 $0x7F, v8;
	v5 =	vand.u32 $0xFFFFFC00, v5  }
0x1e1: {  	v5 =	vor.u32 v8, v5  }
0x1e2: {  	v8 =	vld.idx.msk [tilespmem:v9+s13+$0x0], $0xffff;
	v9 =	vadd.s32 v0, v5;
	[tilespmem:s28+$0x18440] =	vst v6  }
0x1e3: {  	v12 =	vadd.s32 v1, v4;
	v10 =	vld.idx.msk [tilespmem:v10+s13+$0x0], $0xffff  }
0x1e4: {  	v13 =	vadd.s32 v2, v7;
	v6 =	vshll.u32 v11, $0x3  }
0x1e5: {  	s31 =	simm.s32 $0x200;
	v11 =	vand.u32 $0x7F, v11;
	v6 =	vand.u32 $0xFFFFFC00, v6  }
0x1e6: {  	v14 =	vld [tilespmem:s31+$0x1C500];
	v6 =	vor.u32 v11, v6  }
0x1e7: {  	[tilespmem:s26+$0x18440] =	vst v8;
	v9 =	vld.idx.msk [tilespmem:v9+s13+$0x0], $0xffff;
	v8 =	vadd.s32 v0, v6  }
0x1e8: {  	v12 =	vld.idx.msk [tilespmem:v12+s13+$0x0], $0xffff;
	[tilespmem:s28+$0x18450] =	vst v10  }
0x1e9: {  	v16 =	vadd.s32 v2, v4;
	v15 =	vld.idx.msk [tilespmem:v13+s13+$0x0], $0xffff  }
0x1ea: {  	s2 =	simm.s32 $0x280;
	v10 =	vadd.s32 v1, v5  }
0x1eb: {  	v17 =	vshll.u32 v14, $0x3;
	v7 =	vadd.s32 v3, v7;
	v13 =	vld [tilespmem:s2+$0x1C500]  }
0x1ec: {  	v11 =	vld.idx.msk [tilespmem:v8+s13+$0x0], $0xffff;
	[tilespmem:s29+$0x18440] =	vst v9;
	v8 =	vand.u32 $0x7F, v14;
	v9 =	vand.u32 $0xFFFFFC00, v17  }
0x1ed: {  	[tilespmem:s26+$0x18450] =	vst v12;
	v9 =	vor.u32 v8, v9  }
0x1ee: {  	v8 =	vld.idx.msk [tilespmem:v16+s13+$0x0], $0xffff;
	[tilespmem:s28+$0x18460] =	vst v15;
	v15 =	vadd.s32 v0, v9  }
0x1ef: {  	v14 =	vadd.s32 v1, v6;
	v10 =	vld.idx.msk [tilespmem:v10+s13+$0x0], $0xffff  }
0x1f0: {  	s0 =	simm.s32 $0xC00;
	v12 =	vadd.s32 v2, v5;
	v7 =	vld.idx.msk [tilespmem:v7+s13+$0x0], $0xffff  }
.LBB2_14:
0x1f1: {  	s1 =	sshra.s32 s0, $0x2;
	p0 =	sne.s32 s0, $0x7E00;
	s0 =	sadd.s32 $0x200, s0;
	v16 =	vshll.u32 v13, $0x3;
	v17 =	vadd.s32 v3, v4;
	v4 =	vmovc v5;
	v5 =	vmovc v6;
	v6 =	vmov v9  }
.Ltmp6:
0x1f2: {  	v9 =	vand.u32 $0x7F, v13;
	s5 =	smov.u32 s30;
	s30 =	smov.u32 s31;
	v13 =	vld [tilespmem:s1+$0x1C500];
	v16 =	vand.u32 $0xFFFFFC00, v16;
	(pc) =	sbr.rel @p0 .LBB2_14-.Ltmp6, $4  }
0x1f3: {  	s31 =	smov.u32 s2;
	s2 =	smov.u32 s1;
	v9 =	vor.u32 v9, v16;
	[tilespmem:s5+$0x18440] =	vst v11;
	v11 =	vld.idx.msk [tilespmem:v15+s13+$0x0], $0xffff  }
0x1f4: {  	v15 =	vadd.s32 v0, v9;
	[tilespmem:s29+$0x18450] =	vst v10;
	v10 =	vld.idx.msk [tilespmem:v14+s13+$0x0], $0xffff  }
0x1f5: {  	v14 =	vadd.s32 v1, v6;
	[tilespmem:s26+$0x18460] =	vst v8;
	v8 =	vld.idx.msk [tilespmem:v12+s13+$0x0], $0xffff  }
0x1f6: {  	v12 =	vadd.s32 v2, v5;
	[tilespmem:s28+$0x18470] =	vst v7;
	v7 =	vld.idx.msk [tilespmem:v17+s13+$0x0], $0xffff;
	s28 =	smov.u32 s26;
	s26 =	smov.u32 s29;
	s29 =	smov.u32 s5  }
0x1f7: {  	v16 =	vshll.u32 v13, $0x3  }
0x1f8: {  	v13 =	vand.u32 $0x7F, v13;
	v16 =	vand.u32 $0xFFFFFC00, v16  }
0x1f9: {  	v13 =	vor.u32 v13, v16  }
0x1fa: {  	v16 =	vadd.s32 v0, v13;
	_ =	sdelay $0x3  }
0x1fb: {  	v15 =	vld.idx.msk [tilespmem:v15+s13+$0x0], $0xffff  }
0x1fc: {  	v17 =	vadd.s32 v1, v9;
	v16 =	vld.idx.msk [tilespmem:v16+s13+$0x0], $0xffff  }
0x1fd: {  	v18 =	vadd.s32 v1, v13;
	_ =	sdelay $0x1  }
0x1fe: {  	[tilespmem:s30+$0x18440] =	vst v11  }
0x1ff: {  	v11 =	vld.idx.msk [tilespmem:v14+s13+$0x0], $0xffff;
	[tilespmem:s31+$0x18440] =	vst v15  }
0x200: {  	v14 =	vadd.s32 v2, v6;
	v15 =	vld.idx.msk [tilespmem:v17+s13+$0x0], $0xffff;
	[tilespmem:s2+$0x18440] =	vst v16  }
0x201: {  	v16 =	vadd.s32 v2, v9;
	v17 =	vld.idx.msk [tilespmem:v18+s13+$0x0], $0xffff  }
0x202: {  	v18 =	vadd.s32 v2, v13  }
0x203: {  	[tilespmem:s29+$0x18450] =	vst v10  }
0x204: {  	v4 =	vadd.s32 v3, v4;
	v10 =	vld.idx.msk [tilespmem:v12+s13+$0x0], $0xffff;
	[tilespmem:s30+$0x18450] =	vst v11  }
0x205: {  	v5 =	vadd.s32 v3, v5;
	v11 =	vld.idx.msk [tilespmem:v14+s13+$0x0], $0xffff;
	[tilespmem:s31+$0x18450] =	vst v15  }
0x206: {  	v6 =	vadd.s32 v3, v6;
	v12 =	vld.idx.msk [tilespmem:v16+s13+$0x0], $0xffff;
	[tilespmem:s2+$0x18450] =	vst v17  }
0x207: {  	v9 =	vadd.s32 v3, v9;
	v14 =	vld.idx.msk [tilespmem:v18+s13+$0x0], $0xffff  }
0x208: {  	[tilespmem:s26+$0x18460] =	vst v8;
	v8 =	vadd.s32 v3, v13  }
0x209: {  	v4 =	vld.idx.msk [tilespmem:v4+s13+$0x0], $0xffff;
	[tilespmem:s29+$0x18460] =	vst v10  }
0x20a: {  	v5 =	vld.idx.msk [tilespmem:v5+s13+$0x0], $0xffff;
	[tilespmem:s30+$0x18460] =	vst v11  }
0x20b: {  	v6 =	vld.idx.msk [tilespmem:v6+s13+$0x0], $0xffff;
	[tilespmem:s31+$0x18460] =	vst v12  }
0x20c: {  	v9 =	vld.idx.msk [tilespmem:v9+s13+$0x0], $0xffff;
	[tilespmem:s2+$0x18460] =	vst v14  }
0x20d: {  	[tilespmem:s28+$0x18470] =	vst v7;
	v7 =	vld.idx.msk [tilespmem:v8+s13+$0x0], $0xffff  }
0x20e: {  	[tilespmem:s26+$0x18470] =	vst v4  }
0x20f: {  	[tilespmem:s29+$0x18470] =	vst v5  }
0x210: {  	[tilespmem:s30+$0x18470] =	vst v6  }
0x211: {  	[tilespmem:s31+$0x18470] =	vst v9  }
0x212: {  	[tilespmem:s2+$0x18470] =	vst v7  }
0x213: {  	v4 =	vld [tilespmem:$0x1FF50];
	_ =	sdelay $0x4  }
0x214: {  	[tilespmem:$0x1C400] =	vst v4;
	v4 =	vld [tilespmem:$0x1FF60];
	_ =	sdelay $0x4  }
0x215: {  	[tilespmem:$0x1C410] =	vst v4;
	v4 =	vld [tilespmem:$0x1FF70];
	_ =	sdelay $0x4  }
0x216: {  	[tilespmem:$0x1C420] =	vst v4;
	v4 =	vld [tilespmem:$0x1FF80];
	_ =	sdelay $0x4  }
0x217: {  	[tilespmem:$0x1C430] =	vst v4  }
0x218: {  	[hbm4b:s4+s16] =	stream.indirect.scatter [tilespmem:s18], [sflag:$0x4], $0x80, s17, s16, $0xb8;
	[tilespmem:$0x1E500] =	vst v63  }
0x219: {  	s0 =	simm.s32 $0x0;
	s1 =	rddreg [dreg:$0xc]  }
0x21a: {  	[tilespmem:s13], [sflag:$0x3] =	stream.linear.gather [hbm4b:s1+s0], $0x8000, $0x38;
	[tilespmem:$0x1E500] =	vst v63  }
0x21b: {  	_ =	swait.ge [sflag:s24], $0x2000  }
0x21c: {  	[sflag:s24] =	ssyncset.done $0x0  }
0x21d: {  	[sflag:s24] =	ssyncadd.s32 $0xFFFFE000  }
0x21e: {  	_ =	swait.ge [sflag:s10], $0x8000  }
0x21f: {  	[sflag:s10] =	ssyncset.done $0x0  }
0x220: {  	s28 =	simm.s32 $0x0;
	[sflag:s10] =	ssyncadd.s32 $0xFFFF8000  }
0x221: {  	v4 =	vld [tilespmem:s28+$0x1C500];
	_ =	sdelay $0x3  }
0x222: {  	s26 =	simm.s32 $0x80  }
0x223: {  	v6 =	vld [tilespmem:s26+$0x1C500];
	v5 =	vshll.u32 v4, $0x3  }
0x224: {  	v4 =	vand.u32 $0x7F, v4;
	v5 =	vand.u32 $0xFFFFFC00, v5  }
0x225: {  	v7 =	vor.u32 v4, v5  }
0x226: {  	v5 =	vadd.s32 v0, v7  }
0x227: {  	s29 =	simm.s32 $0x100  }
0x228: {  	v8 =	vld [tilespmem:s29+$0x1C500];
	v4 =	vshll.u32 v6, $0x3  }
0x229: {  	v6 =	vand.u32 $0x7F, v6;
	v4 =	vand.u32 $0xFFFFFC00, v4  }
0x22a: {  	v4 =	vor.u32 v6, v4  }
0x22b: {  	v9 =	vadd.s32 v0, v4;
	v6 =	vld.idx.msk [tilespmem:v5+s11+$0x0], $0xffff  }
0x22c: {  	s30 =	simm.s32 $0x180;
	v10 =	vadd.s32 v1, v7  }
0x22d: {  	v11 =	vld [tilespmem:s30+$0x1C500];
	v5 =	vshll.u32 v8, $0x3  }
0x22e: {  	v8 =	vand.u32 $0x7F, v8;
	v5 =	vand.u32 $0xFFFFFC00, v5  }
0x22f: {  	v5 =	vor.u32 v8, v5  }
0x230: {  	v8 =	vld.idx.msk [tilespmem:v9+s11+$0x0], $0xffff;
	v9 =	vadd.s32 v0, v5;
	[tilespmem:s28+$0x1A400] =	vst v6  }
0x231: {  	v12 =	vadd.s32 v1, v4;
	v10 =	vld.idx.msk [tilespmem:v10+s11+$0x0], $0xffff  }
0x232: {  	v13 =	vadd.s32 v2, v7;
	v6 =	vshll.u32 v11, $0x3  }
0x233: {  	s31 =	simm.s32 $0x200;
	v11 =	vand.u32 $0x7F, v11;
	v6 =	vand.u32 $0xFFFFFC00, v6  }
0x234: {  	v14 =	vld [tilespmem:s31+$0x1C500];
	v6 =	vor.u32 v11, v6  }
0x235: {  	[tilespmem:s26+$0x1A400] =	vst v8;
	v9 =	vld.idx.msk [tilespmem:v9+s11+$0x0], $0xffff;
	v8 =	vadd.s32 v0, v6  }
0x236: {  	v12 =	vld.idx.msk [tilespmem:v12+s11+$0x0], $0xffff;
	[tilespmem:s28+$0x1A410] =	vst v10  }
0x237: {  	v16 =	vadd.s32 v2, v4;
	v15 =	vld.idx.msk [tilespmem:v13+s11+$0x0], $0xffff  }
0x238: {  	s2 =	simm.s32 $0x280;
	v10 =	vadd.s32 v1, v5  }
0x239: {  	v17 =	vshll.u32 v14, $0x3;
	v7 =	vadd.s32 v3, v7;
	v13 =	vld [tilespmem:s2+$0x1C500]  }
0x23a: {  	v11 =	vld.idx.msk [tilespmem:v8+s11+$0x0], $0xffff;
	[tilespmem:s29+$0x1A400] =	vst v9;
	v8 =	vand.u32 $0x7F, v14;
	v9 =	vand.u32 $0xFFFFFC00, v17  }
0x23b: {  	[tilespmem:s26+$0x1A410] =	vst v12;
	v9 =	vor.u32 v8, v9  }
0x23c: {  	v8 =	vld.idx.msk [tilespmem:v16+s11+$0x0], $0xffff;
	[tilespmem:s28+$0x1A420] =	vst v15;
	v15 =	vadd.s32 v0, v9  }
0x23d: {  	v14 =	vadd.s32 v1, v6;
	v10 =	vld.idx.msk [tilespmem:v10+s11+$0x0], $0xffff  }
0x23e: {  	s0 =	simm.s32 $0xC00;
	v12 =	vadd.s32 v2, v5;
	v7 =	vld.idx.msk [tilespmem:v7+s11+$0x0], $0xffff  }
.LBB2_16:
0x23f: {  	s1 =	sshra.s32 s0, $0x2;
	p0 =	sne.s32 s0, $0x7E00;
	s0 =	sadd.s32 $0x200, s0;
	v16 =	vshll.u32 v13, $0x3;
	v17 =	vadd.s32 v3, v4;
	v4 =	vmovc v5;
	v5 =	vmovc v6;
	v6 =	vmov v9  }
.Ltmp7:
0x240: {  	v9 =	vand.u32 $0x7F, v13;
	s5 =	smov.u32 s30;
	s30 =	smov.u32 s31;
	v13 =	vld [tilespmem:s1+$0x1C500];
	v16 =	vand.u32 $0xFFFFFC00, v16;
	(pc) =	sbr.rel @p0 .LBB2_16-.Ltmp7, $4  }
0x241: {  	s31 =	smov.u32 s2;
	s2 =	smov.u32 s1;
	v9 =	vor.u32 v9, v16;
	[tilespmem:s5+$0x1A400] =	vst v11;
	v11 =	vld.idx.msk [tilespmem:v15+s11+$0x0], $0xffff  }
0x242: {  	v15 =	vadd.s32 v0, v9;
	[tilespmem:s29+$0x1A410] =	vst v10;
	v10 =	vld.idx.msk [tilespmem:v14+s11+$0x0], $0xffff  }
0x243: {  	v14 =	vadd.s32 v1, v6;
	[tilespmem:s26+$0x1A420] =	vst v8;
	v8 =	vld.idx.msk [tilespmem:v12+s11+$0x0], $0xffff  }
0x244: {  	v12 =	vadd.s32 v2, v5;
	[tilespmem:s28+$0x1A430] =	vst v7;
	v7 =	vld.idx.msk [tilespmem:v17+s11+$0x0], $0xffff;
	s28 =	smov.u32 s26;
	s26 =	smov.u32 s29;
	s29 =	smov.u32 s5  }
0x245: {  	v16 =	vshll.u32 v13, $0x3  }
0x246: {  	v13 =	vand.u32 $0x7F, v13;
	v16 =	vand.u32 $0xFFFFFC00, v16  }
0x247: {  	v13 =	vor.u32 v13, v16  }
0x248: {  	v16 =	vadd.s32 v0, v13;
	_ =	sdelay $0x3  }
0x249: {  	v15 =	vld.idx.msk [tilespmem:v15+s11+$0x0], $0xffff  }
0x24a: {  	v17 =	vadd.s32 v1, v9;
	v16 =	vld.idx.msk [tilespmem:v16+s11+$0x0], $0xffff  }
0x24b: {  	v18 =	vadd.s32 v1, v13;
	_ =	sdelay $0x1  }
0x24c: {  	[tilespmem:s30+$0x1A400] =	vst v11  }
0x24d: {  	v11 =	vld.idx.msk [tilespmem:v14+s11+$0x0], $0xffff;
	[tilespmem:s31+$0x1A400] =	vst v15  }
0x24e: {  	v14 =	vadd.s32 v2, v6;
	v15 =	vld.idx.msk [tilespmem:v17+s11+$0x0], $0xffff;
	[tilespmem:s2+$0x1A400] =	vst v16  }
0x24f: {  	v16 =	vadd.s32 v2, v9;
	v17 =	vld.idx.msk [tilespmem:v18+s11+$0x0], $0xffff  }
0x250: {  	v18 =	vadd.s32 v2, v13  }
0x251: {  	[tilespmem:s29+$0x1A410] =	vst v10  }
0x252: {  	v4 =	vadd.s32 v3, v4;
	v10 =	vld.idx.msk [tilespmem:v12+s11+$0x0], $0xffff;
	[tilespmem:s30+$0x1A410] =	vst v11  }
0x253: {  	v5 =	vadd.s32 v3, v5;
	v11 =	vld.idx.msk [tilespmem:v14+s11+$0x0], $0xffff;
	[tilespmem:s31+$0x1A410] =	vst v15  }
0x254: {  	v6 =	vadd.s32 v3, v6;
	v12 =	vld.idx.msk [tilespmem:v16+s11+$0x0], $0xffff;
	[tilespmem:s2+$0x1A410] =	vst v17  }
0x255: {  	v9 =	vadd.s32 v3, v9;
	v14 =	vld.idx.msk [tilespmem:v18+s11+$0x0], $0xffff  }
0x256: {  	[tilespmem:s26+$0x1A420] =	vst v8;
	v8 =	vadd.s32 v3, v13  }
0x257: {  	v4 =	vld.idx.msk [tilespmem:v4+s11+$0x0], $0xffff;
	[tilespmem:s29+$0x1A420] =	vst v10  }
0x258: {  	v5 =	vld.idx.msk [tilespmem:v5+s11+$0x0], $0xffff;
	[tilespmem:s30+$0x1A420] =	vst v11  }
0x259: {  	v6 =	vld.idx.msk [tilespmem:v6+s11+$0x0], $0xffff;
	[tilespmem:s31+$0x1A420] =	vst v12  }
0x25a: {  	v9 =	vld.idx.msk [tilespmem:v9+s11+$0x0], $0xffff;
	[tilespmem:s2+$0x1A420] =	vst v14  }
0x25b: {  	[tilespmem:s28+$0x1A430] =	vst v7;
	v7 =	vld.idx.msk [tilespmem:v8+s11+$0x0], $0xffff  }
0x25c: {  	[tilespmem:s26+$0x1A430] =	vst v4  }
0x25d: {  	[tilespmem:s29+$0x1A430] =	vst v5  }
0x25e: {  	[tilespmem:s30+$0x1A430] =	vst v6  }
0x25f: {  	[tilespmem:s31+$0x1A430] =	vst v9  }
0x260: {  	[tilespmem:s2+$0x1A430] =	vst v7  }
0x261: {  	s0 =	simm.s32 $0x0;
	s1 =	rddreg [dreg:$0xd]  }
0x262: {  	[tilespmem:s11], [sflag:$0x1] =	stream.linear.gather [hbm4b:s1+s0], $0x8000, $0x38;
	[tilespmem:$0x1E500] =	vst v63  }
0x263: {  	_ =	swait.ge [sflag:s15], $0x8000  }
0x264: {  	[sflag:s15] =	ssyncset.done $0x0  }
0x265: {  	s28 =	simm.s32 $0x0;
	[sflag:s15] =	ssyncadd.s32 $0xFFFF8000  }
0x266: {  	v4 =	vld [tilespmem:s28+$0x1C500];
	_ =	sdelay $0x3  }
0x267: {  	s26 =	simm.s32 $0x80  }
0x268: {  	v6 =	vld [tilespmem:s26+$0x1C500];
	v5 =	vshll.u32 v4, $0x3  }
0x269: {  	v4 =	vand.u32 $0x7F, v4;
	v5 =	vand.u32 $0xFFFFFC00, v5  }
0x26a: {  	v7 =	vor.u32 v4, v5  }
0x26b: {  	v5 =	vadd.s32 v0, v7  }
0x26c: {  	s29 =	simm.s32 $0x100  }
0x26d: {  	v8 =	vld [tilespmem:s29+$0x1C500];
	v4 =	vshll.u32 v6, $0x3  }
0x26e: {  	v6 =	vand.u32 $0x7F, v6;
	v4 =	vand.u32 $0xFFFFFC00, v4  }
0x26f: {  	v4 =	vor.u32 v6, v4  }
0x270: {  	v9 =	vadd.s32 v0, v4;
	v6 =	vld.idx.msk [tilespmem:v5+s12+$0x0], $0xffff  }
0x271: {  	s30 =	simm.s32 $0x180;
	v10 =	vadd.s32 v1, v7  }
0x272: {  	v11 =	vld [tilespmem:s30+$0x1C500];
	v5 =	vshll.u32 v8, $0x3  }
0x273: {  	v8 =	vand.u32 $0x7F, v8;
	v5 =	vand.u32 $0xFFFFFC00, v5  }
0x274: {  	v5 =	vor.u32 v8, v5  }
0x275: {  	v8 =	vld.idx.msk [tilespmem:v9+s12+$0x0], $0xffff;
	v9 =	vadd.s32 v0, v5;
	[tilespmem:s28+$0x1A440] =	vst v6  }
0x276: {  	v12 =	vadd.s32 v1, v4;
	v10 =	vld.idx.msk [tilespmem:v10+s12+$0x0], $0xffff  }
0x277: {  	v13 =	vadd.s32 v2, v7;
	v6 =	vshll.u32 v11, $0x3  }
0x278: {  	s31 =	simm.s32 $0x200;
	v11 =	vand.u32 $0x7F, v11;
	v6 =	vand.u32 $0xFFFFFC00, v6  }
0x279: {  	v14 =	vld [tilespmem:s31+$0x1C500];
	v6 =	vor.u32 v11, v6  }
0x27a: {  	[tilespmem:s26+$0x1A440] =	vst v8;
	v9 =	vld.idx.msk [tilespmem:v9+s12+$0x0], $0xffff;
	v8 =	vadd.s32 v0, v6  }
0x27b: {  	v12 =	vld.idx.msk [tilespmem:v12+s12+$0x0], $0xffff;
	[tilespmem:s28+$0x1A450] =	vst v10  }
0x27c: {  	v16 =	vadd.s32 v2, v4;
	v15 =	vld.idx.msk [tilespmem:v13+s12+$0x0], $0xffff  }
0x27d: {  	s2 =	simm.s32 $0x280;
	v10 =	vadd.s32 v1, v5  }
0x27e: {  	v17 =	vshll.u32 v14, $0x3;
	v7 =	vadd.s32 v3, v7;
	v13 =	vld [tilespmem:s2+$0x1C500]  }
0x27f: {  	v11 =	vld.idx.msk [tilespmem:v8+s12+$0x0], $0xffff;
	[tilespmem:s29+$0x1A440] =	vst v9;
	v8 =	vand.u32 $0x7F, v14;
	v9 =	vand.u32 $0xFFFFFC00, v17  }
0x280: {  	[tilespmem:s26+$0x1A450] =	vst v12;
	v9 =	vor.u32 v8, v9  }
0x281: {  	v8 =	vld.idx.msk [tilespmem:v16+s12+$0x0], $0xffff;
	[tilespmem:s28+$0x1A460] =	vst v15;
	v15 =	vadd.s32 v0, v9  }
0x282: {  	v14 =	vadd.s32 v1, v6;
	v10 =	vld.idx.msk [tilespmem:v10+s12+$0x0], $0xffff  }
0x283: {  	s0 =	simm.s32 $0xC00;
	v12 =	vadd.s32 v2, v5;
	v7 =	vld.idx.msk [tilespmem:v7+s12+$0x0], $0xffff  }
.LBB2_18:
0x284: {  	s1 =	sshra.s32 s0, $0x2;
	p0 =	sne.s32 s0, $0x7E00;
	s0 =	sadd.s32 $0x200, s0;
	v16 =	vshll.u32 v13, $0x3;
	v17 =	vadd.s32 v3, v4;
	v4 =	vmovc v5;
	v5 =	vmovc v6;
	v6 =	vmov v9  }
.Ltmp8:
0x285: {  	v9 =	vand.u32 $0x7F, v13;
	s5 =	smov.u32 s30;
	s30 =	smov.u32 s31;
	v13 =	vld [tilespmem:s1+$0x1C500];
	v16 =	vand.u32 $0xFFFFFC00, v16;
	(pc) =	sbr.rel @p0 .LBB2_18-.Ltmp8, $4  }
0x286: {  	s31 =	smov.u32 s2;
	s2 =	smov.u32 s1;
	v9 =	vor.u32 v9, v16;
	[tilespmem:s5+$0x1A440] =	vst v11;
	v11 =	vld.idx.msk [tilespmem:v15+s12+$0x0], $0xffff  }
0x287: {  	v15 =	vadd.s32 v0, v9;
	[tilespmem:s29+$0x1A450] =	vst v10;
	v10 =	vld.idx.msk [tilespmem:v14+s12+$0x0], $0xffff  }
0x288: {  	v14 =	vadd.s32 v1, v6;
	[tilespmem:s26+$0x1A460] =	vst v8;
	v8 =	vld.idx.msk [tilespmem:v12+s12+$0x0], $0xffff  }
0x289: {  	v12 =	vadd.s32 v2, v5;
	[tilespmem:s28+$0x1A470] =	vst v7;
	v7 =	vld.idx.msk [tilespmem:v17+s12+$0x0], $0xffff;
	s28 =	smov.u32 s26;
	s26 =	smov.u32 s29;
	s29 =	smov.u32 s5  }
0x28a: {  	v16 =	vshll.u32 v13, $0x3  }
0x28b: {  	v13 =	vand.u32 $0x7F, v13;
	v16 =	vand.u32 $0xFFFFFC00, v16  }
0x28c: {  	v13 =	vor.u32 v13, v16  }
0x28d: {  	v16 =	vadd.s32 v0, v13;
	_ =	sdelay $0x3  }
0x28e: {  	v15 =	vld.idx.msk [tilespmem:v15+s12+$0x0], $0xffff  }
0x28f: {  	v17 =	vadd.s32 v1, v9;
	v16 =	vld.idx.msk [tilespmem:v16+s12+$0x0], $0xffff  }
0x290: {  	v18 =	vadd.s32 v1, v13;
	_ =	sdelay $0x1  }
0x291: {  	[tilespmem:s30+$0x1A440] =	vst v11  }
0x292: {  	v11 =	vld.idx.msk [tilespmem:v14+s12+$0x0], $0xffff;
	[tilespmem:s31+$0x1A440] =	vst v15  }
0x293: {  	v14 =	vadd.s32 v2, v6;
	v15 =	vld.idx.msk [tilespmem:v17+s12+$0x0], $0xffff;
	[tilespmem:s2+$0x1A440] =	vst v16  }
0x294: {  	v16 =	vadd.s32 v2, v9;
	v17 =	vld.idx.msk [tilespmem:v18+s12+$0x0], $0xffff  }
0x295: {  	v18 =	vadd.s32 v2, v13  }
0x296: {  	[tilespmem:s29+$0x1A450] =	vst v10  }
0x297: {  	v4 =	vadd.s32 v3, v4;
	v10 =	vld.idx.msk [tilespmem:v12+s12+$0x0], $0xffff;
	[tilespmem:s30+$0x1A450] =	vst v11  }
0x298: {  	v5 =	vadd.s32 v3, v5;
	v11 =	vld.idx.msk [tilespmem:v14+s12+$0x0], $0xffff;
	[tilespmem:s31+$0x1A450] =	vst v15  }
0x299: {  	v6 =	vadd.s32 v3, v6;
	v12 =	vld.idx.msk [tilespmem:v16+s12+$0x0], $0xffff;
	[tilespmem:s2+$0x1A450] =	vst v17  }
0x29a: {  	v9 =	vadd.s32 v3, v9;
	v14 =	vld.idx.msk [tilespmem:v18+s12+$0x0], $0xffff  }
0x29b: {  	[tilespmem:s26+$0x1A460] =	vst v8;
	v8 =	vadd.s32 v3, v13  }
0x29c: {  	v4 =	vld.idx.msk [tilespmem:v4+s12+$0x0], $0xffff;
	[tilespmem:s29+$0x1A460] =	vst v10  }
0x29d: {  	v5 =	vld.idx.msk [tilespmem:v5+s12+$0x0], $0xffff;
	[tilespmem:s30+$0x1A460] =	vst v11  }
0x29e: {  	v6 =	vld.idx.msk [tilespmem:v6+s12+$0x0], $0xffff;
	[tilespmem:s31+$0x1A460] =	vst v12  }
0x29f: {  	v9 =	vld.idx.msk [tilespmem:v9+s12+$0x0], $0xffff;
	[tilespmem:s2+$0x1A460] =	vst v14  }
0x2a0: {  	[tilespmem:s28+$0x1A470] =	vst v7;
	v7 =	vld.idx.msk [tilespmem:v8+s12+$0x0], $0xffff  }
0x2a1: {  	[tilespmem:s26+$0x1A470] =	vst v4  }
0x2a2: {  	[tilespmem:s29+$0x1A470] =	vst v5  }
0x2a3: {  	[tilespmem:s30+$0x1A470] =	vst v6  }
0x2a4: {  	[tilespmem:s31+$0x1A470] =	vst v9  }
0x2a5: {  	[tilespmem:s2+$0x1A470] =	vst v7  }
0x2a6: {  	v4 =	vld [tilespmem:$0x1FF90];
	_ =	sdelay $0x4  }
0x2a7: {  	[tilespmem:$0x1C480] =	vst v4;
	v4 =	vld [tilespmem:$0x1FFA0];
	_ =	sdelay $0x4  }
0x2a8: {  	[tilespmem:$0x1C490] =	vst v4;
	v4 =	vld [tilespmem:$0x1FFB0];
	_ =	sdelay $0x4  }
0x2a9: {  	[tilespmem:$0x1C4A0] =	vst v4;
	v4 =	vld [tilespmem:$0x1FFC0];
	_ =	sdelay $0x4  }
0x2aa: {  	[tilespmem:$0x1C4B0] =	vst v4  }
0x2ab: {  	[hbm4b:s4+s16] =	stream.indirect.scatter [tilespmem:s21], [sflag:$0x5], $0x80, s20, s16, $0xb8;
	[tilespmem:$0x1E500] =	vst v63  }
0x2ac: {  	s0 =	simm.s32 $0x0;
	s1 =	rddreg [dreg:$0xe]  }
0x2ad: {  	[tilespmem:s12], [sflag:$0x2] =	stream.linear.gather [hbm4b:s1+s0], $0x8000, $0x38;
	[tilespmem:$0x1E500] =	vst v63  }
0x2ae: {  	_ =	swait.ge [sflag:s23], $0x2000  }
0x2af: {  	[sflag:s23] =	ssyncset.done $0x0  }
0x2b0: {  	[sflag:s23] =	ssyncadd.s32 $0xFFFFE000  }
0x2b1: {  	_ =	swait.ge [sflag:s19], $0x8000  }
0x2b2: {  	[sflag:s19] =	ssyncset.done $0x0  }
0x2b3: {  	s28 =	simm.s32 $0x0;
	[sflag:s19] =	ssyncadd.s32 $0xFFFF8000  }
0x2b4: {  	v4 =	vld [tilespmem:s28+$0x1C500];
	_ =	sdelay $0x3  }
0x2b5: {  	s26 =	simm.s32 $0x80  }
0x2b6: {  	v6 =	vld [tilespmem:s26+$0x1C500];
	v5 =	vshll.u32 v4, $0x3  }
0x2b7: {  	v4 =	vand.u32 $0x7F, v4;
	v5 =	vand.u32 $0xFFFFFC00, v5  }
0x2b8: {  	v7 =	vor.u32 v4, v5  }
0x2b9: {  	v5 =	vadd.s32 v0, v7  }
0x2ba: {  	s29 =	simm.s32 $0x100  }
0x2bb: {  	v8 =	vld [tilespmem:s29+$0x1C500];
	v4 =	vshll.u32 v6, $0x3  }
0x2bc: {  	v6 =	vand.u32 $0x7F, v6;
	v4 =	vand.u32 $0xFFFFFC00, v4  }
0x2bd: {  	v4 =	vor.u32 v6, v4  }
0x2be: {  	v9 =	vadd.s32 v0, v4;
	v6 =	vld.idx.msk [tilespmem:v5+s13+$0x0], $0xffff  }
0x2bf: {  	s30 =	simm.s32 $0x180;
	v10 =	vadd.s32 v1, v7  }
0x2c0: {  	v11 =	vld [tilespmem:s30+$0x1C500];
	v5 =	vshll.u32 v8, $0x3  }
0x2c1: {  	v8 =	vand.u32 $0x7F, v8;
	v5 =	vand.u32 $0xFFFFFC00, v5  }
0x2c2: {  	v5 =	vor.u32 v8, v5  }
0x2c3: {  	v8 =	vld.idx.msk [tilespmem:v9+s13+$0x0], $0xffff;
	v9 =	vadd.s32 v0, v5;
	[tilespmem:s28+$0x18400] =	vst v6  }
0x2c4: {  	v12 =	vadd.s32 v1, v4;
	v10 =	vld.idx.msk [tilespmem:v10+s13+$0x0], $0xffff  }
0x2c5: {  	v13 =	vadd.s32 v2, v7;
	v6 =	vshll.u32 v11, $0x3  }
0x2c6: {  	s31 =	simm.s32 $0x200;
	v11 =	vand.u32 $0x7F, v11;
	v6 =	vand.u32 $0xFFFFFC00, v6  }
0x2c7: {  	v14 =	vld [tilespmem:s31+$0x1C500];
	v6 =	vor.u32 v11, v6  }
0x2c8: {  	[tilespmem:s26+$0x18400] =	vst v8;
	v9 =	vld.idx.msk [tilespmem:v9+s13+$0x0], $0xffff;
	v8 =	vadd.s32 v0, v6  }
0x2c9: {  	v12 =	vld.idx.msk [tilespmem:v12+s13+$0x0], $0xffff;
	[tilespmem:s28+$0x18410] =	vst v10  }
0x2ca: {  	v16 =	vadd.s32 v2, v4;
	v15 =	vld.idx.msk [tilespmem:v13+s13+$0x0], $0xffff  }
0x2cb: {  	s2 =	simm.s32 $0x280;
	v10 =	vadd.s32 v1, v5  }
0x2cc: {  	v17 =	vshll.u32 v14, $0x3;
	v7 =	vadd.s32 v3, v7;
	v13 =	vld [tilespmem:s2+$0x1C500]  }
0x2cd: {  	v11 =	vld.idx.msk [tilespmem:v8+s13+$0x0], $0xffff;
	[tilespmem:s29+$0x18400] =	vst v9;
	v8 =	vand.u32 $0x7F, v14;
	v9 =	vand.u32 $0xFFFFFC00, v17  }
0x2ce: {  	[tilespmem:s26+$0x18410] =	vst v12;
	v9 =	vor.u32 v8, v9  }
0x2cf: {  	v8 =	vld.idx.msk [tilespmem:v16+s13+$0x0], $0xffff;
	[tilespmem:s28+$0x18420] =	vst v15;
	v15 =	vadd.s32 v0, v9  }
0x2d0: {  	v14 =	vadd.s32 v1, v6;
	v10 =	vld.idx.msk [tilespmem:v10+s13+$0x0], $0xffff  }
0x2d1: {  	s0 =	simm.s32 $0xC00;
	v12 =	vadd.s32 v2, v5;
	v7 =	vld.idx.msk [tilespmem:v7+s13+$0x0], $0xffff  }
.LBB2_20:
0x2d2: {  	s1 =	sshra.s32 s0, $0x2;
	p0 =	sne.s32 s0, $0x7E00;
	s0 =	sadd.s32 $0x200, s0;
	v16 =	vshll.u32 v13, $0x3;
	v17 =	vadd.s32 v3, v4;
	v4 =	vmovc v5;
	v5 =	vmovc v6;
	v6 =	vmov v9  }
.Ltmp9:
0x2d3: {  	v9 =	vand.u32 $0x7F, v13;
	s5 =	smov.u32 s30;
	s30 =	smov.u32 s31;
	v13 =	vld [tilespmem:s1+$0x1C500];
	v16 =	vand.u32 $0xFFFFFC00, v16;
	(pc) =	sbr.rel @p0 .LBB2_20-.Ltmp9, $4  }
0x2d4: {  	s31 =	smov.u32 s2;
	s2 =	smov.u32 s1;
	v9 =	vor.u32 v9, v16;
	[tilespmem:s5+$0x18400] =	vst v11;
	v11 =	vld.idx.msk [tilespmem:v15+s13+$0x0], $0xffff  }
0x2d5: {  	v15 =	vadd.s32 v0, v9;
	[tilespmem:s29+$0x18410] =	vst v10;
	v10 =	vld.idx.msk [tilespmem:v14+s13+$0x0], $0xffff  }
0x2d6: {  	v14 =	vadd.s32 v1, v6;
	[tilespmem:s26+$0x18420] =	vst v8;
	v8 =	vld.idx.msk [tilespmem:v12+s13+$0x0], $0xffff  }
0x2d7: {  	v12 =	vadd.s32 v2, v5;
	[tilespmem:s28+$0x18430] =	vst v7;
	v7 =	vld.idx.msk [tilespmem:v17+s13+$0x0], $0xffff;
	s28 =	smov.u32 s26;
	s26 =	smov.u32 s29;
	s29 =	smov.u32 s5  }
0x2d8: {  	v16 =	vshll.u32 v13, $0x3  }
0x2d9: {  	v13 =	vand.u32 $0x7F, v13;
	v16 =	vand.u32 $0xFFFFFC00, v16  }
0x2da: {  	v13 =	vor.u32 v13, v16  }
0x2db: {  	v16 =	vadd.s32 v0, v13;
	_ =	sdelay $0x3  }
0x2dc: {  	v15 =	vld.idx.msk [tilespmem:v15+s13+$0x0], $0xffff  }
0x2dd: {  	v17 =	vadd.s32 v1, v9;
	v16 =	vld.idx.msk [tilespmem:v16+s13+$0x0], $0xffff  }
0x2de: {  	v18 =	vadd.s32 v1, v13;
	_ =	sdelay $0x1  }
0x2df: {  	[tilespmem:s30+$0x18400] =	vst v11  }
0x2e0: {  	v11 =	vld.idx.msk [tilespmem:v14+s13+$0x0], $0xffff;
	[tilespmem:s31+$0x18400] =	vst v15  }
0x2e1: {  	v14 =	vadd.s32 v2, v6;
	v15 =	vld.idx.msk [tilespmem:v17+s13+$0x0], $0xffff;
	[tilespmem:s2+$0x18400] =	vst v16  }
0x2e2: {  	v16 =	vadd.s32 v2, v9;
	v17 =	vld.idx.msk [tilespmem:v18+s13+$0x0], $0xffff  }
0x2e3: {  	v18 =	vadd.s32 v2, v13  }
0x2e4: {  	[tilespmem:s29+$0x18410] =	vst v10  }
0x2e5: {  	v4 =	vadd.s32 v3, v4;
	v10 =	vld.idx.msk [tilespmem:v12+s13+$0x0], $0xffff;
	[tilespmem:s30+$0x18410] =	vst v11  }
0x2e6: {  	v5 =	vadd.s32 v3, v5;
	v11 =	vld.idx.msk [tilespmem:v14+s13+$0x0], $0xffff;
	[tilespmem:s31+$0x18410] =	vst v15  }
0x2e7: {  	v6 =	vadd.s32 v3, v6;
	v12 =	vld.idx.msk [tilespmem:v16+s13+$0x0], $0xffff;
	[tilespmem:s2+$0x18410] =	vst v17  }
0x2e8: {  	v9 =	vadd.s32 v3, v9;
	v14 =	vld.idx.msk [tilespmem:v18+s13+$0x0], $0xffff  }
0x2e9: {  	[tilespmem:s26+$0x18420] =	vst v8;
	v8 =	vadd.s32 v3, v13  }
0x2ea: {  	v4 =	vld.idx.msk [tilespmem:v4+s13+$0x0], $0xffff;
	[tilespmem:s29+$0x18420] =	vst v10  }
0x2eb: {  	v5 =	vld.idx.msk [tilespmem:v5+s13+$0x0], $0xffff;
	[tilespmem:s30+$0x18420] =	vst v11  }
0x2ec: {  	v6 =	vld.idx.msk [tilespmem:v6+s13+$0x0], $0xffff;
	[tilespmem:s31+$0x18420] =	vst v12  }
0x2ed: {  	v9 =	vld.idx.msk [tilespmem:v9+s13+$0x0], $0xffff;
	[tilespmem:s2+$0x18420] =	vst v14  }
0x2ee: {  	[tilespmem:s28+$0x18430] =	vst v7;
	v7 =	vld.idx.msk [tilespmem:v8+s13+$0x0], $0xffff  }
0x2ef: {  	[tilespmem:s26+$0x18430] =	vst v4  }
0x2f0: {  	[tilespmem:s29+$0x18430] =	vst v5  }
0x2f1: {  	[tilespmem:s30+$0x18430] =	vst v6  }
0x2f2: {  	[tilespmem:s31+$0x18430] =	vst v9  }
0x2f3: {  	[tilespmem:s2+$0x18430] =	vst v7  }
0x2f4: {  	s0 =	simm.s32 $0x0;
	s1 =	rddreg [dreg:$0xf]  }
0x2f5: {  	[tilespmem:s13], [sflag:$0x3] =	stream.linear.gather [hbm4b:s1+s0], $0x8000, $0x38;
	[tilespmem:$0x1E500] =	vst v63  }
0x2f6: {  	_ =	swait.ge [sflag:s10], $0x8000  }
0x2f7: {  	[sflag:s10] =	ssyncset.done $0x0  }
0x2f8: {  	s28 =	simm.s32 $0x0;
	[sflag:s10] =	ssyncadd.s32 $0xFFFF8000  }
0x2f9: {  	v4 =	vld [tilespmem:s28+$0x1C500];
	_ =	sdelay $0x3  }
0x2fa: {  	s26 =	simm.s32 $0x80  }
0x2fb: {  	v6 =	vld [tilespmem:s26+$0x1C500];
	v5 =	vshll.u32 v4, $0x3  }
0x2fc: {  	v4 =	vand.u32 $0x7F, v4;
	v5 =	vand.u32 $0xFFFFFC00, v5  }
0x2fd: {  	v7 =	vor.u32 v4, v5  }
0x2fe: {  	v5 =	vadd.s32 v0, v7  }
0x2ff: {  	s29 =	simm.s32 $0x100  }
0x300: {  	v8 =	vld [tilespmem:s29+$0x1C500];
	v4 =	vshll.u32 v6, $0x3  }
0x301: {  	v6 =	vand.u32 $0x7F, v6;
	v4 =	vand.u32 $0xFFFFFC00, v4  }
0x302: {  	v4 =	vor.u32 v6, v4  }
0x303: {  	v9 =	vadd.s32 v0, v4;
	v6 =	vld.idx.msk [tilespmem:v5+s11+$0x0], $0xffff  }
0x304: {  	s30 =	simm.s32 $0x180;
	v10 =	vadd.s32 v1, v7  }
0x305: {  	v11 =	vld [tilespmem:s30+$0x1C500];
	v5 =	vshll.u32 v8, $0x3  }
0x306: {  	v8 =	vand.u32 $0x7F, v8;
	v5 =	vand.u32 $0xFFFFFC00, v5  }
0x307: {  	v5 =	vor.u32 v8, v5  }
0x308: {  	v8 =	vld.idx.msk [tilespmem:v9+s11+$0x0], $0xffff;
	v9 =	vadd.s32 v0, v5;
	[tilespmem:s28+$0x18440] =	vst v6  }
0x309: {  	v12 =	vadd.s32 v1, v4;
	v10 =	vld.idx.msk [tilespmem:v10+s11+$0x0], $0xffff  }
0x30a: {  	v13 =	vadd.s32 v2, v7;
	v6 =	vshll.u32 v11, $0x3  }
0x30b: {  	s31 =	simm.s32 $0x200;
	v11 =	vand.u32 $0x7F, v11;
	v6 =	vand.u32 $0xFFFFFC00, v6  }
0x30c: {  	v14 =	vld [tilespmem:s31+$0x1C500];
	v6 =	vor.u32 v11, v6  }
0x30d: {  	[tilespmem:s26+$0x18440] =	vst v8;
	v9 =	vld.idx.msk [tilespmem:v9+s11+$0x0], $0xffff;
	v8 =	vadd.s32 v0, v6  }
0x30e: {  	v12 =	vld.idx.msk [tilespmem:v12+s11+$0x0], $0xffff;
	[tilespmem:s28+$0x18450] =	vst v10  }
0x30f: {  	v16 =	vadd.s32 v2, v4;
	v15 =	vld.idx.msk [tilespmem:v13+s11+$0x0], $0xffff  }
0x310: {  	s2 =	simm.s32 $0x280;
	v10 =	vadd.s32 v1, v5  }
0x311: {  	v17 =	vshll.u32 v14, $0x3;
	v7 =	vadd.s32 v3, v7;
	v13 =	vld [tilespmem:s2+$0x1C500]  }
0x312: {  	v11 =	vld.idx.msk [tilespmem:v8+s11+$0x0], $0xffff;
	[tilespmem:s29+$0x18440] =	vst v9;
	v8 =	vand.u32 $0x7F, v14;
	v9 =	vand.u32 $0xFFFFFC00, v17  }
0x313: {  	[tilespmem:s26+$0x18450] =	vst v12;
	v9 =	vor.u32 v8, v9  }
0x314: {  	v8 =	vld.idx.msk [tilespmem:v16+s11+$0x0], $0xffff;
	[tilespmem:s28+$0x18460] =	vst v15;
	v15 =	vadd.s32 v0, v9  }
0x315: {  	v14 =	vadd.s32 v1, v6;
	v10 =	vld.idx.msk [tilespmem:v10+s11+$0x0], $0xffff  }
0x316: {  	s0 =	simm.s32 $0xC00;
	v12 =	vadd.s32 v2, v5;
	v7 =	vld.idx.msk [tilespmem:v7+s11+$0x0], $0xffff  }
.LBB2_22:
0x317: {  	s1 =	sshra.s32 s0, $0x2;
	p0 =	sne.s32 s0, $0x7E00;
	s0 =	sadd.s32 $0x200, s0;
	v16 =	vshll.u32 v13, $0x3;
	v17 =	vadd.s32 v3, v4;
	v4 =	vmovc v5;
	v5 =	vmovc v6;
	v6 =	vmov v9  }
.Ltmp10:
0x318: {  	v9 =	vand.u32 $0x7F, v13;
	s5 =	smov.u32 s30;
	s30 =	smov.u32 s31;
	v13 =	vld [tilespmem:s1+$0x1C500];
	v16 =	vand.u32 $0xFFFFFC00, v16;
	(pc) =	sbr.rel @p0 .LBB2_22-.Ltmp10, $4  }
0x319: {  	s31 =	smov.u32 s2;
	s2 =	smov.u32 s1;
	v9 =	vor.u32 v9, v16;
	[tilespmem:s5+$0x18440] =	vst v11;
	v11 =	vld.idx.msk [tilespmem:v15+s11+$0x0], $0xffff  }
0x31a: {  	v15 =	vadd.s32 v0, v9;
	[tilespmem:s29+$0x18450] =	vst v10;
	v10 =	vld.idx.msk [tilespmem:v14+s11+$0x0], $0xffff  }
0x31b: {  	v14 =	vadd.s32 v1, v6;
	[tilespmem:s26+$0x18460] =	vst v8;
	v8 =	vld.idx.msk [tilespmem:v12+s11+$0x0], $0xffff  }
0x31c: {  	v12 =	vadd.s32 v2, v5;
	[tilespmem:s28+$0x18470] =	vst v7;
	v7 =	vld.idx.msk [tilespmem:v17+s11+$0x0], $0xffff;
	s28 =	smov.u32 s26;
	s26 =	smov.u32 s29;
	s29 =	smov.u32 s5  }
0x31d: {  	v16 =	vshll.u32 v13, $0x3  }
0x31e: {  	v13 =	vand.u32 $0x7F, v13;
	v16 =	vand.u32 $0xFFFFFC00, v16  }
0x31f: {  	v13 =	vor.u32 v13, v16  }
0x320: {  	v16 =	vadd.s32 v0, v13;
	_ =	sdelay $0x3  }
0x321: {  	v15 =	vld.idx.msk [tilespmem:v15+s11+$0x0], $0xffff  }
0x322: {  	v17 =	vadd.s32 v1, v9;
	v16 =	vld.idx.msk [tilespmem:v16+s11+$0x0], $0xffff  }
0x323: {  	v18 =	vadd.s32 v1, v13;
	_ =	sdelay $0x1  }
0x324: {  	[tilespmem:s30+$0x18440] =	vst v11  }
0x325: {  	v11 =	vld.idx.msk [tilespmem:v14+s11+$0x0], $0xffff;
	[tilespmem:s31+$0x18440] =	vst v15  }
0x326: {  	v14 =	vadd.s32 v2, v6;
	v15 =	vld.idx.msk [tilespmem:v17+s11+$0x0], $0xffff;
	[tilespmem:s2+$0x18440] =	vst v16  }
0x327: {  	v16 =	vadd.s32 v2, v9;
	v17 =	vld.idx.msk [tilespmem:v18+s11+$0x0], $0xffff  }
0x328: {  	v18 =	vadd.s32 v2, v13  }
0x329: {  	[tilespmem:s29+$0x18450] =	vst v10  }
0x32a: {  	v4 =	vadd.s32 v3, v4;
	v10 =	vld.idx.msk [tilespmem:v12+s11+$0x0], $0xffff;
	[tilespmem:s30+$0x18450] =	vst v11  }
0x32b: {  	v5 =	vadd.s32 v3, v5;
	v11 =	vld.idx.msk [tilespmem:v14+s11+$0x0], $0xffff;
	[tilespmem:s31+$0x18450] =	vst v15  }
0x32c: {  	v6 =	vadd.s32 v3, v6;
	v12 =	vld.idx.msk [tilespmem:v16+s11+$0x0], $0xffff;
	[tilespmem:s2+$0x18450] =	vst v17  }
0x32d: {  	v9 =	vadd.s32 v3, v9;
	v14 =	vld.idx.msk [tilespmem:v18+s11+$0x0], $0xffff  }
0x32e: {  	[tilespmem:s26+$0x18460] =	vst v8;
	v8 =	vadd.s32 v3, v13  }
0x32f: {  	v4 =	vld.idx.msk [tilespmem:v4+s11+$0x0], $0xffff;
	[tilespmem:s29+$0x18460] =	vst v10  }
0x330: {  	v5 =	vld.idx.msk [tilespmem:v5+s11+$0x0], $0xffff;
	[tilespmem:s30+$0x18460] =	vst v11  }
0x331: {  	v6 =	vld.idx.msk [tilespmem:v6+s11+$0x0], $0xffff;
	[tilespmem:s31+$0x18460] =	vst v12  }
0x332: {  	v9 =	vld.idx.msk [tilespmem:v9+s11+$0x0], $0xffff;
	[tilespmem:s2+$0x18460] =	vst v14  }
0x333: {  	[tilespmem:s28+$0x18470] =	vst v7;
	v7 =	vld.idx.msk [tilespmem:v8+s11+$0x0], $0xffff  }
0x334: {  	[tilespmem:s26+$0x18470] =	vst v4  }
0x335: {  	[tilespmem:s29+$0x18470] =	vst v5  }
0x336: {  	[tilespmem:s30+$0x18470] =	vst v6  }
0x337: {  	[tilespmem:s31+$0x18470] =	vst v9  }
0x338: {  	[tilespmem:s2+$0x18470] =	vst v7  }
0x339: {  	v4 =	vld [tilespmem:$0x1FFD0];
	_ =	sdelay $0x4  }
0x33a: {  	[tilespmem:$0x1C400] =	vst v4;
	v4 =	vld [tilespmem:$0x1FFE0];
	_ =	sdelay $0x4  }
0x33b: {  	[tilespmem:$0x1C410] =	vst v4;
	v4 =	vld [tilespmem:$0x1FFF0];
	_ =	sdelay $0x3  }
0x33c: {  	[tilespmem:$0x1C430] =	vst v19  }
0x33d: {  	[tilespmem:$0x1C420] =	vst v4  }
0x33e: {  	[hbm4b:s4+s16] =	stream.indirect.scatter [tilespmem:s18], [sflag:$0x4], $0x80, s17, s16, $0xb8;
	[tilespmem:$0x1E500] =	vst v63  }
0x33f: {  	s0 =	simm.s32 $0x0;
	s1 =	rddreg [dreg:$0x10]  }
0x340: {  	[tilespmem:s11], [sflag:$0x1] =	stream.linear.gather [hbm4b:s1+s0], $0x8000, $0x38;
	[tilespmem:$0x1E500] =	vst v63  }
0x341: {  	_ =	swait.ge [sflag:s24], $0x2000  }
0x342: {  	[sflag:s24] =	ssyncset.done $0x0  }
0x343: {  	[sflag:s24] =	ssyncadd.s32 $0xFFFFE000  }
0x344: {  	_ =	swait.ge [sflag:s15], $0x8000  }
0x345: {  	[sflag:s15] =	ssyncset.done $0x0  }
0x346: {  	s28 =	simm.s32 $0x0;
	[sflag:s15] =	ssyncadd.s32 $0xFFFF8000  }
0x347: {  	v4 =	vld [tilespmem:s28+$0x1C500];
	_ =	sdelay $0x3  }
0x348: {  	s26 =	simm.s32 $0x80  }
0x349: {  	v6 =	vld [tilespmem:s26+$0x1C500];
	v5 =	vshll.u32 v4, $0x3  }
0x34a: {  	v4 =	vand.u32 $0x7F, v4;
	v5 =	vand.u32 $0xFFFFFC00, v5  }
0x34b: {  	v7 =	vor.u32 v4, v5  }
0x34c: {  	v5 =	vadd.s32 v0, v7  }
0x34d: {  	s29 =	simm.s32 $0x100  }
0x34e: {  	v8 =	vld [tilespmem:s29+$0x1C500];
	v4 =	vshll.u32 v6, $0x3  }
0x34f: {  	v6 =	vand.u32 $0x7F, v6;
	v4 =	vand.u32 $0xFFFFFC00, v4  }
0x350: {  	v4 =	vor.u32 v6, v4  }
0x351: {  	v9 =	vadd.s32 v0, v4;
	v6 =	vld.idx.msk [tilespmem:v5+s12+$0x0], $0xffff  }
0x352: {  	s30 =	simm.s32 $0x180;
	v10 =	vadd.s32 v1, v7  }
0x353: {  	v11 =	vld [tilespmem:s30+$0x1C500];
	v5 =	vshll.u32 v8, $0x3  }
0x354: {  	v8 =	vand.u32 $0x7F, v8;
	v5 =	vand.u32 $0xFFFFFC00, v5  }
0x355: {  	v5 =	vor.u32 v8, v5  }
0x356: {  	v8 =	vld.idx.msk [tilespmem:v9+s12+$0x0], $0xffff;
	v9 =	vadd.s32 v0, v5;
	[tilespmem:s28+$0x1A400] =	vst v6  }
0x357: {  	v12 =	vadd.s32 v1, v4;
	v10 =	vld.idx.msk [tilespmem:v10+s12+$0x0], $0xffff  }
0x358: {  	v13 =	vadd.s32 v2, v7;
	v6 =	vshll.u32 v11, $0x3  }
0x359: {  	s31 =	simm.s32 $0x200;
	v11 =	vand.u32 $0x7F, v11;
	v6 =	vand.u32 $0xFFFFFC00, v6  }
0x35a: {  	v14 =	vld [tilespmem:s31+$0x1C500];
	v6 =	vor.u32 v11, v6  }
0x35b: {  	[tilespmem:s26+$0x1A400] =	vst v8;
	v9 =	vld.idx.msk [tilespmem:v9+s12+$0x0], $0xffff;
	v8 =	vadd.s32 v0, v6  }
0x35c: {  	v12 =	vld.idx.msk [tilespmem:v12+s12+$0x0], $0xffff;
	[tilespmem:s28+$0x1A410] =	vst v10  }
0x35d: {  	v16 =	vadd.s32 v2, v4;
	v15 =	vld.idx.msk [tilespmem:v13+s12+$0x0], $0xffff  }
0x35e: {  	s2 =	simm.s32 $0x280;
	v10 =	vadd.s32 v1, v5  }
0x35f: {  	v17 =	vshll.u32 v14, $0x3;
	v7 =	vadd.s32 v3, v7;
	v13 =	vld [tilespmem:s2+$0x1C500]  }
0x360: {  	v11 =	vld.idx.msk [tilespmem:v8+s12+$0x0], $0xffff;
	[tilespmem:s29+$0x1A400] =	vst v9;
	v8 =	vand.u32 $0x7F, v14;
	v9 =	vand.u32 $0xFFFFFC00, v17  }
0x361: {  	[tilespmem:s26+$0x1A410] =	vst v12;
	v9 =	vor.u32 v8, v9  }
0x362: {  	v8 =	vld.idx.msk [tilespmem:v16+s12+$0x0], $0xffff;
	[tilespmem:s28+$0x1A420] =	vst v15;
	v15 =	vadd.s32 v0, v9  }
0x363: {  	v14 =	vadd.s32 v1, v6;
	v10 =	vld.idx.msk [tilespmem:v10+s12+$0x0], $0xffff  }
0x364: {  	s0 =	simm.s32 $0xC00;
	v12 =	vadd.s32 v2, v5;
	v7 =	vld.idx.msk [tilespmem:v7+s12+$0x0], $0xffff  }
.LBB2_24:
0x365: {  	s1 =	sshra.s32 s0, $0x2;
	p0 =	sne.s32 s0, $0x7E00;
	s0 =	sadd.s32 $0x200, s0;
	v16 =	vshll.u32 v13, $0x3;
	v17 =	vadd.s32 v3, v4;
	v4 =	vmovc v5;
	v5 =	vmovc v6;
	v6 =	vmov v9  }
.Ltmp11:
0x366: {  	v9 =	vand.u32 $0x7F, v13;
	s5 =	smov.u32 s30;
	s30 =	smov.u32 s31;
	v13 =	vld [tilespmem:s1+$0x1C500];
	v16 =	vand.u32 $0xFFFFFC00, v16;
	(pc) =	sbr.rel @p0 .LBB2_24-.Ltmp11, $4  }
0x367: {  	s31 =	smov.u32 s2;
	s2 =	smov.u32 s1;
	v9 =	vor.u32 v9, v16;
	[tilespmem:s5+$0x1A400] =	vst v11;
	v11 =	vld.idx.msk [tilespmem:v15+s12+$0x0], $0xffff  }
0x368: {  	v15 =	vadd.s32 v0, v9;
	[tilespmem:s29+$0x1A410] =	vst v10;
	v10 =	vld.idx.msk [tilespmem:v14+s12+$0x0], $0xffff  }
0x369: {  	v14 =	vadd.s32 v1, v6;
	[tilespmem:s26+$0x1A420] =	vst v8;
	v8 =	vld.idx.msk [tilespmem:v12+s12+$0x0], $0xffff  }
0x36a: {  	v12 =	vadd.s32 v2, v5;
	[tilespmem:s28+$0x1A430] =	vst v7;
	v7 =	vld.idx.msk [tilespmem:v17+s12+$0x0], $0xffff;
	s28 =	smov.u32 s26;
	s26 =	smov.u32 s29;
	s29 =	smov.u32 s5  }
0x36b: {  	v16 =	vshll.u32 v13, $0x3  }
0x36c: {  	v13 =	vand.u32 $0x7F, v13;
	v16 =	vand.u32 $0xFFFFFC00, v16  }
0x36d: {  	v13 =	vor.u32 v13, v16  }
0x36e: {  	v16 =	vadd.s32 v0, v13;
	_ =	sdelay $0x3  }
0x36f: {  	v15 =	vld.idx.msk [tilespmem:v15+s12+$0x0], $0xffff  }
0x370: {  	v17 =	vadd.s32 v1, v9;
	v16 =	vld.idx.msk [tilespmem:v16+s12+$0x0], $0xffff  }
0x371: {  	v18 =	vadd.s32 v1, v13;
	_ =	sdelay $0x1  }
0x372: {  	[tilespmem:s30+$0x1A400] =	vst v11  }
0x373: {  	v11 =	vld.idx.msk [tilespmem:v14+s12+$0x0], $0xffff;
	[tilespmem:s31+$0x1A400] =	vst v15  }
0x374: {  	v14 =	vadd.s32 v2, v6;
	v15 =	vld.idx.msk [tilespmem:v17+s12+$0x0], $0xffff;
	[tilespmem:s2+$0x1A400] =	vst v16  }
0x375: {  	v16 =	vadd.s32 v2, v9;
	v17 =	vld.idx.msk [tilespmem:v18+s12+$0x0], $0xffff  }
0x376: {  	v18 =	vadd.s32 v2, v13  }
0x377: {  	[tilespmem:s29+$0x1A410] =	vst v10  }
0x378: {  	v4 =	vadd.s32 v3, v4;
	v10 =	vld.idx.msk [tilespmem:v12+s12+$0x0], $0xffff;
	[tilespmem:s30+$0x1A410] =	vst v11  }
0x379: {  	v5 =	vadd.s32 v3, v5;
	v11 =	vld.idx.msk [tilespmem:v14+s12+$0x0], $0xffff;
	[tilespmem:s31+$0x1A410] =	vst v15  }
0x37a: {  	v6 =	vadd.s32 v3, v6;
	v12 =	vld.idx.msk [tilespmem:v16+s12+$0x0], $0xffff;
	[tilespmem:s2+$0x1A410] =	vst v17  }
0x37b: {  	v9 =	vadd.s32 v3, v9;
	v14 =	vld.idx.msk [tilespmem:v18+s12+$0x0], $0xffff  }
0x37c: {  	[tilespmem:s26+$0x1A420] =	vst v8;
	v8 =	vadd.s32 v3, v13  }
0x37d: {  	v4 =	vld.idx.msk [tilespmem:v4+s12+$0x0], $0xffff;
	[tilespmem:s29+$0x1A420] =	vst v10  }
0x37e: {  	v5 =	vld.idx.msk [tilespmem:v5+s12+$0x0], $0xffff;
	[tilespmem:s30+$0x1A420] =	vst v11  }
0x37f: {  	v6 =	vld.idx.msk [tilespmem:v6+s12+$0x0], $0xffff;
	[tilespmem:s31+$0x1A420] =	vst v12  }
0x380: {  	v9 =	vld.idx.msk [tilespmem:v9+s12+$0x0], $0xffff;
	[tilespmem:s2+$0x1A420] =	vst v14  }
0x381: {  	[tilespmem:s28+$0x1A430] =	vst v7;
	v7 =	vld.idx.msk [tilespmem:v8+s12+$0x0], $0xffff  }
0x382: {  	[tilespmem:s26+$0x1A430] =	vst v4  }
0x383: {  	[tilespmem:s29+$0x1A430] =	vst v5  }
0x384: {  	[tilespmem:s30+$0x1A430] =	vst v6  }
0x385: {  	[tilespmem:s31+$0x1A430] =	vst v9  }
0x386: {  	[tilespmem:s2+$0x1A430] =	vst v7  }
0x387: {  	s0 =	simm.s32 $0x0;
	s1 =	rddreg [dreg:$0x11]  }
0x388: {  	[tilespmem:s12], [sflag:$0x2] =	stream.linear.gather [hbm4b:s1+s0], $0x8000, $0x38;
	[tilespmem:$0x1E500] =	vst v63  }
0x389: {  	_ =	swait.ge [sflag:s19], $0x8000  }
0x38a: {  	[sflag:s19] =	ssyncset.done $0x0  }
0x38b: {  	s28 =	simm.s32 $0x0;
	[sflag:s19] =	ssyncadd.s32 $0xFFFF8000  }
0x38c: {  	v4 =	vld [tilespmem:s28+$0x1C500];
	_ =	sdelay $0x3  }
0x38d: {  	s26 =	simm.s32 $0x80  }
0x38e: {  	v6 =	vld [tilespmem:s26+$0x1C500];
	v5 =	vshll.u32 v4, $0x3  }
0x38f: {  	v4 =	vand.u32 $0x7F, v4;
	v5 =	vand.u32 $0xFFFFFC00, v5  }
0x390: {  	v7 =	vor.u32 v4, v5  }
0x391: {  	v5 =	vadd.s32 v0, v7  }
0x392: {  	s29 =	simm.s32 $0x100  }
0x393: {  	v8 =	vld [tilespmem:s29+$0x1C500];
	v4 =	vshll.u32 v6, $0x3  }
0x394: {  	v6 =	vand.u32 $0x7F, v6;
	v4 =	vand.u32 $0xFFFFFC00, v4  }
0x395: {  	v4 =	vor.u32 v6, v4  }
0x396: {  	v9 =	vadd.s32 v0, v4;
	v6 =	vld.idx.msk [tilespmem:v5+s13+$0x0], $0xffff  }
0x397: {  	s30 =	simm.s32 $0x180;
	v10 =	vadd.s32 v1, v7  }
0x398: {  	v11 =	vld [tilespmem:s30+$0x1C500];
	v5 =	vshll.u32 v8, $0x3  }
0x399: {  	v8 =	vand.u32 $0x7F, v8;
	v5 =	vand.u32 $0xFFFFFC00, v5  }
0x39a: {  	v5 =	vor.u32 v8, v5  }
0x39b: {  	v8 =	vld.idx.msk [tilespmem:v9+s13+$0x0], $0xffff;
	v9 =	vadd.s32 v0, v5;
	[tilespmem:s28+$0x1A440] =	vst v6  }
0x39c: {  	v12 =	vadd.s32 v1, v4;
	v10 =	vld.idx.msk [tilespmem:v10+s13+$0x0], $0xffff  }
0x39d: {  	v13 =	vadd.s32 v2, v7;
	v6 =	vshll.u32 v11, $0x3  }
0x39e: {  	s31 =	simm.s32 $0x200;
	v11 =	vand.u32 $0x7F, v11;
	v6 =	vand.u32 $0xFFFFFC00, v6  }
0x39f: {  	v14 =	vld [tilespmem:s31+$0x1C500];
	v6 =	vor.u32 v11, v6  }
0x3a0: {  	[tilespmem:s26+$0x1A440] =	vst v8;
	v9 =	vld.idx.msk [tilespmem:v9+s13+$0x0], $0xffff;
	v8 =	vadd.s32 v0, v6  }
0x3a1: {  	v12 =	vld.idx.msk [tilespmem:v12+s13+$0x0], $0xffff;
	[tilespmem:s28+$0x1A450] =	vst v10  }
0x3a2: {  	v16 =	vadd.s32 v2, v4;
	v15 =	vld.idx.msk [tilespmem:v13+s13+$0x0], $0xffff  }
0x3a3: {  	s2 =	simm.s32 $0x280;
	v10 =	vadd.s32 v1, v5  }
0x3a4: {  	v17 =	vshll.u32 v14, $0x3;
	v7 =	vadd.s32 v3, v7;
	v13 =	vld [tilespmem:s2+$0x1C500]  }
0x3a5: {  	v11 =	vld.idx.msk [tilespmem:v8+s13+$0x0], $0xffff;
	[tilespmem:s29+$0x1A440] =	vst v9;
	v8 =	vand.u32 $0x7F, v14;
	v9 =	vand.u32 $0xFFFFFC00, v17  }
0x3a6: {  	[tilespmem:s26+$0x1A450] =	vst v12;
	v9 =	vor.u32 v8, v9  }
0x3a7: {  	v8 =	vld.idx.msk [tilespmem:v16+s13+$0x0], $0xffff;
	[tilespmem:s28+$0x1A460] =	vst v15;
	v15 =	vadd.s32 v0, v9  }
0x3a8: {  	v14 =	vadd.s32 v1, v6;
	v10 =	vld.idx.msk [tilespmem:v10+s13+$0x0], $0xffff  }
0x3a9: {  	s0 =	simm.s32 $0xC00;
	v12 =	vadd.s32 v2, v5;
	v7 =	vld.idx.msk [tilespmem:v7+s13+$0x0], $0xffff  }
.LBB2_26:
0x3aa: {  	s1 =	sshra.s32 s0, $0x2;
	p0 =	sne.s32 s0, $0x7E00;
	s0 =	sadd.s32 $0x200, s0;
	v16 =	vshll.u32 v13, $0x3;
	v17 =	vadd.s32 v3, v4;
	v4 =	vmovc v5;
	v5 =	vmovc v6;
	v6 =	vmov v9  }
.Ltmp12:
0x3ab: {  	v9 =	vand.u32 $0x7F, v13;
	s5 =	smov.u32 s30;
	s30 =	smov.u32 s31;
	v13 =	vld [tilespmem:s1+$0x1C500];
	v16 =	vand.u32 $0xFFFFFC00, v16;
	(pc) =	sbr.rel @p0 .LBB2_26-.Ltmp12, $4  }
0x3ac: {  	s31 =	smov.u32 s2;
	s2 =	smov.u32 s1;
	v9 =	vor.u32 v9, v16;
	[tilespmem:s5+$0x1A440] =	vst v11;
	v11 =	vld.idx.msk [tilespmem:v15+s13+$0x0], $0xffff  }
0x3ad: {  	v15 =	vadd.s32 v0, v9;
	[tilespmem:s29+$0x1A450] =	vst v10;
	v10 =	vld.idx.msk [tilespmem:v14+s13+$0x0], $0xffff  }
0x3ae: {  	v14 =	vadd.s32 v1, v6;
	[tilespmem:s26+$0x1A460] =	vst v8;
	v8 =	vld.idx.msk [tilespmem:v12+s13+$0x0], $0xffff  }
0x3af: {  	v12 =	vadd.s32 v2, v5;
	[tilespmem:s28+$0x1A470] =	vst v7;
	v7 =	vld.idx.msk [tilespmem:v17+s13+$0x0], $0xffff;
	s28 =	smov.u32 s26;
	s26 =	smov.u32 s29;
	s29 =	smov.u32 s5  }
0x3b0: {  	v16 =	vshll.u32 v13, $0x3  }
0x3b1: {  	v13 =	vand.u32 $0x7F, v13;
	v16 =	vand.u32 $0xFFFFFC00, v16  }
0x3b2: {  	v13 =	vor.u32 v13, v16  }
0x3b3: {  	v16 =	vadd.s32 v0, v13;
	_ =	sdelay $0x3  }
0x3b4: {  	v15 =	vld.idx.msk [tilespmem:v15+s13+$0x0], $0xffff  }
0x3b5: {  	v17 =	vadd.s32 v1, v9;
	v16 =	vld.idx.msk [tilespmem:v16+s13+$0x0], $0xffff  }
0x3b6: {  	v18 =	vadd.s32 v1, v13;
	_ =	sdelay $0x1  }
0x3b7: {  	[tilespmem:s30+$0x1A440] =	vst v11  }
0x3b8: {  	v11 =	vld.idx.msk [tilespmem:v14+s13+$0x0], $0xffff;
	[tilespmem:s31+$0x1A440] =	vst v15  }
0x3b9: {  	v14 =	vadd.s32 v2, v6;
	v15 =	vld.idx.msk [tilespmem:v17+s13+$0x0], $0xffff;
	[tilespmem:s2+$0x1A440] =	vst v16  }
0x3ba: {  	v16 =	vadd.s32 v2, v9;
	v17 =	vld.idx.msk [tilespmem:v18+s13+$0x0], $0xffff  }
0x3bb: {  	v18 =	vadd.s32 v2, v13  }
0x3bc: {  	[tilespmem:s29+$0x1A450] =	vst v10  }
0x3bd: {  	v4 =	vadd.s32 v3, v4;
	v10 =	vld.idx.msk [tilespmem:v12+s13+$0x0], $0xffff;
	[tilespmem:s30+$0x1A450] =	vst v11  }
0x3be: {  	v5 =	vadd.s32 v3, v5;
	v11 =	vld.idx.msk [tilespmem:v14+s13+$0x0], $0xffff;
	[tilespmem:s31+$0x1A450] =	vst v15  }
0x3bf: {  	v6 =	vadd.s32 v3, v6;
	v12 =	vld.idx.msk [tilespmem:v16+s13+$0x0], $0xffff;
	[tilespmem:s2+$0x1A450] =	vst v17  }
0x3c0: {  	v9 =	vadd.s32 v3, v9;
	v14 =	vld.idx.msk [tilespmem:v18+s13+$0x0], $0xffff  }
0x3c1: {  	[tilespmem:s26+$0x1A460] =	vst v8;
	v8 =	vadd.s32 v3, v13  }
0x3c2: {  	v4 =	vld.idx.msk [tilespmem:v4+s13+$0x0], $0xffff;
	[tilespmem:s29+$0x1A460] =	vst v10  }
0x3c3: {  	v5 =	vld.idx.msk [tilespmem:v5+s13+$0x0], $0xffff;
	[tilespmem:s30+$0x1A460] =	vst v11  }
0x3c4: {  	v6 =	vld.idx.msk [tilespmem:v6+s13+$0x0], $0xffff;
	[tilespmem:s31+$0x1A460] =	vst v12  }
0x3c5: {  	v9 =	vld.idx.msk [tilespmem:v9+s13+$0x0], $0xffff;
	[tilespmem:s2+$0x1A460] =	vst v14  }
0x3c6: {  	[tilespmem:s28+$0x1A470] =	vst v7;
	v7 =	vld.idx.msk [tilespmem:v8+s13+$0x0], $0xffff  }
0x3c7: {  	[tilespmem:s26+$0x1A470] =	vst v4  }
0x3c8: {  	[tilespmem:s29+$0x1A470] =	vst v5  }
0x3c9: {  	[tilespmem:s30+$0x1A470] =	vst v6  }
0x3ca: {  	[tilespmem:s31+$0x1A470] =	vst v9  }
0x3cb: {  	[tilespmem:s2+$0x1A470] =	vst v7  }
0x3cc: {  	[tilespmem:$0x1C480] =	vst v20  }
0x3cd: {  	[tilespmem:$0x1C490] =	vst v21  }
0x3ce: {  	[tilespmem:$0x1C4A0] =	vst v22  }
0x3cf: {  	[tilespmem:$0x1C4B0] =	vst v23  }
0x3d0: {  	[hbm4b:s4+s16] =	stream.indirect.scatter [tilespmem:s21], [sflag:$0x5], $0x80, s20, s16, $0xb8;
	[tilespmem:$0x1E500] =	vst v63  }
0x3d1: {  	s0 =	simm.s32 $0x0;
	s1 =	rddreg [dreg:$0x12]  }
0x3d2: {  	[tilespmem:s13], [sflag:$0x3] =	stream.linear.gather [hbm4b:s1+s0], $0x8000, $0x38;
	[tilespmem:$0x1E500] =	vst v63  }
0x3d3: {  	_ =	swait.ge [sflag:s23], $0x2000  }
0x3d4: {  	[sflag:s23] =	ssyncset.done $0x0  }
0x3d5: {  	[sflag:s23] =	ssyncadd.s32 $0xFFFFE000  }
0x3d6: {  	_ =	swait.ge [sflag:s10], $0x8000  }
0x3d7: {  	[sflag:s10] =	ssyncset.done $0x0  }
0x3d8: {  	s28 =	simm.s32 $0x0;
	[sflag:s10] =	ssyncadd.s32 $0xFFFF8000  }
0x3d9: {  	v4 =	vld [tilespmem:s28+$0x1C500];
	_ =	sdelay $0x3  }
0x3da: {  	s26 =	simm.s32 $0x80  }
0x3db: {  	v6 =	vld [tilespmem:s26+$0x1C500];
	v5 =	vshll.u32 v4, $0x3  }
0x3dc: {  	v4 =	vand.u32 $0x7F, v4;
	v5 =	vand.u32 $0xFFFFFC00, v5  }
0x3dd: {  	v7 =	vor.u32 v4, v5  }
0x3de: {  	v5 =	vadd.s32 v0, v7  }
0x3df: {  	s29 =	simm.s32 $0x100  }
0x3e0: {  	v8 =	vld [tilespmem:s29+$0x1C500];
	v4 =	vshll.u32 v6, $0x3  }
0x3e1: {  	v6 =	vand.u32 $0x7F, v6;
	v4 =	vand.u32 $0xFFFFFC00, v4  }
0x3e2: {  	v4 =	vor.u32 v6, v4  }
0x3e3: {  	v9 =	vadd.s32 v0, v4;
	v6 =	vld.idx.msk [tilespmem:v5+s11+$0x0], $0xffff  }
0x3e4: {  	s30 =	simm.s32 $0x180;
	v10 =	vadd.s32 v1, v7  }
0x3e5: {  	v11 =	vld [tilespmem:s30+$0x1C500];
	v5 =	vshll.u32 v8, $0x3  }
0x3e6: {  	v8 =	vand.u32 $0x7F, v8;
	v5 =	vand.u32 $0xFFFFFC00, v5  }
0x3e7: {  	v5 =	vor.u32 v8, v5  }
0x3e8: {  	v8 =	vld.idx.msk [tilespmem:v9+s11+$0x0], $0xffff;
	v9 =	vadd.s32 v0, v5;
	[tilespmem:s28+$0x18400] =	vst v6  }
0x3e9: {  	v12 =	vadd.s32 v1, v4;
	v10 =	vld.idx.msk [tilespmem:v10+s11+$0x0], $0xffff  }
0x3ea: {  	v13 =	vadd.s32 v2, v7;
	v6 =	vshll.u32 v11, $0x3  }
0x3eb: {  	s31 =	simm.s32 $0x200;
	v11 =	vand.u32 $0x7F, v11;
	v6 =	vand.u32 $0xFFFFFC00, v6  }
0x3ec: {  	v14 =	vld [tilespmem:s31+$0x1C500];
	v6 =	vor.u32 v11, v6  }
0x3ed: {  	[tilespmem:s26+$0x18400] =	vst v8;
	v9 =	vld.idx.msk [tilespmem:v9+s11+$0x0], $0xffff;
	v8 =	vadd.s32 v0, v6  }
0x3ee: {  	v12 =	vld.idx.msk [tilespmem:v12+s11+$0x0], $0xffff;
	[tilespmem:s28+$0x18410] =	vst v10  }
0x3ef: {  	v16 =	vadd.s32 v2, v4;
	v15 =	vld.idx.msk [tilespmem:v13+s11+$0x0], $0xffff  }
0x3f0: {  	s2 =	simm.s32 $0x280;
	v10 =	vadd.s32 v1, v5  }
0x3f1: {  	v17 =	vshll.u32 v14, $0x3;
	v7 =	vadd.s32 v3, v7;
	v13 =	vld [tilespmem:s2+$0x1C500]  }
0x3f2: {  	v11 =	vld.idx.msk [tilespmem:v8+s11+$0x0], $0xffff;
	[tilespmem:s29+$0x18400] =	vst v9;
	v8 =	vand.u32 $0x7F, v14;
	v9 =	vand.u32 $0xFFFFFC00, v17  }
0x3f3: {  	[tilespmem:s26+$0x18410] =	vst v12;
	v9 =	vor.u32 v8, v9  }
0x3f4: {  	v8 =	vld.idx.msk [tilespmem:v16+s11+$0x0], $0xffff;
	[tilespmem:s28+$0x18420] =	vst v15;
	v15 =	vadd.s32 v0, v9  }
0x3f5: {  	v14 =	vadd.s32 v1, v6;
	v10 =	vld.idx.msk [tilespmem:v10+s11+$0x0], $0xffff  }
0x3f6: {  	s0 =	simm.s32 $0xC00;
	v12 =	vadd.s32 v2, v5;
	v7 =	vld.idx.msk [tilespmem:v7+s11+$0x0], $0xffff  }
.LBB2_28:
0x3f7: {  	s1 =	sshra.s32 s0, $0x2;
	p0 =	sne.s32 s0, $0x7E00;
	s0 =	sadd.s32 $0x200, s0;
	v16 =	vshll.u32 v13, $0x3;
	v17 =	vadd.s32 v3, v4;
	v4 =	vmovc v5;
	v5 =	vmovc v6;
	v6 =	vmov v9  }
.Ltmp13:
0x3f8: {  	v9 =	vand.u32 $0x7F, v13;
	s5 =	smov.u32 s30;
	s30 =	smov.u32 s31;
	v13 =	vld [tilespmem:s1+$0x1C500];
	v16 =	vand.u32 $0xFFFFFC00, v16;
	(pc) =	sbr.rel @p0 .LBB2_28-.Ltmp13, $4  }
0x3f9: {  	s31 =	smov.u32 s2;
	s2 =	smov.u32 s1;
	v9 =	vor.u32 v9, v16;
	[tilespmem:s5+$0x18400] =	vst v11;
	v11 =	vld.idx.msk [tilespmem:v15+s11+$0x0], $0xffff  }
0x3fa: {  	v15 =	vadd.s32 v0, v9;
	[tilespmem:s29+$0x18410] =	vst v10;
	v10 =	vld.idx.msk [tilespmem:v14+s11+$0x0], $0xffff  }
0x3fb: {  	v14 =	vadd.s32 v1, v6;
	[tilespmem:s26+$0x18420] =	vst v8;
	v8 =	vld.idx.msk [tilespmem:v12+s11+$0x0], $0xffff  }
0x3fc: {  	v12 =	vadd.s32 v2, v5;
	[tilespmem:s28+$0x18430] =	vst v7;
	v7 =	vld.idx.msk [tilespmem:v17+s11+$0x0], $0xffff;
	s28 =	smov.u32 s26;
	s26 =	smov.u32 s29;
	s29 =	smov.u32 s5  }
0x3fd: {  	v16 =	vshll.u32 v13, $0x3  }
0x3fe: {  	v13 =	vand.u32 $0x7F, v13;
	v16 =	vand.u32 $0xFFFFFC00, v16  }
0x3ff: {  	v13 =	vor.u32 v13, v16  }
0x400: {  	v16 =	vadd.s32 v0, v13;
	_ =	sdelay $0x3  }
0x401: {  	v15 =	vld.idx.msk [tilespmem:v15+s11+$0x0], $0xffff  }
0x402: {  	v17 =	vadd.s32 v1, v9;
	v16 =	vld.idx.msk [tilespmem:v16+s11+$0x0], $0xffff  }
0x403: {  	v18 =	vadd.s32 v1, v13;
	_ =	sdelay $0x1  }
0x404: {  	[tilespmem:s30+$0x18400] =	vst v11  }
0x405: {  	v11 =	vld.idx.msk [tilespmem:v14+s11+$0x0], $0xffff;
	[tilespmem:s31+$0x18400] =	vst v15  }
0x406: {  	v14 =	vadd.s32 v2, v6;
	v15 =	vld.idx.msk [tilespmem:v17+s11+$0x0], $0xffff;
	[tilespmem:s2+$0x18400] =	vst v16  }
0x407: {  	v16 =	vadd.s32 v2, v9;
	v17 =	vld.idx.msk [tilespmem:v18+s11+$0x0], $0xffff  }
0x408: {  	v18 =	vadd.s32 v2, v13  }
0x409: {  	[tilespmem:s29+$0x18410] =	vst v10  }
0x40a: {  	v4 =	vadd.s32 v3, v4;
	v10 =	vld.idx.msk [tilespmem:v12+s11+$0x0], $0xffff;
	[tilespmem:s30+$0x18410] =	vst v11  }
0x40b: {  	v5 =	vadd.s32 v3, v5;
	v11 =	vld.idx.msk [tilespmem:v14+s11+$0x0], $0xffff;
	[tilespmem:s31+$0x18410] =	vst v15  }
0x40c: {  	v6 =	vadd.s32 v3, v6;
	v12 =	vld.idx.msk [tilespmem:v16+s11+$0x0], $0xffff;
	[tilespmem:s2+$0x18410] =	vst v17  }
0x40d: {  	v9 =	vadd.s32 v3, v9;
	v14 =	vld.idx.msk [tilespmem:v18+s11+$0x0], $0xffff  }
0x40e: {  	[tilespmem:s26+$0x18420] =	vst v8;
	v8 =	vadd.s32 v3, v13  }
0x40f: {  	v4 =	vld.idx.msk [tilespmem:v4+s11+$0x0], $0xffff;
	[tilespmem:s29+$0x18420] =	vst v10  }
0x410: {  	v5 =	vld.idx.msk [tilespmem:v5+s11+$0x0], $0xffff;
	[tilespmem:s30+$0x18420] =	vst v11  }
0x411: {  	v6 =	vld.idx.msk [tilespmem:v6+s11+$0x0], $0xffff;
	[tilespmem:s31+$0x18420] =	vst v12  }
0x412: {  	v9 =	vld.idx.msk [tilespmem:v9+s11+$0x0], $0xffff;
	[tilespmem:s2+$0x18420] =	vst v14  }
0x413: {  	[tilespmem:s28+$0x18430] =	vst v7;
	v7 =	vld.idx.msk [tilespmem:v8+s11+$0x0], $0xffff  }
0x414: {  	[tilespmem:s26+$0x18430] =	vst v4  }
0x415: {  	[tilespmem:s29+$0x18430] =	vst v5  }
0x416: {  	[tilespmem:s30+$0x18430] =	vst v6  }
0x417: {  	[tilespmem:s31+$0x18430] =	vst v9  }
0x418: {  	[tilespmem:s2+$0x18430] =	vst v7  }
0x419: {  	s0 =	simm.s32 $0x0;
	s1 =	rddreg [dreg:$0x13]  }
0x41a: {  	[tilespmem:s11], [sflag:$0x1] =	stream.linear.gather [hbm4b:s1+s0], $0x8000, $0x38;
	[tilespmem:$0x1E500] =	vst v63  }
0x41b: {  	_ =	swait.ge [sflag:s15], $0x8000  }
0x41c: {  	[sflag:s15] =	ssyncset.done $0x0  }
0x41d: {  	s28 =	simm.s32 $0x0;
	[sflag:s15] =	ssyncadd.s32 $0xFFFF8000  }
0x41e: {  	v4 =	vld [tilespmem:s28+$0x1C500];
	_ =	sdelay $0x3  }
0x41f: {  	s26 =	simm.s32 $0x80  }
0x420: {  	v6 =	vld [tilespmem:s26+$0x1C500];
	v5 =	vshll.u32 v4, $0x3  }
0x421: {  	v4 =	vand.u32 $0x7F, v4;
	v5 =	vand.u32 $0xFFFFFC00, v5  }
0x422: {  	v7 =	vor.u32 v4, v5  }
0x423: {  	v5 =	vadd.s32 v0, v7  }
0x424: {  	s29 =	simm.s32 $0x100  }
0x425: {  	v8 =	vld [tilespmem:s29+$0x1C500];
	v4 =	vshll.u32 v6, $0x3  }
0x426: {  	v6 =	vand.u32 $0x7F, v6;
	v4 =	vand.u32 $0xFFFFFC00, v4  }
0x427: {  	v4 =	vor.u32 v6, v4  }
0x428: {  	v9 =	vadd.s32 v0, v4;
	v6 =	vld.idx.msk [tilespmem:v5+s12+$0x0], $0xffff  }
0x429: {  	s30 =	simm.s32 $0x180;
	v10 =	vadd.s32 v1, v7  }
0x42a: {  	v11 =	vld [tilespmem:s30+$0x1C500];
	v5 =	vshll.u32 v8, $0x3  }
0x42b: {  	v8 =	vand.u32 $0x7F, v8;
	v5 =	vand.u32 $0xFFFFFC00, v5  }
0x42c: {  	v5 =	vor.u32 v8, v5  }
0x42d: {  	v8 =	vld.idx.msk [tilespmem:v9+s12+$0x0], $0xffff;
	v9 =	vadd.s32 v0, v5;
	[tilespmem:s28+$0x18440] =	vst v6  }
0x42e: {  	v12 =	vadd.s32 v1, v4;
	v10 =	vld.idx.msk [tilespmem:v10+s12+$0x0], $0xffff  }
0x42f: {  	v13 =	vadd.s32 v2, v7;
	v6 =	vshll.u32 v11, $0x3  }
0x430: {  	s31 =	simm.s32 $0x200;
	v11 =	vand.u32 $0x7F, v11;
	v6 =	vand.u32 $0xFFFFFC00, v6  }
0x431: {  	v14 =	vld [tilespmem:s31+$0x1C500];
	v6 =	vor.u32 v11, v6  }
0x432: {  	[tilespmem:s26+$0x18440] =	vst v8;
	v9 =	vld.idx.msk [tilespmem:v9+s12+$0x0], $0xffff;
	v8 =	vadd.s32 v0, v6  }
0x433: {  	v12 =	vld.idx.msk [tilespmem:v12+s12+$0x0], $0xffff;
	[tilespmem:s28+$0x18450] =	vst v10  }
0x434: {  	v16 =	vadd.s32 v2, v4;
	v15 =	vld.idx.msk [tilespmem:v13+s12+$0x0], $0xffff  }
0x435: {  	s2 =	simm.s32 $0x280;
	v10 =	vadd.s32 v1, v5  }
0x436: {  	v17 =	vshll.u32 v14, $0x3;
	v7 =	vadd.s32 v3, v7;
	v13 =	vld [tilespmem:s2+$0x1C500]  }
0x437: {  	v11 =	vld.idx.msk [tilespmem:v8+s12+$0x0], $0xffff;
	[tilespmem:s29+$0x18440] =	vst v9;
	v8 =	vand.u32 $0x7F, v14;
	v9 =	vand.u32 $0xFFFFFC00, v17  }
0x438: {  	[tilespmem:s26+$0x18450] =	vst v12;
	v9 =	vor.u32 v8, v9  }
0x439: {  	v8 =	vld.idx.msk [tilespmem:v16+s12+$0x0], $0xffff;
	[tilespmem:s28+$0x18460] =	vst v15;
	v15 =	vadd.s32 v0, v9  }
0x43a: {  	v14 =	vadd.s32 v1, v6;
	v10 =	vld.idx.msk [tilespmem:v10+s12+$0x0], $0xffff  }
0x43b: {  	s0 =	simm.s32 $0xC00;
	v12 =	vadd.s32 v2, v5;
	v7 =	vld.idx.msk [tilespmem:v7+s12+$0x0], $0xffff  }
.LBB2_30:
0x43c: {  	s1 =	sshra.s32 s0, $0x2;
	p0 =	sne.s32 s0, $0x7E00;
	s0 =	sadd.s32 $0x200, s0;
	v16 =	vshll.u32 v13, $0x3;
	v17 =	vadd.s32 v3, v4;
	v4 =	vmovc v5;
	v5 =	vmovc v6;
	v6 =	vmov v9  }
.Ltmp14:
0x43d: {  	v9 =	vand.u32 $0x7F, v13;
	s5 =	smov.u32 s30;
	s30 =	smov.u32 s31;
	v13 =	vld [tilespmem:s1+$0x1C500];
	v16 =	vand.u32 $0xFFFFFC00, v16;
	(pc) =	sbr.rel @p0 .LBB2_30-.Ltmp14, $4  }
0x43e: {  	s31 =	smov.u32 s2;
	s2 =	smov.u32 s1;
	v9 =	vor.u32 v9, v16;
	[tilespmem:s5+$0x18440] =	vst v11;
	v11 =	vld.idx.msk [tilespmem:v15+s12+$0x0], $0xffff  }
0x43f: {  	v15 =	vadd.s32 v0, v9;
	[tilespmem:s29+$0x18450] =	vst v10;
	v10 =	vld.idx.msk [tilespmem:v14+s12+$0x0], $0xffff  }
0x440: {  	v14 =	vadd.s32 v1, v6;
	[tilespmem:s26+$0x18460] =	vst v8;
	v8 =	vld.idx.msk [tilespmem:v12+s12+$0x0], $0xffff  }
0x441: {  	v12 =	vadd.s32 v2, v5;
	[tilespmem:s28+$0x18470] =	vst v7;
	v7 =	vld.idx.msk [tilespmem:v17+s12+$0x0], $0xffff;
	s28 =	smov.u32 s26;
	s26 =	smov.u32 s29;
	s29 =	smov.u32 s5  }
0x442: {  	v16 =	vshll.u32 v13, $0x3  }
0x443: {  	v13 =	vand.u32 $0x7F, v13;
	v16 =	vand.u32 $0xFFFFFC00, v16  }
0x444: {  	v13 =	vor.u32 v13, v16  }
0x445: {  	v16 =	vadd.s32 v0, v13;
	_ =	sdelay $0x3  }
0x446: {  	v15 =	vld.idx.msk [tilespmem:v15+s12+$0x0], $0xffff  }
0x447: {  	v17 =	vadd.s32 v1, v9;
	v16 =	vld.idx.msk [tilespmem:v16+s12+$0x0], $0xffff  }
0x448: {  	v18 =	vadd.s32 v1, v13;
	_ =	sdelay $0x1  }
0x449: {  	[tilespmem:s30+$0x18440] =	vst v11  }
0x44a: {  	v11 =	vld.idx.msk [tilespmem:v14+s12+$0x0], $0xffff;
	[tilespmem:s31+$0x18440] =	vst v15  }
0x44b: {  	v14 =	vadd.s32 v2, v6;
	v15 =	vld.idx.msk [tilespmem:v17+s12+$0x0], $0xffff;
	[tilespmem:s2+$0x18440] =	vst v16  }
0x44c: {  	v16 =	vadd.s32 v2, v9;
	v17 =	vld.idx.msk [tilespmem:v18+s12+$0x0], $0xffff  }
0x44d: {  	v18 =	vadd.s32 v2, v13  }
0x44e: {  	[tilespmem:s29+$0x18450] =	vst v10  }
0x44f: {  	v4 =	vadd.s32 v3, v4;
	v10 =	vld.idx.msk [tilespmem:v12+s12+$0x0], $0xffff;
	[tilespmem:s30+$0x18450] =	vst v11  }
0x450: {  	v5 =	vadd.s32 v3, v5;
	v11 =	vld.idx.msk [tilespmem:v14+s12+$0x0], $0xffff;
	[tilespmem:s31+$0x18450] =	vst v15  }
0x451: {  	v6 =	vadd.s32 v3, v6;
	v12 =	vld.idx.msk [tilespmem:v16+s12+$0x0], $0xffff;
	[tilespmem:s2+$0x18450] =	vst v17  }
0x452: {  	v9 =	vadd.s32 v3, v9;
	v14 =	vld.idx.msk [tilespmem:v18+s12+$0x0], $0xffff  }
0x453: {  	[tilespmem:s26+$0x18460] =	vst v8;
	v8 =	vadd.s32 v3, v13  }
0x454: {  	v4 =	vld.idx.msk [tilespmem:v4+s12+$0x0], $0xffff;
	[tilespmem:s29+$0x18460] =	vst v10  }
0x455: {  	v5 =	vld.idx.msk [tilespmem:v5+s12+$0x0], $0xffff;
	[tilespmem:s30+$0x18460] =	vst v11  }
0x456: {  	v6 =	vld.idx.msk [tilespmem:v6+s12+$0x0], $0xffff;
	[tilespmem:s31+$0x18460] =	vst v12  }
0x457: {  	v9 =	vld.idx.msk [tilespmem:v9+s12+$0x0], $0xffff;
	[tilespmem:s2+$0x18460] =	vst v14  }
0x458: {  	[tilespmem:s28+$0x18470] =	vst v7;
	v7 =	vld.idx.msk [tilespmem:v8+s12+$0x0], $0xffff  }
0x459: {  	[tilespmem:s26+$0x18470] =	vst v4  }
0x45a: {  	[tilespmem:s29+$0x18470] =	vst v5  }
0x45b: {  	[tilespmem:s30+$0x18470] =	vst v6  }
0x45c: {  	[tilespmem:s31+$0x18470] =	vst v9  }
0x45d: {  	[tilespmem:s2+$0x18470] =	vst v7  }
0x45e: {  	[tilespmem:$0x1C400] =	vst v24  }
0x45f: {  	[tilespmem:$0x1C410] =	vst v25  }
0x460: {  	[tilespmem:$0x1C420] =	vst v26  }
0x461: {  	[tilespmem:$0x1C430] =	vst v27  }
0x462: {  	[hbm4b:s4+s16] =	stream.indirect.scatter [tilespmem:s18], [sflag:$0x4], $0x80, s17, s16, $0xb8;
	[tilespmem:$0x1E500] =	vst v63  }
0x463: {  	s0 =	simm.s32 $0x0;
	s1 =	rddreg [dreg:$0x14]  }
0x464: {  	[tilespmem:s12], [sflag:$0x2] =	stream.linear.gather [hbm4b:s1+s0], $0x8000, $0x38;
	[tilespmem:$0x1E500] =	vst v63  }
0x465: {  	_ =	swait.ge [sflag:s24], $0x2000  }
0x466: {  	[sflag:s24] =	ssyncset.done $0x0  }
0x467: {  	[sflag:s24] =	ssyncadd.s32 $0xFFFFE000  }
0x468: {  	_ =	swait.ge [sflag:s19], $0x8000  }
0x469: {  	[sflag:s19] =	ssyncset.done $0x0  }
0x46a: {  	s28 =	simm.s32 $0x0;
	[sflag:s19] =	ssyncadd.s32 $0xFFFF8000  }
0x46b: {  	v4 =	vld [tilespmem:s28+$0x1C500];
	_ =	sdelay $0x3  }
0x46c: {  	s26 =	simm.s32 $0x80  }
0x46d: {  	v6 =	vld [tilespmem:s26+$0x1C500];
	v5 =	vshll.u32 v4, $0x3  }
0x46e: {  	v4 =	vand.u32 $0x7F, v4;
	v5 =	vand.u32 $0xFFFFFC00, v5  }
0x46f: {  	v7 =	vor.u32 v4, v5  }
0x470: {  	v5 =	vadd.s32 v0, v7  }
0x471: {  	s29 =	simm.s32 $0x100  }
0x472: {  	v8 =	vld [tilespmem:s29+$0x1C500];
	v4 =	vshll.u32 v6, $0x3  }
0x473: {  	v6 =	vand.u32 $0x7F, v6;
	v4 =	vand.u32 $0xFFFFFC00, v4  }
0x474: {  	v4 =	vor.u32 v6, v4  }
0x475: {  	v9 =	vadd.s32 v0, v4;
	v6 =	vld.idx.msk [tilespmem:v5+s13+$0x0], $0xffff  }
0x476: {  	s30 =	simm.s32 $0x180;
	v10 =	vadd.s32 v1, v7  }
0x477: {  	v11 =	vld [tilespmem:s30+$0x1C500];
	v5 =	vshll.u32 v8, $0x3  }
0x478: {  	v8 =	vand.u32 $0x7F, v8;
	v5 =	vand.u32 $0xFFFFFC00, v5  }
0x479: {  	v5 =	vor.u32 v8, v5  }
0x47a: {  	v8 =	vld.idx.msk [tilespmem:v9+s13+$0x0], $0xffff;
	v9 =	vadd.s32 v0, v5;
	[tilespmem:s28+$0x1A400] =	vst v6  }
0x47b: {  	v12 =	vadd.s32 v1, v4;
	v10 =	vld.idx.msk [tilespmem:v10+s13+$0x0], $0xffff  }
0x47c: {  	v13 =	vadd.s32 v2, v7;
	v6 =	vshll.u32 v11, $0x3  }
0x47d: {  	s31 =	simm.s32 $0x200;
	v11 =	vand.u32 $0x7F, v11;
	v6 =	vand.u32 $0xFFFFFC00, v6  }
0x47e: {  	v14 =	vld [tilespmem:s31+$0x1C500];
	v6 =	vor.u32 v11, v6  }
0x47f: {  	[tilespmem:s26+$0x1A400] =	vst v8;
	v9 =	vld.idx.msk [tilespmem:v9+s13+$0x0], $0xffff;
	v8 =	vadd.s32 v0, v6  }
0x480: {  	v12 =	vld.idx.msk [tilespmem:v12+s13+$0x0], $0xffff;
	[tilespmem:s28+$0x1A410] =	vst v10  }
0x481: {  	v16 =	vadd.s32 v2, v4;
	v15 =	vld.idx.msk [tilespmem:v13+s13+$0x0], $0xffff  }
0x482: {  	s2 =	simm.s32 $0x280;
	v10 =	vadd.s32 v1, v5  }
0x483: {  	v17 =	vshll.u32 v14, $0x3;
	v7 =	vadd.s32 v3, v7;
	v13 =	vld [tilespmem:s2+$0x1C500]  }
0x484: {  	v11 =	vld.idx.msk [tilespmem:v8+s13+$0x0], $0xffff;
	[tilespmem:s29+$0x1A400] =	vst v9;
	v8 =	vand.u32 $0x7F, v14;
	v9 =	vand.u32 $0xFFFFFC00, v17  }
0x485: {  	[tilespmem:s26+$0x1A410] =	vst v12;
	v9 =	vor.u32 v8, v9  }
0x486: {  	v8 =	vld.idx.msk [tilespmem:v16+s13+$0x0], $0xffff;
	[tilespmem:s28+$0x1A420] =	vst v15;
	v15 =	vadd.s32 v0, v9  }
0x487: {  	v14 =	vadd.s32 v1, v6;
	v10 =	vld.idx.msk [tilespmem:v10+s13+$0x0], $0xffff  }
0x488: {  	s0 =	simm.s32 $0xC00;
	v12 =	vadd.s32 v2, v5;
	v7 =	vld.idx.msk [tilespmem:v7+s13+$0x0], $0xffff  }
.LBB2_32:
0x489: {  	s1 =	sshra.s32 s0, $0x2;
	p0 =	sne.s32 s0, $0x7E00;
	s0 =	sadd.s32 $0x200, s0;
	v16 =	vshll.u32 v13, $0x3;
	v17 =	vadd.s32 v3, v4;
	v4 =	vmovc v5;
	v5 =	vmovc v6;
	v6 =	vmov v9  }
.Ltmp15:
0x48a: {  	v9 =	vand.u32 $0x7F, v13;
	s5 =	smov.u32 s30;
	s30 =	smov.u32 s31;
	v13 =	vld [tilespmem:s1+$0x1C500];
	v16 =	vand.u32 $0xFFFFFC00, v16;
	(pc) =	sbr.rel @p0 .LBB2_32-.Ltmp15, $4  }
0x48b: {  	s31 =	smov.u32 s2;
	s2 =	smov.u32 s1;
	v9 =	vor.u32 v9, v16;
	[tilespmem:s5+$0x1A400] =	vst v11;
	v11 =	vld.idx.msk [tilespmem:v15+s13+$0x0], $0xffff  }
0x48c: {  	v15 =	vadd.s32 v0, v9;
	[tilespmem:s29+$0x1A410] =	vst v10;
	v10 =	vld.idx.msk [tilespmem:v14+s13+$0x0], $0xffff  }
0x48d: {  	v14 =	vadd.s32 v1, v6;
	[tilespmem:s26+$0x1A420] =	vst v8;
	v8 =	vld.idx.msk [tilespmem:v12+s13+$0x0], $0xffff  }
0x48e: {  	v12 =	vadd.s32 v2, v5;
	[tilespmem:s28+$0x1A430] =	vst v7;
	v7 =	vld.idx.msk [tilespmem:v17+s13+$0x0], $0xffff;
	s28 =	smov.u32 s26;
	s26 =	smov.u32 s29;
	s29 =	smov.u32 s5  }
0x48f: {  	v16 =	vshll.u32 v13, $0x3  }
0x490: {  	v13 =	vand.u32 $0x7F, v13;
	v16 =	vand.u32 $0xFFFFFC00, v16  }
0x491: {  	v13 =	vor.u32 v13, v16  }
0x492: {  	v16 =	vadd.s32 v0, v13;
	_ =	sdelay $0x3  }
0x493: {  	v15 =	vld.idx.msk [tilespmem:v15+s13+$0x0], $0xffff  }
0x494: {  	v17 =	vadd.s32 v1, v9;
	v16 =	vld.idx.msk [tilespmem:v16+s13+$0x0], $0xffff  }
0x495: {  	v18 =	vadd.s32 v1, v13;
	_ =	sdelay $0x1  }
0x496: {  	[tilespmem:s30+$0x1A400] =	vst v11  }
0x497: {  	v11 =	vld.idx.msk [tilespmem:v14+s13+$0x0], $0xffff;
	[tilespmem:s31+$0x1A400] =	vst v15  }
0x498: {  	v14 =	vadd.s32 v2, v6;
	v15 =	vld.idx.msk [tilespmem:v17+s13+$0x0], $0xffff;
	[tilespmem:s2+$0x1A400] =	vst v16  }
0x499: {  	v16 =	vadd.s32 v2, v9;
	v17 =	vld.idx.msk [tilespmem:v18+s13+$0x0], $0xffff  }
0x49a: {  	v18 =	vadd.s32 v2, v13  }
0x49b: {  	[tilespmem:s29+$0x1A410] =	vst v10  }
0x49c: {  	v4 =	vadd.s32 v3, v4;
	v10 =	vld.idx.msk [tilespmem:v12+s13+$0x0], $0xffff;
	[tilespmem:s30+$0x1A410] =	vst v11  }
0x49d: {  	v5 =	vadd.s32 v3, v5;
	v11 =	vld.idx.msk [tilespmem:v14+s13+$0x0], $0xffff;
	[tilespmem:s31+$0x1A410] =	vst v15  }
0x49e: {  	v6 =	vadd.s32 v3, v6;
	v12 =	vld.idx.msk [tilespmem:v16+s13+$0x0], $0xffff;
	[tilespmem:s2+$0x1A410] =	vst v17  }
0x49f: {  	v9 =	vadd.s32 v3, v9;
	v14 =	vld.idx.msk [tilespmem:v18+s13+$0x0], $0xffff  }
0x4a0: {  	[tilespmem:s26+$0x1A420] =	vst v8;
	v8 =	vadd.s32 v3, v13  }
0x4a1: {  	v4 =	vld.idx.msk [tilespmem:v4+s13+$0x0], $0xffff;
	[tilespmem:s29+$0x1A420] =	vst v10  }
0x4a2: {  	v5 =	vld.idx.msk [tilespmem:v5+s13+$0x0], $0xffff;
	[tilespmem:s30+$0x1A420] =	vst v11  }
0x4a3: {  	v6 =	vld.idx.msk [tilespmem:v6+s13+$0x0], $0xffff;
	[tilespmem:s31+$0x1A420] =	vst v12  }
0x4a4: {  	v9 =	vld.idx.msk [tilespmem:v9+s13+$0x0], $0xffff;
	[tilespmem:s2+$0x1A420] =	vst v14  }
0x4a5: {  	[tilespmem:s28+$0x1A430] =	vst v7;
	v7 =	vld.idx.msk [tilespmem:v8+s13+$0x0], $0xffff  }
0x4a6: {  	[tilespmem:s26+$0x1A430] =	vst v4  }
0x4a7: {  	[tilespmem:s29+$0x1A430] =	vst v5  }
0x4a8: {  	[tilespmem:s30+$0x1A430] =	vst v6  }
0x4a9: {  	[tilespmem:s31+$0x1A430] =	vst v9  }
0x4aa: {  	[tilespmem:s2+$0x1A430] =	vst v7  }
0x4ab: {  	s0 =	simm.s32 $0x0;
	s1 =	rddreg [dreg:$0x15]  }
0x4ac: {  	[tilespmem:s13], [sflag:$0x3] =	stream.linear.gather [hbm4b:s1+s0], $0x8000, $0x38;
	[tilespmem:$0x1E500] =	vst v63  }
0x4ad: {  	_ =	swait.ge [sflag:s10], $0x8000  }
0x4ae: {  	[sflag:s10] =	ssyncset.done $0x0  }
0x4af: {  	s28 =	simm.s32 $0x0;
	[sflag:s10] =	ssyncadd.s32 $0xFFFF8000  }
0x4b0: {  	v4 =	vld [tilespmem:s28+$0x1C500];
	_ =	sdelay $0x3  }
0x4b1: {  	s26 =	simm.s32 $0x80  }
0x4b2: {  	v6 =	vld [tilespmem:s26+$0x1C500];
	v5 =	vshll.u32 v4, $0x3  }
0x4b3: {  	v4 =	vand.u32 $0x7F, v4;
	v5 =	vand.u32 $0xFFFFFC00, v5  }
0x4b4: {  	v7 =	vor.u32 v4, v5  }
0x4b5: {  	v5 =	vadd.s32 v0, v7  }
0x4b6: {  	s29 =	simm.s32 $0x100  }
0x4b7: {  	v8 =	vld [tilespmem:s29+$0x1C500];
	v4 =	vshll.u32 v6, $0x3  }
0x4b8: {  	v6 =	vand.u32 $0x7F, v6;
	v4 =	vand.u32 $0xFFFFFC00, v4  }
0x4b9: {  	v4 =	vor.u32 v6, v4  }
0x4ba: {  	v9 =	vadd.s32 v0, v4;
	v6 =	vld.idx.msk [tilespmem:v5+s11+$0x0], $0xffff  }
0x4bb: {  	s30 =	simm.s32 $0x180;
	v10 =	vadd.s32 v1, v7  }
0x4bc: {  	v11 =	vld [tilespmem:s30+$0x1C500];
	v5 =	vshll.u32 v8, $0x3  }
0x4bd: {  	v8 =	vand.u32 $0x7F, v8;
	v5 =	vand.u32 $0xFFFFFC00, v5  }
0x4be: {  	v5 =	vor.u32 v8, v5  }
0x4bf: {  	v8 =	vld.idx.msk [tilespmem:v9+s11+$0x0], $0xffff;
	v9 =	vadd.s32 v0, v5;
	[tilespmem:s28+$0x1A440] =	vst v6  }
0x4c0: {  	v12 =	vadd.s32 v1, v4;
	v10 =	vld.idx.msk [tilespmem:v10+s11+$0x0], $0xffff  }
0x4c1: {  	v13 =	vadd.s32 v2, v7;
	v6 =	vshll.u32 v11, $0x3  }
0x4c2: {  	s31 =	simm.s32 $0x200;
	v11 =	vand.u32 $0x7F, v11;
	v6 =	vand.u32 $0xFFFFFC00, v6  }
0x4c3: {  	v14 =	vld [tilespmem:s31+$0x1C500];
	v6 =	vor.u32 v11, v6  }
0x4c4: {  	[tilespmem:s26+$0x1A440] =	vst v8;
	v9 =	vld.idx.msk [tilespmem:v9+s11+$0x0], $0xffff;
	v8 =	vadd.s32 v0, v6  }
0x4c5: {  	v12 =	vld.idx.msk [tilespmem:v12+s11+$0x0], $0xffff;
	[tilespmem:s28+$0x1A450] =	vst v10  }
0x4c6: {  	v16 =	vadd.s32 v2, v4;
	v15 =	vld.idx.msk [tilespmem:v13+s11+$0x0], $0xffff  }
0x4c7: {  	s2 =	simm.s32 $0x280;
	v10 =	vadd.s32 v1, v5  }
0x4c8: {  	v17 =	vshll.u32 v14, $0x3;
	v7 =	vadd.s32 v3, v7;
	v13 =	vld [tilespmem:s2+$0x1C500]  }
0x4c9: {  	v11 =	vld.idx.msk [tilespmem:v8+s11+$0x0], $0xffff;
	[tilespmem:s29+$0x1A440] =	vst v9;
	v8 =	vand.u32 $0x7F, v14;
	v9 =	vand.u32 $0xFFFFFC00, v17  }
0x4ca: {  	[tilespmem:s26+$0x1A450] =	vst v12;
	v9 =	vor.u32 v8, v9  }
0x4cb: {  	v8 =	vld.idx.msk [tilespmem:v16+s11+$0x0], $0xffff;
	[tilespmem:s28+$0x1A460] =	vst v15;
	v15 =	vadd.s32 v0, v9  }
0x4cc: {  	v14 =	vadd.s32 v1, v6;
	v10 =	vld.idx.msk [tilespmem:v10+s11+$0x0], $0xffff  }
0x4cd: {  	s0 =	simm.s32 $0xC00;
	v12 =	vadd.s32 v2, v5;
	v7 =	vld.idx.msk [tilespmem:v7+s11+$0x0], $0xffff  }
.LBB2_34:
0x4ce: {  	s1 =	sshra.s32 s0, $0x2;
	p0 =	sne.s32 s0, $0x7E00;
	s0 =	sadd.s32 $0x200, s0;
	v16 =	vshll.u32 v13, $0x3;
	v17 =	vadd.s32 v3, v4;
	v4 =	vmovc v5;
	v5 =	vmovc v6;
	v6 =	vmov v9  }
.Ltmp16:
0x4cf: {  	v9 =	vand.u32 $0x7F, v13;
	s5 =	smov.u32 s30;
	s30 =	smov.u32 s31;
	v13 =	vld [tilespmem:s1+$0x1C500];
	v16 =	vand.u32 $0xFFFFFC00, v16;
	(pc) =	sbr.rel @p0 .LBB2_34-.Ltmp16, $4  }
0x4d0: {  	s31 =	smov.u32 s2;
	s2 =	smov.u32 s1;
	v9 =	vor.u32 v9, v16;
	[tilespmem:s5+$0x1A440] =	vst v11;
	v11 =	vld.idx.msk [tilespmem:v15+s11+$0x0], $0xffff  }
0x4d1: {  	v15 =	vadd.s32 v0, v9;
	[tilespmem:s29+$0x1A450] =	vst v10;
	v10 =	vld.idx.msk [tilespmem:v14+s11+$0x0], $0xffff  }
0x4d2: {  	v14 =	vadd.s32 v1, v6;
	[tilespmem:s26+$0x1A460] =	vst v8;
	v8 =	vld.idx.msk [tilespmem:v12+s11+$0x0], $0xffff  }
0x4d3: {  	v12 =	vadd.s32 v2, v5;
	[tilespmem:s28+$0x1A470] =	vst v7;
	v7 =	vld.idx.msk [tilespmem:v17+s11+$0x0], $0xffff;
	s28 =	smov.u32 s26;
	s26 =	smov.u32 s29;
	s29 =	smov.u32 s5  }
0x4d4: {  	v16 =	vshll.u32 v13, $0x3  }
0x4d5: {  	v13 =	vand.u32 $0x7F, v13;
	v16 =	vand.u32 $0xFFFFFC00, v16  }
0x4d6: {  	v13 =	vor.u32 v13, v16  }
0x4d7: {  	v16 =	vadd.s32 v0, v13;
	_ =	sdelay $0x3  }
0x4d8: {  	v15 =	vld.idx.msk [tilespmem:v15+s11+$0x0], $0xffff  }
0x4d9: {  	v17 =	vadd.s32 v1, v9;
	v16 =	vld.idx.msk [tilespmem:v16+s11+$0x0], $0xffff  }
0x4da: {  	v18 =	vadd.s32 v1, v13;
	_ =	sdelay $0x1  }
0x4db: {  	[tilespmem:s30+$0x1A440] =	vst v11  }
0x4dc: {  	v11 =	vld.idx.msk [tilespmem:v14+s11+$0x0], $0xffff;
	[tilespmem:s31+$0x1A440] =	vst v15  }
0x4dd: {  	v14 =	vadd.s32 v2, v6;
	v15 =	vld.idx.msk [tilespmem:v17+s11+$0x0], $0xffff;
	[tilespmem:s2+$0x1A440] =	vst v16  }
0x4de: {  	v16 =	vadd.s32 v2, v9;
	v17 =	vld.idx.msk [tilespmem:v18+s11+$0x0], $0xffff  }
0x4df: {  	v18 =	vadd.s32 v2, v13  }
0x4e0: {  	[tilespmem:s29+$0x1A450] =	vst v10  }
0x4e1: {  	v4 =	vadd.s32 v3, v4;
	v10 =	vld.idx.msk [tilespmem:v12+s11+$0x0], $0xffff;
	[tilespmem:s30+$0x1A450] =	vst v11  }
0x4e2: {  	v5 =	vadd.s32 v3, v5;
	v11 =	vld.idx.msk [tilespmem:v14+s11+$0x0], $0xffff;
	[tilespmem:s31+$0x1A450] =	vst v15  }
0x4e3: {  	v6 =	vadd.s32 v3, v6;
	v12 =	vld.idx.msk [tilespmem:v16+s11+$0x0], $0xffff;
	[tilespmem:s2+$0x1A450] =	vst v17  }
0x4e4: {  	v9 =	vadd.s32 v3, v9;
	v14 =	vld.idx.msk [tilespmem:v18+s11+$0x0], $0xffff  }
0x4e5: {  	[tilespmem:s26+$0x1A460] =	vst v8;
	v8 =	vadd.s32 v3, v13  }
0x4e6: {  	v4 =	vld.idx.msk [tilespmem:v4+s11+$0x0], $0xffff;
	[tilespmem:s29+$0x1A460] =	vst v10  }
0x4e7: {  	v5 =	vld.idx.msk [tilespmem:v5+s11+$0x0], $0xffff;
	[tilespmem:s30+$0x1A460] =	vst v11  }
0x4e8: {  	v6 =	vld.idx.msk [tilespmem:v6+s11+$0x0], $0xffff;
	[tilespmem:s31+$0x1A460] =	vst v12  }
0x4e9: {  	v9 =	vld.idx.msk [tilespmem:v9+s11+$0x0], $0xffff;
	[tilespmem:s2+$0x1A460] =	vst v14  }
0x4ea: {  	[tilespmem:s28+$0x1A470] =	vst v7;
	v7 =	vld.idx.msk [tilespmem:v8+s11+$0x0], $0xffff  }
0x4eb: {  	[tilespmem:s26+$0x1A470] =	vst v4  }
0x4ec: {  	[tilespmem:s29+$0x1A470] =	vst v5  }
0x4ed: {  	[tilespmem:s30+$0x1A470] =	vst v6  }
0x4ee: {  	[tilespmem:s31+$0x1A470] =	vst v9  }
0x4ef: {  	[tilespmem:s2+$0x1A470] =	vst v7  }
0x4f0: {  	[tilespmem:$0x1C480] =	vst v28  }
0x4f1: {  	[tilespmem:$0x1C490] =	vst v29  }
0x4f2: {  	[tilespmem:$0x1C4A0] =	vst v30  }
0x4f3: {  	[tilespmem:$0x1C4B0] =	vst v31  }
0x4f4: {  	[hbm4b:s4+s16] =	stream.indirect.scatter [tilespmem:s21], [sflag:$0x5], $0x80, s20, s16, $0xb8;
	[tilespmem:$0x1E500] =	vst v63  }
0x4f5: {  	s0 =	simm.s32 $0x0;
	s1 =	rddreg [dreg:$0x16]  }
0x4f6: {  	[tilespmem:s11], [sflag:$0x1] =	stream.linear.gather [hbm4b:s1+s0], $0x8000, $0x38;
	[tilespmem:$0x1E500] =	vst v63  }
0x4f7: {  	_ =	swait.ge [sflag:s23], $0x2000  }
0x4f8: {  	[sflag:s23] =	ssyncset.done $0x0  }
0x4f9: {  	[sflag:s23] =	ssyncadd.s32 $0xFFFFE000  }
0x4fa: {  	_ =	swait.ge [sflag:s15], $0x8000  }
0x4fb: {  	[sflag:s15] =	ssyncset.done $0x0  }
0x4fc: {  	s28 =	simm.s32 $0x0;
	[sflag:s15] =	ssyncadd.s32 $0xFFFF8000  }
0x4fd: {  	v4 =	vld [tilespmem:s28+$0x1C500];
	_ =	sdelay $0x3  }
0x4fe: {  	s26 =	simm.s32 $0x80  }
0x4ff: {  	v6 =	vld [tilespmem:s26+$0x1C500];
	v5 =	vshll.u32 v4, $0x3  }
0x500: {  	v4 =	vand.u32 $0x7F, v4;
	v5 =	vand.u32 $0xFFFFFC00, v5  }
0x501: {  	v7 =	vor.u32 v4, v5  }
0x502: {  	v5 =	vadd.s32 v0, v7  }
0x503: {  	s29 =	simm.s32 $0x100  }
0x504: {  	v8 =	vld [tilespmem:s29+$0x1C500];
	v4 =	vshll.u32 v6, $0x3  }
0x505: {  	v6 =	vand.u32 $0x7F, v6;
	v4 =	vand.u32 $0xFFFFFC00, v4  }
0x506: {  	v4 =	vor.u32 v6, v4  }
0x507: {  	v9 =	vadd.s32 v0, v4;
	v6 =	vld.idx.msk [tilespmem:v5+s12+$0x0], $0xffff  }
0x508: {  	s30 =	simm.s32 $0x180;
	v10 =	vadd.s32 v1, v7  }
0x509: {  	v11 =	vld [tilespmem:s30+$0x1C500];
	v5 =	vshll.u32 v8, $0x3  }
0x50a: {  	v8 =	vand.u32 $0x7F, v8;
	v5 =	vand.u32 $0xFFFFFC00, v5  }
0x50b: {  	v5 =	vor.u32 v8, v5  }
0x50c: {  	v8 =	vld.idx.msk [tilespmem:v9+s12+$0x0], $0xffff;
	v9 =	vadd.s32 v0, v5;
	[tilespmem:s28+$0x18400] =	vst v6  }
0x50d: {  	v12 =	vadd.s32 v1, v4;
	v10 =	vld.idx.msk [tilespmem:v10+s12+$0x0], $0xffff  }
0x50e: {  	v13 =	vadd.s32 v2, v7;
	v6 =	vshll.u32 v11, $0x3  }
0x50f: {  	s31 =	simm.s32 $0x200;
	v11 =	vand.u32 $0x7F, v11;
	v6 =	vand.u32 $0xFFFFFC00, v6  }
0x510: {  	v14 =	vld [tilespmem:s31+$0x1C500];
	v6 =	vor.u32 v11, v6  }
0x511: {  	[tilespmem:s26+$0x18400] =	vst v8;
	v9 =	vld.idx.msk [tilespmem:v9+s12+$0x0], $0xffff;
	v8 =	vadd.s32 v0, v6  }
0x512: {  	v12 =	vld.idx.msk [tilespmem:v12+s12+$0x0], $0xffff;
	[tilespmem:s28+$0x18410] =	vst v10  }
0x513: {  	v16 =	vadd.s32 v2, v4;
	v15 =	vld.idx.msk [tilespmem:v13+s12+$0x0], $0xffff  }
0x514: {  	s2 =	simm.s32 $0x280;
	v10 =	vadd.s32 v1, v5  }
0x515: {  	v17 =	vshll.u32 v14, $0x3;
	v7 =	vadd.s32 v3, v7;
	v13 =	vld [tilespmem:s2+$0x1C500]  }
0x516: {  	v11 =	vld.idx.msk [tilespmem:v8+s12+$0x0], $0xffff;
	[tilespmem:s29+$0x18400] =	vst v9;
	v8 =	vand.u32 $0x7F, v14;
	v9 =	vand.u32 $0xFFFFFC00, v17  }
0x517: {  	[tilespmem:s26+$0x18410] =	vst v12;
	v9 =	vor.u32 v8, v9  }
0x518: {  	v8 =	vld.idx.msk [tilespmem:v16+s12+$0x0], $0xffff;
	[tilespmem:s28+$0x18420] =	vst v15;
	v15 =	vadd.s32 v0, v9  }
0x519: {  	v14 =	vadd.s32 v1, v6;
	v10 =	vld.idx.msk [tilespmem:v10+s12+$0x0], $0xffff  }
0x51a: {  	s0 =	simm.s32 $0xC00;
	v12 =	vadd.s32 v2, v5;
	v7 =	vld.idx.msk [tilespmem:v7+s12+$0x0], $0xffff  }
.LBB2_36:
0x51b: {  	s1 =	sshra.s32 s0, $0x2;
	p0 =	sne.s32 s0, $0x7E00;
	s0 =	sadd.s32 $0x200, s0;
	v16 =	vshll.u32 v13, $0x3;
	v17 =	vadd.s32 v3, v4;
	v4 =	vmovc v5;
	v5 =	vmovc v6;
	v6 =	vmov v9  }
.Ltmp17:
0x51c: {  	v9 =	vand.u32 $0x7F, v13;
	s5 =	smov.u32 s30;
	s30 =	smov.u32 s31;
	v13 =	vld [tilespmem:s1+$0x1C500];
	v16 =	vand.u32 $0xFFFFFC00, v16;
	(pc) =	sbr.rel @p0 .LBB2_36-.Ltmp17, $4  }
0x51d: {  	s31 =	smov.u32 s2;
	s2 =	smov.u32 s1;
	v9 =	vor.u32 v9, v16;
	[tilespmem:s5+$0x18400] =	vst v11;
	v11 =	vld.idx.msk [tilespmem:v15+s12+$0x0], $0xffff  }
0x51e: {  	v15 =	vadd.s32 v0, v9;
	[tilespmem:s29+$0x18410] =	vst v10;
	v10 =	vld.idx.msk [tilespmem:v14+s12+$0x0], $0xffff  }
0x51f: {  	v14 =	vadd.s32 v1, v6;
	[tilespmem:s26+$0x18420] =	vst v8;
	v8 =	vld.idx.msk [tilespmem:v12+s12+$0x0], $0xffff  }
0x520: {  	v12 =	vadd.s32 v2, v5;
	[tilespmem:s28+$0x18430] =	vst v7;
	v7 =	vld.idx.msk [tilespmem:v17+s12+$0x0], $0xffff;
	s28 =	smov.u32 s26;
	s26 =	smov.u32 s29;
	s29 =	smov.u32 s5  }
0x521: {  	v16 =	vshll.u32 v13, $0x3  }
0x522: {  	v13 =	vand.u32 $0x7F, v13;
	v16 =	vand.u32 $0xFFFFFC00, v16  }
0x523: {  	v13 =	vor.u32 v13, v16  }
0x524: {  	v16 =	vadd.s32 v0, v13;
	_ =	sdelay $0x3  }
0x525: {  	v15 =	vld.idx.msk [tilespmem:v15+s12+$0x0], $0xffff  }
0x526: {  	v17 =	vadd.s32 v1, v9;
	v16 =	vld.idx.msk [tilespmem:v16+s12+$0x0], $0xffff  }
0x527: {  	v18 =	vadd.s32 v1, v13;
	_ =	sdelay $0x1  }
0x528: {  	[tilespmem:s30+$0x18400] =	vst v11  }
0x529: {  	v11 =	vld.idx.msk [tilespmem:v14+s12+$0x0], $0xffff;
	[tilespmem:s31+$0x18400] =	vst v15  }
0x52a: {  	v14 =	vadd.s32 v2, v6;
	v15 =	vld.idx.msk [tilespmem:v17+s12+$0x0], $0xffff;
	[tilespmem:s2+$0x18400] =	vst v16  }
0x52b: {  	v16 =	vadd.s32 v2, v9;
	v17 =	vld.idx.msk [tilespmem:v18+s12+$0x0], $0xffff  }
0x52c: {  	v18 =	vadd.s32 v2, v13  }
0x52d: {  	[tilespmem:s29+$0x18410] =	vst v10  }
0x52e: {  	v4 =	vadd.s32 v3, v4;
	v10 =	vld.idx.msk [tilespmem:v12+s12+$0x0], $0xffff;
	[tilespmem:s30+$0x18410] =	vst v11  }
0x52f: {  	v5 =	vadd.s32 v3, v5;
	v11 =	vld.idx.msk [tilespmem:v14+s12+$0x0], $0xffff;
	[tilespmem:s31+$0x18410] =	vst v15  }
0x530: {  	v6 =	vadd.s32 v3, v6;
	v12 =	vld.idx.msk [tilespmem:v16+s12+$0x0], $0xffff;
	[tilespmem:s2+$0x18410] =	vst v17  }
0x531: {  	v9 =	vadd.s32 v3, v9;
	v14 =	vld.idx.msk [tilespmem:v18+s12+$0x0], $0xffff  }
0x532: {  	[tilespmem:s26+$0x18420] =	vst v8;
	v8 =	vadd.s32 v3, v13  }
0x533: {  	v4 =	vld.idx.msk [tilespmem:v4+s12+$0x0], $0xffff;
	[tilespmem:s29+$0x18420] =	vst v10  }
0x534: {  	v5 =	vld.idx.msk [tilespmem:v5+s12+$0x0], $0xffff;
	[tilespmem:s30+$0x18420] =	vst v11  }
0x535: {  	v6 =	vld.idx.msk [tilespmem:v6+s12+$0x0], $0xffff;
	[tilespmem:s31+$0x18420] =	vst v12  }
0x536: {  	v9 =	vld.idx.msk [tilespmem:v9+s12+$0x0], $0xffff;
	[tilespmem:s2+$0x18420] =	vst v14  }
0x537: {  	[tilespmem:s28+$0x18430] =	vst v7;
	v7 =	vld.idx.msk [tilespmem:v8+s12+$0x0], $0xffff  }
0x538: {  	[tilespmem:s26+$0x18430] =	vst v4  }
0x539: {  	[tilespmem:s29+$0x18430] =	vst v5  }
0x53a: {  	[tilespmem:s30+$0x18430] =	vst v6  }
0x53b: {  	[tilespmem:s31+$0x18430] =	vst v9  }
0x53c: {  	[tilespmem:s2+$0x18430] =	vst v7  }
0x53d: {  	s0 =	simm.s32 $0x0;
	s1 =	rddreg [dreg:$0x17]  }
0x53e: {  	[tilespmem:s12], [sflag:$0x2] =	stream.linear.gather [hbm4b:s1+s0], $0x8000, $0x38;
	[tilespmem:$0x1E500] =	vst v63  }
0x53f: {  	_ =	swait.ge [sflag:s19], $0x8000  }
0x540: {  	[sflag:s19] =	ssyncset.done $0x0  }
0x541: {  	s28 =	simm.s32 $0x0;
	[sflag:s19] =	ssyncadd.s32 $0xFFFF8000  }
0x542: {  	v4 =	vld [tilespmem:s28+$0x1C500];
	_ =	sdelay $0x3  }
0x543: {  	s26 =	simm.s32 $0x80  }
0x544: {  	v6 =	vld [tilespmem:s26+$0x1C500];
	v5 =	vshll.u32 v4, $0x3  }
0x545: {  	v4 =	vand.u32 $0x7F, v4;
	v5 =	vand.u32 $0xFFFFFC00, v5  }
0x546: {  	v7 =	vor.u32 v4, v5  }
0x547: {  	v5 =	vadd.s32 v0, v7  }
0x548: {  	s29 =	simm.s32 $0x100  }
0x549: {  	v8 =	vld [tilespmem:s29+$0x1C500];
	v4 =	vshll.u32 v6, $0x3  }
0x54a: {  	v6 =	vand.u32 $0x7F, v6;
	v4 =	vand.u32 $0xFFFFFC00, v4  }
0x54b: {  	v4 =	vor.u32 v6, v4  }
0x54c: {  	v9 =	vadd.s32 v0, v4;
	v6 =	vld.idx.msk [tilespmem:v5+s13+$0x0], $0xffff  }
0x54d: {  	s30 =	simm.s32 $0x180;
	v10 =	vadd.s32 v1, v7  }
0x54e: {  	v11 =	vld [tilespmem:s30+$0x1C500];
	v5 =	vshll.u32 v8, $0x3  }
0x54f: {  	v8 =	vand.u32 $0x7F, v8;
	v5 =	vand.u32 $0xFFFFFC00, v5  }
0x550: {  	v5 =	vor.u32 v8, v5  }
0x551: {  	v8 =	vld.idx.msk [tilespmem:v9+s13+$0x0], $0xffff;
	v9 =	vadd.s32 v0, v5;
	[tilespmem:s28+$0x18440] =	vst v6  }
0x552: {  	v12 =	vadd.s32 v1, v4;
	v10 =	vld.idx.msk [tilespmem:v10+s13+$0x0], $0xffff  }
0x553: {  	v13 =	vadd.s32 v2, v7;
	v6 =	vshll.u32 v11, $0x3  }
0x554: {  	s31 =	simm.s32 $0x200;
	v11 =	vand.u32 $0x7F, v11;
	v6 =	vand.u32 $0xFFFFFC00, v6  }
0x555: {  	v14 =	vld [tilespmem:s31+$0x1C500];
	v6 =	vor.u32 v11, v6  }
0x556: {  	[tilespmem:s26+$0x18440] =	vst v8;
	v9 =	vld.idx.msk [tilespmem:v9+s13+$0x0], $0xffff;
	v8 =	vadd.s32 v0, v6  }
0x557: {  	v12 =	vld.idx.msk [tilespmem:v12+s13+$0x0], $0xffff;
	[tilespmem:s28+$0x18450] =	vst v10  }
0x558: {  	v16 =	vadd.s32 v2, v4;
	v15 =	vld.idx.msk [tilespmem:v13+s13+$0x0], $0xffff  }
0x559: {  	s2 =	simm.s32 $0x280;
	v10 =	vadd.s32 v1, v5  }
0x55a: {  	v17 =	vshll.u32 v14, $0x3;
	v7 =	vadd.s32 v3, v7;
	v13 =	vld [tilespmem:s2+$0x1C500]  }
0x55b: {  	v11 =	vld.idx.msk [tilespmem:v8+s13+$0x0], $0xffff;
	[tilespmem:s29+$0x18440] =	vst v9;
	v8 =	vand.u32 $0x7F, v14;
	v9 =	vand.u32 $0xFFFFFC00, v17  }
0x55c: {  	[tilespmem:s26+$0x18450] =	vst v12;
	v9 =	vor.u32 v8, v9  }
0x55d: {  	v8 =	vld.idx.msk [tilespmem:v16+s13+$0x0], $0xffff;
	[tilespmem:s28+$0x18460] =	vst v15;
	v15 =	vadd.s32 v0, v9  }
0x55e: {  	v14 =	vadd.s32 v1, v6;
	v10 =	vld.idx.msk [tilespmem:v10+s13+$0x0], $0xffff  }
0x55f: {  	s0 =	simm.s32 $0xC00;
	v12 =	vadd.s32 v2, v5;
	v7 =	vld.idx.msk [tilespmem:v7+s13+$0x0], $0xffff  }
.LBB2_38:
0x560: {  	s1 =	sshra.s32 s0, $0x2;
	p0 =	sne.s32 s0, $0x7E00;
	s0 =	sadd.s32 $0x200, s0;
	v16 =	vshll.u32 v13, $0x3;
	v17 =	vadd.s32 v3, v4;
	v4 =	vmovc v5;
	v5 =	vmovc v6;
	v6 =	vmov v9  }
.Ltmp18:
0x561: {  	v9 =	vand.u32 $0x7F, v13;
	s5 =	smov.u32 s30;
	s30 =	smov.u32 s31;
	v13 =	vld [tilespmem:s1+$0x1C500];
	v16 =	vand.u32 $0xFFFFFC00, v16;
	(pc) =	sbr.rel @p0 .LBB2_38-.Ltmp18, $4  }
0x562: {  	s31 =	smov.u32 s2;
	s2 =	smov.u32 s1;
	v9 =	vor.u32 v9, v16;
	[tilespmem:s5+$0x18440] =	vst v11;
	v11 =	vld.idx.msk [tilespmem:v15+s13+$0x0], $0xffff  }
0x563: {  	v15 =	vadd.s32 v0, v9;
	[tilespmem:s29+$0x18450] =	vst v10;
	v10 =	vld.idx.msk [tilespmem:v14+s13+$0x0], $0xffff  }
0x564: {  	v14 =	vadd.s32 v1, v6;
	[tilespmem:s26+$0x18460] =	vst v8;
	v8 =	vld.idx.msk [tilespmem:v12+s13+$0x0], $0xffff  }
0x565: {  	v12 =	vadd.s32 v2, v5;
	[tilespmem:s28+$0x18470] =	vst v7;
	v7 =	vld.idx.msk [tilespmem:v17+s13+$0x0], $0xffff;
	s28 =	smov.u32 s26;
	s26 =	smov.u32 s29;
	s29 =	smov.u32 s5  }
0x566: {  	v16 =	vshll.u32 v13, $0x3  }
0x567: {  	v13 =	vand.u32 $0x7F, v13;
	v16 =	vand.u32 $0xFFFFFC00, v16  }
0x568: {  	v13 =	vor.u32 v13, v16  }
0x569: {  	v16 =	vadd.s32 v0, v13;
	_ =	sdelay $0x3  }
0x56a: {  	v15 =	vld.idx.msk [tilespmem:v15+s13+$0x0], $0xffff  }
0x56b: {  	v17 =	vadd.s32 v1, v9;
	v16 =	vld.idx.msk [tilespmem:v16+s13+$0x0], $0xffff  }
0x56c: {  	v18 =	vadd.s32 v1, v13;
	_ =	sdelay $0x1  }
0x56d: {  	[tilespmem:s30+$0x18440] =	vst v11  }
0x56e: {  	v11 =	vld.idx.msk [tilespmem:v14+s13+$0x0], $0xffff;
	[tilespmem:s31+$0x18440] =	vst v15  }
0x56f: {  	v14 =	vadd.s32 v2, v6;
	v15 =	vld.idx.msk [tilespmem:v17+s13+$0x0], $0xffff;
	[tilespmem:s2+$0x18440] =	vst v16  }
0x570: {  	v16 =	vadd.s32 v2, v9;
	v17 =	vld.idx.msk [tilespmem:v18+s13+$0x0], $0xffff  }
0x571: {  	v18 =	vadd.s32 v2, v13  }
0x572: {  	[tilespmem:s29+$0x18450] =	vst v10  }
0x573: {  	v4 =	vadd.s32 v3, v4;
	v10 =	vld.idx.msk [tilespmem:v12+s13+$0x0], $0xffff;
	[tilespmem:s30+$0x18450] =	vst v11  }
0x574: {  	v5 =	vadd.s32 v3, v5;
	v11 =	vld.idx.msk [tilespmem:v14+s13+$0x0], $0xffff;
	[tilespmem:s31+$0x18450] =	vst v15  }
0x575: {  	v6 =	vadd.s32 v3, v6;
	v12 =	vld.idx.msk [tilespmem:v16+s13+$0x0], $0xffff;
	[tilespmem:s2+$0x18450] =	vst v17  }
0x576: {  	v9 =	vadd.s32 v3, v9;
	v14 =	vld.idx.msk [tilespmem:v18+s13+$0x0], $0xffff  }
0x577: {  	[tilespmem:s26+$0x18460] =	vst v8;
	v8 =	vadd.s32 v3, v13  }
0x578: {  	v4 =	vld.idx.msk [tilespmem:v4+s13+$0x0], $0xffff;
	[tilespmem:s29+$0x18460] =	vst v10  }
0x579: {  	v5 =	vld.idx.msk [tilespmem:v5+s13+$0x0], $0xffff;
	[tilespmem:s30+$0x18460] =	vst v11  }
0x57a: {  	v6 =	vld.idx.msk [tilespmem:v6+s13+$0x0], $0xffff;
	[tilespmem:s31+$0x18460] =	vst v12  }
0x57b: {  	v9 =	vld.idx.msk [tilespmem:v9+s13+$0x0], $0xffff;
	[tilespmem:s2+$0x18460] =	vst v14  }
0x57c: {  	[tilespmem:s28+$0x18470] =	vst v7;
	v7 =	vld.idx.msk [tilespmem:v8+s13+$0x0], $0xffff  }
0x57d: {  	[tilespmem:s26+$0x18470] =	vst v4  }
0x57e: {  	[tilespmem:s29+$0x18470] =	vst v5  }
0x57f: {  	[tilespmem:s30+$0x18470] =	vst v6  }
0x580: {  	[tilespmem:s31+$0x18470] =	vst v9  }
0x581: {  	[tilespmem:s2+$0x18470] =	vst v7  }
0x582: {  	[tilespmem:$0x1C400] =	vst v32  }
0x583: {  	[tilespmem:$0x1C410] =	vst v33  }
0x584: {  	[tilespmem:$0x1C420] =	vst v34  }
0x585: {  	[tilespmem:$0x1C430] =	vst v35  }
0x586: {  	[hbm4b:s4+s16] =	stream.indirect.scatter [tilespmem:s18], [sflag:$0x4], $0x80, s17, s16, $0xb8;
	[tilespmem:$0x1E500] =	vst v63  }
0x587: {  	s0 =	simm.s32 $0x0;
	s1 =	rddreg [dreg:$0x18]  }
0x588: {  	[tilespmem:s13], [sflag:$0x3] =	stream.linear.gather [hbm4b:s1+s0], $0x8000, $0x38;
	[tilespmem:$0x1E500] =	vst v63  }
0x589: {  	_ =	swait.ge [sflag:s24], $0x2000  }
0x58a: {  	[sflag:s24] =	ssyncset.done $0x0  }
0x58b: {  	[sflag:s24] =	ssyncadd.s32 $0xFFFFE000  }
0x58c: {  	_ =	swait.ge [sflag:s10], $0x8000  }
0x58d: {  	[sflag:s10] =	ssyncset.done $0x0  }
0x58e: {  	s28 =	simm.s32 $0x0;
	[sflag:s10] =	ssyncadd.s32 $0xFFFF8000  }
0x58f: {  	v4 =	vld [tilespmem:s28+$0x1C500];
	_ =	sdelay $0x3  }
0x590: {  	s26 =	simm.s32 $0x80  }
0x591: {  	v6 =	vld [tilespmem:s26+$0x1C500];
	v5 =	vshll.u32 v4, $0x3  }
0x592: {  	v4 =	vand.u32 $0x7F, v4;
	v5 =	vand.u32 $0xFFFFFC00, v5  }
0x593: {  	v7 =	vor.u32 v4, v5  }
0x594: {  	v5 =	vadd.s32 v0, v7  }
0x595: {  	s29 =	simm.s32 $0x100  }
0x596: {  	v8 =	vld [tilespmem:s29+$0x1C500];
	v4 =	vshll.u32 v6, $0x3  }
0x597: {  	v6 =	vand.u32 $0x7F, v6;
	v4 =	vand.u32 $0xFFFFFC00, v4  }
0x598: {  	v4 =	vor.u32 v6, v4  }
0x599: {  	v9 =	vadd.s32 v0, v4;
	v6 =	vld.idx.msk [tilespmem:v5+s11+$0x0], $0xffff  }
0x59a: {  	s30 =	simm.s32 $0x180;
	v10 =	vadd.s32 v1, v7  }
0x59b: {  	v11 =	vld [tilespmem:s30+$0x1C500];
	v5 =	vshll.u32 v8, $0x3  }
0x59c: {  	v8 =	vand.u32 $0x7F, v8;
	v5 =	vand.u32 $0xFFFFFC00, v5  }
0x59d: {  	v5 =	vor.u32 v8, v5  }
0x59e: {  	v8 =	vld.idx.msk [tilespmem:v9+s11+$0x0], $0xffff;
	v9 =	vadd.s32 v0, v5;
	[tilespmem:s28+$0x1A400] =	vst v6  }
0x59f: {  	v12 =	vadd.s32 v1, v4;
	v10 =	vld.idx.msk [tilespmem:v10+s11+$0x0], $0xffff  }
0x5a0: {  	v13 =	vadd.s32 v2, v7;
	v6 =	vshll.u32 v11, $0x3  }
0x5a1: {  	s31 =	simm.s32 $0x200;
	v11 =	vand.u32 $0x7F, v11;
	v6 =	vand.u32 $0xFFFFFC00, v6  }
0x5a2: {  	v14 =	vld [tilespmem:s31+$0x1C500];
	v6 =	vor.u32 v11, v6  }
0x5a3: {  	[tilespmem:s26+$0x1A400] =	vst v8;
	v9 =	vld.idx.msk [tilespmem:v9+s11+$0x0], $0xffff;
	v8 =	vadd.s32 v0, v6  }
0x5a4: {  	v12 =	vld.idx.msk [tilespmem:v12+s11+$0x0], $0xffff;
	[tilespmem:s28+$0x1A410] =	vst v10  }
0x5a5: {  	v16 =	vadd.s32 v2, v4;
	v15 =	vld.idx.msk [tilespmem:v13+s11+$0x0], $0xffff  }
0x5a6: {  	s2 =	simm.s32 $0x280;
	v10 =	vadd.s32 v1, v5  }
0x5a7: {  	v17 =	vshll.u32 v14, $0x3;
	v7 =	vadd.s32 v3, v7;
	v13 =	vld [tilespmem:s2+$0x1C500]  }
0x5a8: {  	v11 =	vld.idx.msk [tilespmem:v8+s11+$0x0], $0xffff;
	[tilespmem:s29+$0x1A400] =	vst v9;
	v8 =	vand.u32 $0x7F, v14;
	v9 =	vand.u32 $0xFFFFFC00, v17  }
0x5a9: {  	[tilespmem:s26+$0x1A410] =	vst v12;
	v9 =	vor.u32 v8, v9  }
0x5aa: {  	v8 =	vld.idx.msk [tilespmem:v16+s11+$0x0], $0xffff;
	[tilespmem:s28+$0x1A420] =	vst v15;
	v15 =	vadd.s32 v0, v9  }
0x5ab: {  	v14 =	vadd.s32 v1, v6;
	v10 =	vld.idx.msk [tilespmem:v10+s11+$0x0], $0xffff  }
0x5ac: {  	s0 =	simm.s32 $0xC00;
	v12 =	vadd.s32 v2, v5;
	v7 =	vld.idx.msk [tilespmem:v7+s11+$0x0], $0xffff  }
.LBB2_40:
0x5ad: {  	s1 =	sshra.s32 s0, $0x2;
	p0 =	sne.s32 s0, $0x7E00;
	s0 =	sadd.s32 $0x200, s0;
	v16 =	vshll.u32 v13, $0x3;
	v17 =	vadd.s32 v3, v4;
	v4 =	vmovc v5;
	v5 =	vmovc v6;
	v6 =	vmov v9  }
.Ltmp19:
0x5ae: {  	v9 =	vand.u32 $0x7F, v13;
	s5 =	smov.u32 s30;
	s30 =	smov.u32 s31;
	v13 =	vld [tilespmem:s1+$0x1C500];
	v16 =	vand.u32 $0xFFFFFC00, v16;
	(pc) =	sbr.rel @p0 .LBB2_40-.Ltmp19, $4  }
0x5af: {  	s31 =	smov.u32 s2;
	s2 =	smov.u32 s1;
	v9 =	vor.u32 v9, v16;
	[tilespmem:s5+$0x1A400] =	vst v11;
	v11 =	vld.idx.msk [tilespmem:v15+s11+$0x0], $0xffff  }
0x5b0: {  	v15 =	vadd.s32 v0, v9;
	[tilespmem:s29+$0x1A410] =	vst v10;
	v10 =	vld.idx.msk [tilespmem:v14+s11+$0x0], $0xffff  }
0x5b1: {  	v14 =	vadd.s32 v1, v6;
	[tilespmem:s26+$0x1A420] =	vst v8;
	v8 =	vld.idx.msk [tilespmem:v12+s11+$0x0], $0xffff  }
0x5b2: {  	v12 =	vadd.s32 v2, v5;
	[tilespmem:s28+$0x1A430] =	vst v7;
	v7 =	vld.idx.msk [tilespmem:v17+s11+$0x0], $0xffff;
	s28 =	smov.u32 s26;
	s26 =	smov.u32 s29;
	s29 =	smov.u32 s5  }
0x5b3: {  	v16 =	vshll.u32 v13, $0x3  }
0x5b4: {  	v13 =	vand.u32 $0x7F, v13;
	v16 =	vand.u32 $0xFFFFFC00, v16  }
0x5b5: {  	v13 =	vor.u32 v13, v16  }
0x5b6: {  	v16 =	vadd.s32 v0, v13;
	_ =	sdelay $0x3  }
0x5b7: {  	v15 =	vld.idx.msk [tilespmem:v15+s11+$0x0], $0xffff  }
0x5b8: {  	v17 =	vadd.s32 v1, v9;
	v16 =	vld.idx.msk [tilespmem:v16+s11+$0x0], $0xffff  }
0x5b9: {  	v18 =	vadd.s32 v1, v13;
	_ =	sdelay $0x1  }
0x5ba: {  	[tilespmem:s30+$0x1A400] =	vst v11  }
0x5bb: {  	v11 =	vld.idx.msk [tilespmem:v14+s11+$0x0], $0xffff;
	[tilespmem:s31+$0x1A400] =	vst v15  }
0x5bc: {  	v14 =	vadd.s32 v2, v6;
	v15 =	vld.idx.msk [tilespmem:v17+s11+$0x0], $0xffff;
	[tilespmem:s2+$0x1A400] =	vst v16  }
0x5bd: {  	v16 =	vadd.s32 v2, v9;
	v17 =	vld.idx.msk [tilespmem:v18+s11+$0x0], $0xffff  }
0x5be: {  	v18 =	vadd.s32 v2, v13  }
0x5bf: {  	[tilespmem:s29+$0x1A410] =	vst v10  }
0x5c0: {  	v4 =	vadd.s32 v3, v4;
	v10 =	vld.idx.msk [tilespmem:v12+s11+$0x0], $0xffff;
	[tilespmem:s30+$0x1A410] =	vst v11  }
0x5c1: {  	v5 =	vadd.s32 v3, v5;
	v11 =	vld.idx.msk [tilespmem:v14+s11+$0x0], $0xffff;
	[tilespmem:s31+$0x1A410] =	vst v15  }
0x5c2: {  	v6 =	vadd.s32 v3, v6;
	v12 =	vld.idx.msk [tilespmem:v16+s11+$0x0], $0xffff;
	[tilespmem:s2+$0x1A410] =	vst v17  }
0x5c3: {  	v9 =	vadd.s32 v3, v9;
	v14 =	vld.idx.msk [tilespmem:v18+s11+$0x0], $0xffff  }
0x5c4: {  	[tilespmem:s26+$0x1A420] =	vst v8;
	v8 =	vadd.s32 v3, v13  }
0x5c5: {  	v4 =	vld.idx.msk [tilespmem:v4+s11+$0x0], $0xffff;
	[tilespmem:s29+$0x1A420] =	vst v10  }
0x5c6: {  	v5 =	vld.idx.msk [tilespmem:v5+s11+$0x0], $0xffff;
	[tilespmem:s30+$0x1A420] =	vst v11  }
0x5c7: {  	v6 =	vld.idx.msk [tilespmem:v6+s11+$0x0], $0xffff;
	[tilespmem:s31+$0x1A420] =	vst v12  }
0x5c8: {  	v9 =	vld.idx.msk [tilespmem:v9+s11+$0x0], $0xffff;
	[tilespmem:s2+$0x1A420] =	vst v14  }
0x5c9: {  	[tilespmem:s28+$0x1A430] =	vst v7;
	v7 =	vld.idx.msk [tilespmem:v8+s11+$0x0], $0xffff  }
0x5ca: {  	[tilespmem:s26+$0x1A430] =	vst v4  }
0x5cb: {  	[tilespmem:s29+$0x1A430] =	vst v5  }
0x5cc: {  	[tilespmem:s30+$0x1A430] =	vst v6  }
0x5cd: {  	[tilespmem:s31+$0x1A430] =	vst v9  }
0x5ce: {  	[tilespmem:s2+$0x1A430] =	vst v7  }
0x5cf: {  	s0 =	simm.s32 $0x0;
	s1 =	rddreg [dreg:$0x19]  }
0x5d0: {  	[tilespmem:s11], [sflag:$0x1] =	stream.linear.gather [hbm4b:s1+s0], $0x8000, $0x38;
	[tilespmem:$0x1E500] =	vst v63  }
0x5d1: {  	_ =	swait.ge [sflag:s15], $0x8000  }
0x5d2: {  	[sflag:s15] =	ssyncset.done $0x0  }
0x5d3: {  	s28 =	simm.s32 $0x0;
	[sflag:s15] =	ssyncadd.s32 $0xFFFF8000  }
0x5d4: {  	v4 =	vld [tilespmem:s28+$0x1C500];
	_ =	sdelay $0x3  }
0x5d5: {  	s26 =	simm.s32 $0x80  }
0x5d6: {  	v6 =	vld [tilespmem:s26+$0x1C500];
	v5 =	vshll.u32 v4, $0x3  }
0x5d7: {  	v4 =	vand.u32 $0x7F, v4;
	v5 =	vand.u32 $0xFFFFFC00, v5  }
0x5d8: {  	v7 =	vor.u32 v4, v5  }
0x5d9: {  	v5 =	vadd.s32 v0, v7  }
0x5da: {  	s29 =	simm.s32 $0x100  }
0x5db: {  	v8 =	vld [tilespmem:s29+$0x1C500];
	v4 =	vshll.u32 v6, $0x3  }
0x5dc: {  	v6 =	vand.u32 $0x7F, v6;
	v4 =	vand.u32 $0xFFFFFC00, v4  }
0x5dd: {  	v4 =	vor.u32 v6, v4  }
0x5de: {  	v9 =	vadd.s32 v0, v4;
	v6 =	vld.idx.msk [tilespmem:v5+s12+$0x0], $0xffff  }
0x5df: {  	s30 =	simm.s32 $0x180;
	v10 =	vadd.s32 v1, v7  }
0x5e0: {  	v11 =	vld [tilespmem:s30+$0x1C500];
	v5 =	vshll.u32 v8, $0x3  }
0x5e1: {  	v8 =	vand.u32 $0x7F, v8;
	v5 =	vand.u32 $0xFFFFFC00, v5  }
0x5e2: {  	v5 =	vor.u32 v8, v5  }
0x5e3: {  	v8 =	vld.idx.msk [tilespmem:v9+s12+$0x0], $0xffff;
	v9 =	vadd.s32 v0, v5;
	[tilespmem:s28+$0x1A440] =	vst v6  }
0x5e4: {  	v12 =	vadd.s32 v1, v4;
	v10 =	vld.idx.msk [tilespmem:v10+s12+$0x0], $0xffff  }
0x5e5: {  	v13 =	vadd.s32 v2, v7;
	v6 =	vshll.u32 v11, $0x3  }
0x5e6: {  	s31 =	simm.s32 $0x200;
	v11 =	vand.u32 $0x7F, v11;
	v6 =	vand.u32 $0xFFFFFC00, v6  }
0x5e7: {  	v14 =	vld [tilespmem:s31+$0x1C500];
	v6 =	vor.u32 v11, v6  }
0x5e8: {  	[tilespmem:s26+$0x1A440] =	vst v8;
	v9 =	vld.idx.msk [tilespmem:v9+s12+$0x0], $0xffff;
	v8 =	vadd.s32 v0, v6  }
0x5e9: {  	v12 =	vld.idx.msk [tilespmem:v12+s12+$0x0], $0xffff;
	[tilespmem:s28+$0x1A450] =	vst v10  }
0x5ea: {  	v16 =	vadd.s32 v2, v4;
	v15 =	vld.idx.msk [tilespmem:v13+s12+$0x0], $0xffff  }
0x5eb: {  	s2 =	simm.s32 $0x280;
	v10 =	vadd.s32 v1, v5  }
0x5ec: {  	v17 =	vshll.u32 v14, $0x3;
	v7 =	vadd.s32 v3, v7;
	v13 =	vld [tilespmem:s2+$0x1C500]  }
0x5ed: {  	v11 =	vld.idx.msk [tilespmem:v8+s12+$0x0], $0xffff;
	[tilespmem:s29+$0x1A440] =	vst v9;
	v8 =	vand.u32 $0x7F, v14;
	v9 =	vand.u32 $0xFFFFFC00, v17  }
0x5ee: {  	[tilespmem:s26+$0x1A450] =	vst v12;
	v9 =	vor.u32 v8, v9  }
0x5ef: {  	v8 =	vld.idx.msk [tilespmem:v16+s12+$0x0], $0xffff;
	[tilespmem:s28+$0x1A460] =	vst v15;
	v15 =	vadd.s32 v0, v9  }
0x5f0: {  	v14 =	vadd.s32 v1, v6;
	v10 =	vld.idx.msk [tilespmem:v10+s12+$0x0], $0xffff  }
0x5f1: {  	s0 =	simm.s32 $0xC00;
	v12 =	vadd.s32 v2, v5;
	v7 =	vld.idx.msk [tilespmem:v7+s12+$0x0], $0xffff  }
.LBB2_42:
0x5f2: {  	s1 =	sshra.s32 s0, $0x2;
	p0 =	sne.s32 s0, $0x7E00;
	s0 =	sadd.s32 $0x200, s0;
	v16 =	vshll.u32 v13, $0x3;
	v17 =	vadd.s32 v3, v4;
	v4 =	vmovc v5;
	v5 =	vmovc v6;
	v6 =	vmov v9  }
.Ltmp20:
0x5f3: {  	v9 =	vand.u32 $0x7F, v13;
	s5 =	smov.u32 s30;
	s30 =	smov.u32 s31;
	v13 =	vld [tilespmem:s1+$0x1C500];
	v16 =	vand.u32 $0xFFFFFC00, v16;
	(pc) =	sbr.rel @p0 .LBB2_42-.Ltmp20, $4  }
0x5f4: {  	s31 =	smov.u32 s2;
	s2 =	smov.u32 s1;
	v9 =	vor.u32 v9, v16;
	[tilespmem:s5+$0x1A440] =	vst v11;
	v11 =	vld.idx.msk [tilespmem:v15+s12+$0x0], $0xffff  }
0x5f5: {  	v15 =	vadd.s32 v0, v9;
	[tilespmem:s29+$0x1A450] =	vst v10;
	v10 =	vld.idx.msk [tilespmem:v14+s12+$0x0], $0xffff  }
0x5f6: {  	v14 =	vadd.s32 v1, v6;
	[tilespmem:s26+$0x1A460] =	vst v8;
	v8 =	vld.idx.msk [tilespmem:v12+s12+$0x0], $0xffff  }
0x5f7: {  	v12 =	vadd.s32 v2, v5;
	[tilespmem:s28+$0x1A470] =	vst v7;
	v7 =	vld.idx.msk [tilespmem:v17+s12+$0x0], $0xffff;
	s28 =	smov.u32 s26;
	s26 =	smov.u32 s29;
	s29 =	smov.u32 s5  }
0x5f8: {  	v16 =	vshll.u32 v13, $0x3  }
0x5f9: {  	v13 =	vand.u32 $0x7F, v13;
	v16 =	vand.u32 $0xFFFFFC00, v16  }
0x5fa: {  	v13 =	vor.u32 v13, v16  }
0x5fb: {  	v16 =	vadd.s32 v0, v13;
	_ =	sdelay $0x3  }
0x5fc: {  	v15 =	vld.idx.msk [tilespmem:v15+s12+$0x0], $0xffff  }
0x5fd: {  	v17 =	vadd.s32 v1, v9;
	v16 =	vld.idx.msk [tilespmem:v16+s12+$0x0], $0xffff  }
0x5fe: {  	v18 =	vadd.s32 v1, v13;
	_ =	sdelay $0x1  }
0x5ff: {  	[tilespmem:s30+$0x1A440] =	vst v11  }
0x600: {  	v11 =	vld.idx.msk [tilespmem:v14+s12+$0x0], $0xffff;
	[tilespmem:s31+$0x1A440] =	vst v15  }
0x601: {  	v14 =	vadd.s32 v2, v6;
	v15 =	vld.idx.msk [tilespmem:v17+s12+$0x0], $0xffff;
	[tilespmem:s2+$0x1A440] =	vst v16  }
0x602: {  	v16 =	vadd.s32 v2, v9;
	v17 =	vld.idx.msk [tilespmem:v18+s12+$0x0], $0xffff  }
0x603: {  	v18 =	vadd.s32 v2, v13  }
0x604: {  	[tilespmem:s29+$0x1A450] =	vst v10  }
0x605: {  	v4 =	vadd.s32 v3, v4;
	v10 =	vld.idx.msk [tilespmem:v12+s12+$0x0], $0xffff;
	[tilespmem:s30+$0x1A450] =	vst v11  }
0x606: {  	v5 =	vadd.s32 v3, v5;
	v11 =	vld.idx.msk [tilespmem:v14+s12+$0x0], $0xffff;
	[tilespmem:s31+$0x1A450] =	vst v15  }
0x607: {  	v6 =	vadd.s32 v3, v6;
	v12 =	vld.idx.msk [tilespmem:v16+s12+$0x0], $0xffff;
	[tilespmem:s2+$0x1A450] =	vst v17  }
0x608: {  	v9 =	vadd.s32 v3, v9;
	v14 =	vld.idx.msk [tilespmem:v18+s12+$0x0], $0xffff  }
0x609: {  	[tilespmem:s26+$0x1A460] =	vst v8;
	v8 =	vadd.s32 v3, v13  }
0x60a: {  	v4 =	vld.idx.msk [tilespmem:v4+s12+$0x0], $0xffff;
	[tilespmem:s29+$0x1A460] =	vst v10  }
0x60b: {  	v5 =	vld.idx.msk [tilespmem:v5+s12+$0x0], $0xffff;
	[tilespmem:s30+$0x1A460] =	vst v11  }
0x60c: {  	v6 =	vld.idx.msk [tilespmem:v6+s12+$0x0], $0xffff;
	[tilespmem:s31+$0x1A460] =	vst v12  }
0x60d: {  	v9 =	vld.idx.msk [tilespmem:v9+s12+$0x0], $0xffff;
	[tilespmem:s2+$0x1A460] =	vst v14  }
0x60e: {  	[tilespmem:s28+$0x1A470] =	vst v7;
	v7 =	vld.idx.msk [tilespmem:v8+s12+$0x0], $0xffff  }
0x60f: {  	[tilespmem:s26+$0x1A470] =	vst v4  }
0x610: {  	[tilespmem:s29+$0x1A470] =	vst v5  }
0x611: {  	[tilespmem:s30+$0x1A470] =	vst v6  }
0x612: {  	[tilespmem:s31+$0x1A470] =	vst v9  }
0x613: {  	[tilespmem:s2+$0x1A470] =	vst v7  }
0x614: {  	[tilespmem:$0x1C480] =	vst v36  }
0x615: {  	[tilespmem:$0x1C490] =	vst v37  }
0x616: {  	[tilespmem:$0x1C4A0] =	vst v38  }
0x617: {  	[tilespmem:$0x1C4B0] =	vst v39  }
0x618: {  	[hbm4b:s4+s16] =	stream.indirect.scatter [tilespmem:s21], [sflag:$0x5], $0x80, s20, s16, $0xb8;
	[tilespmem:$0x1E500] =	vst v63  }
0x619: {  	s0 =	simm.s32 $0x0;
	s1 =	rddreg [dreg:$0x1a]  }
0x61a: {  	[tilespmem:s12], [sflag:$0x2] =	stream.linear.gather [hbm4b:s1+s0], $0x8000, $0x38;
	[tilespmem:$0x1E500] =	vst v63  }
0x61b: {  	_ =	swait.ge [sflag:s23], $0x2000  }
0x61c: {  	[sflag:s23] =	ssyncset.done $0x0  }
0x61d: {  	[sflag:s23] =	ssyncadd.s32 $0xFFFFE000  }
0x61e: {  	_ =	swait.ge [sflag:s19], $0x8000  }
0x61f: {  	[sflag:s19] =	ssyncset.done $0x0  }
0x620: {  	s28 =	simm.s32 $0x0;
	[sflag:s19] =	ssyncadd.s32 $0xFFFF8000  }
0x621: {  	v4 =	vld [tilespmem:s28+$0x1C500];
	_ =	sdelay $0x3  }
0x622: {  	s26 =	simm.s32 $0x80  }
0x623: {  	v6 =	vld [tilespmem:s26+$0x1C500];
	v5 =	vshll.u32 v4, $0x3  }
0x624: {  	v4 =	vand.u32 $0x7F, v4;
	v5 =	vand.u32 $0xFFFFFC00, v5  }
0x625: {  	v7 =	vor.u32 v4, v5  }
0x626: {  	v5 =	vadd.s32 v0, v7  }
0x627: {  	s29 =	simm.s32 $0x100  }
0x628: {  	v8 =	vld [tilespmem:s29+$0x1C500];
	v4 =	vshll.u32 v6, $0x3  }
0x629: {  	v6 =	vand.u32 $0x7F, v6;
	v4 =	vand.u32 $0xFFFFFC00, v4  }
0x62a: {  	v4 =	vor.u32 v6, v4  }
0x62b: {  	v9 =	vadd.s32 v0, v4;
	v6 =	vld.idx.msk [tilespmem:v5+s13+$0x0], $0xffff  }
0x62c: {  	s30 =	simm.s32 $0x180;
	v10 =	vadd.s32 v1, v7  }
0x62d: {  	v11 =	vld [tilespmem:s30+$0x1C500];
	v5 =	vshll.u32 v8, $0x3  }
0x62e: {  	v8 =	vand.u32 $0x7F, v8;
	v5 =	vand.u32 $0xFFFFFC00, v5  }
0x62f: {  	v5 =	vor.u32 v8, v5  }
0x630: {  	v8 =	vld.idx.msk [tilespmem:v9+s13+$0x0], $0xffff;
	v9 =	vadd.s32 v0, v5;
	[tilespmem:s28+$0x18400] =	vst v6  }
0x631: {  	v12 =	vadd.s32 v1, v4;
	v10 =	vld.idx.msk [tilespmem:v10+s13+$0x0], $0xffff  }
0x632: {  	v13 =	vadd.s32 v2, v7;
	v6 =	vshll.u32 v11, $0x3  }
0x633: {  	s31 =	simm.s32 $0x200;
	v11 =	vand.u32 $0x7F, v11;
	v6 =	vand.u32 $0xFFFFFC00, v6  }
0x634: {  	v14 =	vld [tilespmem:s31+$0x1C500];
	v6 =	vor.u32 v11, v6  }
0x635: {  	[tilespmem:s26+$0x18400] =	vst v8;
	v9 =	vld.idx.msk [tilespmem:v9+s13+$0x0], $0xffff;
	v8 =	vadd.s32 v0, v6  }
0x636: {  	v12 =	vld.idx.msk [tilespmem:v12+s13+$0x0], $0xffff;
	[tilespmem:s28+$0x18410] =	vst v10  }
0x637: {  	v16 =	vadd.s32 v2, v4;
	v15 =	vld.idx.msk [tilespmem:v13+s13+$0x0], $0xffff  }
0x638: {  	s2 =	simm.s32 $0x280;
	v10 =	vadd.s32 v1, v5  }
0x639: {  	v17 =	vshll.u32 v14, $0x3;
	v7 =	vadd.s32 v3, v7;
	v13 =	vld [tilespmem:s2+$0x1C500]  }
0x63a: {  	v11 =	vld.idx.msk [tilespmem:v8+s13+$0x0], $0xffff;
	[tilespmem:s29+$0x18400] =	vst v9;
	v8 =	vand.u32 $0x7F, v14;
	v9 =	vand.u32 $0xFFFFFC00, v17  }
0x63b: {  	[tilespmem:s26+$0x18410] =	vst v12;
	v9 =	vor.u32 v8, v9  }
0x63c: {  	v8 =	vld.idx.msk [tilespmem:v16+s13+$0x0], $0xffff;
	[tilespmem:s28+$0x18420] =	vst v15;
	v15 =	vadd.s32 v0, v9  }
0x63d: {  	v14 =	vadd.s32 v1, v6;
	v10 =	vld.idx.msk [tilespmem:v10+s13+$0x0], $0xffff  }
0x63e: {  	s0 =	simm.s32 $0xC00;
	v12 =	vadd.s32 v2, v5;
	v7 =	vld.idx.msk [tilespmem:v7+s13+$0x0], $0xffff  }
.LBB2_44:
0x63f: {  	s1 =	sshra.s32 s0, $0x2;
	p0 =	sne.s32 s0, $0x7E00;
	s0 =	sadd.s32 $0x200, s0;
	v16 =	vshll.u32 v13, $0x3;
	v17 =	vadd.s32 v3, v4;
	v4 =	vmovc v5;
	v5 =	vmovc v6;
	v6 =	vmov v9  }
.Ltmp21:
0x640: {  	v9 =	vand.u32 $0x7F, v13;
	s5 =	smov.u32 s30;
	s30 =	smov.u32 s31;
	v13 =	vld [tilespmem:s1+$0x1C500];
	v16 =	vand.u32 $0xFFFFFC00, v16;
	(pc) =	sbr.rel @p0 .LBB2_44-.Ltmp21, $4  }
0x641: {  	s31 =	smov.u32 s2;
	s2 =	smov.u32 s1;
	v9 =	vor.u32 v9, v16;
	[tilespmem:s5+$0x18400] =	vst v11;
	v11 =	vld.idx.msk [tilespmem:v15+s13+$0x0], $0xffff  }
0x642: {  	v15 =	vadd.s32 v0, v9;
	[tilespmem:s29+$0x18410] =	vst v10;
	v10 =	vld.idx.msk [tilespmem:v14+s13+$0x0], $0xffff  }
0x643: {  	v14 =	vadd.s32 v1, v6;
	[tilespmem:s26+$0x18420] =	vst v8;
	v8 =	vld.idx.msk [tilespmem:v12+s13+$0x0], $0xffff  }
0x644: {  	v12 =	vadd.s32 v2, v5;
	[tilespmem:s28+$0x18430] =	vst v7;
	v7 =	vld.idx.msk [tilespmem:v17+s13+$0x0], $0xffff;
	s28 =	smov.u32 s26;
	s26 =	smov.u32 s29;
	s29 =	smov.u32 s5  }
0x645: {  	v16 =	vshll.u32 v13, $0x3  }
0x646: {  	v13 =	vand.u32 $0x7F, v13;
	v16 =	vand.u32 $0xFFFFFC00, v16  }
0x647: {  	v13 =	vor.u32 v13, v16  }
0x648: {  	v16 =	vadd.s32 v0, v13;
	_ =	sdelay $0x3  }
0x649: {  	v15 =	vld.idx.msk [tilespmem:v15+s13+$0x0], $0xffff  }
0x64a: {  	v17 =	vadd.s32 v1, v9;
	v16 =	vld.idx.msk [tilespmem:v16+s13+$0x0], $0xffff  }
0x64b: {  	v18 =	vadd.s32 v1, v13;
	_ =	sdelay $0x1  }
0x64c: {  	[tilespmem:s30+$0x18400] =	vst v11  }
0x64d: {  	v11 =	vld.idx.msk [tilespmem:v14+s13+$0x0], $0xffff;
	[tilespmem:s31+$0x18400] =	vst v15  }
0x64e: {  	v14 =	vadd.s32 v2, v6;
	v15 =	vld.idx.msk [tilespmem:v17+s13+$0x0], $0xffff;
	[tilespmem:s2+$0x18400] =	vst v16  }
0x64f: {  	v16 =	vadd.s32 v2, v9;
	v17 =	vld.idx.msk [tilespmem:v18+s13+$0x0], $0xffff  }
0x650: {  	v18 =	vadd.s32 v2, v13  }
0x651: {  	[tilespmem:s29+$0x18410] =	vst v10  }
0x652: {  	v4 =	vadd.s32 v3, v4;
	v10 =	vld.idx.msk [tilespmem:v12+s13+$0x0], $0xffff;
	[tilespmem:s30+$0x18410] =	vst v11  }
0x653: {  	v5 =	vadd.s32 v3, v5;
	v11 =	vld.idx.msk [tilespmem:v14+s13+$0x0], $0xffff;
	[tilespmem:s31+$0x18410] =	vst v15  }
0x654: {  	v6 =	vadd.s32 v3, v6;
	v12 =	vld.idx.msk [tilespmem:v16+s13+$0x0], $0xffff;
	[tilespmem:s2+$0x18410] =	vst v17  }
0x655: {  	v9 =	vadd.s32 v3, v9;
	v14 =	vld.idx.msk [tilespmem:v18+s13+$0x0], $0xffff  }
0x656: {  	[tilespmem:s26+$0x18420] =	vst v8;
	v8 =	vadd.s32 v3, v13  }
0x657: {  	v4 =	vld.idx.msk [tilespmem:v4+s13+$0x0], $0xffff;
	[tilespmem:s29+$0x18420] =	vst v10  }
0x658: {  	v5 =	vld.idx.msk [tilespmem:v5+s13+$0x0], $0xffff;
	[tilespmem:s30+$0x18420] =	vst v11  }
0x659: {  	v6 =	vld.idx.msk [tilespmem:v6+s13+$0x0], $0xffff;
	[tilespmem:s31+$0x18420] =	vst v12  }
0x65a: {  	v9 =	vld.idx.msk [tilespmem:v9+s13+$0x0], $0xffff;
	[tilespmem:s2+$0x18420] =	vst v14  }
0x65b: {  	[tilespmem:s28+$0x18430] =	vst v7;
	v7 =	vld.idx.msk [tilespmem:v8+s13+$0x0], $0xffff  }
0x65c: {  	[tilespmem:s26+$0x18430] =	vst v4  }
0x65d: {  	[tilespmem:s29+$0x18430] =	vst v5  }
0x65e: {  	[tilespmem:s30+$0x18430] =	vst v6  }
0x65f: {  	[tilespmem:s31+$0x18430] =	vst v9  }
0x660: {  	[tilespmem:s2+$0x18430] =	vst v7  }
0x661: {  	s0 =	simm.s32 $0x0;
	s1 =	rddreg [dreg:$0x1b]  }
0x662: {  	[tilespmem:s13], [sflag:$0x3] =	stream.linear.gather [hbm4b:s1+s0], $0x8000, $0x38;
	[tilespmem:$0x1E500] =	vst v63  }
0x663: {  	_ =	swait.ge [sflag:s10], $0x8000  }
0x664: {  	[sflag:s10] =	ssyncset.done $0x0  }
0x665: {  	s28 =	simm.s32 $0x0;
	[sflag:s10] =	ssyncadd.s32 $0xFFFF8000  }
0x666: {  	v4 =	vld [tilespmem:s28+$0x1C500];
	_ =	sdelay $0x3  }
0x667: {  	s26 =	simm.s32 $0x80  }
0x668: {  	v6 =	vld [tilespmem:s26+$0x1C500];
	v5 =	vshll.u32 v4, $0x3  }
0x669: {  	v4 =	vand.u32 $0x7F, v4;
	v5 =	vand.u32 $0xFFFFFC00, v5  }
0x66a: {  	v7 =	vor.u32 v4, v5  }
0x66b: {  	v5 =	vadd.s32 v0, v7  }
0x66c: {  	s29 =	simm.s32 $0x100  }
0x66d: {  	v8 =	vld [tilespmem:s29+$0x1C500];
	v4 =	vshll.u32 v6, $0x3  }
0x66e: {  	v6 =	vand.u32 $0x7F, v6;
	v4 =	vand.u32 $0xFFFFFC00, v4  }
0x66f: {  	v4 =	vor.u32 v6, v4  }
0x670: {  	v9 =	vadd.s32 v0, v4;
	v6 =	vld.idx.msk [tilespmem:v5+s11+$0x0], $0xffff  }
0x671: {  	s30 =	simm.s32 $0x180;
	v10 =	vadd.s32 v1, v7  }
0x672: {  	v11 =	vld [tilespmem:s30+$0x1C500];
	v5 =	vshll.u32 v8, $0x3  }
0x673: {  	v8 =	vand.u32 $0x7F, v8;
	v5 =	vand.u32 $0xFFFFFC00, v5  }
0x674: {  	v5 =	vor.u32 v8, v5  }
0x675: {  	v8 =	vld.idx.msk [tilespmem:v9+s11+$0x0], $0xffff;
	v9 =	vadd.s32 v0, v5;
	[tilespmem:s28+$0x18440] =	vst v6  }
0x676: {  	v12 =	vadd.s32 v1, v4;
	v10 =	vld.idx.msk [tilespmem:v10+s11+$0x0], $0xffff  }
0x677: {  	v13 =	vadd.s32 v2, v7;
	v6 =	vshll.u32 v11, $0x3  }
0x678: {  	s31 =	simm.s32 $0x200;
	v11 =	vand.u32 $0x7F, v11;
	v6 =	vand.u32 $0xFFFFFC00, v6  }
0x679: {  	v14 =	vld [tilespmem:s31+$0x1C500];
	v6 =	vor.u32 v11, v6  }
0x67a: {  	[tilespmem:s26+$0x18440] =	vst v8;
	v9 =	vld.idx.msk [tilespmem:v9+s11+$0x0], $0xffff;
	v8 =	vadd.s32 v0, v6  }
0x67b: {  	v12 =	vld.idx.msk [tilespmem:v12+s11+$0x0], $0xffff;
	[tilespmem:s28+$0x18450] =	vst v10  }
0x67c: {  	v16 =	vadd.s32 v2, v4;
	v15 =	vld.idx.msk [tilespmem:v13+s11+$0x0], $0xffff  }
0x67d: {  	s2 =	simm.s32 $0x280;
	v10 =	vadd.s32 v1, v5  }
0x67e: {  	v17 =	vshll.u32 v14, $0x3;
	v7 =	vadd.s32 v3, v7;
	v13 =	vld [tilespmem:s2+$0x1C500]  }
0x67f: {  	v11 =	vld.idx.msk [tilespmem:v8+s11+$0x0], $0xffff;
	[tilespmem:s29+$0x18440] =	vst v9;
	v8 =	vand.u32 $0x7F, v14;
	v9 =	vand.u32 $0xFFFFFC00, v17  }
0x680: {  	[tilespmem:s26+$0x18450] =	vst v12;
	v9 =	vor.u32 v8, v9  }
0x681: {  	v8 =	vld.idx.msk [tilespmem:v16+s11+$0x0], $0xffff;
	[tilespmem:s28+$0x18460] =	vst v15;
	v15 =	vadd.s32 v0, v9  }
0x682: {  	v14 =	vadd.s32 v1, v6;
	v10 =	vld.idx.msk [tilespmem:v10+s11+$0x0], $0xffff  }
0x683: {  	s0 =	simm.s32 $0xC00;
	v12 =	vadd.s32 v2, v5;
	v7 =	vld.idx.msk [tilespmem:v7+s11+$0x0], $0xffff  }
.LBB2_46:
0x684: {  	s1 =	sshra.s32 s0, $0x2;
	p0 =	sne.s32 s0, $0x7E00;
	s0 =	sadd.s32 $0x200, s0;
	v16 =	vshll.u32 v13, $0x3;
	v17 =	vadd.s32 v3, v4;
	v4 =	vmovc v5;
	v5 =	vmovc v6;
	v6 =	vmov v9  }
.Ltmp22:
0x685: {  	v9 =	vand.u32 $0x7F, v13;
	s5 =	smov.u32 s30;
	s30 =	smov.u32 s31;
	v13 =	vld [tilespmem:s1+$0x1C500];
	v16 =	vand.u32 $0xFFFFFC00, v16;
	(pc) =	sbr.rel @p0 .LBB2_46-.Ltmp22, $4  }
0x686: {  	s31 =	smov.u32 s2;
	s2 =	smov.u32 s1;
	v9 =	vor.u32 v9, v16;
	[tilespmem:s5+$0x18440] =	vst v11;
	v11 =	vld.idx.msk [tilespmem:v15+s11+$0x0], $0xffff  }
0x687: {  	v15 =	vadd.s32 v0, v9;
	[tilespmem:s29+$0x18450] =	vst v10;
	v10 =	vld.idx.msk [tilespmem:v14+s11+$0x0], $0xffff  }
0x688: {  	v14 =	vadd.s32 v1, v6;
	[tilespmem:s26+$0x18460] =	vst v8;
	v8 =	vld.idx.msk [tilespmem:v12+s11+$0x0], $0xffff  }
0x689: {  	v12 =	vadd.s32 v2, v5;
	[tilespmem:s28+$0x18470] =	vst v7;
	v7 =	vld.idx.msk [tilespmem:v17+s11+$0x0], $0xffff;
	s28 =	smov.u32 s26;
	s26 =	smov.u32 s29;
	s29 =	smov.u32 s5  }
0x68a: {  	v16 =	vshll.u32 v13, $0x3  }
0x68b: {  	v13 =	vand.u32 $0x7F, v13;
	v16 =	vand.u32 $0xFFFFFC00, v16  }
0x68c: {  	v13 =	vor.u32 v13, v16  }
0x68d: {  	v16 =	vadd.s32 v0, v13;
	_ =	sdelay $0x3  }
0x68e: {  	v15 =	vld.idx.msk [tilespmem:v15+s11+$0x0], $0xffff  }
0x68f: {  	v17 =	vadd.s32 v1, v9;
	v16 =	vld.idx.msk [tilespmem:v16+s11+$0x0], $0xffff  }
0x690: {  	v18 =	vadd.s32 v1, v13;
	_ =	sdelay $0x1  }
0x691: {  	[tilespmem:s30+$0x18440] =	vst v11  }
0x692: {  	v11 =	vld.idx.msk [tilespmem:v14+s11+$0x0], $0xffff;
	[tilespmem:s31+$0x18440] =	vst v15  }
0x693: {  	v14 =	vadd.s32 v2, v6;
	v15 =	vld.idx.msk [tilespmem:v17+s11+$0x0], $0xffff;
	[tilespmem:s2+$0x18440] =	vst v16  }
0x694: {  	v16 =	vadd.s32 v2, v9;
	v17 =	vld.idx.msk [tilespmem:v18+s11+$0x0], $0xffff  }
0x695: {  	v18 =	vadd.s32 v2, v13  }
0x696: {  	[tilespmem:s29+$0x18450] =	vst v10  }
0x697: {  	v4 =	vadd.s32 v3, v4;
	v10 =	vld.idx.msk [tilespmem:v12+s11+$0x0], $0xffff;
	[tilespmem:s30+$0x18450] =	vst v11  }
0x698: {  	v5 =	vadd.s32 v3, v5;
	v11 =	vld.idx.msk [tilespmem:v14+s11+$0x0], $0xffff;
	[tilespmem:s31+$0x18450] =	vst v15  }
0x699: {  	v6 =	vadd.s32 v3, v6;
	v12 =	vld.idx.msk [tilespmem:v16+s11+$0x0], $0xffff;
	[tilespmem:s2+$0x18450] =	vst v17  }
0x69a: {  	v9 =	vadd.s32 v3, v9;
	v14 =	vld.idx.msk [tilespmem:v18+s11+$0x0], $0xffff  }
0x69b: {  	[tilespmem:s26+$0x18460] =	vst v8;
	v8 =	vadd.s32 v3, v13  }
0x69c: {  	v4 =	vld.idx.msk [tilespmem:v4+s11+$0x0], $0xffff;
	[tilespmem:s29+$0x18460] =	vst v10  }
0x69d: {  	v5 =	vld.idx.msk [tilespmem:v5+s11+$0x0], $0xffff;
	[tilespmem:s30+$0x18460] =	vst v11  }
0x69e: {  	v6 =	vld.idx.msk [tilespmem:v6+s11+$0x0], $0xffff;
	[tilespmem:s31+$0x18460] =	vst v12  }
0x69f: {  	v9 =	vld.idx.msk [tilespmem:v9+s11+$0x0], $0xffff;
	[tilespmem:s2+$0x18460] =	vst v14  }
0x6a0: {  	[tilespmem:s28+$0x18470] =	vst v7;
	v7 =	vld.idx.msk [tilespmem:v8+s11+$0x0], $0xffff  }
0x6a1: {  	[tilespmem:s26+$0x18470] =	vst v4  }
0x6a2: {  	[tilespmem:s29+$0x18470] =	vst v5  }
0x6a3: {  	[tilespmem:s30+$0x18470] =	vst v6  }
0x6a4: {  	[tilespmem:s31+$0x18470] =	vst v9  }
0x6a5: {  	[tilespmem:s2+$0x18470] =	vst v7  }
0x6a6: {  	[tilespmem:$0x1C400] =	vst v40  }
0x6a7: {  	[tilespmem:$0x1C410] =	vst v41  }
0x6a8: {  	[tilespmem:$0x1C420] =	vst v42  }
0x6a9: {  	[tilespmem:$0x1C430] =	vst v43  }
0x6aa: {  	[hbm4b:s4+s16] =	stream.indirect.scatter [tilespmem:s18], [sflag:$0x4], $0x80, s17, s16, $0xb8;
	[tilespmem:$0x1E500] =	vst v63  }
0x6ab: {  	s0 =	simm.s32 $0x0;
	s1 =	rddreg [dreg:$0x1c]  }
0x6ac: {  	[tilespmem:s11], [sflag:$0x1] =	stream.linear.gather [hbm4b:s1+s0], $0x8000, $0x38;
	[tilespmem:$0x1E500] =	vst v63  }
0x6ad: {  	_ =	swait.ge [sflag:s24], $0x2000  }
0x6ae: {  	[sflag:s24] =	ssyncset.done $0x0  }
0x6af: {  	[sflag:s24] =	ssyncadd.s32 $0xFFFFE000  }
0x6b0: {  	_ =	swait.ge [sflag:s15], $0x8000  }
0x6b1: {  	[sflag:s15] =	ssyncset.done $0x0  }
0x6b2: {  	s28 =	simm.s32 $0x0;
	[sflag:s15] =	ssyncadd.s32 $0xFFFF8000  }
0x6b3: {  	v4 =	vld [tilespmem:s28+$0x1C500];
	_ =	sdelay $0x3  }
0x6b4: {  	s26 =	simm.s32 $0x80  }
0x6b5: {  	v6 =	vld [tilespmem:s26+$0x1C500];
	v5 =	vshll.u32 v4, $0x3  }
0x6b6: {  	v4 =	vand.u32 $0x7F, v4;
	v5 =	vand.u32 $0xFFFFFC00, v5  }
0x6b7: {  	v7 =	vor.u32 v4, v5  }
0x6b8: {  	v5 =	vadd.s32 v0, v7  }
0x6b9: {  	s29 =	simm.s32 $0x100  }
0x6ba: {  	v8 =	vld [tilespmem:s29+$0x1C500];
	v4 =	vshll.u32 v6, $0x3  }
0x6bb: {  	v6 =	vand.u32 $0x7F, v6;
	v4 =	vand.u32 $0xFFFFFC00, v4  }
0x6bc: {  	v4 =	vor.u32 v6, v4  }
0x6bd: {  	v9 =	vadd.s32 v0, v4;
	v6 =	vld.idx.msk [tilespmem:v5+s12+$0x0], $0xffff  }
0x6be: {  	s30 =	simm.s32 $0x180;
	v10 =	vadd.s32 v1, v7  }
0x6bf: {  	v11 =	vld [tilespmem:s30+$0x1C500];
	v5 =	vshll.u32 v8, $0x3  }
0x6c0: {  	v8 =	vand.u32 $0x7F, v8;
	v5 =	vand.u32 $0xFFFFFC00, v5  }
0x6c1: {  	v5 =	vor.u32 v8, v5  }
0x6c2: {  	v8 =	vld.idx.msk [tilespmem:v9+s12+$0x0], $0xffff;
	v9 =	vadd.s32 v0, v5;
	[tilespmem:s28+$0x1A400] =	vst v6  }
0x6c3: {  	v12 =	vadd.s32 v1, v4;
	v10 =	vld.idx.msk [tilespmem:v10+s12+$0x0], $0xffff  }
0x6c4: {  	v13 =	vadd.s32 v2, v7;
	v6 =	vshll.u32 v11, $0x3  }
0x6c5: {  	s31 =	simm.s32 $0x200;
	v11 =	vand.u32 $0x7F, v11;
	v6 =	vand.u32 $0xFFFFFC00, v6  }
0x6c6: {  	v14 =	vld [tilespmem:s31+$0x1C500];
	v6 =	vor.u32 v11, v6  }
0x6c7: {  	[tilespmem:s26+$0x1A400] =	vst v8;
	v9 =	vld.idx.msk [tilespmem:v9+s12+$0x0], $0xffff;
	v8 =	vadd.s32 v0, v6  }
0x6c8: {  	v12 =	vld.idx.msk [tilespmem:v12+s12+$0x0], $0xffff;
	[tilespmem:s28+$0x1A410] =	vst v10  }
0x6c9: {  	v16 =	vadd.s32 v2, v4;
	v15 =	vld.idx.msk [tilespmem:v13+s12+$0x0], $0xffff  }
0x6ca: {  	s2 =	simm.s32 $0x280;
	v10 =	vadd.s32 v1, v5  }
0x6cb: {  	v17 =	vshll.u32 v14, $0x3;
	v7 =	vadd.s32 v3, v7;
	v13 =	vld [tilespmem:s2+$0x1C500]  }
0x6cc: {  	v11 =	vld.idx.msk [tilespmem:v8+s12+$0x0], $0xffff;
	[tilespmem:s29+$0x1A400] =	vst v9;
	v8 =	vand.u32 $0x7F, v14;
	v9 =	vand.u32 $0xFFFFFC00, v17  }
0x6cd: {  	[tilespmem:s26+$0x1A410] =	vst v12;
	v9 =	vor.u32 v8, v9  }
0x6ce: {  	v8 =	vld.idx.msk [tilespmem:v16+s12+$0x0], $0xffff;
	[tilespmem:s28+$0x1A420] =	vst v15;
	v15 =	vadd.s32 v0, v9  }
0x6cf: {  	v14 =	vadd.s32 v1, v6;
	v10 =	vld.idx.msk [tilespmem:v10+s12+$0x0], $0xffff  }
0x6d0: {  	s0 =	simm.s32 $0xC00;
	v12 =	vadd.s32 v2, v5;
	v7 =	vld.idx.msk [tilespmem:v7+s12+$0x0], $0xffff  }
.LBB2_48:
0x6d1: {  	s1 =	sshra.s32 s0, $0x2;
	p0 =	sne.s32 s0, $0x7E00;
	s0 =	sadd.s32 $0x200, s0;
	v16 =	vshll.u32 v13, $0x3;
	v17 =	vadd.s32 v3, v4;
	v4 =	vmovc v5;
	v5 =	vmovc v6;
	v6 =	vmov v9  }
.Ltmp23:
0x6d2: {  	v9 =	vand.u32 $0x7F, v13;
	s5 =	smov.u32 s30;
	s30 =	smov.u32 s31;
	v13 =	vld [tilespmem:s1+$0x1C500];
	v16 =	vand.u32 $0xFFFFFC00, v16;
	(pc) =	sbr.rel @p0 .LBB2_48-.Ltmp23, $4  }
0x6d3: {  	s31 =	smov.u32 s2;
	s2 =	smov.u32 s1;
	v9 =	vor.u32 v9, v16;
	[tilespmem:s5+$0x1A400] =	vst v11;
	v11 =	vld.idx.msk [tilespmem:v15+s12+$0x0], $0xffff  }
0x6d4: {  	v15 =	vadd.s32 v0, v9;
	[tilespmem:s29+$0x1A410] =	vst v10;
	v10 =	vld.idx.msk [tilespmem:v14+s12+$0x0], $0xffff  }
0x6d5: {  	v14 =	vadd.s32 v1, v6;
	[tilespmem:s26+$0x1A420] =	vst v8;
	v8 =	vld.idx.msk [tilespmem:v12+s12+$0x0], $0xffff  }
0x6d6: {  	v12 =	vadd.s32 v2, v5;
	[tilespmem:s28+$0x1A430] =	vst v7;
	v7 =	vld.idx.msk [tilespmem:v17+s12+$0x0], $0xffff;
	s28 =	smov.u32 s26;
	s26 =	smov.u32 s29;
	s29 =	smov.u32 s5  }
0x6d7: {  	v16 =	vshll.u32 v13, $0x3  }
0x6d8: {  	v13 =	vand.u32 $0x7F, v13;
	v16 =	vand.u32 $0xFFFFFC00, v16  }
0x6d9: {  	v13 =	vor.u32 v13, v16  }
0x6da: {  	v16 =	vadd.s32 v0, v13;
	_ =	sdelay $0x3  }
0x6db: {  	v15 =	vld.idx.msk [tilespmem:v15+s12+$0x0], $0xffff  }
0x6dc: {  	v17 =	vadd.s32 v1, v9;
	v16 =	vld.idx.msk [tilespmem:v16+s12+$0x0], $0xffff  }
0x6dd: {  	v18 =	vadd.s32 v1, v13;
	_ =	sdelay $0x1  }
0x6de: {  	[tilespmem:s30+$0x1A400] =	vst v11  }
0x6df: {  	v11 =	vld.idx.msk [tilespmem:v14+s12+$0x0], $0xffff;
	[tilespmem:s31+$0x1A400] =	vst v15  }
0x6e0: {  	v14 =	vadd.s32 v2, v6;
	v15 =	vld.idx.msk [tilespmem:v17+s12+$0x0], $0xffff;
	[tilespmem:s2+$0x1A400] =	vst v16  }
0x6e1: {  	v16 =	vadd.s32 v2, v9;
	v17 =	vld.idx.msk [tilespmem:v18+s12+$0x0], $0xffff  }
0x6e2: {  	v18 =	vadd.s32 v2, v13  }
0x6e3: {  	[tilespmem:s29+$0x1A410] =	vst v10  }
0x6e4: {  	v4 =	vadd.s32 v3, v4;
	v10 =	vld.idx.msk [tilespmem:v12+s12+$0x0], $0xffff;
	[tilespmem:s30+$0x1A410] =	vst v11  }
0x6e5: {  	v5 =	vadd.s32 v3, v5;
	v11 =	vld.idx.msk [tilespmem:v14+s12+$0x0], $0xffff;
	[tilespmem:s31+$0x1A410] =	vst v15  }
0x6e6: {  	v6 =	vadd.s32 v3, v6;
	v12 =	vld.idx.msk [tilespmem:v16+s12+$0x0], $0xffff;
	[tilespmem:s2+$0x1A410] =	vst v17  }
0x6e7: {  	v9 =	vadd.s32 v3, v9;
	v14 =	vld.idx.msk [tilespmem:v18+s12+$0x0], $0xffff  }
0x6e8: {  	[tilespmem:s26+$0x1A420] =	vst v8;
	v8 =	vadd.s32 v3, v13  }
0x6e9: {  	v4 =	vld.idx.msk [tilespmem:v4+s12+$0x0], $0xffff;
	[tilespmem:s29+$0x1A420] =	vst v10  }
0x6ea: {  	v5 =	vld.idx.msk [tilespmem:v5+s12+$0x0], $0xffff;
	[tilespmem:s30+$0x1A420] =	vst v11  }
0x6eb: {  	v6 =	vld.idx.msk [tilespmem:v6+s12+$0x0], $0xffff;
	[tilespmem:s31+$0x1A420] =	vst v12  }
0x6ec: {  	v9 =	vld.idx.msk [tilespmem:v9+s12+$0x0], $0xffff;
	[tilespmem:s2+$0x1A420] =	vst v14  }
0x6ed: {  	[tilespmem:s28+$0x1A430] =	vst v7;
	v7 =	vld.idx.msk [tilespmem:v8+s12+$0x0], $0xffff  }
0x6ee: {  	[tilespmem:s26+$0x1A430] =	vst v4  }
0x6ef: {  	[tilespmem:s29+$0x1A430] =	vst v5  }
0x6f0: {  	[tilespmem:s30+$0x1A430] =	vst v6  }
0x6f1: {  	[tilespmem:s31+$0x1A430] =	vst v9  }
0x6f2: {  	[tilespmem:s2+$0x1A430] =	vst v7  }
0x6f3: {  	s0 =	simm.s32 $0x0;
	s1 =	rddreg [dreg:$0x1d]  }
0x6f4: {  	[tilespmem:s12], [sflag:$0x2] =	stream.linear.gather [hbm4b:s1+s0], $0x8000, $0x38;
	[tilespmem:$0x1E500] =	vst v63  }
0x6f5: {  	_ =	swait.ge [sflag:s19], $0x8000  }
0x6f6: {  	[sflag:s19] =	ssyncset.done $0x0  }
0x6f7: {  	s28 =	simm.s32 $0x0;
	[sflag:s19] =	ssyncadd.s32 $0xFFFF8000  }
0x6f8: {  	v4 =	vld [tilespmem:s28+$0x1C500];
	_ =	sdelay $0x3  }
0x6f9: {  	s26 =	simm.s32 $0x80  }
0x6fa: {  	v6 =	vld [tilespmem:s26+$0x1C500];
	v5 =	vshll.u32 v4, $0x3  }
0x6fb: {  	v4 =	vand.u32 $0x7F, v4;
	v5 =	vand.u32 $0xFFFFFC00, v5  }
0x6fc: {  	v7 =	vor.u32 v4, v5  }
0x6fd: {  	v5 =	vadd.s32 v0, v7  }
0x6fe: {  	s29 =	simm.s32 $0x100  }
0x6ff: {  	v8 =	vld [tilespmem:s29+$0x1C500];
	v4 =	vshll.u32 v6, $0x3  }
0x700: {  	v6 =	vand.u32 $0x7F, v6;
	v4 =	vand.u32 $0xFFFFFC00, v4  }
0x701: {  	v4 =	vor.u32 v6, v4  }
0x702: {  	v9 =	vadd.s32 v0, v4;
	v6 =	vld.idx.msk [tilespmem:v5+s13+$0x0], $0xffff  }
0x703: {  	s30 =	simm.s32 $0x180;
	v10 =	vadd.s32 v1, v7  }
0x704: {  	v11 =	vld [tilespmem:s30+$0x1C500];
	v5 =	vshll.u32 v8, $0x3  }
0x705: {  	v8 =	vand.u32 $0x7F, v8;
	v5 =	vand.u32 $0xFFFFFC00, v5  }
0x706: {  	v5 =	vor.u32 v8, v5  }
0x707: {  	v8 =	vld.idx.msk [tilespmem:v9+s13+$0x0], $0xffff;
	v9 =	vadd.s32 v0, v5;
	[tilespmem:s28+$0x1A440] =	vst v6  }
0x708: {  	v12 =	vadd.s32 v1, v4;
	v10 =	vld.idx.msk [tilespmem:v10+s13+$0x0], $0xffff  }
0x709: {  	v13 =	vadd.s32 v2, v7;
	v6 =	vshll.u32 v11, $0x3  }
0x70a: {  	s31 =	simm.s32 $0x200;
	v11 =	vand.u32 $0x7F, v11;
	v6 =	vand.u32 $0xFFFFFC00, v6  }
0x70b: {  	v14 =	vld [tilespmem:s31+$0x1C500];
	v6 =	vor.u32 v11, v6  }
0x70c: {  	[tilespmem:s26+$0x1A440] =	vst v8;
	v9 =	vld.idx.msk [tilespmem:v9+s13+$0x0], $0xffff;
	v8 =	vadd.s32 v0, v6  }
0x70d: {  	v12 =	vld.idx.msk [tilespmem:v12+s13+$0x0], $0xffff;
	[tilespmem:s28+$0x1A450] =	vst v10  }
0x70e: {  	v16 =	vadd.s32 v2, v4;
	v15 =	vld.idx.msk [tilespmem:v13+s13+$0x0], $0xffff  }
0x70f: {  	s2 =	simm.s32 $0x280;
	v10 =	vadd.s32 v1, v5  }
0x710: {  	v17 =	vshll.u32 v14, $0x3;
	v7 =	vadd.s32 v3, v7;
	v13 =	vld [tilespmem:s2+$0x1C500]  }
0x711: {  	v11 =	vld.idx.msk [tilespmem:v8+s13+$0x0], $0xffff;
	[tilespmem:s29+$0x1A440] =	vst v9;
	v8 =	vand.u32 $0x7F, v14;
	v9 =	vand.u32 $0xFFFFFC00, v17  }
0x712: {  	[tilespmem:s26+$0x1A450] =	vst v12;
	v9 =	vor.u32 v8, v9  }
0x713: {  	v8 =	vld.idx.msk [tilespmem:v16+s13+$0x0], $0xffff;
	[tilespmem:s28+$0x1A460] =	vst v15;
	v15 =	vadd.s32 v0, v9  }
0x714: {  	v14 =	vadd.s32 v1, v6;
	v10 =	vld.idx.msk [tilespmem:v10+s13+$0x0], $0xffff  }
0x715: {  	s0 =	simm.s32 $0xC00;
	v12 =	vadd.s32 v2, v5;
	v7 =	vld.idx.msk [tilespmem:v7+s13+$0x0], $0xffff  }
.LBB2_50:
0x716: {  	s1 =	sshra.s32 s0, $0x2;
	p0 =	sne.s32 s0, $0x7E00;
	s0 =	sadd.s32 $0x200, s0;
	v16 =	vshll.u32 v13, $0x3;
	v17 =	vadd.s32 v3, v4;
	v4 =	vmovc v5;
	v5 =	vmovc v6;
	v6 =	vmov v9  }
.Ltmp24:
0x717: {  	v9 =	vand.u32 $0x7F, v13;
	s5 =	smov.u32 s30;
	s30 =	smov.u32 s31;
	v13 =	vld [tilespmem:s1+$0x1C500];
	v16 =	vand.u32 $0xFFFFFC00, v16;
	(pc) =	sbr.rel @p0 .LBB2_50-.Ltmp24, $4  }
0x718: {  	s31 =	smov.u32 s2;
	s2 =	smov.u32 s1;
	v9 =	vor.u32 v9, v16;
	[tilespmem:s5+$0x1A440] =	vst v11;
	v11 =	vld.idx.msk [tilespmem:v15+s13+$0x0], $0xffff  }
0x719: {  	v15 =	vadd.s32 v0, v9;
	[tilespmem:s29+$0x1A450] =	vst v10;
	v10 =	vld.idx.msk [tilespmem:v14+s13+$0x0], $0xffff  }
0x71a: {  	v14 =	vadd.s32 v1, v6;
	[tilespmem:s26+$0x1A460] =	vst v8;
	v8 =	vld.idx.msk [tilespmem:v12+s13+$0x0], $0xffff  }
0x71b: {  	v12 =	vadd.s32 v2, v5;
	[tilespmem:s28+$0x1A470] =	vst v7;
	v7 =	vld.idx.msk [tilespmem:v17+s13+$0x0], $0xffff;
	s28 =	smov.u32 s26;
	s26 =	smov.u32 s29;
	s29 =	smov.u32 s5  }
0x71c: {  	v16 =	vshll.u32 v13, $0x3  }
0x71d: {  	v13 =	vand.u32 $0x7F, v13;
	v16 =	vand.u32 $0xFFFFFC00, v16  }
0x71e: {  	v13 =	vor.u32 v13, v16  }
0x71f: {  	v16 =	vadd.s32 v0, v13;
	_ =	sdelay $0x3  }
0x720: {  	v15 =	vld.idx.msk [tilespmem:v15+s13+$0x0], $0xffff  }
0x721: {  	v17 =	vadd.s32 v1, v9;
	v16 =	vld.idx.msk [tilespmem:v16+s13+$0x0], $0xffff  }
0x722: {  	v18 =	vadd.s32 v1, v13;
	_ =	sdelay $0x1  }
0x723: {  	[tilespmem:s30+$0x1A440] =	vst v11  }
0x724: {  	v11 =	vld.idx.msk [tilespmem:v14+s13+$0x0], $0xffff;
	[tilespmem:s31+$0x1A440] =	vst v15  }
0x725: {  	v14 =	vadd.s32 v2, v6;
	v15 =	vld.idx.msk [tilespmem:v17+s13+$0x0], $0xffff;
	[tilespmem:s2+$0x1A440] =	vst v16  }
0x726: {  	v16 =	vadd.s32 v2, v9;
	v17 =	vld.idx.msk [tilespmem:v18+s13+$0x0], $0xffff  }
0x727: {  	v18 =	vadd.s32 v2, v13  }
0x728: {  	[tilespmem:s29+$0x1A450] =	vst v10  }
0x729: {  	v4 =	vadd.s32 v3, v4;
	v10 =	vld.idx.msk [tilespmem:v12+s13+$0x0], $0xffff;
	[tilespmem:s30+$0x1A450] =	vst v11  }
0x72a: {  	v5 =	vadd.s32 v3, v5;
	v11 =	vld.idx.msk [tilespmem:v14+s13+$0x0], $0xffff;
	[tilespmem:s31+$0x1A450] =	vst v15  }
0x72b: {  	v6 =	vadd.s32 v3, v6;
	v12 =	vld.idx.msk [tilespmem:v16+s13+$0x0], $0xffff;
	[tilespmem:s2+$0x1A450] =	vst v17  }
0x72c: {  	v9 =	vadd.s32 v3, v9;
	v14 =	vld.idx.msk [tilespmem:v18+s13+$0x0], $0xffff  }
0x72d: {  	[tilespmem:s26+$0x1A460] =	vst v8;
	v8 =	vadd.s32 v3, v13  }
0x72e: {  	v4 =	vld.idx.msk [tilespmem:v4+s13+$0x0], $0xffff;
	[tilespmem:s29+$0x1A460] =	vst v10  }
0x72f: {  	v5 =	vld.idx.msk [tilespmem:v5+s13+$0x0], $0xffff;
	[tilespmem:s30+$0x1A460] =	vst v11  }
0x730: {  	v6 =	vld.idx.msk [tilespmem:v6+s13+$0x0], $0xffff;
	[tilespmem:s31+$0x1A460] =	vst v12  }
0x731: {  	v9 =	vld.idx.msk [tilespmem:v9+s13+$0x0], $0xffff;
	[tilespmem:s2+$0x1A460] =	vst v14  }
0x732: {  	[tilespmem:s28+$0x1A470] =	vst v7;
	v7 =	vld.idx.msk [tilespmem:v8+s13+$0x0], $0xffff  }
0x733: {  	[tilespmem:s26+$0x1A470] =	vst v4  }
0x734: {  	[tilespmem:s29+$0x1A470] =	vst v5  }
0x735: {  	[tilespmem:s30+$0x1A470] =	vst v6  }
0x736: {  	[tilespmem:s31+$0x1A470] =	vst v9  }
0x737: {  	[tilespmem:s2+$0x1A470] =	vst v7  }
0x738: {  	[tilespmem:$0x1C480] =	vst v44  }
0x739: {  	[tilespmem:$0x1C490] =	vst v45  }
0x73a: {  	[tilespmem:$0x1C4A0] =	vst v46  }
0x73b: {  	[tilespmem:$0x1C4B0] =	vst v47  }
0x73c: {  	[hbm4b:s4+s16] =	stream.indirect.scatter [tilespmem:s21], [sflag:$0x5], $0x80, s20, s16, $0xb8;
	[tilespmem:$0x1E500] =	vst v63  }
0x73d: {  	s0 =	simm.s32 $0x0;
	s1 =	rddreg [dreg:$0x1e]  }
0x73e: {  	[tilespmem:s13], [sflag:$0x3] =	stream.linear.gather [hbm4b:s1+s0], $0x8000, $0x38;
	[tilespmem:$0x1E500] =	vst v63  }
0x73f: {  	_ =	swait.ge [sflag:s23], $0x2000  }
0x740: {  	[sflag:s23] =	ssyncset.done $0x0  }
0x741: {  	[sflag:s23] =	ssyncadd.s32 $0xFFFFE000  }
0x742: {  	_ =	swait.ge [sflag:s10], $0x8000  }
0x743: {  	[sflag:s10] =	ssyncset.done $0x0  }
0x744: {  	s28 =	simm.s32 $0x0;
	[sflag:s10] =	ssyncadd.s32 $0xFFFF8000  }
0x745: {  	v4 =	vld [tilespmem:s28+$0x1C500];
	_ =	sdelay $0x3  }
0x746: {  	s26 =	simm.s32 $0x80  }
0x747: {  	v6 =	vld [tilespmem:s26+$0x1C500];
	v5 =	vshll.u32 v4, $0x3  }
0x748: {  	v4 =	vand.u32 $0x7F, v4;
	v5 =	vand.u32 $0xFFFFFC00, v5  }
0x749: {  	v7 =	vor.u32 v4, v5  }
0x74a: {  	v5 =	vadd.s32 v0, v7  }
0x74b: {  	s29 =	simm.s32 $0x100  }
0x74c: {  	v8 =	vld [tilespmem:s29+$0x1C500];
	v4 =	vshll.u32 v6, $0x3  }
0x74d: {  	v6 =	vand.u32 $0x7F, v6;
	v4 =	vand.u32 $0xFFFFFC00, v4  }
0x74e: {  	v4 =	vor.u32 v6, v4  }
0x74f: {  	v9 =	vadd.s32 v0, v4;
	v6 =	vld.idx.msk [tilespmem:v5+s11+$0x0], $0xffff  }
0x750: {  	s30 =	simm.s32 $0x180;
	v10 =	vadd.s32 v1, v7  }
0x751: {  	v11 =	vld [tilespmem:s30+$0x1C500];
	v5 =	vshll.u32 v8, $0x3  }
0x752: {  	v8 =	vand.u32 $0x7F, v8;
	v5 =	vand.u32 $0xFFFFFC00, v5  }
0x753: {  	v5 =	vor.u32 v8, v5  }
0x754: {  	v8 =	vld.idx.msk [tilespmem:v9+s11+$0x0], $0xffff;
	v9 =	vadd.s32 v0, v5;
	[tilespmem:s28+$0x18400] =	vst v6  }
0x755: {  	v12 =	vadd.s32 v1, v4;
	v10 =	vld.idx.msk [tilespmem:v10+s11+$0x0], $0xffff  }
0x756: {  	v13 =	vadd.s32 v2, v7;
	v6 =	vshll.u32 v11, $0x3  }
0x757: {  	s31 =	simm.s32 $0x200;
	v11 =	vand.u32 $0x7F, v11;
	v6 =	vand.u32 $0xFFFFFC00, v6  }
0x758: {  	v14 =	vld [tilespmem:s31+$0x1C500];
	v6 =	vor.u32 v11, v6  }
0x759: {  	[tilespmem:s26+$0x18400] =	vst v8;
	v9 =	vld.idx.msk [tilespmem:v9+s11+$0x0], $0xffff;
	v8 =	vadd.s32 v0, v6  }
0x75a: {  	v12 =	vld.idx.msk [tilespmem:v12+s11+$0x0], $0xffff;
	[tilespmem:s28+$0x18410] =	vst v10  }
0x75b: {  	v16 =	vadd.s32 v2, v4;
	v15 =	vld.idx.msk [tilespmem:v13+s11+$0x0], $0xffff  }
0x75c: {  	s2 =	simm.s32 $0x280;
	v10 =	vadd.s32 v1, v5  }
0x75d: {  	v17 =	vshll.u32 v14, $0x3;
	v7 =	vadd.s32 v3, v7;
	v13 =	vld [tilespmem:s2+$0x1C500]  }
0x75e: {  	v11 =	vld.idx.msk [tilespmem:v8+s11+$0x0], $0xffff;
	[tilespmem:s29+$0x18400] =	vst v9;
	v8 =	vand.u32 $0x7F, v14;
	v9 =	vand.u32 $0xFFFFFC00, v17  }
0x75f: {  	[tilespmem:s26+$0x18410] =	vst v12;
	v9 =	vor.u32 v8, v9  }
0x760: {  	v8 =	vld.idx.msk [tilespmem:v16+s11+$0x0], $0xffff;
	[tilespmem:s28+$0x18420] =	vst v15;
	v15 =	vadd.s32 v0, v9  }
0x761: {  	v14 =	vadd.s32 v1, v6;
	v10 =	vld.idx.msk [tilespmem:v10+s11+$0x0], $0xffff  }
0x762: {  	s0 =	simm.s32 $0xC00;
	v12 =	vadd.s32 v2, v5;
	v7 =	vld.idx.msk [tilespmem:v7+s11+$0x0], $0xffff  }
.LBB2_52:
0x763: {  	s1 =	sshra.s32 s0, $0x2;
	p0 =	sne.s32 s0, $0x7E00;
	s0 =	sadd.s32 $0x200, s0;
	v16 =	vshll.u32 v13, $0x3;
	v17 =	vadd.s32 v3, v4;
	v4 =	vmovc v5;
	v5 =	vmovc v6;
	v6 =	vmov v9  }
.Ltmp25:
0x764: {  	v9 =	vand.u32 $0x7F, v13;
	s5 =	smov.u32 s30;
	s30 =	smov.u32 s31;
	v13 =	vld [tilespmem:s1+$0x1C500];
	v16 =	vand.u32 $0xFFFFFC00, v16;
	(pc) =	sbr.rel @p0 .LBB2_52-.Ltmp25, $4  }
0x765: {  	s31 =	smov.u32 s2;
	s2 =	smov.u32 s1;
	v9 =	vor.u32 v9, v16;
	[tilespmem:s5+$0x18400] =	vst v11;
	v11 =	vld.idx.msk [tilespmem:v15+s11+$0x0], $0xffff  }
0x766: {  	v15 =	vadd.s32 v0, v9;
	[tilespmem:s29+$0x18410] =	vst v10;
	v10 =	vld.idx.msk [tilespmem:v14+s11+$0x0], $0xffff  }
0x767: {  	v14 =	vadd.s32 v1, v6;
	[tilespmem:s26+$0x18420] =	vst v8;
	v8 =	vld.idx.msk [tilespmem:v12+s11+$0x0], $0xffff  }
0x768: {  	v12 =	vadd.s32 v2, v5;
	[tilespmem:s28+$0x18430] =	vst v7;
	v7 =	vld.idx.msk [tilespmem:v17+s11+$0x0], $0xffff;
	s28 =	smov.u32 s26;
	s26 =	smov.u32 s29;
	s29 =	smov.u32 s5  }
0x769: {  	v16 =	vshll.u32 v13, $0x3  }
0x76a: {  	v13 =	vand.u32 $0x7F, v13;
	v16 =	vand.u32 $0xFFFFFC00, v16  }
0x76b: {  	v13 =	vor.u32 v13, v16  }
0x76c: {  	v16 =	vadd.s32 v0, v13;
	_ =	sdelay $0x3  }
0x76d: {  	v15 =	vld.idx.msk [tilespmem:v15+s11+$0x0], $0xffff  }
0x76e: {  	v17 =	vadd.s32 v1, v9;
	v16 =	vld.idx.msk [tilespmem:v16+s11+$0x0], $0xffff  }
0x76f: {  	v18 =	vadd.s32 v1, v13;
	_ =	sdelay $0x1  }
0x770: {  	[tilespmem:s30+$0x18400] =	vst v11  }
0x771: {  	v11 =	vld.idx.msk [tilespmem:v14+s11+$0x0], $0xffff;
	[tilespmem:s31+$0x18400] =	vst v15  }
0x772: {  	v14 =	vadd.s32 v2, v6;
	v15 =	vld.idx.msk [tilespmem:v17+s11+$0x0], $0xffff;
	[tilespmem:s2+$0x18400] =	vst v16  }
0x773: {  	v16 =	vadd.s32 v2, v9;
	v17 =	vld.idx.msk [tilespmem:v18+s11+$0x0], $0xffff  }
0x774: {  	v18 =	vadd.s32 v2, v13  }
0x775: {  	[tilespmem:s29+$0x18410] =	vst v10  }
0x776: {  	v4 =	vadd.s32 v3, v4;
	v10 =	vld.idx.msk [tilespmem:v12+s11+$0x0], $0xffff;
	[tilespmem:s30+$0x18410] =	vst v11  }
0x777: {  	v5 =	vadd.s32 v3, v5;
	v11 =	vld.idx.msk [tilespmem:v14+s11+$0x0], $0xffff;
	[tilespmem:s31+$0x18410] =	vst v15  }
0x778: {  	v6 =	vadd.s32 v3, v6;
	v12 =	vld.idx.msk [tilespmem:v16+s11+$0x0], $0xffff;
	[tilespmem:s2+$0x18410] =	vst v17  }
0x779: {  	v9 =	vadd.s32 v3, v9;
	v14 =	vld.idx.msk [tilespmem:v18+s11+$0x0], $0xffff  }
0x77a: {  	[tilespmem:s26+$0x18420] =	vst v8;
	v8 =	vadd.s32 v3, v13  }
0x77b: {  	v4 =	vld.idx.msk [tilespmem:v4+s11+$0x0], $0xffff;
	[tilespmem:s29+$0x18420] =	vst v10  }
0x77c: {  	v5 =	vld.idx.msk [tilespmem:v5+s11+$0x0], $0xffff;
	[tilespmem:s30+$0x18420] =	vst v11  }
0x77d: {  	v6 =	vld.idx.msk [tilespmem:v6+s11+$0x0], $0xffff;
	[tilespmem:s31+$0x18420] =	vst v12  }
0x77e: {  	v9 =	vld.idx.msk [tilespmem:v9+s11+$0x0], $0xffff;
	[tilespmem:s2+$0x18420] =	vst v14  }
0x77f: {  	[tilespmem:s28+$0x18430] =	vst v7;
	v7 =	vld.idx.msk [tilespmem:v8+s11+$0x0], $0xffff  }
0x780: {  	[tilespmem:s26+$0x18430] =	vst v4  }
0x781: {  	[tilespmem:s29+$0x18430] =	vst v5  }
0x782: {  	[tilespmem:s30+$0x18430] =	vst v6  }
0x783: {  	[tilespmem:s31+$0x18430] =	vst v9  }
0x784: {  	[tilespmem:s2+$0x18430] =	vst v7  }
0x785: {  	s0 =	simm.s32 $0x0;
	s1 =	rddreg [dreg:$0x1f]  }
0x786: {  	[tilespmem:s11], [sflag:$0x1] =	stream.linear.gather [hbm4b:s1+s0], $0x8000, $0x38;
	[tilespmem:$0x1E500] =	vst v63  }
0x787: {  	_ =	swait.ge [sflag:s15], $0x8000  }
0x788: {  	[sflag:s15] =	ssyncset.done $0x0  }
0x789: {  	s28 =	simm.s32 $0x0;
	[sflag:s15] =	ssyncadd.s32 $0xFFFF8000  }
0x78a: {  	v4 =	vld [tilespmem:s28+$0x1C500];
	_ =	sdelay $0x3  }
0x78b: {  	s26 =	simm.s32 $0x80  }
0x78c: {  	v6 =	vld [tilespmem:s26+$0x1C500];
	v5 =	vshll.u32 v4, $0x3  }
0x78d: {  	v4 =	vand.u32 $0x7F, v4;
	v5 =	vand.u32 $0xFFFFFC00, v5  }
0x78e: {  	v7 =	vor.u32 v4, v5  }
0x78f: {  	v5 =	vadd.s32 v0, v7  }
0x790: {  	s29 =	simm.s32 $0x100  }
0x791: {  	v8 =	vld [tilespmem:s29+$0x1C500];
	v4 =	vshll.u32 v6, $0x3  }
0x792: {  	v6 =	vand.u32 $0x7F, v6;
	v4 =	vand.u32 $0xFFFFFC00, v4  }
0x793: {  	v4 =	vor.u32 v6, v4  }
0x794: {  	v9 =	vadd.s32 v0, v4;
	v6 =	vld.idx.msk [tilespmem:v5+s12+$0x0], $0xffff  }
0x795: {  	s30 =	simm.s32 $0x180;
	v10 =	vadd.s32 v1, v7  }
0x796: {  	v11 =	vld [tilespmem:s30+$0x1C500];
	v5 =	vshll.u32 v8, $0x3  }
0x797: {  	v8 =	vand.u32 $0x7F, v8;
	v5 =	vand.u32 $0xFFFFFC00, v5  }
0x798: {  	v5 =	vor.u32 v8, v5  }
0x799: {  	v8 =	vld.idx.msk [tilespmem:v9+s12+$0x0], $0xffff;
	v9 =	vadd.s32 v0, v5;
	[tilespmem:s28+$0x18440] =	vst v6  }
0x79a: {  	v12 =	vadd.s32 v1, v4;
	v10 =	vld.idx.msk [tilespmem:v10+s12+$0x0], $0xffff  }
0x79b: {  	v13 =	vadd.s32 v2, v7;
	v6 =	vshll.u32 v11, $0x3  }
0x79c: {  	s31 =	simm.s32 $0x200;
	v11 =	vand.u32 $0x7F, v11;
	v6 =	vand.u32 $0xFFFFFC00, v6  }
0x79d: {  	v14 =	vld [tilespmem:s31+$0x1C500];
	v6 =	vor.u32 v11, v6  }
0x79e: {  	[tilespmem:s26+$0x18440] =	vst v8;
	v9 =	vld.idx.msk [tilespmem:v9+s12+$0x0], $0xffff;
	v8 =	vadd.s32 v0, v6  }
0x79f: {  	v12 =	vld.idx.msk [tilespmem:v12+s12+$0x0], $0xffff;
	[tilespmem:s28+$0x18450] =	vst v10  }
0x7a0: {  	v16 =	vadd.s32 v2, v4;
	v15 =	vld.idx.msk [tilespmem:v13+s12+$0x0], $0xffff  }
0x7a1: {  	s2 =	simm.s32 $0x280;
	v10 =	vadd.s32 v1, v5  }
0x7a2: {  	v17 =	vshll.u32 v14, $0x3;
	v7 =	vadd.s32 v3, v7;
	v13 =	vld [tilespmem:s2+$0x1C500]  }
0x7a3: {  	v11 =	vld.idx.msk [tilespmem:v8+s12+$0x0], $0xffff;
	[tilespmem:s29+$0x18440] =	vst v9;
	v8 =	vand.u32 $0x7F, v14;
	v9 =	vand.u32 $0xFFFFFC00, v17  }
0x7a4: {  	[tilespmem:s26+$0x18450] =	vst v12;
	v9 =	vor.u32 v8, v9  }
0x7a5: {  	v8 =	vld.idx.msk [tilespmem:v16+s12+$0x0], $0xffff;
	[tilespmem:s28+$0x18460] =	vst v15;
	v15 =	vadd.s32 v0, v9  }
0x7a6: {  	v14 =	vadd.s32 v1, v6;
	v10 =	vld.idx.msk [tilespmem:v10+s12+$0x0], $0xffff  }
0x7a7: {  	s0 =	simm.s32 $0xC00;
	v12 =	vadd.s32 v2, v5;
	v7 =	vld.idx.msk [tilespmem:v7+s12+$0x0], $0xffff  }
.LBB2_54:
0x7a8: {  	s1 =	sshra.s32 s0, $0x2;
	p0 =	sne.s32 s0, $0x7E00;
	s0 =	sadd.s32 $0x200, s0;
	v16 =	vshll.u32 v13, $0x3;
	v17 =	vadd.s32 v3, v4;
	v4 =	vmovc v5;
	v5 =	vmovc v6;
	v6 =	vmov v9  }
.Ltmp26:
0x7a9: {  	v9 =	vand.u32 $0x7F, v13;
	s5 =	smov.u32 s30;
	s30 =	smov.u32 s31;
	v13 =	vld [tilespmem:s1+$0x1C500];
	v16 =	vand.u32 $0xFFFFFC00, v16;
	(pc) =	sbr.rel @p0 .LBB2_54-.Ltmp26, $4  }
0x7aa: {  	s31 =	smov.u32 s2;
	s2 =	smov.u32 s1;
	v9 =	vor.u32 v9, v16;
	[tilespmem:s5+$0x18440] =	vst v11;
	v11 =	vld.idx.msk [tilespmem:v15+s12+$0x0], $0xffff  }
0x7ab: {  	v15 =	vadd.s32 v0, v9;
	[tilespmem:s29+$0x18450] =	vst v10;
	v10 =	vld.idx.msk [tilespmem:v14+s12+$0x0], $0xffff  }
0x7ac: {  	v14 =	vadd.s32 v1, v6;
	[tilespmem:s26+$0x18460] =	vst v8;
	v8 =	vld.idx.msk [tilespmem:v12+s12+$0x0], $0xffff  }
0x7ad: {  	v12 =	vadd.s32 v2, v5;
	[tilespmem:s28+$0x18470] =	vst v7;
	v7 =	vld.idx.msk [tilespmem:v17+s12+$0x0], $0xffff;
	s28 =	smov.u32 s26;
	s26 =	smov.u32 s29;
	s29 =	smov.u32 s5  }
0x7ae: {  	v16 =	vshll.u32 v13, $0x3  }
0x7af: {  	v13 =	vand.u32 $0x7F, v13;
	v16 =	vand.u32 $0xFFFFFC00, v16  }
0x7b0: {  	v13 =	vor.u32 v13, v16  }
0x7b1: {  	v16 =	vadd.s32 v0, v13;
	_ =	sdelay $0x3  }
0x7b2: {  	v15 =	vld.idx.msk [tilespmem:v15+s12+$0x0], $0xffff  }
0x7b3: {  	v17 =	vadd.s32 v1, v9;
	v16 =	vld.idx.msk [tilespmem:v16+s12+$0x0], $0xffff  }
0x7b4: {  	v18 =	vadd.s32 v1, v13;
	_ =	sdelay $0x1  }
0x7b5: {  	[tilespmem:s30+$0x18440] =	vst v11  }
0x7b6: {  	v11 =	vld.idx.msk [tilespmem:v14+s12+$0x0], $0xffff;
	[tilespmem:s31+$0x18440] =	vst v15  }
0x7b7: {  	v14 =	vadd.s32 v2, v6;
	v15 =	vld.idx.msk [tilespmem:v17+s12+$0x0], $0xffff;
	[tilespmem:s2+$0x18440] =	vst v16  }
0x7b8: {  	v16 =	vadd.s32 v2, v9;
	v17 =	vld.idx.msk [tilespmem:v18+s12+$0x0], $0xffff  }
0x7b9: {  	v18 =	vadd.s32 v2, v13  }
0x7ba: {  	[tilespmem:s29+$0x18450] =	vst v10  }
0x7bb: {  	v4 =	vadd.s32 v3, v4;
	v10 =	vld.idx.msk [tilespmem:v12+s12+$0x0], $0xffff;
	[tilespmem:s30+$0x18450] =	vst v11  }
0x7bc: {  	v5 =	vadd.s32 v3, v5;
	v11 =	vld.idx.msk [tilespmem:v14+s12+$0x0], $0xffff;
	[tilespmem:s31+$0x18450] =	vst v15  }
0x7bd: {  	v6 =	vadd.s32 v3, v6;
	v12 =	vld.idx.msk [tilespmem:v16+s12+$0x0], $0xffff;
	[tilespmem:s2+$0x18450] =	vst v17  }
0x7be: {  	v9 =	vadd.s32 v3, v9;
	v14 =	vld.idx.msk [tilespmem:v18+s12+$0x0], $0xffff  }
0x7bf: {  	[tilespmem:s26+$0x18460] =	vst v8;
	v8 =	vadd.s32 v3, v13  }
0x7c0: {  	v4 =	vld.idx.msk [tilespmem:v4+s12+$0x0], $0xffff;
	[tilespmem:s29+$0x18460] =	vst v10  }
0x7c1: {  	v5 =	vld.idx.msk [tilespmem:v5+s12+$0x0], $0xffff;
	[tilespmem:s30+$0x18460] =	vst v11  }
0x7c2: {  	v6 =	vld.idx.msk [tilespmem:v6+s12+$0x0], $0xffff;
	[tilespmem:s31+$0x18460] =	vst v12  }
0x7c3: {  	v9 =	vld.idx.msk [tilespmem:v9+s12+$0x0], $0xffff;
	[tilespmem:s2+$0x18460] =	vst v14  }
0x7c4: {  	[tilespmem:s28+$0x18470] =	vst v7;
	v7 =	vld.idx.msk [tilespmem:v8+s12+$0x0], $0xffff  }
0x7c5: {  	[tilespmem:s26+$0x18470] =	vst v4  }
0x7c6: {  	[tilespmem:s29+$0x18470] =	vst v5  }
0x7c7: {  	[tilespmem:s30+$0x18470] =	vst v6  }
0x7c8: {  	[tilespmem:s31+$0x18470] =	vst v9  }
0x7c9: {  	[tilespmem:s2+$0x18470] =	vst v7  }
0x7ca: {  	[tilespmem:$0x1C400] =	vst v48  }
0x7cb: {  	[tilespmem:$0x1C410] =	vst v49  }
0x7cc: {  	[tilespmem:$0x1C420] =	vst v50  }
0x7cd: {  	[tilespmem:$0x1C430] =	vst v51;
	s1 =	sld [smem:$0x7FD]  }
0x7ce: {  	[hbm4b:s4+s16] =	stream.indirect.scatter [tilespmem:s18], [sflag:$0x4], $0x80, s17, s16, $0xb8;
	[tilespmem:$0x1E500] =	vst v63  }
0x7cf: {  	s0 =	simm.s32 $0x0  }
0x7d0: {  	[tilespmem:s12], [sflag:$0x2] =	stream.linear.gather [hbm4b:s1+s0], $0x8000, $0x38;
	[tilespmem:$0x1E500] =	vst v63  }
0x7d1: {  	_ =	swait.ge [sflag:s24], $0x2000  }
0x7d2: {  	[sflag:s24] =	ssyncset.done $0x0  }
0x7d3: {  	[sflag:s24] =	ssyncadd.s32 $0xFFFFE000  }
0x7d4: {  	_ =	swait.ge [sflag:s19], $0x8000  }
0x7d5: {  	[sflag:s19] =	ssyncset.done $0x0  }
0x7d6: {  	s28 =	simm.s32 $0x0;
	[sflag:s19] =	ssyncadd.s32 $0xFFFF8000  }
0x7d7: {  	v4 =	vld [tilespmem:s28+$0x1C500];
	_ =	sdelay $0x3  }
0x7d8: {  	s26 =	simm.s32 $0x80  }
0x7d9: {  	v6 =	vld [tilespmem:s26+$0x1C500];
	v5 =	vshll.u32 v4, $0x3  }
0x7da: {  	v4 =	vand.u32 $0x7F, v4;
	v5 =	vand.u32 $0xFFFFFC00, v5  }
0x7db: {  	v7 =	vor.u32 v4, v5  }
0x7dc: {  	v5 =	vadd.s32 v0, v7  }
0x7dd: {  	s29 =	simm.s32 $0x100  }
0x7de: {  	v8 =	vld [tilespmem:s29+$0x1C500];
	v4 =	vshll.u32 v6, $0x3  }
0x7df: {  	v6 =	vand.u32 $0x7F, v6;
	v4 =	vand.u32 $0xFFFFFC00, v4  }
0x7e0: {  	v4 =	vor.u32 v6, v4  }
0x7e1: {  	v9 =	vadd.s32 v0, v4;
	v6 =	vld.idx.msk [tilespmem:v5+s13+$0x0], $0xffff  }
0x7e2: {  	s30 =	simm.s32 $0x180;
	v10 =	vadd.s32 v1, v7  }
0x7e3: {  	v11 =	vld [tilespmem:s30+$0x1C500];
	v5 =	vshll.u32 v8, $0x3  }
0x7e4: {  	v8 =	vand.u32 $0x7F, v8;
	v5 =	vand.u32 $0xFFFFFC00, v5  }
0x7e5: {  	v5 =	vor.u32 v8, v5  }
0x7e6: {  	v8 =	vld.idx.msk [tilespmem:v9+s13+$0x0], $0xffff;
	v9 =	vadd.s32 v0, v5;
	[tilespmem:s28+$0x1A400] =	vst v6  }
0x7e7: {  	v12 =	vadd.s32 v1, v4;
	v10 =	vld.idx.msk [tilespmem:v10+s13+$0x0], $0xffff  }
0x7e8: {  	v13 =	vadd.s32 v2, v7;
	v6 =	vshll.u32 v11, $0x3  }
0x7e9: {  	s31 =	simm.s32 $0x200;
	v11 =	vand.u32 $0x7F, v11;
	v6 =	vand.u32 $0xFFFFFC00, v6  }
0x7ea: {  	v14 =	vld [tilespmem:s31+$0x1C500];
	v6 =	vor.u32 v11, v6  }
0x7eb: {  	[tilespmem:s26+$0x1A400] =	vst v8;
	v9 =	vld.idx.msk [tilespmem:v9+s13+$0x0], $0xffff;
	v8 =	vadd.s32 v0, v6  }
0x7ec: {  	v12 =	vld.idx.msk [tilespmem:v12+s13+$0x0], $0xffff;
	[tilespmem:s28+$0x1A410] =	vst v10  }
0x7ed: {  	v16 =	vadd.s32 v2, v4;
	v15 =	vld.idx.msk [tilespmem:v13+s13+$0x0], $0xffff  }
0x7ee: {  	s2 =	simm.s32 $0x280;
	v10 =	vadd.s32 v1, v5  }
0x7ef: {  	v17 =	vshll.u32 v14, $0x3;
	v7 =	vadd.s32 v3, v7;
	v13 =	vld [tilespmem:s2+$0x1C500]  }
0x7f0: {  	v11 =	vld.idx.msk [tilespmem:v8+s13+$0x0], $0xffff;
	[tilespmem:s29+$0x1A400] =	vst v9;
	v8 =	vand.u32 $0x7F, v14;
	v9 =	vand.u32 $0xFFFFFC00, v17  }
0x7f1: {  	[tilespmem:s26+$0x1A410] =	vst v12;
	v9 =	vor.u32 v8, v9  }
0x7f2: {  	v8 =	vld.idx.msk [tilespmem:v16+s13+$0x0], $0xffff;
	[tilespmem:s28+$0x1A420] =	vst v15;
	v15 =	vadd.s32 v0, v9  }
0x7f3: {  	v14 =	vadd.s32 v1, v6;
	v10 =	vld.idx.msk [tilespmem:v10+s13+$0x0], $0xffff  }
0x7f4: {  	s0 =	simm.s32 $0xC00;
	v12 =	vadd.s32 v2, v5;
	v7 =	vld.idx.msk [tilespmem:v7+s13+$0x0], $0xffff  }
.LBB2_56:
0x7f5: {  	s1 =	sshra.s32 s0, $0x2;
	p0 =	sne.s32 s0, $0x7E00;
	s0 =	sadd.s32 $0x200, s0;
	v16 =	vshll.u32 v13, $0x3;
	v17 =	vadd.s32 v3, v4;
	v4 =	vmovc v5;
	v5 =	vmovc v6;
	v6 =	vmov v9  }
.Ltmp27:
0x7f6: {  	v9 =	vand.u32 $0x7F, v13;
	s5 =	smov.u32 s30;
	s30 =	smov.u32 s31;
	v13 =	vld [tilespmem:s1+$0x1C500];
	v16 =	vand.u32 $0xFFFFFC00, v16;
	(pc) =	sbr.rel @p0 .LBB2_56-.Ltmp27, $4  }
0x7f7: {  	s31 =	smov.u32 s2;
	s2 =	smov.u32 s1;
	v9 =	vor.u32 v9, v16;
	[tilespmem:s5+$0x1A400] =	vst v11;
	v11 =	vld.idx.msk [tilespmem:v15+s13+$0x0], $0xffff  }
0x7f8: {  	v15 =	vadd.s32 v0, v9;
	[tilespmem:s29+$0x1A410] =	vst v10;
	v10 =	vld.idx.msk [tilespmem:v14+s13+$0x0], $0xffff  }
0x7f9: {  	v14 =	vadd.s32 v1, v6;
	[tilespmem:s26+$0x1A420] =	vst v8;
	v8 =	vld.idx.msk [tilespmem:v12+s13+$0x0], $0xffff  }
0x7fa: {  	v12 =	vadd.s32 v2, v5;
	[tilespmem:s28+$0x1A430] =	vst v7;
	v7 =	vld.idx.msk [tilespmem:v17+s13+$0x0], $0xffff;
	s28 =	smov.u32 s26;
	s26 =	smov.u32 s29;
	s29 =	smov.u32 s5  }
0x7fb: {  	v16 =	vshll.u32 v13, $0x3  }
0x7fc: {  	v13 =	vand.u32 $0x7F, v13;
	v16 =	vand.u32 $0xFFFFFC00, v16  }
0x7fd: {  	v13 =	vor.u32 v13, v16  }
0x7fe: {  	v16 =	vadd.s32 v0, v13;
	_ =	sdelay $0x3  }
0x7ff: {  	v15 =	vld.idx.msk [tilespmem:v15+s13+$0x0], $0xffff  }
0x800: {  	v17 =	vadd.s32 v1, v9;
	v16 =	vld.idx.msk [tilespmem:v16+s13+$0x0], $0xffff  }
0x801: {  	v18 =	vadd.s32 v1, v13;
	_ =	sdelay $0x1  }
0x802: {  	[tilespmem:s30+$0x1A400] =	vst v11  }
0x803: {  	v11 =	vld.idx.msk [tilespmem:v14+s13+$0x0], $0xffff;
	[tilespmem:s31+$0x1A400] =	vst v15  }
0x804: {  	v14 =	vadd.s32 v2, v6;
	v15 =	vld.idx.msk [tilespmem:v17+s13+$0x0], $0xffff;
	[tilespmem:s2+$0x1A400] =	vst v16  }
0x805: {  	v16 =	vadd.s32 v2, v9;
	v17 =	vld.idx.msk [tilespmem:v18+s13+$0x0], $0xffff  }
0x806: {  	v18 =	vadd.s32 v2, v13  }
0x807: {  	[tilespmem:s29+$0x1A410] =	vst v10  }
0x808: {  	v4 =	vadd.s32 v3, v4;
	v10 =	vld.idx.msk [tilespmem:v12+s13+$0x0], $0xffff;
	[tilespmem:s30+$0x1A410] =	vst v11  }
0x809: {  	v5 =	vadd.s32 v3, v5;
	v11 =	vld.idx.msk [tilespmem:v14+s13+$0x0], $0xffff;
	[tilespmem:s31+$0x1A410] =	vst v15  }
0x80a: {  	v6 =	vadd.s32 v3, v6;
	v12 =	vld.idx.msk [tilespmem:v16+s13+$0x0], $0xffff;
	[tilespmem:s2+$0x1A410] =	vst v17  }
0x80b: {  	v9 =	vadd.s32 v3, v9;
	v14 =	vld.idx.msk [tilespmem:v18+s13+$0x0], $0xffff  }
0x80c: {  	[tilespmem:s26+$0x1A420] =	vst v8;
	v8 =	vadd.s32 v3, v13  }
0x80d: {  	v4 =	vld.idx.msk [tilespmem:v4+s13+$0x0], $0xffff;
	[tilespmem:s29+$0x1A420] =	vst v10  }
0x80e: {  	v5 =	vld.idx.msk [tilespmem:v5+s13+$0x0], $0xffff;
	[tilespmem:s30+$0x1A420] =	vst v11  }
0x80f: {  	v6 =	vld.idx.msk [tilespmem:v6+s13+$0x0], $0xffff;
	[tilespmem:s31+$0x1A420] =	vst v12  }
0x810: {  	v9 =	vld.idx.msk [tilespmem:v9+s13+$0x0], $0xffff;
	[tilespmem:s2+$0x1A420] =	vst v14  }
0x811: {  	[tilespmem:s28+$0x1A430] =	vst v7;
	v7 =	vld.idx.msk [tilespmem:v8+s13+$0x0], $0xffff  }
0x812: {  	[tilespmem:s26+$0x1A430] =	vst v4  }
0x813: {  	[tilespmem:s29+$0x1A430] =	vst v5  }
0x814: {  	[tilespmem:s30+$0x1A430] =	vst v6  }
0x815: {  	[tilespmem:s31+$0x1A430] =	vst v9  }
0x816: {  	s0 =	simm.s32 $0x0;
	[tilespmem:s2+$0x1A430] =	vst v7  }
0x817: {  	[tilespmem:s13], [sflag:$0x3] =	stream.linear.gather [hbm4b:s6+s0], $0x8000, $0x38;
	[tilespmem:$0x1E500] =	vst v63  }
0x818: {  	_ =	swait.ge [sflag:s10], $0x8000  }
0x819: {  	[sflag:s10] =	ssyncset.done $0x0  }
0x81a: {  	s28 =	simm.s32 $0x0;
	[sflag:s10] =	ssyncadd.s32 $0xFFFF8000  }
0x81b: {  	v4 =	vld [tilespmem:s28+$0x1C500];
	_ =	sdelay $0x3  }
0x81c: {  	s26 =	simm.s32 $0x80  }
0x81d: {  	v6 =	vld [tilespmem:s26+$0x1C500];
	v5 =	vshll.u32 v4, $0x3  }
0x81e: {  	v4 =	vand.u32 $0x7F, v4;
	v5 =	vand.u32 $0xFFFFFC00, v5  }
0x81f: {  	v7 =	vor.u32 v4, v5  }
0x820: {  	v5 =	vadd.s32 v0, v7  }
0x821: {  	s29 =	simm.s32 $0x100  }
0x822: {  	v8 =	vld [tilespmem:s29+$0x1C500];
	v4 =	vshll.u32 v6, $0x3  }
0x823: {  	v6 =	vand.u32 $0x7F, v6;
	v4 =	vand.u32 $0xFFFFFC00, v4  }
0x824: {  	v4 =	vor.u32 v6, v4  }
0x825: {  	v9 =	vadd.s32 v0, v4;
	v6 =	vld.idx.msk [tilespmem:v5+s11+$0x0], $0xffff  }
0x826: {  	s30 =	simm.s32 $0x180;
	v10 =	vadd.s32 v1, v7  }
0x827: {  	v11 =	vld [tilespmem:s30+$0x1C500];
	v5 =	vshll.u32 v8, $0x3  }
0x828: {  	v8 =	vand.u32 $0x7F, v8;
	v5 =	vand.u32 $0xFFFFFC00, v5  }
0x829: {  	v5 =	vor.u32 v8, v5  }
0x82a: {  	v8 =	vld.idx.msk [tilespmem:v9+s11+$0x0], $0xffff;
	v9 =	vadd.s32 v0, v5;
	[tilespmem:s28+$0x1A440] =	vst v6  }
0x82b: {  	v12 =	vadd.s32 v1, v4;
	v10 =	vld.idx.msk [tilespmem:v10+s11+$0x0], $0xffff  }
0x82c: {  	v13 =	vadd.s32 v2, v7;
	v6 =	vshll.u32 v11, $0x3  }
0x82d: {  	s31 =	simm.s32 $0x200;
	v11 =	vand.u32 $0x7F, v11;
	v6 =	vand.u32 $0xFFFFFC00, v6  }
0x82e: {  	v14 =	vld [tilespmem:s31+$0x1C500];
	v6 =	vor.u32 v11, v6  }
0x82f: {  	[tilespmem:s26+$0x1A440] =	vst v8;
	v9 =	vld.idx.msk [tilespmem:v9+s11+$0x0], $0xffff;
	v8 =	vadd.s32 v0, v6  }
0x830: {  	v12 =	vld.idx.msk [tilespmem:v12+s11+$0x0], $0xffff;
	[tilespmem:s28+$0x1A450] =	vst v10  }
0x831: {  	v16 =	vadd.s32 v2, v4;
	v15 =	vld.idx.msk [tilespmem:v13+s11+$0x0], $0xffff  }
0x832: {  	s2 =	simm.s32 $0x280;
	v10 =	vadd.s32 v1, v5  }
0x833: {  	v17 =	vshll.u32 v14, $0x3;
	v7 =	vadd.s32 v3, v7;
	v13 =	vld [tilespmem:s2+$0x1C500]  }
0x834: {  	v11 =	vld.idx.msk [tilespmem:v8+s11+$0x0], $0xffff;
	[tilespmem:s29+$0x1A440] =	vst v9;
	v8 =	vand.u32 $0x7F, v14;
	v9 =	vand.u32 $0xFFFFFC00, v17  }
0x835: {  	[tilespmem:s26+$0x1A450] =	vst v12;
	v9 =	vor.u32 v8, v9  }
0x836: {  	v8 =	vld.idx.msk [tilespmem:v16+s11+$0x0], $0xffff;
	[tilespmem:s28+$0x1A460] =	vst v15;
	v15 =	vadd.s32 v0, v9  }
0x837: {  	v14 =	vadd.s32 v1, v6;
	v10 =	vld.idx.msk [tilespmem:v10+s11+$0x0], $0xffff  }
0x838: {  	s0 =	simm.s32 $0xC00;
	v12 =	vadd.s32 v2, v5;
	v7 =	vld.idx.msk [tilespmem:v7+s11+$0x0], $0xffff  }
.LBB2_58:
0x839: {  	s1 =	sshra.s32 s0, $0x2;
	p0 =	sne.s32 s0, $0x7E00;
	s0 =	sadd.s32 $0x200, s0;
	v16 =	vshll.u32 v13, $0x3;
	v17 =	vadd.s32 v3, v4;
	v4 =	vmovc v5;
	v5 =	vmovc v6;
	v6 =	vmov v9  }
.Ltmp28:
0x83a: {  	v9 =	vand.u32 $0x7F, v13;
	s5 =	smov.u32 s30;
	s30 =	smov.u32 s31;
	v13 =	vld [tilespmem:s1+$0x1C500];
	v16 =	vand.u32 $0xFFFFFC00, v16;
	(pc) =	sbr.rel @p0 .LBB2_58-.Ltmp28, $4  }
0x83b: {  	s31 =	smov.u32 s2;
	s2 =	smov.u32 s1;
	v9 =	vor.u32 v9, v16;
	[tilespmem:s5+$0x1A440] =	vst v11;
	v11 =	vld.idx.msk [tilespmem:v15+s11+$0x0], $0xffff  }
0x83c: {  	v15 =	vadd.s32 v0, v9;
	[tilespmem:s29+$0x1A450] =	vst v10;
	v10 =	vld.idx.msk [tilespmem:v14+s11+$0x0], $0xffff  }
0x83d: {  	v14 =	vadd.s32 v1, v6;
	[tilespmem:s26+$0x1A460] =	vst v8;
	v8 =	vld.idx.msk [tilespmem:v12+s11+$0x0], $0xffff  }
0x83e: {  	v12 =	vadd.s32 v2, v5;
	[tilespmem:s28+$0x1A470] =	vst v7;
	v7 =	vld.idx.msk [tilespmem:v17+s11+$0x0], $0xffff;
	s28 =	smov.u32 s26;
	s26 =	smov.u32 s29;
	s29 =	smov.u32 s5  }
0x83f: {  	v16 =	vshll.u32 v13, $0x3  }
0x840: {  	v13 =	vand.u32 $0x7F, v13;
	v16 =	vand.u32 $0xFFFFFC00, v16  }
0x841: {  	v13 =	vor.u32 v13, v16  }
0x842: {  	v16 =	vadd.s32 v0, v13;
	_ =	sdelay $0x3  }
0x843: {  	v15 =	vld.idx.msk [tilespmem:v15+s11+$0x0], $0xffff  }
0x844: {  	v17 =	vadd.s32 v1, v9;
	v16 =	vld.idx.msk [tilespmem:v16+s11+$0x0], $0xffff  }
0x845: {  	v18 =	vadd.s32 v1, v13;
	_ =	sdelay $0x1  }
0x846: {  	[tilespmem:s30+$0x1A440] =	vst v11  }
0x847: {  	v11 =	vld.idx.msk [tilespmem:v14+s11+$0x0], $0xffff;
	[tilespmem:s31+$0x1A440] =	vst v15  }
0x848: {  	v14 =	vadd.s32 v2, v6;
	v15 =	vld.idx.msk [tilespmem:v17+s11+$0x0], $0xffff;
	[tilespmem:s2+$0x1A440] =	vst v16  }
0x849: {  	v16 =	vadd.s32 v2, v9;
	v17 =	vld.idx.msk [tilespmem:v18+s11+$0x0], $0xffff  }
0x84a: {  	v18 =	vadd.s32 v2, v13  }
0x84b: {  	[tilespmem:s29+$0x1A450] =	vst v10  }
0x84c: {  	v4 =	vadd.s32 v3, v4;
	v10 =	vld.idx.msk [tilespmem:v12+s11+$0x0], $0xffff;
	[tilespmem:s30+$0x1A450] =	vst v11  }
0x84d: {  	v5 =	vadd.s32 v3, v5;
	v11 =	vld.idx.msk [tilespmem:v14+s11+$0x0], $0xffff;
	[tilespmem:s31+$0x1A450] =	vst v15  }
0x84e: {  	v6 =	vadd.s32 v3, v6;
	v12 =	vld.idx.msk [tilespmem:v16+s11+$0x0], $0xffff;
	[tilespmem:s2+$0x1A450] =	vst v17  }
0x84f: {  	v9 =	vadd.s32 v3, v9;
	v14 =	vld.idx.msk [tilespmem:v18+s11+$0x0], $0xffff  }
0x850: {  	[tilespmem:s26+$0x1A460] =	vst v8;
	v8 =	vadd.s32 v3, v13  }
0x851: {  	v4 =	vld.idx.msk [tilespmem:v4+s11+$0x0], $0xffff;
	[tilespmem:s29+$0x1A460] =	vst v10  }
0x852: {  	v5 =	vld.idx.msk [tilespmem:v5+s11+$0x0], $0xffff;
	[tilespmem:s30+$0x1A460] =	vst v11  }
0x853: {  	v6 =	vld.idx.msk [tilespmem:v6+s11+$0x0], $0xffff;
	[tilespmem:s31+$0x1A460] =	vst v12  }
0x854: {  	v9 =	vld.idx.msk [tilespmem:v9+s11+$0x0], $0xffff;
	[tilespmem:s2+$0x1A460] =	vst v14  }
0x855: {  	[tilespmem:s28+$0x1A470] =	vst v7;
	v7 =	vld.idx.msk [tilespmem:v8+s11+$0x0], $0xffff  }
0x856: {  	[tilespmem:s26+$0x1A470] =	vst v4  }
0x857: {  	[tilespmem:s29+$0x1A470] =	vst v5  }
0x858: {  	[tilespmem:s30+$0x1A470] =	vst v6  }
0x859: {  	[tilespmem:s31+$0x1A470] =	vst v9  }
0x85a: {  	[tilespmem:s2+$0x1A470] =	vst v7  }
0x85b: {  	[tilespmem:$0x1C480] =	vst v52  }
0x85c: {  	[tilespmem:$0x1C490] =	vst v53  }
0x85d: {  	[tilespmem:$0x1C4A0] =	vst v54  }
0x85e: {  	[tilespmem:$0x1C4B0] =	vst v55  }
0x85f: {  	[hbm4b:s4+s16] =	stream.indirect.scatter [tilespmem:s21], [sflag:$0x5], $0x80, s20, s16, $0xb8;
	[tilespmem:$0x1E500] =	vst v63  }
0x860: {  	s0 =	simm.s32 $0x0  }
0x861: {  	[tilespmem:s11], [sflag:$0x1] =	stream.linear.gather [hbm4b:s7+s0], $0x8000, $0x38;
	[tilespmem:$0x1E500] =	vst v63  }
0x862: {  	_ =	swait.ge [sflag:s23], $0x2000  }
0x863: {  	[sflag:s23] =	ssyncset.done $0x0  }
0x864: {  	[sflag:s23] =	ssyncadd.s32 $0xFFFFE000  }
0x865: {  	_ =	swait.ge [sflag:s15], $0x8000  }
0x866: {  	[sflag:s15] =	ssyncset.done $0x0  }
0x867: {  	s28 =	simm.s32 $0x0;
	[sflag:s15] =	ssyncadd.s32 $0xFFFF8000  }
0x868: {  	v4 =	vld [tilespmem:s28+$0x1C500];
	_ =	sdelay $0x3  }
0x869: {  	s26 =	simm.s32 $0x80  }
0x86a: {  	v6 =	vld [tilespmem:s26+$0x1C500];
	v5 =	vshll.u32 v4, $0x3  }
0x86b: {  	v4 =	vand.u32 $0x7F, v4;
	v5 =	vand.u32 $0xFFFFFC00, v5  }
0x86c: {  	v7 =	vor.u32 v4, v5  }
0x86d: {  	v5 =	vadd.s32 v0, v7  }
0x86e: {  	s29 =	simm.s32 $0x100  }
0x86f: {  	v8 =	vld [tilespmem:s29+$0x1C500];
	v4 =	vshll.u32 v6, $0x3  }
0x870: {  	v6 =	vand.u32 $0x7F, v6;
	v4 =	vand.u32 $0xFFFFFC00, v4  }
0x871: {  	v4 =	vor.u32 v6, v4  }
0x872: {  	v9 =	vadd.s32 v0, v4;
	v6 =	vld.idx.msk [tilespmem:v5+s12+$0x0], $0xffff  }
0x873: {  	s30 =	simm.s32 $0x180;
	v10 =	vadd.s32 v1, v7  }
0x874: {  	v11 =	vld [tilespmem:s30+$0x1C500];
	v5 =	vshll.u32 v8, $0x3  }
0x875: {  	v8 =	vand.u32 $0x7F, v8;
	v5 =	vand.u32 $0xFFFFFC00, v5  }
0x876: {  	v5 =	vor.u32 v8, v5  }
0x877: {  	v8 =	vld.idx.msk [tilespmem:v9+s12+$0x0], $0xffff;
	v9 =	vadd.s32 v0, v5;
	[tilespmem:s28+$0x18400] =	vst v6  }
0x878: {  	v12 =	vadd.s32 v1, v4;
	v10 =	vld.idx.msk [tilespmem:v10+s12+$0x0], $0xffff  }
0x879: {  	v13 =	vadd.s32 v2, v7;
	v6 =	vshll.u32 v11, $0x3  }
0x87a: {  	s31 =	simm.s32 $0x200;
	v11 =	vand.u32 $0x7F, v11;
	v6 =	vand.u32 $0xFFFFFC00, v6  }
0x87b: {  	v14 =	vld [tilespmem:s31+$0x1C500];
	v6 =	vor.u32 v11, v6  }
0x87c: {  	[tilespmem:s26+$0x18400] =	vst v8;
	v9 =	vld.idx.msk [tilespmem:v9+s12+$0x0], $0xffff;
	v8 =	vadd.s32 v0, v6  }
0x87d: {  	v12 =	vld.idx.msk [tilespmem:v12+s12+$0x0], $0xffff;
	[tilespmem:s28+$0x18410] =	vst v10  }
0x87e: {  	v16 =	vadd.s32 v2, v4;
	v15 =	vld.idx.msk [tilespmem:v13+s12+$0x0], $0xffff  }
0x87f: {  	s2 =	simm.s32 $0x280;
	v10 =	vadd.s32 v1, v5  }
0x880: {  	v17 =	vshll.u32 v14, $0x3;
	v7 =	vadd.s32 v3, v7;
	v13 =	vld [tilespmem:s2+$0x1C500]  }
0x881: {  	v11 =	vld.idx.msk [tilespmem:v8+s12+$0x0], $0xffff;
	[tilespmem:s29+$0x18400] =	vst v9;
	v8 =	vand.u32 $0x7F, v14;
	v9 =	vand.u32 $0xFFFFFC00, v17  }
0x882: {  	[tilespmem:s26+$0x18410] =	vst v12;
	v9 =	vor.u32 v8, v9  }
0x883: {  	v8 =	vld.idx.msk [tilespmem:v16+s12+$0x0], $0xffff;
	[tilespmem:s28+$0x18420] =	vst v15;
	v15 =	vadd.s32 v0, v9  }
0x884: {  	v14 =	vadd.s32 v1, v6;
	v10 =	vld.idx.msk [tilespmem:v10+s12+$0x0], $0xffff  }
0x885: {  	s0 =	simm.s32 $0xC00;
	v12 =	vadd.s32 v2, v5;
	v7 =	vld.idx.msk [tilespmem:v7+s12+$0x0], $0xffff  }
.LBB2_60:
0x886: {  	s1 =	sshra.s32 s0, $0x2;
	p0 =	sne.s32 s0, $0x7E00;
	s0 =	sadd.s32 $0x200, s0;
	v16 =	vshll.u32 v13, $0x3;
	v17 =	vadd.s32 v3, v4;
	v4 =	vmovc v5;
	v5 =	vmovc v6;
	v6 =	vmov v9  }
.Ltmp29:
0x887: {  	v9 =	vand.u32 $0x7F, v13;
	s5 =	smov.u32 s30;
	s30 =	smov.u32 s31;
	v13 =	vld [tilespmem:s1+$0x1C500];
	v16 =	vand.u32 $0xFFFFFC00, v16;
	(pc) =	sbr.rel @p0 .LBB2_60-.Ltmp29, $4  }
0x888: {  	s31 =	smov.u32 s2;
	s2 =	smov.u32 s1;
	v9 =	vor.u32 v9, v16;
	[tilespmem:s5+$0x18400] =	vst v11;
	v11 =	vld.idx.msk [tilespmem:v15+s12+$0x0], $0xffff  }
0x889: {  	v15 =	vadd.s32 v0, v9;
	[tilespmem:s29+$0x18410] =	vst v10;
	v10 =	vld.idx.msk [tilespmem:v14+s12+$0x0], $0xffff  }
0x88a: {  	v14 =	vadd.s32 v1, v6;
	[tilespmem:s26+$0x18420] =	vst v8;
	v8 =	vld.idx.msk [tilespmem:v12+s12+$0x0], $0xffff  }
0x88b: {  	v12 =	vadd.s32 v2, v5;
	[tilespmem:s28+$0x18430] =	vst v7;
	v7 =	vld.idx.msk [tilespmem:v17+s12+$0x0], $0xffff;
	s28 =	smov.u32 s26;
	s26 =	smov.u32 s29;
	s29 =	smov.u32 s5  }
0x88c: {  	v16 =	vshll.u32 v13, $0x3  }
0x88d: {  	v13 =	vand.u32 $0x7F, v13;
	v16 =	vand.u32 $0xFFFFFC00, v16  }
0x88e: {  	v13 =	vor.u32 v13, v16  }
0x88f: {  	v16 =	vadd.s32 v0, v13;
	_ =	sdelay $0x3  }
0x890: {  	v15 =	vld.idx.msk [tilespmem:v15+s12+$0x0], $0xffff  }
0x891: {  	v17 =	vadd.s32 v1, v9;
	v16 =	vld.idx.msk [tilespmem:v16+s12+$0x0], $0xffff  }
0x892: {  	v18 =	vadd.s32 v1, v13;
	_ =	sdelay $0x1  }
0x893: {  	[tilespmem:s30+$0x18400] =	vst v11  }
0x894: {  	v11 =	vld.idx.msk [tilespmem:v14+s12+$0x0], $0xffff;
	[tilespmem:s31+$0x18400] =	vst v15  }
0x895: {  	v14 =	vadd.s32 v2, v6;
	v15 =	vld.idx.msk [tilespmem:v17+s12+$0x0], $0xffff;
	[tilespmem:s2+$0x18400] =	vst v16  }
0x896: {  	v16 =	vadd.s32 v2, v9;
	v17 =	vld.idx.msk [tilespmem:v18+s12+$0x0], $0xffff  }
0x897: {  	v18 =	vadd.s32 v2, v13  }
0x898: {  	[tilespmem:s29+$0x18410] =	vst v10  }
0x899: {  	v4 =	vadd.s32 v3, v4;
	v10 =	vld.idx.msk [tilespmem:v12+s12+$0x0], $0xffff;
	[tilespmem:s30+$0x18410] =	vst v11  }
0x89a: {  	v5 =	vadd.s32 v3, v5;
	v11 =	vld.idx.msk [tilespmem:v14+s12+$0x0], $0xffff;
	[tilespmem:s31+$0x18410] =	vst v15  }
0x89b: {  	v6 =	vadd.s32 v3, v6;
	v12 =	vld.idx.msk [tilespmem:v16+s12+$0x0], $0xffff;
	[tilespmem:s2+$0x18410] =	vst v17  }
0x89c: {  	v9 =	vadd.s32 v3, v9;
	v14 =	vld.idx.msk [tilespmem:v18+s12+$0x0], $0xffff  }
0x89d: {  	[tilespmem:s26+$0x18420] =	vst v8;
	v8 =	vadd.s32 v3, v13  }
0x89e: {  	v4 =	vld.idx.msk [tilespmem:v4+s12+$0x0], $0xffff;
	[tilespmem:s29+$0x18420] =	vst v10  }
0x89f: {  	v5 =	vld.idx.msk [tilespmem:v5+s12+$0x0], $0xffff;
	[tilespmem:s30+$0x18420] =	vst v11  }
0x8a0: {  	v6 =	vld.idx.msk [tilespmem:v6+s12+$0x0], $0xffff;
	[tilespmem:s31+$0x18420] =	vst v12  }
0x8a1: {  	v9 =	vld.idx.msk [tilespmem:v9+s12+$0x0], $0xffff;
	[tilespmem:s2+$0x18420] =	vst v14  }
0x8a2: {  	[tilespmem:s28+$0x18430] =	vst v7;
	v7 =	vld.idx.msk [tilespmem:v8+s12+$0x0], $0xffff  }
0x8a3: {  	[tilespmem:s26+$0x18430] =	vst v4  }
0x8a4: {  	[tilespmem:s29+$0x18430] =	vst v5  }
0x8a5: {  	[tilespmem:s30+$0x18430] =	vst v6  }
0x8a6: {  	[tilespmem:s31+$0x18430] =	vst v9  }
0x8a7: {  	s0 =	simm.s32 $0x0;
	[tilespmem:s2+$0x18430] =	vst v7  }
0x8a8: {  	[tilespmem:s12], [sflag:$0x2] =	stream.linear.gather [hbm4b:s8+s0], $0x8000, $0x38;
	[tilespmem:$0x1E500] =	vst v63  }
0x8a9: {  	_ =	swait.ge [sflag:s19], $0x8000  }
0x8aa: {  	[sflag:s19] =	ssyncset.done $0x0  }
0x8ab: {  	s28 =	simm.s32 $0x0;
	[sflag:s19] =	ssyncadd.s32 $0xFFFF8000  }
0x8ac: {  	v4 =	vld [tilespmem:s28+$0x1C500];
	_ =	sdelay $0x3  }
0x8ad: {  	s26 =	simm.s32 $0x80  }
0x8ae: {  	v6 =	vld [tilespmem:s26+$0x1C500];
	v5 =	vshll.u32 v4, $0x3  }
0x8af: {  	v4 =	vand.u32 $0x7F, v4;
	v5 =	vand.u32 $0xFFFFFC00, v5  }
0x8b0: {  	v7 =	vor.u32 v4, v5  }
0x8b1: {  	v5 =	vadd.s32 v0, v7  }
0x8b2: {  	s29 =	simm.s32 $0x100  }
0x8b3: {  	v8 =	vld [tilespmem:s29+$0x1C500];
	v4 =	vshll.u32 v6, $0x3  }
0x8b4: {  	v6 =	vand.u32 $0x7F, v6;
	v4 =	vand.u32 $0xFFFFFC00, v4  }
0x8b5: {  	v4 =	vor.u32 v6, v4  }
0x8b6: {  	v9 =	vadd.s32 v0, v4;
	v6 =	vld.idx.msk [tilespmem:v5+s13+$0x0], $0xffff  }
0x8b7: {  	s30 =	simm.s32 $0x180;
	v10 =	vadd.s32 v1, v7  }
0x8b8: {  	v11 =	vld [tilespmem:s30+$0x1C500];
	v5 =	vshll.u32 v8, $0x3  }
0x8b9: {  	v8 =	vand.u32 $0x7F, v8;
	v5 =	vand.u32 $0xFFFFFC00, v5  }
0x8ba: {  	v5 =	vor.u32 v8, v5  }
0x8bb: {  	v8 =	vld.idx.msk [tilespmem:v9+s13+$0x0], $0xffff;
	v9 =	vadd.s32 v0, v5;
	[tilespmem:s28+$0x18440] =	vst v6  }
0x8bc: {  	v12 =	vadd.s32 v1, v4;
	v10 =	vld.idx.msk [tilespmem:v10+s13+$0x0], $0xffff  }
0x8bd: {  	v13 =	vadd.s32 v2, v7;
	v6 =	vshll.u32 v11, $0x3  }
0x8be: {  	s31 =	simm.s32 $0x200;
	v11 =	vand.u32 $0x7F, v11;
	v6 =	vand.u32 $0xFFFFFC00, v6  }
0x8bf: {  	v14 =	vld [tilespmem:s31+$0x1C500];
	v6 =	vor.u32 v11, v6  }
0x8c0: {  	[tilespmem:s26+$0x18440] =	vst v8;
	v9 =	vld.idx.msk [tilespmem:v9+s13+$0x0], $0xffff;
	v8 =	vadd.s32 v0, v6  }
0x8c1: {  	v12 =	vld.idx.msk [tilespmem:v12+s13+$0x0], $0xffff;
	[tilespmem:s28+$0x18450] =	vst v10  }
0x8c2: {  	v16 =	vadd.s32 v2, v4;
	v15 =	vld.idx.msk [tilespmem:v13+s13+$0x0], $0xffff  }
0x8c3: {  	s2 =	simm.s32 $0x280;
	v10 =	vadd.s32 v1, v5  }
0x8c4: {  	v17 =	vshll.u32 v14, $0x3;
	v7 =	vadd.s32 v3, v7;
	v13 =	vld [tilespmem:s2+$0x1C500]  }
0x8c5: {  	v11 =	vld.idx.msk [tilespmem:v8+s13+$0x0], $0xffff;
	[tilespmem:s29+$0x18440] =	vst v9;
	v8 =	vand.u32 $0x7F, v14;
	v9 =	vand.u32 $0xFFFFFC00, v17  }
0x8c6: {  	[tilespmem:s26+$0x18450] =	vst v12;
	v9 =	vor.u32 v8, v9  }
0x8c7: {  	v8 =	vld.idx.msk [tilespmem:v16+s13+$0x0], $0xffff;
	[tilespmem:s28+$0x18460] =	vst v15;
	v15 =	vadd.s32 v0, v9  }
0x8c8: {  	v14 =	vadd.s32 v1, v6;
	v10 =	vld.idx.msk [tilespmem:v10+s13+$0x0], $0xffff  }
0x8c9: {  	s0 =	simm.s32 $0xC00;
	v12 =	vadd.s32 v2, v5;
	v7 =	vld.idx.msk [tilespmem:v7+s13+$0x0], $0xffff  }
.LBB2_62:
0x8ca: {  	s1 =	sshra.s32 s0, $0x2;
	p0 =	sne.s32 s0, $0x7E00;
	s0 =	sadd.s32 $0x200, s0;
	v16 =	vshll.u32 v13, $0x3;
	v17 =	vadd.s32 v3, v4;
	v4 =	vmovc v5;
	v5 =	vmovc v6;
	v6 =	vmov v9  }
.Ltmp30:
0x8cb: {  	v9 =	vand.u32 $0x7F, v13;
	s5 =	smov.u32 s30;
	s30 =	smov.u32 s31;
	v13 =	vld [tilespmem:s1+$0x1C500];
	v16 =	vand.u32 $0xFFFFFC00, v16;
	(pc) =	sbr.rel @p0 .LBB2_62-.Ltmp30, $4  }
0x8cc: {  	s31 =	smov.u32 s2;
	s2 =	smov.u32 s1;
	v9 =	vor.u32 v9, v16;
	[tilespmem:s5+$0x18440] =	vst v11;
	v11 =	vld.idx.msk [tilespmem:v15+s13+$0x0], $0xffff  }
0x8cd: {  	v15 =	vadd.s32 v0, v9;
	[tilespmem:s29+$0x18450] =	vst v10;
	v10 =	vld.idx.msk [tilespmem:v14+s13+$0x0], $0xffff  }
0x8ce: {  	v14 =	vadd.s32 v1, v6;
	[tilespmem:s26+$0x18460] =	vst v8;
	v8 =	vld.idx.msk [tilespmem:v12+s13+$0x0], $0xffff  }
0x8cf: {  	v12 =	vadd.s32 v2, v5;
	[tilespmem:s28+$0x18470] =	vst v7;
	v7 =	vld.idx.msk [tilespmem:v17+s13+$0x0], $0xffff;
	s28 =	smov.u32 s26;
	s26 =	smov.u32 s29;
	s29 =	smov.u32 s5  }
0x8d0: {  	v16 =	vshll.u32 v13, $0x3  }
0x8d1: {  	v13 =	vand.u32 $0x7F, v13;
	v16 =	vand.u32 $0xFFFFFC00, v16  }
0x8d2: {  	v13 =	vor.u32 v13, v16  }
0x8d3: {  	v16 =	vadd.s32 v0, v13;
	_ =	sdelay $0x3  }
0x8d4: {  	v15 =	vld.idx.msk [tilespmem:v15+s13+$0x0], $0xffff  }
0x8d5: {  	v17 =	vadd.s32 v1, v9;
	v16 =	vld.idx.msk [tilespmem:v16+s13+$0x0], $0xffff  }
0x8d6: {  	v18 =	vadd.s32 v1, v13;
	_ =	sdelay $0x1  }
0x8d7: {  	[tilespmem:s30+$0x18440] =	vst v11  }
0x8d8: {  	v11 =	vld.idx.msk [tilespmem:v14+s13+$0x0], $0xffff;
	[tilespmem:s31+$0x18440] =	vst v15  }
0x8d9: {  	v14 =	vadd.s32 v2, v6;
	v15 =	vld.idx.msk [tilespmem:v17+s13+$0x0], $0xffff;
	[tilespmem:s2+$0x18440] =	vst v16  }
0x8da: {  	v16 =	vadd.s32 v2, v9;
	v17 =	vld.idx.msk [tilespmem:v18+s13+$0x0], $0xffff  }
0x8db: {  	v18 =	vadd.s32 v2, v13  }
0x8dc: {  	[tilespmem:s29+$0x18450] =	vst v10  }
0x8dd: {  	v4 =	vadd.s32 v3, v4;
	v10 =	vld.idx.msk [tilespmem:v12+s13+$0x0], $0xffff;
	[tilespmem:s30+$0x18450] =	vst v11  }
0x8de: {  	v5 =	vadd.s32 v3, v5;
	v11 =	vld.idx.msk [tilespmem:v14+s13+$0x0], $0xffff;
	[tilespmem:s31+$0x18450] =	vst v15  }
0x8df: {  	v6 =	vadd.s32 v3, v6;
	v12 =	vld.idx.msk [tilespmem:v16+s13+$0x0], $0xffff;
	[tilespmem:s2+$0x18450] =	vst v17  }
0x8e0: {  	v9 =	vadd.s32 v3, v9;
	v14 =	vld.idx.msk [tilespmem:v18+s13+$0x0], $0xffff  }
0x8e1: {  	[tilespmem:s26+$0x18460] =	vst v8;
	v8 =	vadd.s32 v3, v13  }
0x8e2: {  	v4 =	vld.idx.msk [tilespmem:v4+s13+$0x0], $0xffff;
	[tilespmem:s29+$0x18460] =	vst v10  }
0x8e3: {  	v5 =	vld.idx.msk [tilespmem:v5+s13+$0x0], $0xffff;
	[tilespmem:s30+$0x18460] =	vst v11  }
0x8e4: {  	v6 =	vld.idx.msk [tilespmem:v6+s13+$0x0], $0xffff;
	[tilespmem:s31+$0x18460] =	vst v12  }
0x8e5: {  	v9 =	vld.idx.msk [tilespmem:v9+s13+$0x0], $0xffff;
	[tilespmem:s2+$0x18460] =	vst v14  }
0x8e6: {  	[tilespmem:s28+$0x18470] =	vst v7;
	v7 =	vld.idx.msk [tilespmem:v8+s13+$0x0], $0xffff  }
0x8e7: {  	[tilespmem:s26+$0x18470] =	vst v4  }
0x8e8: {  	[tilespmem:s29+$0x18470] =	vst v5  }
0x8e9: {  	[tilespmem:s30+$0x18470] =	vst v6  }
0x8ea: {  	[tilespmem:s31+$0x18470] =	vst v9  }
0x8eb: {  	[tilespmem:s2+$0x18470] =	vst v7  }
0x8ec: {  	[tilespmem:$0x1C400] =	vst v56  }
0x8ed: {  	[tilespmem:$0x1C410] =	vst v57  }
0x8ee: {  	[tilespmem:$0x1C420] =	vst v58  }
0x8ef: {  	[tilespmem:$0x1C430] =	vst v62  }
0x8f0: {  	[hbm4b:s4+s16] =	stream.indirect.scatter [tilespmem:s18], [sflag:$0x4], $0x80, s17, s16, $0xb8;
	[tilespmem:$0x1E500] =	vst v63  }
0x8f1: {  	_ =	swait.ge [sflag:s24], $0x2000  }
0x8f2: {  	[sflag:s24] =	ssyncset.done $0x0  }
0x8f3: {  	[sflag:s24] =	ssyncadd.s32 $0xFFFFE000  }
0x8f4: {  	_ =	swait.ge [sflag:s10], $0x8000  }
0x8f5: {  	[sflag:s10] =	ssyncset.done $0x0  }
0x8f6: {  	s28 =	simm.s32 $0x0;
	[sflag:s10] =	ssyncadd.s32 $0xFFFF8000  }
0x8f7: {  	v4 =	vld [tilespmem:s28+$0x1C500];
	_ =	sdelay $0x3  }
0x8f8: {  	s26 =	simm.s32 $0x80  }
0x8f9: {  	v6 =	vld [tilespmem:s26+$0x1C500];
	v5 =	vshll.u32 v4, $0x3  }
0x8fa: {  	v4 =	vand.u32 $0x7F, v4;
	v5 =	vand.u32 $0xFFFFFC00, v5  }
0x8fb: {  	v7 =	vor.u32 v4, v5  }
0x8fc: {  	v5 =	vadd.s32 v0, v7  }
0x8fd: {  	s29 =	simm.s32 $0x100  }
0x8fe: {  	v8 =	vld [tilespmem:s29+$0x1C500];
	v4 =	vshll.u32 v6, $0x3  }
0x8ff: {  	v6 =	vand.u32 $0x7F, v6;
	v4 =	vand.u32 $0xFFFFFC00, v4  }
0x900: {  	v4 =	vor.u32 v6, v4  }
0x901: {  	v9 =	vadd.s32 v0, v4;
	v6 =	vld.idx.msk [tilespmem:v5+s11+$0x0], $0xffff  }
0x902: {  	s30 =	simm.s32 $0x180;
	v10 =	vadd.s32 v1, v7  }
0x903: {  	v11 =	vld [tilespmem:s30+$0x1C500];
	v5 =	vshll.u32 v8, $0x3  }
0x904: {  	v8 =	vand.u32 $0x7F, v8;
	v5 =	vand.u32 $0xFFFFFC00, v5  }
0x905: {  	v5 =	vor.u32 v8, v5  }
0x906: {  	v8 =	vld.idx.msk [tilespmem:v9+s11+$0x0], $0xffff;
	v9 =	vadd.s32 v0, v5;
	[tilespmem:s28+$0x1A400] =	vst v6  }
0x907: {  	v12 =	vadd.s32 v1, v4;
	v10 =	vld.idx.msk [tilespmem:v10+s11+$0x0], $0xffff  }
0x908: {  	v13 =	vadd.s32 v2, v7;
	v6 =	vshll.u32 v11, $0x3  }
0x909: {  	s31 =	simm.s32 $0x200;
	v11 =	vand.u32 $0x7F, v11;
	v6 =	vand.u32 $0xFFFFFC00, v6  }
0x90a: {  	v14 =	vld [tilespmem:s31+$0x1C500];
	v6 =	vor.u32 v11, v6  }
0x90b: {  	[tilespmem:s26+$0x1A400] =	vst v8;
	v9 =	vld.idx.msk [tilespmem:v9+s11+$0x0], $0xffff;
	v8 =	vadd.s32 v0, v6  }
0x90c: {  	v12 =	vld.idx.msk [tilespmem:v12+s11+$0x0], $0xffff;
	[tilespmem:s28+$0x1A410] =	vst v10  }
0x90d: {  	v16 =	vadd.s32 v2, v4;
	v15 =	vld.idx.msk [tilespmem:v13+s11+$0x0], $0xffff  }
0x90e: {  	s2 =	simm.s32 $0x280;
	v10 =	vadd.s32 v1, v5  }
0x90f: {  	v17 =	vshll.u32 v14, $0x3;
	v7 =	vadd.s32 v3, v7;
	v13 =	vld [tilespmem:s2+$0x1C500]  }
0x910: {  	v11 =	vld.idx.msk [tilespmem:v8+s11+$0x0], $0xffff;
	[tilespmem:s29+$0x1A400] =	vst v9;
	v8 =	vand.u32 $0x7F, v14;
	v9 =	vand.u32 $0xFFFFFC00, v17  }
0x911: {  	[tilespmem:s26+$0x1A410] =	vst v12;
	v9 =	vor.u32 v8, v9  }
0x912: {  	v8 =	vld.idx.msk [tilespmem:v16+s11+$0x0], $0xffff;
	[tilespmem:s28+$0x1A420] =	vst v15;
	v15 =	vadd.s32 v0, v9  }
0x913: {  	v14 =	vadd.s32 v1, v6;
	v10 =	vld.idx.msk [tilespmem:v10+s11+$0x0], $0xffff  }
0x914: {  	s0 =	simm.s32 $0xC00;
	v12 =	vadd.s32 v2, v5;
	v7 =	vld.idx.msk [tilespmem:v7+s11+$0x0], $0xffff  }
.LBB2_64:
0x915: {  	s1 =	sshra.s32 s0, $0x2;
	p0 =	sne.s32 s0, $0x7E00;
	s0 =	sadd.s32 $0x200, s0;
	v16 =	vshll.u32 v13, $0x3;
	v17 =	vadd.s32 v3, v4;
	v4 =	vmovc v5;
	v5 =	vmovc v6;
	v6 =	vmov v9  }
.Ltmp31:
0x916: {  	v9 =	vand.u32 $0x7F, v13;
	s5 =	smov.u32 s30;
	s30 =	smov.u32 s31;
	v13 =	vld [tilespmem:s1+$0x1C500];
	v16 =	vand.u32 $0xFFFFFC00, v16;
	(pc) =	sbr.rel @p0 .LBB2_64-.Ltmp31, $4  }
0x917: {  	s31 =	smov.u32 s2;
	s2 =	smov.u32 s1;
	v9 =	vor.u32 v9, v16;
	[tilespmem:s5+$0x1A400] =	vst v11;
	v11 =	vld.idx.msk [tilespmem:v15+s11+$0x0], $0xffff  }
0x918: {  	v15 =	vadd.s32 v0, v9;
	[tilespmem:s29+$0x1A410] =	vst v10;
	v10 =	vld.idx.msk [tilespmem:v14+s11+$0x0], $0xffff  }
0x919: {  	v14 =	vadd.s32 v1, v6;
	[tilespmem:s26+$0x1A420] =	vst v8;
	v8 =	vld.idx.msk [tilespmem:v12+s11+$0x0], $0xffff  }
0x91a: {  	v12 =	vadd.s32 v2, v5;
	[tilespmem:s28+$0x1A430] =	vst v7;
	v7 =	vld.idx.msk [tilespmem:v17+s11+$0x0], $0xffff;
	s28 =	smov.u32 s26;
	s26 =	smov.u32 s29;
	s29 =	smov.u32 s5  }
0x91b: {  	v16 =	vshll.u32 v13, $0x3  }
0x91c: {  	v13 =	vand.u32 $0x7F, v13;
	v16 =	vand.u32 $0xFFFFFC00, v16  }
0x91d: {  	v13 =	vor.u32 v13, v16  }
0x91e: {  	v16 =	vadd.s32 v0, v13;
	_ =	sdelay $0x3  }
0x91f: {  	v15 =	vld.idx.msk [tilespmem:v15+s11+$0x0], $0xffff  }
0x920: {  	v17 =	vadd.s32 v1, v9;
	v16 =	vld.idx.msk [tilespmem:v16+s11+$0x0], $0xffff  }
0x921: {  	v18 =	vadd.s32 v1, v13;
	_ =	sdelay $0x1  }
0x922: {  	[tilespmem:s30+$0x1A400] =	vst v11  }
0x923: {  	v11 =	vld.idx.msk [tilespmem:v14+s11+$0x0], $0xffff;
	[tilespmem:s31+$0x1A400] =	vst v15  }
0x924: {  	v14 =	vadd.s32 v2, v6;
	v15 =	vld.idx.msk [tilespmem:v17+s11+$0x0], $0xffff;
	[tilespmem:s2+$0x1A400] =	vst v16  }
0x925: {  	v16 =	vadd.s32 v2, v9;
	v17 =	vld.idx.msk [tilespmem:v18+s11+$0x0], $0xffff  }
0x926: {  	v18 =	vadd.s32 v2, v13  }
0x927: {  	[tilespmem:s29+$0x1A410] =	vst v10  }
0x928: {  	v4 =	vadd.s32 v3, v4;
	v10 =	vld.idx.msk [tilespmem:v12+s11+$0x0], $0xffff;
	[tilespmem:s30+$0x1A410] =	vst v11  }
0x929: {  	v5 =	vadd.s32 v3, v5;
	v11 =	vld.idx.msk [tilespmem:v14+s11+$0x0], $0xffff;
	[tilespmem:s31+$0x1A410] =	vst v15  }
0x92a: {  	v6 =	vadd.s32 v3, v6;
	v12 =	vld.idx.msk [tilespmem:v16+s11+$0x0], $0xffff;
	[tilespmem:s2+$0x1A410] =	vst v17  }
0x92b: {  	v9 =	vadd.s32 v3, v9;
	v14 =	vld.idx.msk [tilespmem:v18+s11+$0x0], $0xffff  }
0x92c: {  	[tilespmem:s26+$0x1A420] =	vst v8;
	v8 =	vadd.s32 v3, v13  }
0x92d: {  	v4 =	vld.idx.msk [tilespmem:v4+s11+$0x0], $0xffff;
	[tilespmem:s29+$0x1A420] =	vst v10  }
0x92e: {  	v5 =	vld.idx.msk [tilespmem:v5+s11+$0x0], $0xffff;
	[tilespmem:s30+$0x1A420] =	vst v11  }
0x92f: {  	v6 =	vld.idx.msk [tilespmem:v6+s11+$0x0], $0xffff;
	[tilespmem:s31+$0x1A420] =	vst v12  }
0x930: {  	v9 =	vld.idx.msk [tilespmem:v9+s11+$0x0], $0xffff;
	[tilespmem:s2+$0x1A420] =	vst v14  }
0x931: {  	[tilespmem:s28+$0x1A430] =	vst v7;
	v7 =	vld.idx.msk [tilespmem:v8+s11+$0x0], $0xffff  }
0x932: {  	[tilespmem:s26+$0x1A430] =	vst v4  }
0x933: {  	[tilespmem:s29+$0x1A430] =	vst v5  }
0x934: {  	[tilespmem:s30+$0x1A430] =	vst v6  }
0x935: {  	[tilespmem:s31+$0x1A430] =	vst v9  }
0x936: {  	[tilespmem:s2+$0x1A430] =	vst v7  }
0x937: {  	_ =	swait.ge [sflag:s15], $0x8000  }
0x938: {  	[sflag:s15] =	ssyncset.done $0x0  }
0x939: {  	s28 =	simm.s32 $0x0;
	[sflag:s15] =	ssyncadd.s32 $0xFFFF8000  }
0x93a: {  	v4 =	vld [tilespmem:s28+$0x1C500];
	_ =	sdelay $0x3  }
0x93b: {  	s26 =	simm.s32 $0x80  }
0x93c: {  	v6 =	vld [tilespmem:s26+$0x1C500];
	v5 =	vshll.u32 v4, $0x3  }
0x93d: {  	v4 =	vand.u32 $0x7F, v4;
	v5 =	vand.u32 $0xFFFFFC00, v5  }
0x93e: {  	v7 =	vor.u32 v4, v5  }
0x93f: {  	v5 =	vadd.s32 v0, v7  }
0x940: {  	s29 =	simm.s32 $0x100  }
0x941: {  	v8 =	vld [tilespmem:s29+$0x1C500];
	v4 =	vshll.u32 v6, $0x3  }
0x942: {  	v6 =	vand.u32 $0x7F, v6;
	v4 =	vand.u32 $0xFFFFFC00, v4  }
0x943: {  	v4 =	vor.u32 v6, v4  }
0x944: {  	v9 =	vadd.s32 v0, v4;
	v6 =	vld.idx.msk [tilespmem:v5+s12+$0x0], $0xffff  }
0x945: {  	s30 =	simm.s32 $0x180;
	v10 =	vadd.s32 v1, v7  }
0x946: {  	v11 =	vld [tilespmem:s30+$0x1C500];
	v5 =	vshll.u32 v8, $0x3  }
0x947: {  	v8 =	vand.u32 $0x7F, v8;
	v5 =	vand.u32 $0xFFFFFC00, v5  }
0x948: {  	v5 =	vor.u32 v8, v5  }
0x949: {  	v8 =	vld.idx.msk [tilespmem:v9+s12+$0x0], $0xffff;
	v9 =	vadd.s32 v0, v5;
	[tilespmem:s28+$0x1A440] =	vst v6  }
0x94a: {  	v12 =	vadd.s32 v1, v4;
	v10 =	vld.idx.msk [tilespmem:v10+s12+$0x0], $0xffff  }
0x94b: {  	v13 =	vadd.s32 v2, v7;
	v6 =	vshll.u32 v11, $0x3  }
0x94c: {  	s31 =	simm.s32 $0x200;
	v11 =	vand.u32 $0x7F, v11;
	v6 =	vand.u32 $0xFFFFFC00, v6  }
0x94d: {  	v14 =	vld [tilespmem:s31+$0x1C500];
	v6 =	vor.u32 v11, v6  }
0x94e: {  	[tilespmem:s26+$0x1A440] =	vst v8;
	v9 =	vld.idx.msk [tilespmem:v9+s12+$0x0], $0xffff;
	v8 =	vadd.s32 v0, v6  }
0x94f: {  	v12 =	vld.idx.msk [tilespmem:v12+s12+$0x0], $0xffff;
	[tilespmem:s28+$0x1A450] =	vst v10  }
0x950: {  	v16 =	vadd.s32 v2, v4;
	v15 =	vld.idx.msk [tilespmem:v13+s12+$0x0], $0xffff  }
0x951: {  	s2 =	simm.s32 $0x280;
	v10 =	vadd.s32 v1, v5  }
0x952: {  	v17 =	vshll.u32 v14, $0x3;
	v7 =	vadd.s32 v3, v7;
	v13 =	vld [tilespmem:s2+$0x1C500]  }
0x953: {  	v11 =	vld.idx.msk [tilespmem:v8+s12+$0x0], $0xffff;
	[tilespmem:s29+$0x1A440] =	vst v9;
	v8 =	vand.u32 $0x7F, v14;
	v9 =	vand.u32 $0xFFFFFC00, v17  }
0x954: {  	[tilespmem:s26+$0x1A450] =	vst v12;
	v9 =	vor.u32 v8, v9  }
0x955: {  	v8 =	vld.idx.msk [tilespmem:v16+s12+$0x0], $0xffff;
	[tilespmem:s28+$0x1A460] =	vst v15;
	v15 =	vadd.s32 v0, v9  }
0x956: {  	v14 =	vadd.s32 v1, v6;
	v10 =	vld.idx.msk [tilespmem:v10+s12+$0x0], $0xffff  }
0x957: {  	s0 =	simm.s32 $0xC00;
	v12 =	vadd.s32 v2, v5;
	v7 =	vld.idx.msk [tilespmem:v7+s12+$0x0], $0xffff  }
.LBB2_66:
0x958: {  	s1 =	sshra.s32 s0, $0x2;
	p0 =	sne.s32 s0, $0x7E00;
	s0 =	sadd.s32 $0x200, s0;
	v16 =	vshll.u32 v13, $0x3;
	v17 =	vadd.s32 v3, v4;
	v4 =	vmovc v5;
	v5 =	vmovc v6;
	v6 =	vmov v9  }
.Ltmp32:
0x959: {  	v9 =	vand.u32 $0x7F, v13;
	s5 =	smov.u32 s30;
	s30 =	smov.u32 s31;
	v13 =	vld [tilespmem:s1+$0x1C500];
	v16 =	vand.u32 $0xFFFFFC00, v16;
	(pc) =	sbr.rel @p0 .LBB2_66-.Ltmp32, $4  }
0x95a: {  	s31 =	smov.u32 s2;
	s2 =	smov.u32 s1;
	v9 =	vor.u32 v9, v16;
	[tilespmem:s5+$0x1A440] =	vst v11;
	v11 =	vld.idx.msk [tilespmem:v15+s12+$0x0], $0xffff  }
0x95b: {  	v15 =	vadd.s32 v0, v9;
	[tilespmem:s29+$0x1A450] =	vst v10;
	v10 =	vld.idx.msk [tilespmem:v14+s12+$0x0], $0xffff  }
0x95c: {  	v14 =	vadd.s32 v1, v6;
	[tilespmem:s26+$0x1A460] =	vst v8;
	v8 =	vld.idx.msk [tilespmem:v12+s12+$0x0], $0xffff  }
0x95d: {  	v12 =	vadd.s32 v2, v5;
	[tilespmem:s28+$0x1A470] =	vst v7;
	v7 =	vld.idx.msk [tilespmem:v17+s12+$0x0], $0xffff;
	s28 =	smov.u32 s26;
	s26 =	smov.u32 s29;
	s29 =	smov.u32 s5  }
0x95e: {  	v16 =	vshll.u32 v13, $0x3  }
0x95f: {  	v13 =	vand.u32 $0x7F, v13;
	v16 =	vand.u32 $0xFFFFFC00, v16  }
0x960: {  	v13 =	vor.u32 v13, v16  }
0x961: {  	v16 =	vadd.s32 v0, v13;
	_ =	sdelay $0x3  }
0x962: {  	v15 =	vld.idx.msk [tilespmem:v15+s12+$0x0], $0xffff  }
0x963: {  	v17 =	vadd.s32 v1, v9;
	v16 =	vld.idx.msk [tilespmem:v16+s12+$0x0], $0xffff  }
0x964: {  	v18 =	vadd.s32 v1, v13;
	_ =	sdelay $0x1  }
0x965: {  	[tilespmem:s30+$0x1A440] =	vst v11  }
0x966: {  	v11 =	vld.idx.msk [tilespmem:v14+s12+$0x0], $0xffff;
	[tilespmem:s31+$0x1A440] =	vst v15  }
0x967: {  	v14 =	vadd.s32 v2, v6;
	v15 =	vld.idx.msk [tilespmem:v17+s12+$0x0], $0xffff;
	[tilespmem:s2+$0x1A440] =	vst v16  }
0x968: {  	v16 =	vadd.s32 v2, v9;
	v17 =	vld.idx.msk [tilespmem:v18+s12+$0x0], $0xffff  }
0x969: {  	v18 =	vadd.s32 v2, v13  }
0x96a: {  	[tilespmem:s29+$0x1A450] =	vst v10  }
0x96b: {  	v4 =	vadd.s32 v3, v4;
	v10 =	vld.idx.msk [tilespmem:v12+s12+$0x0], $0xffff;
	[tilespmem:s30+$0x1A450] =	vst v11  }
0x96c: {  	v5 =	vadd.s32 v3, v5;
	v11 =	vld.idx.msk [tilespmem:v14+s12+$0x0], $0xffff;
	[tilespmem:s31+$0x1A450] =	vst v15  }
0x96d: {  	v6 =	vadd.s32 v3, v6;
	v12 =	vld.idx.msk [tilespmem:v16+s12+$0x0], $0xffff;
	[tilespmem:s2+$0x1A450] =	vst v17  }
0x96e: {  	v9 =	vadd.s32 v3, v9;
	v14 =	vld.idx.msk [tilespmem:v18+s12+$0x0], $0xffff  }
0x96f: {  	[tilespmem:s26+$0x1A460] =	vst v8;
	v13 =	vadd.s32 v3, v13  }
0x970: {  	v4 =	vld.idx.msk [tilespmem:v4+s12+$0x0], $0xffff;
	[tilespmem:s29+$0x1A460] =	vst v10  }
0x971: {  	v5 =	vld.idx.msk [tilespmem:v5+s12+$0x0], $0xffff;
	[tilespmem:s30+$0x1A460] =	vst v11  }
0x972: {  	v6 =	vld.idx.msk [tilespmem:v6+s12+$0x0], $0xffff;
	[tilespmem:s31+$0x1A460] =	vst v12  }
0x973: {  	v9 =	vld.idx.msk [tilespmem:v9+s12+$0x0], $0xffff;
	[tilespmem:s2+$0x1A460] =	vst v14  }
0x974: {  	[tilespmem:s28+$0x1A470] =	vst v7;
	v15 =	vld.idx.msk [tilespmem:v13+s12+$0x0], $0xffff  }
0x975: {  	[tilespmem:s26+$0x1A470] =	vst v4  }
0x976: {  	[tilespmem:s29+$0x1A470] =	vst v5  }
0x977: {  	[tilespmem:s30+$0x1A470] =	vst v6  }
0x978: {  	[tilespmem:s31+$0x1A470] =	vst v9  }
0x979: {  	[tilespmem:s2+$0x1A470] =	vst v15  }
0x97a: {  	[tilespmem:$0x1C480] =	vst v59  }
0x97b: {  	[tilespmem:$0x1C490] =	vst v60  }
0x97c: {  	[tilespmem:$0x1C4A0] =	vst v61  }
0x97d: {  	s25 =	sadd.s32 $0x1, s25;
	[tilespmem:$0x1C4B0] =	vst v63  }
0x97e: {  	[hbm4b:s4+s16] =	stream.indirect.scatter [tilespmem:s21], [sflag:$0x5], $0x80, s20, s16, $0xb8;
	[tilespmem:$0x1E500] =	vst v63  }
0x97f: {  	p0 =	sne.s32 s25, s9;
	_ =	swait.ge [sflag:s23], $0x2000  }
.Ltmp33:
0x980: {  	[sflag:s23] =	ssyncset.done $0x0;
	(pc) =	sbr.rel @p0 .LBB2_1-.Ltmp33, $4  }
0x981: {  	[sflag:s23] =	ssyncadd.s32 $0xFFFFE000  }
0x982: {  	_ =	swait.ge [sflag:s24], $0x2000  }
0x983: {  	[sflag:s24] =	ssyncset.done $0x0  }
0x984: {  	[sflag:s24] =	ssyncadd.s32 $0xFFFFE000  }
0x985: {  	_ =	sfence.sel $0x180000  }
0x986: {  	[bflag:$0x0] =	sbarrier.arrive $0xFFFF  }
0x987: {  	_ =	strace $0x90000047  }
0x988: {  	s0 =	stileid.u32;
	[bflag:$0x2] =	sbarrier.arrive $0xFFFF  }
0x989: {  	p0 =	sne.s32 s0, $0x0;
	s0 =	rddreg [dreg:$0x3]  }
0x98a: {  	s0 =	sadd.s32 @!p0 $0x100000, s0  }
0x98b: {  	[sflag:s0] =	ssyncadd.tile.s32 @!p0 $0x1;
	_ =	shalt  }
.Lfunc_end2:
_tile_overlayer_lowered:
.L_overlay_start_2:
0x98c: {  	(tag) =	ssettag $0x2  }
0x98d: {  	s0 =	rddreg [dreg:$0x0];
	s2 =	stileid.u32  }
0x98e: {  	s1 =	rddreg [dreg:$0x1];
	p0 =	sne.s32 s2, $0x0  }
0x98f: {  	s3 =	rddreg [dreg:$0x2];
	[bflag:$0x3] =	sbarrier.arrive $0xFFFF;
	s2 =	simm.s32 @!p0 $0x1C06  }
0x990: {  	[timem:s3], [sflag:s2] =	dma.local @!p0 [hbm:s0], s1  }
0x991: {  	s0 =	simm.s32 @!p0 $0x6  }
0x992: {  	_ =	swait.ge @!p0 [sflag:s0], s1  }
0x993: {  	s1 =	ssub.s32 @!p0 $0x0, s1;
	[sflag:s0] =	ssyncset.done @!p0 $0x0  }
0x994: {  	[sflag:s0] =	ssyncadd.s32 @!p0 s1  }
0x995: {  	[bflag:$0x3] =	sbarrier.arrive $0xFFFF  }
0x996: {  	_ =	shalt  }

</sc_bundles>
